<compile_context>
chip_gen: v7x
topology: tpu7x:2x2x1
jax: 0.10.2.dev20260603
libtpu: 0.0.44.dev20260713+nightly
codegen_flags: <defaults>
</compile_context>

<pallas_src>
import functools

import jax
import jax.numpy as jnp
from jax import lax
from jax.experimental import pallas as pl
from jax.experimental.pallas import tpu as pltpu
from jax.experimental.pallas import tpu_sc as plsc

N_NODES_K = 50000
HID = 64
N_PAD = 50176
ROWS = N_PAD // 128
N_EDGES_K = 800000
NC, NS = 2, 16
NW = NC * NS
CHUNK = 1792
NCHUNK = 14
E_TILE = NCHUNK * CHUNK
E_PAD = NW * E_TILE
VSTEPS = CHUNK // 16
SROWS = CHUNK // 128
SLICE = N_PAD // NS


NBUF = 2
UNROLL = 4


def _seg_body(x_hbm, src_hbm, w_hbm, dst_hbm, out_hbm,
              x_v, acc_v, x_sem, in_sems, *bufs):
    src_v = bufs[0:NBUF]
    w_v = bufs[NBUF:2 * NBUF]
    dst_v = bufs[2 * NBUF:3 * NBUF]
    cid = lax.axis_index("c")
    sid = lax.axis_index("s")
    wid = cid * NS + sid

    x_cp = pltpu.async_copy(x_hbm, x_v, x_sem)

    def zbody(i, _):
        for u in range(UNROLL):
            acc_v[pl.ds(i * (16 * UNROLL) + u * 16, 16)] = (
                jnp.zeros((16,), jnp.float32))
        return 0
    lax.fori_loop(0, N_PAD // (16 * UNROLL), zbody, 0)
    x_cp.wait()

    def fire_inputs(c):
        b = c % NBUF
        base = wid * E_TILE + c * CHUNK
        return [
            pltpu.async_copy(src_hbm.at[pl.ds(base, CHUNK)],
                             src_v[b], in_sems.at[b]),
            pltpu.async_copy(w_hbm.at[pl.ds(base, CHUNK)],
                             w_v[b], in_sems.at[b]),
            pltpu.async_copy(dst_hbm.at[pl.ds(base, CHUNK)],
                             dst_v[b], in_sems.at[b]),
        ]

    in_cps = {0: fire_inputs(0), 1: fire_inputs(1)}
    for c in range(NCHUNK):
        b = c % NBUF
        for cp in in_cps.pop(c):
            cp.wait()

        def vbody(j, _):
            for u in range(UNROLL):
                o = j * (16 * UNROLL) + u * 16
                s = src_v[b][pl.ds(o, 16)]
                wv = w_v[b][pl.ds(o, 16)]
                d = dst_v[b][pl.ds(o, 16)]
                xv = plsc.load_gather(x_v, [s])
                plsc.addupdate_scatter(acc_v, [d], xv * wv)
            return 0
        lax.fori_loop(0, VSTEPS // UNROLL, vbody, 0)

        if c + 2 < NCHUNK:
            in_cps[c + 2] = fire_inputs(c + 2)

    pltpu.sync_copy(acc_v, out_hbm.at[pl.ds(wid * N_PAD, N_PAD)])


_seg_kernel = pl.kernel(
    _seg_body,
    out_type=jax.ShapeDtypeStruct((NW * N_PAD,), jnp.float32),
    mesh=plsc.VectorSubcoreMesh(core_axis_name="c", subcore_axis_name="s",
                                num_cores=NC, num_subcores=NS),
    compiler_params=pltpu.CompilerParams(needs_layout_passes=False),
    scratch_types=[
        pltpu.VMEM((N_PAD,), jnp.float32),
        pltpu.VMEM((N_PAD,), jnp.float32),
        pltpu.SemaphoreType.DMA,
        pltpu.SemaphoreType.DMA((NBUF,)),
    ] + [pltpu.VMEM((CHUNK,), jnp.int32)] * NBUF
      + [pltpu.VMEM((CHUNK,), jnp.float32)] * NBUF
      + [pltpu.VMEM((CHUNK,), jnp.int32)] * NBUF,
)


def _split_body(e_ref, s_ref, d_ref):
    s_ref[...] = e_ref[0, :]
    d_ref[...] = e_ref[1, :]


_split = pl.pallas_call(
    _split_body,
    in_specs=[pl.BlockSpec(memory_space=pltpu.VMEM)],
    out_specs=(pl.BlockSpec(memory_space=pltpu.VMEM),
               pl.BlockSpec(memory_space=pltpu.VMEM)),
    out_shape=(jax.ShapeDtypeStruct((N_EDGES_K,), jnp.int32),
               jax.ShapeDtypeStruct((N_EDGES_K,), jnp.int32)),
)


def _sum_partials(part_ref):
    t = part_ref[:ROWS, :]
    for k in range(1, NW):
        t = t + part_ref[k * ROWS:(k + 1) * ROWS, :]
    return t


def _dense_body(part_ref, x_ref, a_ref, b_ref, c_ref, d_ref, e_ref,
                p_ref, r_ref):
    a1 = _sum_partials(part_ref)
    xv = x_ref[...]

    def body(k, carry):
        pacc, racc = carry
        h = jnp.maximum(a1 * a_ref[k] + xv * b_ref[k] + c_ref[k], 0.0)
        return (pacc + d_ref[k] * h, racc + e_ref[k] * h)

    z = jnp.zeros((ROWS, 128), jnp.float32)
    pv, rv = lax.fori_loop(0, HID, body, (z, z))
    p_ref[...] = pv
    r_ref[...] = rv


_dense = pl.pallas_call(
    _dense_body,
    out_shape=(jax.ShapeDtypeStruct((ROWS, 128), jnp.float32),
               jax.ShapeDtypeStruct((ROWS, 128), jnp.float32)),
    in_specs=[pl.BlockSpec(memory_space=pltpu.VMEM),
              pl.BlockSpec(memory_space=pltpu.VMEM)] +
             [pl.BlockSpec(memory_space=pltpu.SMEM)] * 5,
    out_specs=(pl.BlockSpec(memory_space=pltpu.VMEM),
               pl.BlockSpec(memory_space=pltpu.VMEM)),
)


def _final_body(part_ref, r_ref, b2_ref, o_ref):
    a2 = _sum_partials(part_ref)
    o_ref[...] = jax.nn.sigmoid(a2 + r_ref[...] + b2_ref[0])


_final = pl.pallas_call(
    _final_body,
    out_shape=jax.ShapeDtypeStruct((ROWS, 128), jnp.float32),
    in_specs=[pl.BlockSpec(memory_space=pltpu.VMEM),
              pl.BlockSpec(memory_space=pltpu.VMEM),
              pl.BlockSpec(memory_space=pltpu.SMEM)],
    out_specs=pl.BlockSpec(memory_space=pltpu.VMEM),
)


def kernel(x, edge_index, edge_weight, W1_rel, b1_rel, W1_root,
           W2_rel, b2_rel, W2_root):
    xf = x[:, 0]
    x_pad = jnp.pad(xf, (0, N_PAD - N_NODES_K))
    pad_e = E_PAD - N_EDGES_K
    src, dst = _split(edge_index.astype(jnp.int32))
    src_p = jnp.pad(src, (0, pad_e))
    dst_p = jnp.pad(dst, (0, pad_e))
    w_p = jnp.pad(edge_weight, (0, pad_e))

    part1 = _seg_kernel(x_pad, src_p, w_p, dst_p)
    p, r = _dense(part1.reshape(NW * ROWS, 128),
                  x_pad.reshape(ROWS, 128),
                  W1_rel[:, 0], W1_root[:, 0], b1_rel,
                  W2_rel[0], W2_root[0])
    part2 = _seg_kernel(p.reshape(-1), src_p, w_p, dst_p)
    out = _final(part2.reshape(NW * ROWS, 128), r, b2_rel)
    return out.reshape(N_PAD)[:N_NODES_K].reshape(N_NODES_K, 1)

# --- scband reference (transcript-rebuilt; emitter-appended) ---
"""Pipeline reference for scband-simple-gnn-gcn-87591563034664 (READ-ONLY COPY).

The authoritative reference and input builder live on the scoring server;
editing this copy changes nothing except your own understanding.
"""

import jax, jax.numpy as jnp
import numpy as np

N_NODES = 50000
N_EDGES = 800000
HIDDEN = 64

def setup_inputs(seed: int = 0) -> dict:
    key = jax.random.key(seed)
    k = [jax.random.fold_in(key, i) for i in range(12)]
    x = jax.random.normal(k[0], (N_NODES, 1), dtype=jnp.float32)
    edge_index = jax.random.randint(k[1], (2, N_EDGES), 0, N_NODES, dtype=jnp.int64)
    edge_weight = jax.random.uniform(k[2], (N_EDGES,), dtype=jnp.float32)
    # GraphConv layer 1: in=1 -> out=HIDDEN. lin_rel has bias, lin_root has no bias.
    W1_rel = jax.random.normal(k[3], (HIDDEN, 1), dtype=jnp.float32) * 0.5
    b1_rel = jax.random.normal(k[4], (HIDDEN,), dtype=jnp.float32) * 0.1
    W1_root = jax.random.normal(k[5], (HIDDEN, 1), dtype=jnp.float32) * 0.5
    # GraphConv layer 2: in=HIDDEN -> out=1
    W2_rel = jax.random.normal(k[6], (1, HIDDEN), dtype=jnp.float32) * (1.0 / np.sqrt(HIDDEN))
    b2_rel = jax.random.normal(k[7], (1,), dtype=jnp.float32) * 0.1
    W2_root = jax.random.normal(k[8], (1, HIDDEN), dtype=jnp.float32) * (1.0 / np.sqrt(HIDDEN))
    return {
        "x": x,
        "edge_index": edge_index,
        "edge_weight": edge_weight,
        "W1_rel": W1_rel, "b1_rel": b1_rel, "W1_root": W1_root,
        "W2_rel": W2_rel, "b2_rel": b2_rel, "W2_root": W2_root,
    }

def _graph_conv(x, edge_index, edge_weight, W_rel, b_rel, W_root):
    # PyG GraphConv: out_i = lin_rel( sum_{j->i} w_ji * x_j ) + lin_root(x_i)
    src = edge_index[0]
    dst = edge_index[1]
    msg = jnp.take(x, src, axis=0) * edge_weight[:, None]
    agg = jax.ops.segment_sum(msg, dst, num_segments=N_NODES)
    return agg @ W_rel.T + b_rel + x @ W_root.T

def reference(x, edge_index, edge_weight, W1_rel, b1_rel, W1_root, W2_rel, b2_rel, W2_root):
    h = _graph_conv(x, edge_index, edge_weight, W1_rel, b1_rel, W1_root)
    h = jax.nn.relu(h)
    h = _graph_conv(h, edge_index, edge_weight, W2_rel, b2_rel, W2_root)
    return jax.nn.sigmoid(h)

if __name__ == "__main__":
    import jax
    _d = setup_inputs()
    print(jax.jit(kernel)(*tuple(_d.values())))

</pallas_src>

<mosaic_0001>
#map = affine_map<(d0, d1) -> (0)>
module attributes {stable_mosaic.version = 14 : i64} {
  func.func @_seg_body(%arg0: i32, %arg1: i32, %arg2: memref<50176xf32, #tpu.memory_space<hbm>>, %arg3: memref<802816xi32, #tpu.memory_space<hbm>>, %arg4: memref<802816xf32, #tpu.memory_space<hbm>>, %arg5: memref<802816xi32, #tpu.memory_space<hbm>>, %arg6: memref<1605632xf32, #tpu.memory_space<hbm>>, %arg7: memref<50176xf32, #tpu.memory_space<vmem>>, %arg8: memref<50176xf32, #tpu.memory_space<vmem>>, %arg9: memref<!tpu.dma_semaphore, #tpu.memory_space<semaphore_mem>>, %arg10: memref<2x!tpu.dma_semaphore, #tpu.memory_space<semaphore_mem>>, %arg11: memref<1792xi32, #tpu.memory_space<vmem>>, %arg12: memref<1792xi32, #tpu.memory_space<vmem>>, %arg13: memref<1792xf32, #tpu.memory_space<vmem>>, %arg14: memref<1792xf32, #tpu.memory_space<vmem>>, %arg15: memref<1792xi32, #tpu.memory_space<vmem>>, %arg16: memref<1792xi32, #tpu.memory_space<vmem>>) attributes {dimension_semantics = [#tpu.dimension_semantics<core_parallel>, #tpu.dimension_semantics<subcore_parallel>], iteration_bounds = array<i64: 2, 16>, scalar_prefetch = 0 : i64, scratch_operands = 10 : i64, tpu.core_type = #tpu.core_type<sc_vector_subcore>, window_params = [{transform_indices = #map}, {transform_indices = #map}, {transform_indices = #map}, {transform_indices = #map}, {transform_indices = #map}]} {
    %mul3A = arith.constant 16 : i32
    %mul3A_0 = arith.muli %arg0, %mul3A : i32
    %add3A = arith.addi %mul3A_0, %arg1 : i32
    tpu.enqueue_dma source(%arg2 : memref<50176xf32, #tpu.memory_space<hbm>>) target(%arg7 : memref<50176xf32, #tpu.memory_space<vmem>>) target_semaphore(%arg9 : memref<!tpu.dma_semaphore, #tpu.memory_space<semaphore_mem>>)
    %scan3A = arith.constant 0 : i32
    %scan3A_1 = arith.constant 0 : i32
    %scan3A_2 = arith.constant 784 : i32
    %scan3A_3 = arith.addi %scan3A_1, %scan3A_2 : i32
    %scan3A_4 = arith.constant 1 : i32
    %scan3A_5 = scf.for %scan3A_581 = %scan3A_1 to %scan3A_3 step %scan3A_4 iter_args(%scan3A_582 = %scan3A) -> (i32)  : i32 {
      %broadcast_in_dim3A = arith.constant 0.000000e+00 : f32
      %broadcast_in_dim3A_583 = vector.broadcast %broadcast_in_dim3A : f32 to vector<16xf32>
      %mul3A_584 = arith.constant 64 : i32
      %mul3A_585 = arith.muli %scan3A_581, %mul3A_584 : i32
      %add3A_586 = arith.constant 0 : i32
      %add3A_587 = arith.addi %mul3A_585, %add3A_586 : i32
      %swap3A = arith.index_cast %add3A_587 : i32 to index
      %swap3A_588 = tpu.vector_load %arg8[%swap3A] {strides = array<i32>} : memref<50176xf32, #tpu.memory_space<vmem>>, vector<16xf32>,
      tpu.vector_store %arg8[%swap3A], %broadcast_in_dim3A_583 {strides = array<i32>} : memref<50176xf32, #tpu.memory_space<vmem>>, vector<16xf32>,
      %broadcast_in_dim3A_589 = arith.constant 0.000000e+00 : f32
      %broadcast_in_dim3A_590 = vector.broadcast %broadcast_in_dim3A_589 : f32 to vector<16xf32>
      %mul3A_591 = arith.constant 64 : i32
      %mul3A_592 = arith.muli %scan3A_581, %mul3A_591 : i32
      %add3A_593 = arith.constant 16 : i32
      %add3A_594 = arith.addi %mul3A_592, %add3A_593 : i32
      %swap3A_595 = arith.index_cast %add3A_594 : i32 to index
      %swap3A_596 = tpu.vector_load %arg8[%swap3A_595] {strides = array<i32>} : memref<50176xf32, #tpu.memory_space<vmem>>, vector<16xf32>,
      tpu.vector_store %arg8[%swap3A_595], %broadcast_in_dim3A_590 {strides = array<i32>} : memref<50176xf32, #tpu.memory_space<vmem>>, vector<16xf32>,
      %broadcast_in_dim3A_597 = arith.constant 0.000000e+00 : f32
      %broadcast_in_dim3A_598 = vector.broadcast %broadcast_in_dim3A_597 : f32 to vector<16xf32>
      %mul3A_599 = arith.constant 64 : i32
      %mul3A_600 = arith.muli %scan3A_581, %mul3A_599 : i32
      %add3A_601 = arith.constant 32 : i32
      %add3A_602 = arith.addi %mul3A_600, %add3A_601 : i32
      %swap3A_603 = arith.index_cast %add3A_602 : i32 to index
      %swap3A_604 = tpu.vector_load %arg8[%swap3A_603] {strides = array<i32>} : memref<50176xf32, #tpu.memory_space<vmem>>, vector<16xf32>,
      tpu.vector_store %arg8[%swap3A_603], %broadcast_in_dim3A_598 {strides = array<i32>} : memref<50176xf32, #tpu.memory_space<vmem>>, vector<16xf32>,
      %broadcast_in_dim3A_605 = arith.constant 0.000000e+00 : f32
      %broadcast_in_dim3A_606 = vector.broadcast %broadcast_in_dim3A_605 : f32 to vector<16xf32>
      %mul3A_607 = arith.constant 64 : i32
      %mul3A_608 = arith.muli %scan3A_581, %mul3A_607 : i32
      %add3A_609 = arith.constant 48 : i32
      %add3A_610 = arith.addi %mul3A_608, %add3A_609 : i32
      %swap3A_611 = arith.index_cast %add3A_610 : i32 to index
      %swap3A_612 = tpu.vector_load %arg8[%swap3A_611] {strides = array<i32>} : memref<50176xf32, #tpu.memory_space<vmem>>, vector<16xf32>,
      tpu.vector_store %arg8[%swap3A_611], %broadcast_in_dim3A_606 {strides = array<i32>} : memref<50176xf32, #tpu.memory_space<vmem>>, vector<16xf32>,
      %scan3A_613 = arith.constant 0 : i32
      scf.yield %scan3A_613 : i32
    }
    %scan3A_6 = arith.constant 784 : i32
    tpu.wait_dma2 semaphore(%arg9 : memref<!tpu.dma_semaphore, #tpu.memory_space<semaphore_mem>>) src(%arg2 : memref<50176xf32, #tpu.memory_space<hbm>>) dst(%arg7 : memref<50176xf32, #tpu.memory_space<vmem>>)
    %mul3A_7 = arith.constant 25088 : i32
    %mul3A_8 = arith.muli %add3A, %mul3A_7 : i32
    %add3A_9 = arith.constant 0 : i32
    %add3A_10 = arith.addi %mul3A_8, %add3A_9 : i32
    %dma_start3A = arith.constant 0 : i32
    %dma_start3A_11 = tpu.memref_slice %arg3[%add3A_10] : memref<802816xi32, #tpu.memory_space<hbm>> -> memref<1792xi32, #tpu.memory_space<hbm>>
    %dma_start3A_12 = tpu.memref_slice %arg10[%dma_start3A] : memref<2x!tpu.dma_semaphore, #tpu.memory_space<semaphore_mem>> -> memref<1x!tpu.dma_semaphore, #tpu.memory_space<semaphore_mem>>
    %dma_start3A_13 = tpu.memref_squeeze %dma_start3A_12 : memref<1x!tpu.dma_semaphore, #tpu.memory_space<semaphore_mem>> -> memref<!tpu.dma_semaphore, #tpu.memory_space<semaphore_mem>>
    %dma_start3A_14 = tpu.memref_slice %arg3[%add3A_10] : memref<802816xi32, #tpu.memory_space<hbm>> -> memref<1792xi32, #tpu.memory_space<hbm>>
    tpu.enqueue_dma source(%dma_start3A_14 : memref<1792xi32, #tpu.memory_space<hbm>>) target(%arg11 : memref<1792xi32, #tpu.memory_space<vmem>>) target_semaphore(%dma_start3A_13 : memref<!tpu.dma_semaphore, #tpu.memory_space<semaphore_mem>>)
    %dma_start3A_15 = arith.constant 0 : i32
    %dma_start3A_16 = tpu.memref_slice %arg4[%add3A_10] : memref<802816xf32, #tpu.memory_space<hbm>> -> memref<1792xf32, #tpu.memory_space<hbm>>
    %dma_start3A_17 = tpu.memref_slice %arg10[%dma_start3A_15] : memref<2x!tpu.dma_semaphore, #tpu.memory_space<semaphore_mem>> -> memref<1x!tpu.dma_semaphore, #tpu.memory_space<semaphore_mem>>
    %dma_start3A_18 = tpu.memref_squeeze %dma_start3A_17 : memref<1x!tpu.dma_semaphore, #tpu.memory_space<semaphore_mem>> -> memref<!tpu.dma_semaphore, #tpu.memory_space<semaphore_mem>>
    %dma_start3A_19 = tpu.memref_slice %arg4[%add3A_10] : memref<802816xf32, #tpu.memory_space<hbm>> -> memref<1792xf32, #tpu.memory_space<hbm>>
    tpu.enqueue_dma source(%dma_start3A_19 : memref<1792xf32, #tpu.memory_space<hbm>>) target(%arg13 : memref<1792xf32, #tpu.memory_space<vmem>>) target_semaphore(%dma_start3A_18 : memref<!tpu.dma_semaphore, #tpu.memory_space<semaphore_mem>>)
    %dma_start3A_20 = arith.constant 0 : i32
    %dma_start3A_21 = tpu.memref_slice %arg5[%add3A_10] : memref<802816xi32, #tpu.memory_space<hbm>> -> memref<1792xi32, #tpu.memory_space<hbm>>
    %dma_start3A_22 = tpu.memref_slice %arg10[%dma_start3A_20] : memref<2x!tpu.dma_semaphore, #tpu.memory_space<semaphore_mem>> -> memref<1x!tpu.dma_semaphore, #tpu.memory_space<semaphore_mem>>
    %dma_start3A_23 = tpu.memref_squeeze %dma_start3A_22 : memref<1x!tpu.dma_semaphore, #tpu.memory_space<semaphore_mem>> -> memref<!tpu.dma_semaphore, #tpu.memory_space<semaphore_mem>>
    %dma_start3A_24 = tpu.memref_slice %arg5[%add3A_10] : memref<802816xi32, #tpu.memory_space<hbm>> -> memref<1792xi32, #tpu.memory_space<hbm>>
    tpu.enqueue_dma source(%dma_start3A_24 : memref<1792xi32, #tpu.memory_space<hbm>>) target(%arg15 : memref<1792xi32, #tpu.memory_space<vmem>>) target_semaphore(%dma_start3A_23 : memref<!tpu.dma_semaphore, #tpu.memory_space<semaphore_mem>>)
    %mul3A_25 = arith.constant 25088 : i32
    %mul3A_26 = arith.muli %add3A, %mul3A_25 : i32
    %add3A_27 = arith.constant 1792 : i32
    %add3A_28 = arith.addi %mul3A_26, %add3A_27 : i32
    %dma_start3A_29 = arith.constant 1 : i32
    %dma_start3A_30 = tpu.memref_slice %arg3[%add3A_28] : memref<802816xi32, #tpu.memory_space<hbm>> -> memref<1792xi32, #tpu.memory_space<hbm>>
    %dma_start3A_31 = tpu.memref_slice %arg10[%dma_start3A_29] : memref<2x!tpu.dma_semaphore, #tpu.memory_space<semaphore_mem>> -> memref<1x!tpu.dma_semaphore, #tpu.memory_space<semaphore_mem>>
    %dma_start3A_32 = tpu.memref_squeeze %dma_start3A_31 : memref<1x!tpu.dma_semaphore, #tpu.memory_space<semaphore_mem>> -> memref<!tpu.dma_semaphore, #tpu.memory_space<semaphore_mem>>
    %dma_start3A_33 = tpu.memref_slice %arg3[%add3A_28] : memref<802816xi32, #tpu.memory_space<hbm>> -> memref<1792xi32, #tpu.memory_space<hbm>>
    tpu.enqueue_dma source(%dma_start3A_33 : memref<1792xi32, #tpu.memory_space<hbm>>) target(%arg12 : memref<1792xi32, #tpu.memory_space<vmem>>) target_semaphore(%dma_start3A_32 : memref<!tpu.dma_semaphore, #tpu.memory_space<semaphore_mem>>)
    %dma_start3A_34 = arith.constant 1 : i32
    %dma_start3A_35 = tpu.memref_slice %arg4[%add3A_28] : memref<802816xf32, #tpu.memory_space<hbm>> -> memref<1792xf32, #tpu.memory_space<hbm>>
    %dma_start3A_36 = tpu.memref_slice %arg10[%dma_start3A_34] : memref<2x!tpu.dma_semaphore, #tpu.memory_space<semaphore_mem>> -> memref<1x!tpu.dma_semaphore, #tpu.memory_space<semaphore_mem>>
    %dma_start3A_37 = tpu.memref_squeeze %dma_start3A_36 : memref<1x!tpu.dma_semaphore, #tpu.memory_space<semaphore_mem>> -> memref<!tpu.dma_semaphore, #tpu.memory_space<semaphore_mem>>
    %dma_start3A_38 = tpu.memref_slice %arg4[%add3A_28] : memref<802816xf32, #tpu.memory_space<hbm>> -> memref<1792xf32, #tpu.memory_space<hbm>>
    tpu.enqueue_dma source(%dma_start3A_38 : memref<1792xf32, #tpu.memory_space<hbm>>) target(%arg14 : memref<1792xf32, #tpu.memory_space<vmem>>) target_semaphore(%dma_start3A_37 : memref<!tpu.dma_semaphore, #tpu.memory_space<semaphore_mem>>)
    %dma_start3A_39 = arith.constant 1 : i32
    %dma_start3A_40 = tpu.memref_slice %arg5[%add3A_28] : memref<802816xi32, #tpu.memory_space<hbm>> -> memref<1792xi32, #tpu.memory_space<hbm>>
    %dma_start3A_41 = tpu.memref_slice %arg10[%dma_start3A_39] : memref<2x!tpu.dma_semaphore, #tpu.memory_space<semaphore_mem>> -> memref<1x!tpu.dma_semaphore, #tpu.memory_space<semaphore_mem>>
    %dma_start3A_42 = tpu.memref_squeeze %dma_start3A_41 : memref<1x!tpu.dma_semaphore, #tpu.memory_space<semaphore_mem>> -> memref<!tpu.dma_semaphore, #tpu.memory_space<semaphore_mem>>
    %dma_start3A_43 = tpu.memref_slice %arg5[%add3A_28] : memref<802816xi32, #tpu.memory_space<hbm>> -> memref<1792xi32, #tpu.memory_space<hbm>>
    tpu.enqueue_dma source(%dma_start3A_43 : memref<1792xi32, #tpu.memory_space<hbm>>) target(%arg16 : memref<1792xi32, #tpu.memory_space<vmem>>) target_semaphore(%dma_start3A_42 : memref<!tpu.dma_semaphore, #tpu.memory_space<semaphore_mem>>)
    %dma_wait3A = arith.constant 0 : i32
    %dma_wait3A_44 = tpu.memref_slice %arg3[%add3A_10] : memref<802816xi32, #tpu.memory_space<hbm>> -> memref<1792xi32, #tpu.memory_space<hbm>>
    %dma_wait3A_45 = tpu.memref_slice %arg10[%dma_wait3A] : memref<2x!tpu.dma_semaphore, #tpu.memory_space<semaphore_mem>> -> memref<1x!tpu.dma_semaphore, #tpu.memory_space<semaphore_mem>>
    %dma_wait3A_46 = tpu.memref_squeeze %dma_wait3A_45 : memref<1x!tpu.dma_semaphore, #tpu.memory_space<semaphore_mem>> -> memref<!tpu.dma_semaphore, #tpu.memory_space<semaphore_mem>>
    %dma_wait3A_47 = tpu.memref_slice %arg3[%add3A_10] : memref<802816xi32, #tpu.memory_space<hbm>> -> memref<1792xi32, #tpu.memory_space<hbm>>
    tpu.wait_dma2 semaphore(%dma_wait3A_46 : memref<!tpu.dma_semaphore, #tpu.memory_space<semaphore_mem>>) src(%dma_wait3A_47 : memref<1792xi32, #tpu.memory_space<hbm>>) dst(%arg11 : memref<1792xi32, #tpu.memory_space<vmem>>)
    %dma_wait3A_48 = arith.constant 0 : i32
    %dma_wait3A_49 = tpu.memref_slice %arg4[%add3A_10] : memref<802816xf32, #tpu.memory_space<hbm>> -> memref<1792xf32, #tpu.memory_space<hbm>>
    %dma_wait3A_50 = tpu.memref_slice %arg10[%dma_wait3A_48] : memref<2x!tpu.dma_semaphore, #tpu.memory_space<semaphore_mem>> -> memref<1x!tpu.dma_semaphore, #tpu.memory_space<semaphore_mem>>
    %dma_wait3A_51 = tpu.memref_squeeze %dma_wait3A_50 : memref<1x!tpu.dma_semaphore, #tpu.memory_space<semaphore_mem>> -> memref<!tpu.dma_semaphore, #tpu.memory_space<semaphore_mem>>
    %dma_wait3A_52 = tpu.memref_slice %arg4[%add3A_10] : memref<802816xf32, #tpu.memory_space<hbm>> -> memref<1792xf32, #tpu.memory_space<hbm>>
    tpu.wait_dma2 semaphore(%dma_wait3A_51 : memref<!tpu.dma_semaphore, #tpu.memory_space<semaphore_mem>>) src(%dma_wait3A_52 : memref<1792xf32, #tpu.memory_space<hbm>>) dst(%arg13 : memref<1792xf32, #tpu.memory_space<vmem>>)
    %dma_wait3A_53 = arith.constant 0 : i32
    %dma_wait3A_54 = tpu.memref_slice %arg5[%add3A_10] : memref<802816xi32, #tpu.memory_space<hbm>> -> memref<1792xi32, #tpu.memory_space<hbm>>
    %dma_wait3A_55 = tpu.memref_slice %arg10[%dma_wait3A_53] : memref<2x!tpu.dma_semaphore, #tpu.memory_space<semaphore_mem>> -> memref<1x!tpu.dma_semaphore, #tpu.memory_space<semaphore_mem>>
    %dma_wait3A_56 = tpu.memref_squeeze %dma_wait3A_55 : memref<1x!tpu.dma_semaphore, #tpu.memory_space<semaphore_mem>> -> memref<!tpu.dma_semaphore, #tpu.memory_space<semaphore_mem>>
    %dma_wait3A_57 = tpu.memref_slice %arg5[%add3A_10] : memref<802816xi32, #tpu.memory_space<hbm>> -> memref<1792xi32, #tpu.memory_space<hbm>>
    tpu.wait_dma2 semaphore(%dma_wait3A_56 : memref<!tpu.dma_semaphore, #tpu.memory_space<semaphore_mem>>) src(%dma_wait3A_57 : memref<1792xi32, #tpu.memory_space<hbm>>) dst(%arg15 : memref<1792xi32, #tpu.memory_space<vmem>>)
    %scan3A_58 = arith.constant 0 : i32
    %scan3A_59 = arith.constant 0 : i32
    %scan3A_60 = arith.constant 28 : i32
    %scan3A_61 = arith.addi %scan3A_59, %scan3A_60 : i32
    %scan3A_62 = arith.constant 1 : i32
    %scan3A_63 = scf.for %scan3A_581 = %scan3A_59 to %scan3A_61 step %scan3A_62 iter_args(%scan3A_582 = %scan3A_58) -> (i32)  : i32 {
      %mul3A_583 = arith.constant 64 : i32
      %mul3A_584 = arith.muli %scan3A_581, %mul3A_583 : i32
      %add3A_585 = arith.constant 0 : i32
      %add3A_586 = arith.addi %mul3A_584, %add3A_585 : i32
      %get3A = arith.index_cast %add3A_586 : i32 to index
      %get3A_587 = tpu.vector_load %arg11[%get3A] {strides = array<i32>} : memref<1792xi32, #tpu.memory_space<vmem>>, vector<16xi32>,
      %get3A_588 = arith.index_cast %add3A_586 : i32 to index
      %get3A_589 = tpu.vector_load %arg13[%get3A_588] {strides = array<i32>} : memref<1792xf32, #tpu.memory_space<vmem>>, vector<16xf32>,
      %get3A_590 = arith.index_cast %add3A_586 : i32 to index
      %get3A_591 = tpu.vector_load %arg15[%get3A_590] {strides = array<i32>} : memref<1792xi32, #tpu.memory_space<vmem>>, vector<16xi32>,
      %gather3A = tpu.vector_load_idx %arg7[%get3A_587] : memref<50176xf32, #tpu.memory_space<vmem>>[vector<16xi32>], vector<16xf32>,
      %mul3A_592 = arith.mulf %gather3A, %get3A_589 : vector<16xf32>
      tpu.vector_store_idx %arg8[%get3A_591], %mul3A_592 {add = true} : memref<50176xf32, #tpu.memory_space<vmem>>[vector<16xi32>], vector<16xf32>,
      %mul3A_593 = arith.constant 64 : i32
      %mul3A_594 = arith.muli %scan3A_581, %mul3A_593 : i32
      %add3A_595 = arith.constant 16 : i32
      %add3A_596 = arith.addi %mul3A_594, %add3A_595 : i32
      %get3A_597 = arith.index_cast %add3A_596 : i32 to index
      %get3A_598 = tpu.vector_load %arg11[%get3A_597] {strides = array<i32>} : memref<1792xi32, #tpu.memory_space<vmem>>, vector<16xi32>,
      %get3A_599 = arith.index_cast %add3A_596 : i32 to index
      %get3A_600 = tpu.vector_load %arg13[%get3A_599] {strides = array<i32>} : memref<1792xf32, #tpu.memory_space<vmem>>, vector<16xf32>,
      %get3A_601 = arith.index_cast %add3A_596 : i32 to index
      %get3A_602 = tpu.vector_load %arg15[%get3A_601] {strides = array<i32>} : memref<1792xi32, #tpu.memory_space<vmem>>, vector<16xi32>,
      %gather3A_603 = tpu.vector_load_idx %arg7[%get3A_598] : memref<50176xf32, #tpu.memory_space<vmem>>[vector<16xi32>], vector<16xf32>,
      %mul3A_604 = arith.mulf %gather3A_603, %get3A_600 : vector<16xf32>
      tpu.vector_store_idx %arg8[%get3A_602], %mul3A_604 {add = true} : memref<50176xf32, #tpu.memory_space<vmem>>[vector<16xi32>], vector<16xf32>,
      %mul3A_605 = arith.constant 64 : i32
      %mul3A_606 = arith.muli %scan3A_581, %mul3A_605 : i32
      %add3A_607 = arith.constant 32 : i32
      %add3A_608 = arith.addi %mul3A_606, %add3A_607 : i32
      %get3A_609 = arith.index_cast %add3A_608 : i32 to index
      %get3A_610 = tpu.vector_load %arg11[%get3A_609] {strides = array<i32>} : memref<1792xi32, #tpu.memory_space<vmem>>, vector<16xi32>,
      %get3A_611 = arith.index_cast %add3A_608 : i32 to index
      %get3A_612 = tpu.vector_load %arg13[%get3A_611] {strides = array<i32>} : memref<1792xf32, #tpu.memory_space<vmem>>, vector<16xf32>,
      %get3A_613 = arith.index_cast %add3A_608 : i32 to index
      %get3A_614 = tpu.vector_load %arg15[%get3A_613] {strides = array<i32>} : memref<1792xi32, #tpu.memory_space<vmem>>, vector<16xi32>,
      %gather3A_615 = tpu.vector_load_idx %arg7[%get3A_610] : memref<50176xf32, #tpu.memory_space<vmem>>[vector<16xi32>], vector<16xf32>,
      %mul3A_616 = arith.mulf %gather3A_615, %get3A_612 : vector<16xf32>
      tpu.vector_store_idx %arg8[%get3A_614], %mul3A_616 {add = true} : memref<50176xf32, #tpu.memory_space<vmem>>[vector<16xi32>], vector<16xf32>,
      %mul3A_617 = arith.constant 64 : i32
      %mul3A_618 = arith.muli %scan3A_581, %mul3A_617 : i32
      %add3A_619 = arith.constant 48 : i32
      %add3A_620 = arith.addi %mul3A_618, %add3A_619 : i32
      %get3A_621 = arith.index_cast %add3A_620 : i32 to index
      %get3A_622 = tpu.vector_load %arg11[%get3A_621] {strides = array<i32>} : memref<1792xi32, #tpu.memory_space<vmem>>, vector<16xi32>,
      %get3A_623 = arith.index_cast %add3A_620 : i32 to index
      %get3A_624 = tpu.vector_load %arg13[%get3A_623] {strides = array<i32>} : memref<1792xf32, #tpu.memory_space<vmem>>, vector<16xf32>,
      %get3A_625 = arith.index_cast %add3A_620 : i32 to index
      %get3A_626 = tpu.vector_load %arg15[%get3A_625] {strides = array<i32>} : memref<1792xi32, #tpu.memory_space<vmem>>, vector<16xi32>,
      %gather3A_627 = tpu.vector_load_idx %arg7[%get3A_622] : memref<50176xf32, #tpu.memory_space<vmem>>[vector<16xi32>], vector<16xf32>,
      %mul3A_628 = arith.mulf %gather3A_627, %get3A_624 : vector<16xf32>
      tpu.vector_store_idx %arg8[%get3A_626], %mul3A_628 {add = true} : memref<50176xf32, #tpu.memory_space<vmem>>[vector<16xi32>], vector<16xf32>,
      %scan3A_629 = arith.constant 0 : i32
      scf.yield %scan3A_629 : i32
    }
    %scan3A_64 = arith.constant 28 : i32
    %mul3A_65 = arith.constant 25088 : i32
    %mul3A_66 = arith.muli %add3A, %mul3A_65 : i32
    %add3A_67 = arith.constant 3584 : i32
    %add3A_68 = arith.addi %mul3A_66, %add3A_67 : i32
    %dma_start3A_69 = arith.constant 0 : i32
    %dma_start3A_70 = tpu.memref_slice %arg3[%add3A_68] : memref<802816xi32, #tpu.memory_space<hbm>> -> memref<1792xi32, #tpu.memory_space<hbm>>
    %dma_start3A_71 = tpu.memref_slice %arg10[%dma_start3A_69] : memref<2x!tpu.dma_semaphore, #tpu.memory_space<semaphore_mem>> -> memref<1x!tpu.dma_semaphore, #tpu.memory_space<semaphore_mem>>
    %dma_start3A_72 = tpu.memref_squeeze %dma_start3A_71 : memref<1x!tpu.dma_semaphore, #tpu.memory_space<semaphore_mem>> -> memref<!tpu.dma_semaphore, #tpu.memory_space<semaphore_mem>>
    %dma_start3A_73 = tpu.memref_slice %arg3[%add3A_68] : memref<802816xi32, #tpu.memory_space<hbm>> -> memref<1792xi32, #tpu.memory_space<hbm>>
    tpu.enqueue_dma source(%dma_start3A_73 : memref<1792xi32, #tpu.memory_space<hbm>>) target(%arg11 : memref<1792xi32, #tpu.memory_space<vmem>>) target_semaphore(%dma_start3A_72 : memref<!tpu.dma_semaphore, #tpu.memory_space<semaphore_mem>>)
    %dma_start3A_74 = arith.constant 0 : i32
    %dma_start3A_75 = tpu.memref_slice %arg4[%add3A_68] : memref<802816xf32, #tpu.memory_space<hbm>> -> memref<1792xf32, #tpu.memory_space<hbm>>
    %dma_start3A_76 = tpu.memref_slice %arg10[%dma_start3A_74] : memref<2x!tpu.dma_semaphore, #tpu.memory_space<semaphore_mem>> -> memref<1x!tpu.dma_semaphore, #tpu.memory_space<semaphore_mem>>
    %dma_start3A_77 = tpu.memref_squeeze %dma_start3A_76 : memref<1x!tpu.dma_semaphore, #tpu.memory_space<semaphore_mem>> -> memref<!tpu.dma_semaphore, #tpu.memory_space<semaphore_mem>>
    %dma_start3A_78 = tpu.memref_slice %arg4[%add3A_68] : memref<802816xf32, #tpu.memory_space<hbm>> -> memref<1792xf32, #tpu.memory_space<hbm>>
    tpu.enqueue_dma source(%dma_start3A_78 : memref<1792xf32, #tpu.memory_space<hbm>>) target(%arg13 : memref<1792xf32, #tpu.memory_space<vmem>>) target_semaphore(%dma_start3A_77 : memref<!tpu.dma_semaphore, #tpu.memory_space<semaphore_mem>>)
    %dma_start3A_79 = arith.constant 0 : i32
    %dma_start3A_80 = tpu.memref_slice %arg5[%add3A_68] : memref<802816xi32, #tpu.memory_space<hbm>> -> memref<1792xi32, #tpu.memory_space<hbm>>
    %dma_start3A_81 = tpu.memref_slice %arg10[%dma_start3A_79] : memref<2x!tpu.dma_semaphore, #tpu.memory_space<semaphore_mem>> -> memref<1x!tpu.dma_semaphore, #tpu.memory_space<semaphore_mem>>
    %dma_start3A_82 = tpu.memref_squeeze %dma_start3A_81 : memref<1x!tpu.dma_semaphore, #tpu.memory_space<semaphore_mem>> -> memref<!tpu.dma_semaphore, #tpu.memory_space<semaphore_mem>>
    %dma_start3A_83 = tpu.memref_slice %arg5[%add3A_68] : memref<802816xi32, #tpu.memory_space<hbm>> -> memref<1792xi32, #tpu.memory_space<hbm>>
    tpu.enqueue_dma source(%dma_start3A_83 : memref<1792xi32, #tpu.memory_space<hbm>>) target(%arg15 : memref<1792xi32, #tpu.memory_space<vmem>>) target_semaphore(%dma_start3A_82 : memref<!tpu.dma_semaphore, #tpu.memory_space<semaphore_mem>>)
    %dma_wait3A_84 = arith.constant 1 : i32
    %dma_wait3A_85 = tpu.memref_slice %arg3[%add3A_28] : memref<802816xi32, #tpu.memory_space<hbm>> -> memref<1792xi32, #tpu.memory_space<hbm>>
    %dma_wait3A_86 = tpu.memref_slice %arg10[%dma_wait3A_84] : memref<2x!tpu.dma_semaphore, #tpu.memory_space<semaphore_mem>> -> memref<1x!tpu.dma_semaphore, #tpu.memory_space<semaphore_mem>>
    %dma_wait3A_87 = tpu.memref_squeeze %dma_wait3A_86 : memref<1x!tpu.dma_semaphore, #tpu.memory_space<semaphore_mem>> -> memref<!tpu.dma_semaphore, #tpu.memory_space<semaphore_mem>>
    %dma_wait3A_88 = tpu.memref_slice %arg3[%add3A_28] : memref<802816xi32, #tpu.memory_space<hbm>> -> memref<1792xi32, #tpu.memory_space<hbm>>
    tpu.wait_dma2 semaphore(%dma_wait3A_87 : memref<!tpu.dma_semaphore, #tpu.memory_space<semaphore_mem>>) src(%dma_wait3A_88 : memref<1792xi32, #tpu.memory_space<hbm>>) dst(%arg12 : memref<1792xi32, #tpu.memory_space<vmem>>)
    %dma_wait3A_89 = arith.constant 1 : i32
    %dma_wait3A_90 = tpu.memref_slice %arg4[%add3A_28] : memref<802816xf32, #tpu.memory_space<hbm>> -> memref<1792xf32, #tpu.memory_space<hbm>>
    %dma_wait3A_91 = tpu.memref_slice %arg10[%dma_wait3A_89] : memref<2x!tpu.dma_semaphore, #tpu.memory_space<semaphore_mem>> -> memref<1x!tpu.dma_semaphore, #tpu.memory_space<semaphore_mem>>
    %dma_wait3A_92 = tpu.memref_squeeze %dma_wait3A_91 : memref<1x!tpu.dma_semaphore, #tpu.memory_space<semaphore_mem>> -> memref<!tpu.dma_semaphore, #tpu.memory_space<semaphore_mem>>
    %dma_wait3A_93 = tpu.memref_slice %arg4[%add3A_28] : memref<802816xf32, #tpu.memory_space<hbm>> -> memref<1792xf32, #tpu.memory_space<hbm>>
    tpu.wait_dma2 semaphore(%dma_wait3A_92 : memref<!tpu.dma_semaphore, #tpu.memory_space<semaphore_mem>>) src(%dma_wait3A_93 : memref<1792xf32, #tpu.memory_space<hbm>>) dst(%arg14 : memref<1792xf32, #tpu.memory_space<vmem>>)
    %dma_wait3A_94 = arith.constant 1 : i32
    %dma_wait3A_95 = tpu.memref_slice %arg5[%add3A_28] : memref<802816xi32, #tpu.memory_space<hbm>> -> memref<1792xi32, #tpu.memory_space<hbm>>
    %dma_wait3A_96 = tpu.memref_slice %arg10[%dma_wait3A_94] : memref<2x!tpu.dma_semaphore, #tpu.memory_space<semaphore_mem>> -> memref<1x!tpu.dma_semaphore, #tpu.memory_space<semaphore_mem>>
    %dma_wait3A_97 = tpu.memref_squeeze %dma_wait3A_96 : memref<1x!tpu.dma_semaphore, #tpu.memory_space<semaphore_mem>> -> memref<!tpu.dma_semaphore, #tpu.memory_space<semaphore_mem>>
    %dma_wait3A_98 = tpu.memref_slice %arg5[%add3A_28] : memref<802816xi32, #tpu.memory_space<hbm>> -> memref<1792xi32, #tpu.memory_space<hbm>>
    tpu.wait_dma2 semaphore(%dma_wait3A_97 : memref<!tpu.dma_semaphore, #tpu.memory_space<semaphore_mem>>) src(%dma_wait3A_98 : memref<1792xi32, #tpu.memory_space<hbm>>) dst(%arg16 : memref<1792xi32, #tpu.memory_space<vmem>>)
    %scan3A_99 = arith.constant 0 : i32
    %scan3A_100 = arith.constant 0 : i32
    %scan3A_101 = arith.constant 28 : i32
    %scan3A_102 = arith.addi %scan3A_100, %scan3A_101 : i32
    %scan3A_103 = arith.constant 1 : i32
    %scan3A_104 = scf.for %scan3A_581 = %scan3A_100 to %scan3A_102 step %scan3A_103 iter_args(%scan3A_582 = %scan3A_99) -> (i32)  : i32 {
      %mul3A_583 = arith.constant 64 : i32
      %mul3A_584 = arith.muli %scan3A_581, %mul3A_583 : i32
      %add3A_585 = arith.constant 0 : i32
      %add3A_586 = arith.addi %mul3A_584, %add3A_585 : i32
      %get3A = arith.index_cast %add3A_586 : i32 to index
      %get3A_587 = tpu.vector_load %arg12[%get3A] {strides = array<i32>} : memref<1792xi32, #tpu.memory_space<vmem>>, vector<16xi32>,
      %get3A_588 = arith.index_cast %add3A_586 : i32 to index
      %get3A_589 = tpu.vector_load %arg14[%get3A_588] {strides = array<i32>} : memref<1792xf32, #tpu.memory_space<vmem>>, vector<16xf32>,
      %get3A_590 = arith.index_cast %add3A_586 : i32 to index
      %get3A_591 = tpu.vector_load %arg16[%get3A_590] {strides = array<i32>} : memref<1792xi32, #tpu.memory_space<vmem>>, vector<16xi32>,
      %gather3A = tpu.vector_load_idx %arg7[%get3A_587] : memref<50176xf32, #tpu.memory_space<vmem>>[vector<16xi32>], vector<16xf32>,
      %mul3A_592 = arith.mulf %gather3A, %get3A_589 : vector<16xf32>
      tpu.vector_store_idx %arg8[%get3A_591], %mul3A_592 {add = true} : memref<50176xf32, #tpu.memory_space<vmem>>[vector<16xi32>], vector<16xf32>,
      %mul3A_593 = arith.constant 64 : i32
      %mul3A_594 = arith.muli %scan3A_581, %mul3A_593 : i32
      %add3A_595 = arith.constant 16 : i32
      %add3A_596 = arith.addi %mul3A_594, %add3A_595 : i32
      %get3A_597 = arith.index_cast %add3A_596 : i32 to index
      %get3A_598 = tpu.vector_load %arg12[%get3A_597] {strides = array<i32>} : memref<1792xi32, #tpu.memory_space<vmem>>, vector<16xi32>,
      %get3A_599 = arith.index_cast %add3A_596 : i32 to index
      %get3A_600 = tpu.vector_load %arg14[%get3A_599] {strides = array<i32>} : memref<1792xf32, #tpu.memory_space<vmem>>, vector<16xf32>,
      %get3A_601 = arith.index_cast %add3A_596 : i32 to index
      %get3A_602 = tpu.vector_load %arg16[%get3A_601] {strides = array<i32>} : memref<1792xi32, #tpu.memory_space<vmem>>, vector<16xi32>,
      %gather3A_603 = tpu.vector_load_idx %arg7[%get3A_598] : memref<50176xf32, #tpu.memory_space<vmem>>[vector<16xi32>], vector<16xf32>,
      %mul3A_604 = arith.mulf %gather3A_603, %get3A_600 : vector<16xf32>
      tpu.vector_store_idx %arg8[%get3A_602], %mul3A_604 {add = true} : memref<50176xf32, #tpu.memory_space<vmem>>[vector<16xi32>], vector<16xf32>,
      %mul3A_605 = arith.constant 64 : i32
      %mul3A_606 = arith.muli %scan3A_581, %mul3A_605 : i32
      %add3A_607 = arith.constant 32 : i32
      %add3A_608 = arith.addi %mul3A_606, %add3A_607 : i32
      %get3A_609 = arith.index_cast %add3A_608 : i32 to index
      %get3A_610 = tpu.vector_load %arg12[%get3A_609] {strides = array<i32>} : memref<1792xi32, #tpu.memory_space<vmem>>, vector<16xi32>,
      %get3A_611 = arith.index_cast %add3A_608 : i32 to index
      %get3A_612 = tpu.vector_load %arg14[%get3A_611] {strides = array<i32>} : memref<1792xf32, #tpu.memory_space<vmem>>, vector<16xf32>,
      %get3A_613 = arith.index_cast %add3A_608 : i32 to index
      %get3A_614 = tpu.vector_load %arg16[%get3A_613] {strides = array<i32>} : memref<1792xi32, #tpu.memory_space<vmem>>, vector<16xi32>,
      %gather3A_615 = tpu.vector_load_idx %arg7[%get3A_610] : memref<50176xf32, #tpu.memory_space<vmem>>[vector<16xi32>], vector<16xf32>,
      %mul3A_616 = arith.mulf %gather3A_615, %get3A_612 : vector<16xf32>
      tpu.vector_store_idx %arg8[%get3A_614], %mul3A_616 {add = true} : memref<50176xf32, #tpu.memory_space<vmem>>[vector<16xi32>], vector<16xf32>,
      %mul3A_617 = arith.constant 64 : i32
      %mul3A_618 = arith.muli %scan3A_581, %mul3A_617 : i32
      %add3A_619 = arith.constant 48 : i32
      %add3A_620 = arith.addi %mul3A_618, %add3A_619 : i32
      %get3A_621 = arith.index_cast %add3A_620 : i32 to index
      %get3A_622 = tpu.vector_load %arg12[%get3A_621] {strides = array<i32>} : memref<1792xi32, #tpu.memory_space<vmem>>, vector<16xi32>,
      %get3A_623 = arith.index_cast %add3A_620 : i32 to index
      %get3A_624 = tpu.vector_load %arg14[%get3A_623] {strides = array<i32>} : memref<1792xf32, #tpu.memory_space<vmem>>, vector<16xf32>,
      %get3A_625 = arith.index_cast %add3A_620 : i32 to index
      %get3A_626 = tpu.vector_load %arg16[%get3A_625] {strides = array<i32>} : memref<1792xi32, #tpu.memory_space<vmem>>, vector<16xi32>,
      %gather3A_627 = tpu.vector_load_idx %arg7[%get3A_622] : memref<50176xf32, #tpu.memory_space<vmem>>[vector<16xi32>], vector<16xf32>,
      %mul3A_628 = arith.mulf %gather3A_627, %get3A_624 : vector<16xf32>
      tpu.vector_store_idx %arg8[%get3A_626], %mul3A_628 {add = true} : memref<50176xf32, #tpu.memory_space<vmem>>[vector<16xi32>], vector<16xf32>,
      %scan3A_629 = arith.constant 0 : i32
      scf.yield %scan3A_629 : i32
    }
    %scan3A_105 = arith.constant 28 : i32
    %mul3A_106 = arith.constant 25088 : i32
    %mul3A_107 = arith.muli %add3A, %mul3A_106 : i32
    %add3A_108 = arith.constant 5376 : i32
    %add3A_109 = arith.addi %mul3A_107, %add3A_108 : i32
    %dma_start3A_110 = arith.constant 1 : i32
    %dma_start3A_111 = tpu.memref_slice %arg3[%add3A_109] : memref<802816xi32, #tpu.memory_space<hbm>> -> memref<1792xi32, #tpu.memory_space<hbm>>
    %dma_start3A_112 = tpu.memref_slice %arg10[%dma_start3A_110] : memref<2x!tpu.dma_semaphore, #tpu.memory_space<semaphore_mem>> -> memref<1x!tpu.dma_semaphore, #tpu.memory_space<semaphore_mem>>
    %dma_start3A_113 = tpu.memref_squeeze %dma_start3A_112 : memref<1x!tpu.dma_semaphore, #tpu.memory_space<semaphore_mem>> -> memref<!tpu.dma_semaphore, #tpu.memory_space<semaphore_mem>>
    %dma_start3A_114 = tpu.memref_slice %arg3[%add3A_109] : memref<802816xi32, #tpu.memory_space<hbm>> -> memref<1792xi32, #tpu.memory_space<hbm>>
    tpu.enqueue_dma source(%dma_start3A_114 : memref<1792xi32, #tpu.memory_space<hbm>>) target(%arg12 : memref<1792xi32, #tpu.memory_space<vmem>>) target_semaphore(%dma_start3A_113 : memref<!tpu.dma_semaphore, #tpu.memory_space<semaphore_mem>>)
    %dma_start3A_115 = arith.constant 1 : i32
    %dma_start3A_116 = tpu.memref_slice %arg4[%add3A_109] : memref<802816xf32, #tpu.memory_space<hbm>> -> memref<1792xf32, #tpu.memory_space<hbm>>
    %dma_start3A_117 = tpu.memref_slice %arg10[%dma_start3A_115] : memref<2x!tpu.dma_semaphore, #tpu.memory_space<semaphore_mem>> -> memref<1x!tpu.dma_semaphore, #tpu.memory_space<semaphore_mem>>
    %dma_start3A_118 = tpu.memref_squeeze %dma_start3A_117 : memref<1x!tpu.dma_semaphore, #tpu.memory_space<semaphore_mem>> -> memref<!tpu.dma_semaphore, #tpu.memory_space<semaphore_mem>>
    %dma_start3A_119 = tpu.memref_slice %arg4[%add3A_109] : memref<802816xf32, #tpu.memory_space<hbm>> -> memref<1792xf32, #tpu.memory_space<hbm>>
    tpu.enqueue_dma source(%dma_start3A_119 : memref<1792xf32, #tpu.memory_space<hbm>>) target(%arg14 : memref<1792xf32, #tpu.memory_space<vmem>>) target_semaphore(%dma_start3A_118 : memref<!tpu.dma_semaphore, #tpu.memory_space<semaphore_mem>>)
    %dma_start3A_120 = arith.constant 1 : i32
    %dma_start3A_121 = tpu.memref_slice %arg5[%add3A_109] : memref<802816xi32, #tpu.memory_space<hbm>> -> memref<1792xi32, #tpu.memory_space<hbm>>
    %dma_start3A_122 = tpu.memref_slice %arg10[%dma_start3A_120] : memref<2x!tpu.dma_semaphore, #tpu.memory_space<semaphore_mem>> -> memref<1x!tpu.dma_semaphore, #tpu.memory_space<semaphore_mem>>
    %dma_start3A_123 = tpu.memref_squeeze %dma_start3A_122 : memref<1x!tpu.dma_semaphore, #tpu.memory_space<semaphore_mem>> -> memref<!tpu.dma_semaphore, #tpu.memory_space<semaphore_mem>>
    %dma_start3A_124 = tpu.memref_slice %arg5[%add3A_109] : memref<802816xi32, #tpu.memory_space<hbm>> -> memref<1792xi32, #tpu.memory_space<hbm>>
    tpu.enqueue_dma source(%dma_start3A_124 : memref<1792xi32, #tpu.memory_space<hbm>>) target(%arg16 : memref<1792xi32, #tpu.memory_space<vmem>>) target_semaphore(%dma_start3A_123 : memref<!tpu.dma_semaphore, #tpu.memory_space<semaphore_mem>>)
    %dma_wait3A_125 = arith.constant 0 : i32
    %dma_wait3A_126 = tpu.memref_slice %arg3[%add3A_68] : memref<802816xi32, #tpu.memory_space<hbm>> -> memref<1792xi32, #tpu.memory_space<hbm>>
    %dma_wait3A_127 = tpu.memref_slice %arg10[%dma_wait3A_125] : memref<2x!tpu.dma_semaphore, #tpu.memory_space<semaphore_mem>> -> memref<1x!tpu.dma_semaphore, #tpu.memory_space<semaphore_mem>>
    %dma_wait3A_128 = tpu.memref_squeeze %dma_wait3A_127 : memref<1x!tpu.dma_semaphore, #tpu.memory_space<semaphore_mem>> -> memref<!tpu.dma_semaphore, #tpu.memory_space<semaphore_mem>>
    %dma_wait3A_129 = tpu.memref_slice %arg3[%add3A_68] : memref<802816xi32, #tpu.memory_space<hbm>> -> memref<1792xi32, #tpu.memory_space<hbm>>
    tpu.wait_dma2 semaphore(%dma_wait3A_128 : memref<!tpu.dma_semaphore, #tpu.memory_space<semaphore_mem>>) src(%dma_wait3A_129 : memref<1792xi32, #tpu.memory_space<hbm>>) dst(%arg11 : memref<1792xi32, #tpu.memory_space<vmem>>)
    %dma_wait3A_130 = arith.constant 0 : i32
    %dma_wait3A_131 = tpu.memref_slice %arg4[%add3A_68] : memref<802816xf32, #tpu.memory_space<hbm>> -> memref<1792xf32, #tpu.memory_space<hbm>>
    %dma_wait3A_132 = tpu.memref_slice %arg10[%dma_wait3A_130] : memref<2x!tpu.dma_semaphore, #tpu.memory_space<semaphore_mem>> -> memref<1x!tpu.dma_semaphore, #tpu.memory_space<semaphore_mem>>
    %dma_wait3A_133 = tpu.memref_squeeze %dma_wait3A_132 : memref<1x!tpu.dma_semaphore, #tpu.memory_space<semaphore_mem>> -> memref<!tpu.dma_semaphore, #tpu.memory_space<semaphore_mem>>
    %dma_wait3A_134 = tpu.memref_slice %arg4[%add3A_68] : memref<802816xf32, #tpu.memory_space<hbm>> -> memref<1792xf32, #tpu.memory_space<hbm>>
    tpu.wait_dma2 semaphore(%dma_wait3A_133 : memref<!tpu.dma_semaphore, #tpu.memory_space<semaphore_mem>>) src(%dma_wait3A_134 : memref<1792xf32, #tpu.memory_space<hbm>>) dst(%arg13 : memref<1792xf32, #tpu.memory_space<vmem>>)
    %dma_wait3A_135 = arith.constant 0 : i32
    %dma_wait3A_136 = tpu.memref_slice %arg5[%add3A_68] : memref<802816xi32, #tpu.memory_space<hbm>> -> memref<1792xi32, #tpu.memory_space<hbm>>
    %dma_wait3A_137 = tpu.memref_slice %arg10[%dma_wait3A_135] : memref<2x!tpu.dma_semaphore, #tpu.memory_space<semaphore_mem>> -> memref<1x!tpu.dma_semaphore, #tpu.memory_space<semaphore_mem>>
    %dma_wait3A_138 = tpu.memref_squeeze %dma_wait3A_137 : memref<1x!tpu.dma_semaphore, #tpu.memory_space<semaphore_mem>> -> memref<!tpu.dma_semaphore, #tpu.memory_space<semaphore_mem>>
    %dma_wait3A_139 = tpu.memref_slice %arg5[%add3A_68] : memref<802816xi32, #tpu.memory_space<hbm>> -> memref<1792xi32, #tpu.memory_space<hbm>>
    tpu.wait_dma2 semaphore(%dma_wait3A_138 : memref<!tpu.dma_semaphore, #tpu.memory_space<semaphore_mem>>) src(%dma_wait3A_139 : memref<1792xi32, #tpu.memory_space<hbm>>) dst(%arg15 : memref<1792xi32, #tpu.memory_space<vmem>>)
    %scan3A_140 = arith.constant 0 : i32
    %scan3A_141 = arith.constant 0 : i32
    %scan3A_142 = arith.constant 28 : i32
    %scan3A_143 = arith.addi %scan3A_141, %scan3A_142 : i32
    %scan3A_144 = arith.constant 1 : i32
    %scan3A_145 = scf.for %scan3A_581 = %scan3A_141 to %scan3A_143 step %scan3A_144 iter_args(%scan3A_582 = %scan3A_140) -> (i32)  : i32 {
      %mul3A_583 = arith.constant 64 : i32
      %mul3A_584 = arith.muli %scan3A_581, %mul3A_583 : i32
      %add3A_585 = arith.constant 0 : i32
      %add3A_586 = arith.addi %mul3A_584, %add3A_585 : i32
      %get3A = arith.index_cast %add3A_586 : i32 to index
      %get3A_587 = tpu.vector_load %arg11[%get3A] {strides = array<i32>} : memref<1792xi32, #tpu.memory_space<vmem>>, vector<16xi32>,
      %get3A_588 = arith.index_cast %add3A_586 : i32 to index
      %get3A_589 = tpu.vector_load %arg13[%get3A_588] {strides = array<i32>} : memref<1792xf32, #tpu.memory_space<vmem>>, vector<16xf32>,
      %get3A_590 = arith.index_cast %add3A_586 : i32 to index
      %get3A_591 = tpu.vector_load %arg15[%get3A_590] {strides = array<i32>} : memref<1792xi32, #tpu.memory_space<vmem>>, vector<16xi32>,
      %gather3A = tpu.vector_load_idx %arg7[%get3A_587] : memref<50176xf32, #tpu.memory_space<vmem>>[vector<16xi32>], vector<16xf32>,
      %mul3A_592 = arith.mulf %gather3A, %get3A_589 : vector<16xf32>
      tpu.vector_store_idx %arg8[%get3A_591], %mul3A_592 {add = true} : memref<50176xf32, #tpu.memory_space<vmem>>[vector<16xi32>], vector<16xf32>,
      %mul3A_593 = arith.constant 64 : i32
      %mul3A_594 = arith.muli %scan3A_581, %mul3A_593 : i32
      %add3A_595 = arith.constant 16 : i32
      %add3A_596 = arith.addi %mul3A_594, %add3A_595 : i32
      %get3A_597 = arith.index_cast %add3A_596 : i32 to index
      %get3A_598 = tpu.vector_load %arg11[%get3A_597] {strides = array<i32>} : memref<1792xi32, #tpu.memory_space<vmem>>, vector<16xi32>,
      %get3A_599 = arith.index_cast %add3A_596 : i32 to index
      %get3A_600 = tpu.vector_load %arg13[%get3A_599] {strides = array<i32>} : memref<1792xf32, #tpu.memory_space<vmem>>, vector<16xf32>,
      %get3A_601 = arith.index_cast %add3A_596 : i32 to index
      %get3A_602 = tpu.vector_load %arg15[%get3A_601] {strides = array<i32>} : memref<1792xi32, #tpu.memory_space<vmem>>, vector<16xi32>,
      %gather3A_603 = tpu.vector_load_idx %arg7[%get3A_598] : memref<50176xf32, #tpu.memory_space<vmem>>[vector<16xi32>], vector<16xf32>,
      %mul3A_604 = arith.mulf %gather3A_603, %get3A_600 : vector<16xf32>
      tpu.vector_store_idx %arg8[%get3A_602], %mul3A_604 {add = true} : memref<50176xf32, #tpu.memory_space<vmem>>[vector<16xi32>], vector<16xf32>,
      %mul3A_605 = arith.constant 64 : i32
      %mul3A_606 = arith.muli %scan3A_581, %mul3A_605 : i32
      %add3A_607 = arith.constant 32 : i32
      %add3A_608 = arith.addi %mul3A_606, %add3A_607 : i32
      %get3A_609 = arith.index_cast %add3A_608 : i32 to index
      %get3A_610 = tpu.vector_load %arg11[%get3A_609] {strides = array<i32>} : memref<1792xi32, #tpu.memory_space<vmem>>, vector<16xi32>,
      %get3A_611 = arith.index_cast %add3A_608 : i32 to index
      %get3A_612 = tpu.vector_load %arg13[%get3A_611] {strides = array<i32>} : memref<1792xf32, #tpu.memory_space<vmem>>, vector<16xf32>,
      %get3A_613 = arith.index_cast %add3A_608 : i32 to index
      %get3A_614 = tpu.vector_load %arg15[%get3A_613] {strides = array<i32>} : memref<1792xi32, #tpu.memory_space<vmem>>, vector<16xi32>,
      %gather3A_615 = tpu.vector_load_idx %arg7[%get3A_610] : memref<50176xf32, #tpu.memory_space<vmem>>[vector<16xi32>], vector<16xf32>,
      %mul3A_616 = arith.mulf %gather3A_615, %get3A_612 : vector<16xf32>
      tpu.vector_store_idx %arg8[%get3A_614], %mul3A_616 {add = true} : memref<50176xf32, #tpu.memory_space<vmem>>[vector<16xi32>], vector<16xf32>,
      %mul3A_617 = arith.constant 64 : i32
      %mul3A_618 = arith.muli %scan3A_581, %mul3A_617 : i32
      %add3A_619 = arith.constant 48 : i32
      %add3A_620 = arith.addi %mul3A_618, %add3A_619 : i32
      %get3A_621 = arith.index_cast %add3A_620 : i32 to index
      %get3A_622 = tpu.vector_load %arg11[%get3A_621] {strides = array<i32>} : memref<1792xi32, #tpu.memory_space<vmem>>, vector<16xi32>,
      %get3A_623 = arith.index_cast %add3A_620 : i32 to index
      %get3A_624 = tpu.vector_load %arg13[%get3A_623] {strides = array<i32>} : memref<1792xf32, #tpu.memory_space<vmem>>, vector<16xf32>,
      %get3A_625 = arith.index_cast %add3A_620 : i32 to index
      %get3A_626 = tpu.vector_load %arg15[%get3A_625] {strides = array<i32>} : memref<1792xi32, #tpu.memory_space<vmem>>, vector<16xi32>,
      %gather3A_627 = tpu.vector_load_idx %arg7[%get3A_622] : memref<50176xf32, #tpu.memory_space<vmem>>[vector<16xi32>], vector<16xf32>,
      %mul3A_628 = arith.mulf %gather3A_627, %get3A_624 : vector<16xf32>
      tpu.vector_store_idx %arg8[%get3A_626], %mul3A_628 {add = true} : memref<50176xf32, #tpu.memory_space<vmem>>[vector<16xi32>], vector<16xf32>,
      %scan3A_629 = arith.constant 0 : i32
      scf.yield %scan3A_629 : i32
    }
    %scan3A_146 = arith.constant 28 : i32
    %mul3A_147 = arith.constant 25088 : i32
    %mul3A_148 = arith.muli %add3A, %mul3A_147 : i32
    %add3A_149 = arith.constant 7168 : i32
    %add3A_150 = arith.addi %mul3A_148, %add3A_149 : i32
    %dma_start3A_151 = arith.constant 0 : i32
    %dma_start3A_152 = tpu.memref_slice %arg3[%add3A_150] : memref<802816xi32, #tpu.memory_space<hbm>> -> memref<1792xi32, #tpu.memory_space<hbm>>
    %dma_start3A_153 = tpu.memref_slice %arg10[%dma_start3A_151] : memref<2x!tpu.dma_semaphore, #tpu.memory_space<semaphore_mem>> -> memref<1x!tpu.dma_semaphore, #tpu.memory_space<semaphore_mem>>
    %dma_start3A_154 = tpu.memref_squeeze %dma_start3A_153 : memref<1x!tpu.dma_semaphore, #tpu.memory_space<semaphore_mem>> -> memref<!tpu.dma_semaphore, #tpu.memory_space<semaphore_mem>>
    %dma_start3A_155 = tpu.memref_slice %arg3[%add3A_150] : memref<802816xi32, #tpu.memory_space<hbm>> -> memref<1792xi32, #tpu.memory_space<hbm>>
    tpu.enqueue_dma source(%dma_start3A_155 : memref<1792xi32, #tpu.memory_space<hbm>>) target(%arg11 : memref<1792xi32, #tpu.memory_space<vmem>>) target_semaphore(%dma_start3A_154 : memref<!tpu.dma_semaphore, #tpu.memory_space<semaphore_mem>>)
    %dma_start3A_156 = arith.constant 0 : i32
    %dma_start3A_157 = tpu.memref_slice %arg4[%add3A_150] : memref<802816xf32, #tpu.memory_space<hbm>> -> memref<1792xf32, #tpu.memory_space<hbm>>
    %dma_start3A_158 = tpu.memref_slice %arg10[%dma_start3A_156] : memref<2x!tpu.dma_semaphore, #tpu.memory_space<semaphore_mem>> -> memref<1x!tpu.dma_semaphore, #tpu.memory_space<semaphore_mem>>
    %dma_start3A_159 = tpu.memref_squeeze %dma_start3A_158 : memref<1x!tpu.dma_semaphore, #tpu.memory_space<semaphore_mem>> -> memref<!tpu.dma_semaphore, #tpu.memory_space<semaphore_mem>>
    %dma_start3A_160 = tpu.memref_slice %arg4[%add3A_150] : memref<802816xf32, #tpu.memory_space<hbm>> -> memref<1792xf32, #tpu.memory_space<hbm>>
    tpu.enqueue_dma source(%dma_start3A_160 : memref<1792xf32, #tpu.memory_space<hbm>>) target(%arg13 : memref<1792xf32, #tpu.memory_space<vmem>>) target_semaphore(%dma_start3A_159 : memref<!tpu.dma_semaphore, #tpu.memory_space<semaphore_mem>>)
    %dma_start3A_161 = arith.constant 0 : i32
    %dma_start3A_162 = tpu.memref_slice %arg5[%add3A_150] : memref<802816xi32, #tpu.memory_space<hbm>> -> memref<1792xi32, #tpu.memory_space<hbm>>
    %dma_start3A_163 = tpu.memref_slice %arg10[%dma_start3A_161] : memref<2x!tpu.dma_semaphore, #tpu.memory_space<semaphore_mem>> -> memref<1x!tpu.dma_semaphore, #tpu.memory_space<semaphore_mem>>
    %dma_start3A_164 = tpu.memref_squeeze %dma_start3A_163 : memref<1x!tpu.dma_semaphore, #tpu.memory_space<semaphore_mem>> -> memref<!tpu.dma_semaphore, #tpu.memory_space<semaphore_mem>>
    %dma_start3A_165 = tpu.memref_slice %arg5[%add3A_150] : memref<802816xi32, #tpu.memory_space<hbm>> -> memref<1792xi32, #tpu.memory_space<hbm>>
    tpu.enqueue_dma source(%dma_start3A_165 : memref<1792xi32, #tpu.memory_space<hbm>>) target(%arg15 : memref<1792xi32, #tpu.memory_space<vmem>>) target_semaphore(%dma_start3A_164 : memref<!tpu.dma_semaphore, #tpu.memory_space<semaphore_mem>>)
    %dma_wait3A_166 = arith.constant 1 : i32
    %dma_wait3A_167 = tpu.memref_slice %arg3[%add3A_109] : memref<802816xi32, #tpu.memory_space<hbm>> -> memref<1792xi32, #tpu.memory_space<hbm>>
    %dma_wait3A_168 = tpu.memref_slice %arg10[%dma_wait3A_166] : memref<2x!tpu.dma_semaphore, #tpu.memory_space<semaphore_mem>> -> memref<1x!tpu.dma_semaphore, #tpu.memory_space<semaphore_mem>>
    %dma_wait3A_169 = tpu.memref_squeeze %dma_wait3A_168 : memref<1x!tpu.dma_semaphore, #tpu.memory_space<semaphore_mem>> -> memref<!tpu.dma_semaphore, #tpu.memory_space<semaphore_mem>>
    %dma_wait3A_170 = tpu.memref_slice %arg3[%add3A_109] : memref<802816xi32, #tpu.memory_space<hbm>> -> memref<1792xi32, #tpu.memory_space<hbm>>
    tpu.wait_dma2 semaphore(%dma_wait3A_169 : memref<!tpu.dma_semaphore, #tpu.memory_space<semaphore_mem>>) src(%dma_wait3A_170 : memref<1792xi32, #tpu.memory_space<hbm>>) dst(%arg12 : memref<1792xi32, #tpu.memory_space<vmem>>)
    %dma_wait3A_171 = arith.constant 1 : i32
    %dma_wait3A_172 = tpu.memref_slice %arg4[%add3A_109] : memref<802816xf32, #tpu.memory_space<hbm>> -> memref<1792xf32, #tpu.memory_space<hbm>>
    %dma_wait3A_173 = tpu.memref_slice %arg10[%dma_wait3A_171] : memref<2x!tpu.dma_semaphore, #tpu.memory_space<semaphore_mem>> -> memref<1x!tpu.dma_semaphore, #tpu.memory_space<semaphore_mem>>
    %dma_wait3A_174 = tpu.memref_squeeze %dma_wait3A_173 : memref<1x!tpu.dma_semaphore, #tpu.memory_space<semaphore_mem>> -> memref<!tpu.dma_semaphore, #tpu.memory_space<semaphore_mem>>
    %dma_wait3A_175 = tpu.memref_slice %arg4[%add3A_109] : memref<802816xf32, #tpu.memory_space<hbm>> -> memref<1792xf32, #tpu.memory_space<hbm>>
    tpu.wait_dma2 semaphore(%dma_wait3A_174 : memref<!tpu.dma_semaphore, #tpu.memory_space<semaphore_mem>>) src(%dma_wait3A_175 : memref<1792xf32, #tpu.memory_space<hbm>>) dst(%arg14 : memref<1792xf32, #tpu.memory_space<vmem>>)
    %dma_wait3A_176 = arith.constant 1 : i32
    %dma_wait3A_177 = tpu.memref_slice %arg5[%add3A_109] : memref<802816xi32, #tpu.memory_space<hbm>> -> memref<1792xi32, #tpu.memory_space<hbm>>
    %dma_wait3A_178 = tpu.memref_slice %arg10[%dma_wait3A_176] : memref<2x!tpu.dma_semaphore, #tpu.memory_space<semaphore_mem>> -> memref<1x!tpu.dma_semaphore, #tpu.memory_space<semaphore_mem>>
    %dma_wait3A_179 = tpu.memref_squeeze %dma_wait3A_178 : memref<1x!tpu.dma_semaphore, #tpu.memory_space<semaphore_mem>> -> memref<!tpu.dma_semaphore, #tpu.memory_space<semaphore_mem>>
    %dma_wait3A_180 = tpu.memref_slice %arg5[%add3A_109] : memref<802816xi32, #tpu.memory_space<hbm>> -> memref<1792xi32, #tpu.memory_space<hbm>>
    tpu.wait_dma2 semaphore(%dma_wait3A_179 : memref<!tpu.dma_semaphore, #tpu.memory_space<semaphore_mem>>) src(%dma_wait3A_180 : memref<1792xi32, #tpu.memory_space<hbm>>) dst(%arg16 : memref<1792xi32, #tpu.memory_space<vmem>>)
    %scan3A_181 = arith.constant 0 : i32
    %scan3A_182 = arith.constant 0 : i32
    %scan3A_183 = arith.constant 28 : i32
    %scan3A_184 = arith.addi %scan3A_182, %scan3A_183 : i32
    %scan3A_185 = arith.constant 1 : i32
    %scan3A_186 = scf.for %scan3A_581 = %scan3A_182 to %scan3A_184 step %scan3A_185 iter_args(%scan3A_582 = %scan3A_181) -> (i32)  : i32 {
      %mul3A_583 = arith.constant 64 : i32
      %mul3A_584 = arith.muli %scan3A_581, %mul3A_583 : i32
      %add3A_585 = arith.constant 0 : i32
      %add3A_586 = arith.addi %mul3A_584, %add3A_585 : i32
      %get3A = arith.index_cast %add3A_586 : i32 to index
      %get3A_587 = tpu.vector_load %arg12[%get3A] {strides = array<i32>} : memref<1792xi32, #tpu.memory_space<vmem>>, vector<16xi32>,
      %get3A_588 = arith.index_cast %add3A_586 : i32 to index
      %get3A_589 = tpu.vector_load %arg14[%get3A_588] {strides = array<i32>} : memref<1792xf32, #tpu.memory_space<vmem>>, vector<16xf32>,
      %get3A_590 = arith.index_cast %add3A_586 : i32 to index
      %get3A_591 = tpu.vector_load %arg16[%get3A_590] {strides = array<i32>} : memref<1792xi32, #tpu.memory_space<vmem>>, vector<16xi32>,
      %gather3A = tpu.vector_load_idx %arg7[%get3A_587] : memref<50176xf32, #tpu.memory_space<vmem>>[vector<16xi32>], vector<16xf32>,
      %mul3A_592 = arith.mulf %gather3A, %get3A_589 : vector<16xf32>
      tpu.vector_store_idx %arg8[%get3A_591], %mul3A_592 {add = true} : memref<50176xf32, #tpu.memory_space<vmem>>[vector<16xi32>], vector<16xf32>,
      %mul3A_593 = arith.constant 64 : i32
      %mul3A_594 = arith.muli %scan3A_581, %mul3A_593 : i32
      %add3A_595 = arith.constant 16 : i32
      %add3A_596 = arith.addi %mul3A_594, %add3A_595 : i32
      %get3A_597 = arith.index_cast %add3A_596 : i32 to index
      %get3A_598 = tpu.vector_load %arg12[%get3A_597] {strides = array<i32>} : memref<1792xi32, #tpu.memory_space<vmem>>, vector<16xi32>,
      %get3A_599 = arith.index_cast %add3A_596 : i32 to index
      %get3A_600 = tpu.vector_load %arg14[%get3A_599] {strides = array<i32>} : memref<1792xf32, #tpu.memory_space<vmem>>, vector<16xf32>,
      %get3A_601 = arith.index_cast %add3A_596 : i32 to index
      %get3A_602 = tpu.vector_load %arg16[%get3A_601] {strides = array<i32>} : memref<1792xi32, #tpu.memory_space<vmem>>, vector<16xi32>,
      %gather3A_603 = tpu.vector_load_idx %arg7[%get3A_598] : memref<50176xf32, #tpu.memory_space<vmem>>[vector<16xi32>], vector<16xf32>,
      %mul3A_604 = arith.mulf %gather3A_603, %get3A_600 : vector<16xf32>
      tpu.vector_store_idx %arg8[%get3A_602], %mul3A_604 {add = true} : memref<50176xf32, #tpu.memory_space<vmem>>[vector<16xi32>], vector<16xf32>,
      %mul3A_605 = arith.constant 64 : i32
      %mul3A_606 = arith.muli %scan3A_581, %mul3A_605 : i32
      %add3A_607 = arith.constant 32 : i32
      %add3A_608 = arith.addi %mul3A_606, %add3A_607 : i32
      %get3A_609 = arith.index_cast %add3A_608 : i32 to index
      %get3A_610 = tpu.vector_load %arg12[%get3A_609] {strides = array<i32>} : memref<1792xi32, #tpu.memory_space<vmem>>, vector<16xi32>,
      %get3A_611 = arith.index_cast %add3A_608 : i32 to index
      %get3A_612 = tpu.vector_load %arg14[%get3A_611] {strides = array<i32>} : memref<1792xf32, #tpu.memory_space<vmem>>, vector<16xf32>,
      %get3A_613 = arith.index_cast %add3A_608 : i32 to index
      %get3A_614 = tpu.vector_load %arg16[%get3A_613] {strides = array<i32>} : memref<1792xi32, #tpu.memory_space<vmem>>, vector<16xi32>,
      %gather3A_615 = tpu.vector_load_idx %arg7[%get3A_610] : memref<50176xf32, #tpu.memory_space<vmem>>[vector<16xi32>], vector<16xf32>,
      %mul3A_616 = arith.mulf %gather3A_615, %get3A_612 : vector<16xf32>
      tpu.vector_store_idx %arg8[%get3A_614], %mul3A_616 {add = true} : memref<50176xf32, #tpu.memory_space<vmem>>[vector<16xi32>], vector<16xf32>,
      %mul3A_617 = arith.constant 64 : i32
      %mul3A_618 = arith.muli %scan3A_581, %mul3A_617 : i32
      %add3A_619 = arith.constant 48 : i32
      %add3A_620 = arith.addi %mul3A_618, %add3A_619 : i32
      %get3A_621 = arith.index_cast %add3A_620 : i32 to index
      %get3A_622 = tpu.vector_load %arg12[%get3A_621] {strides = array<i32>} : memref<1792xi32, #tpu.memory_space<vmem>>, vector<16xi32>,
      %get3A_623 = arith.index_cast %add3A_620 : i32 to index
      %get3A_624 = tpu.vector_load %arg14[%get3A_623] {strides = array<i32>} : memref<1792xf32, #tpu.memory_space<vmem>>, vector<16xf32>,
      %get3A_625 = arith.index_cast %add3A_620 : i32 to index
      %get3A_626 = tpu.vector_load %arg16[%get3A_625] {strides = array<i32>} : memref<1792xi32, #tpu.memory_space<vmem>>, vector<16xi32>,
      %gather3A_627 = tpu.vector_load_idx %arg7[%get3A_622] : memref<50176xf32, #tpu.memory_space<vmem>>[vector<16xi32>], vector<16xf32>,
      %mul3A_628 = arith.mulf %gather3A_627, %get3A_624 : vector<16xf32>
      tpu.vector_store_idx %arg8[%get3A_626], %mul3A_628 {add = true} : memref<50176xf32, #tpu.memory_space<vmem>>[vector<16xi32>], vector<16xf32>,
      %scan3A_629 = arith.constant 0 : i32
      scf.yield %scan3A_629 : i32
    }
    %scan3A_187 = arith.constant 28 : i32
    %mul3A_188 = arith.constant 25088 : i32
    %mul3A_189 = arith.muli %add3A, %mul3A_188 : i32
    %add3A_190 = arith.constant 8960 : i32
    %add3A_191 = arith.addi %mul3A_189, %add3A_190 : i32
    %dma_start3A_192 = arith.constant 1 : i32
    %dma_start3A_193 = tpu.memref_slice %arg3[%add3A_191] : memref<802816xi32, #tpu.memory_space<hbm>> -> memref<1792xi32, #tpu.memory_space<hbm>>
    %dma_start3A_194 = tpu.memref_slice %arg10[%dma_start3A_192] : memref<2x!tpu.dma_semaphore, #tpu.memory_space<semaphore_mem>> -> memref<1x!tpu.dma_semaphore, #tpu.memory_space<semaphore_mem>>
    %dma_start3A_195 = tpu.memref_squeeze %dma_start3A_194 : memref<1x!tpu.dma_semaphore, #tpu.memory_space<semaphore_mem>> -> memref<!tpu.dma_semaphore, #tpu.memory_space<semaphore_mem>>
    %dma_start3A_196 = tpu.memref_slice %arg3[%add3A_191] : memref<802816xi32, #tpu.memory_space<hbm>> -> memref<1792xi32, #tpu.memory_space<hbm>>
    tpu.enqueue_dma source(%dma_start3A_196 : memref<1792xi32, #tpu.memory_space<hbm>>) target(%arg12 : memref<1792xi32, #tpu.memory_space<vmem>>) target_semaphore(%dma_start3A_195 : memref<!tpu.dma_semaphore, #tpu.memory_space<semaphore_mem>>)
    %dma_start3A_197 = arith.constant 1 : i32
    %dma_start3A_198 = tpu.memref_slice %arg4[%add3A_191] : memref<802816xf32, #tpu.memory_space<hbm>> -> memref<1792xf32, #tpu.memory_space<hbm>>
    %dma_start3A_199 = tpu.memref_slice %arg10[%dma_start3A_197] : memref<2x!tpu.dma_semaphore, #tpu.memory_space<semaphore_mem>> -> memref<1x!tpu.dma_semaphore, #tpu.memory_space<semaphore_mem>>
    %dma_start3A_200 = tpu.memref_squeeze %dma_start3A_199 : memref<1x!tpu.dma_semaphore, #tpu.memory_space<semaphore_mem>> -> memref<!tpu.dma_semaphore, #tpu.memory_space<semaphore_mem>>
    %dma_start3A_201 = tpu.memref_slice %arg4[%add3A_191] : memref<802816xf32, #tpu.memory_space<hbm>> -> memref<1792xf32, #tpu.memory_space<hbm>>
    tpu.enqueue_dma source(%dma_start3A_201 : memref<1792xf32, #tpu.memory_space<hbm>>) target(%arg14 : memref<1792xf32, #tpu.memory_space<vmem>>) target_semaphore(%dma_start3A_200 : memref<!tpu.dma_semaphore, #tpu.memory_space<semaphore_mem>>)
    %dma_start3A_202 = arith.constant 1 : i32
    %dma_start3A_203 = tpu.memref_slice %arg5[%add3A_191] : memref<802816xi32, #tpu.memory_space<hbm>> -> memref<1792xi32, #tpu.memory_space<hbm>>
    %dma_start3A_204 = tpu.memref_slice %arg10[%dma_start3A_202] : memref<2x!tpu.dma_semaphore, #tpu.memory_space<semaphore_mem>> -> memref<1x!tpu.dma_semaphore, #tpu.memory_space<semaphore_mem>>
    %dma_start3A_205 = tpu.memref_squeeze %dma_start3A_204 : memref<1x!tpu.dma_semaphore, #tpu.memory_space<semaphore_mem>> -> memref<!tpu.dma_semaphore, #tpu.memory_space<semaphore_mem>>
    %dma_start3A_206 = tpu.memref_slice %arg5[%add3A_191] : memref<802816xi32, #tpu.memory_space<hbm>> -> memref<1792xi32, #tpu.memory_space<hbm>>
    tpu.enqueue_dma source(%dma_start3A_206 : memref<1792xi32, #tpu.memory_space<hbm>>) target(%arg16 : memref<1792xi32, #tpu.memory_space<vmem>>) target_semaphore(%dma_start3A_205 : memref<!tpu.dma_semaphore, #tpu.memory_space<semaphore_mem>>)
    %dma_wait3A_207 = arith.constant 0 : i32
    %dma_wait3A_208 = tpu.memref_slice %arg3[%add3A_150] : memref<802816xi32, #tpu.memory_space<hbm>> -> memref<1792xi32, #tpu.memory_space<hbm>>
    %dma_wait3A_209 = tpu.memref_slice %arg10[%dma_wait3A_207] : memref<2x!tpu.dma_semaphore, #tpu.memory_space<semaphore_mem>> -> memref<1x!tpu.dma_semaphore, #tpu.memory_space<semaphore_mem>>
    %dma_wait3A_210 = tpu.memref_squeeze %dma_wait3A_209 : memref<1x!tpu.dma_semaphore, #tpu.memory_space<semaphore_mem>> -> memref<!tpu.dma_semaphore, #tpu.memory_space<semaphore_mem>>
    %dma_wait3A_211 = tpu.memref_slice %arg3[%add3A_150] : memref<802816xi32, #tpu.memory_space<hbm>> -> memref<1792xi32, #tpu.memory_space<hbm>>
    tpu.wait_dma2 semaphore(%dma_wait3A_210 : memref<!tpu.dma_semaphore, #tpu.memory_space<semaphore_mem>>) src(%dma_wait3A_211 : memref<1792xi32, #tpu.memory_space<hbm>>) dst(%arg11 : memref<1792xi32, #tpu.memory_space<vmem>>)
    %dma_wait3A_212 = arith.constant 0 : i32
    %dma_wait3A_213 = tpu.memref_slice %arg4[%add3A_150] : memref<802816xf32, #tpu.memory_space<hbm>> -> memref<1792xf32, #tpu.memory_space<hbm>>
    %dma_wait3A_214 = tpu.memref_slice %arg10[%dma_wait3A_212] : memref<2x!tpu.dma_semaphore, #tpu.memory_space<semaphore_mem>> -> memref<1x!tpu.dma_semaphore, #tpu.memory_space<semaphore_mem>>
    %dma_wait3A_215 = tpu.memref_squeeze %dma_wait3A_214 : memref<1x!tpu.dma_semaphore, #tpu.memory_space<semaphore_mem>> -> memref<!tpu.dma_semaphore, #tpu.memory_space<semaphore_mem>>
    %dma_wait3A_216 = tpu.memref_slice %arg4[%add3A_150] : memref<802816xf32, #tpu.memory_space<hbm>> -> memref<1792xf32, #tpu.memory_space<hbm>>
    tpu.wait_dma2 semaphore(%dma_wait3A_215 : memref<!tpu.dma_semaphore, #tpu.memory_space<semaphore_mem>>) src(%dma_wait3A_216 : memref<1792xf32, #tpu.memory_space<hbm>>) dst(%arg13 : memref<1792xf32, #tpu.memory_space<vmem>>)
    %dma_wait3A_217 = arith.constant 0 : i32
    %dma_wait3A_218 = tpu.memref_slice %arg5[%add3A_150] : memref<802816xi32, #tpu.memory_space<hbm>> -> memref<1792xi32, #tpu.memory_space<hbm>>
    %dma_wait3A_219 = tpu.memref_slice %arg10[%dma_wait3A_217] : memref<2x!tpu.dma_semaphore, #tpu.memory_space<semaphore_mem>> -> memref<1x!tpu.dma_semaphore, #tpu.memory_space<semaphore_mem>>
    %dma_wait3A_220 = tpu.memref_squeeze %dma_wait3A_219 : memref<1x!tpu.dma_semaphore, #tpu.memory_space<semaphore_mem>> -> memref<!tpu.dma_semaphore, #tpu.memory_space<semaphore_mem>>
    %dma_wait3A_221 = tpu.memref_slice %arg5[%add3A_150] : memref<802816xi32, #tpu.memory_space<hbm>> -> memref<1792xi32, #tpu.memory_space<hbm>>
    tpu.wait_dma2 semaphore(%dma_wait3A_220 : memref<!tpu.dma_semaphore, #tpu.memory_space<semaphore_mem>>) src(%dma_wait3A_221 : memref<1792xi32, #tpu.memory_space<hbm>>) dst(%arg15 : memref<1792xi32, #tpu.memory_space<vmem>>)
    %scan3A_222 = arith.constant 0 : i32
    %scan3A_223 = arith.constant 0 : i32
    %scan3A_224 = arith.constant 28 : i32
    %scan3A_225 = arith.addi %scan3A_223, %scan3A_224 : i32
    %scan3A_226 = arith.constant 1 : i32
    %scan3A_227 = scf.for %scan3A_581 = %scan3A_223 to %scan3A_225 step %scan3A_226 iter_args(%scan3A_582 = %scan3A_222) -> (i32)  : i32 {
      %mul3A_583 = arith.constant 64 : i32
      %mul3A_584 = arith.muli %scan3A_581, %mul3A_583 : i32
      %add3A_585 = arith.constant 0 : i32
      %add3A_586 = arith.addi %mul3A_584, %add3A_585 : i32
      %get3A = arith.index_cast %add3A_586 : i32 to index
      %get3A_587 = tpu.vector_load %arg11[%get3A] {strides = array<i32>} : memref<1792xi32, #tpu.memory_space<vmem>>, vector<16xi32>,
      %get3A_588 = arith.index_cast %add3A_586 : i32 to index
      %get3A_589 = tpu.vector_load %arg13[%get3A_588] {strides = array<i32>} : memref<1792xf32, #tpu.memory_space<vmem>>, vector<16xf32>,
      %get3A_590 = arith.index_cast %add3A_586 : i32 to index
      %get3A_591 = tpu.vector_load %arg15[%get3A_590] {strides = array<i32>} : memref<1792xi32, #tpu.memory_space<vmem>>, vector<16xi32>,
      %gather3A = tpu.vector_load_idx %arg7[%get3A_587] : memref<50176xf32, #tpu.memory_space<vmem>>[vector<16xi32>], vector<16xf32>,
      %mul3A_592 = arith.mulf %gather3A, %get3A_589 : vector<16xf32>
      tpu.vector_store_idx %arg8[%get3A_591], %mul3A_592 {add = true} : memref<50176xf32, #tpu.memory_space<vmem>>[vector<16xi32>], vector<16xf32>,
      %mul3A_593 = arith.constant 64 : i32
      %mul3A_594 = arith.muli %scan3A_581, %mul3A_593 : i32
      %add3A_595 = arith.constant 16 : i32
      %add3A_596 = arith.addi %mul3A_594, %add3A_595 : i32
      %get3A_597 = arith.index_cast %add3A_596 : i32 to index
      %get3A_598 = tpu.vector_load %arg11[%get3A_597] {strides = array<i32>} : memref<1792xi32, #tpu.memory_space<vmem>>, vector<16xi32>,
      %get3A_599 = arith.index_cast %add3A_596 : i32 to index
      %get3A_600 = tpu.vector_load %arg13[%get3A_599] {strides = array<i32>} : memref<1792xf32, #tpu.memory_space<vmem>>, vector<16xf32>,
      %get3A_601 = arith.index_cast %add3A_596 : i32 to index
      %get3A_602 = tpu.vector_load %arg15[%get3A_601] {strides = array<i32>} : memref<1792xi32, #tpu.memory_space<vmem>>, vector<16xi32>,
      %gather3A_603 = tpu.vector_load_idx %arg7[%get3A_598] : memref<50176xf32, #tpu.memory_space<vmem>>[vector<16xi32>], vector<16xf32>,
      %mul3A_604 = arith.mulf %gather3A_603, %get3A_600 : vector<16xf32>
      tpu.vector_store_idx %arg8[%get3A_602], %mul3A_604 {add = true} : memref<50176xf32, #tpu.memory_space<vmem>>[vector<16xi32>], vector<16xf32>,
      %mul3A_605 = arith.constant 64 : i32
      %mul3A_606 = arith.muli %scan3A_581, %mul3A_605 : i32
      %add3A_607 = arith.constant 32 : i32
      %add3A_608 = arith.addi %mul3A_606, %add3A_607 : i32
      %get3A_609 = arith.index_cast %add3A_608 : i32 to index
      %get3A_610 = tpu.vector_load %arg11[%get3A_609] {strides = array<i32>} : memref<1792xi32, #tpu.memory_space<vmem>>, vector<16xi32>,
      %get3A_611 = arith.index_cast %add3A_608 : i32 to index
      %get3A_612 = tpu.vector_load %arg13[%get3A_611] {strides = array<i32>} : memref<1792xf32, #tpu.memory_space<vmem>>, vector<16xf32>,
      %get3A_613 = arith.index_cast %add3A_608 : i32 to index
      %get3A_614 = tpu.vector_load %arg15[%get3A_613] {strides = array<i32>} : memref<1792xi32, #tpu.memory_space<vmem>>, vector<16xi32>,
      %gather3A_615 = tpu.vector_load_idx %arg7[%get3A_610] : memref<50176xf32, #tpu.memory_space<vmem>>[vector<16xi32>], vector<16xf32>,
      %mul3A_616 = arith.mulf %gather3A_615, %get3A_612 : vector<16xf32>
      tpu.vector_store_idx %arg8[%get3A_614], %mul3A_616 {add = true} : memref<50176xf32, #tpu.memory_space<vmem>>[vector<16xi32>], vector<16xf32>,
      %mul3A_617 = arith.constant 64 : i32
      %mul3A_618 = arith.muli %scan3A_581, %mul3A_617 : i32
      %add3A_619 = arith.constant 48 : i32
      %add3A_620 = arith.addi %mul3A_618, %add3A_619 : i32
      %get3A_621 = arith.index_cast %add3A_620 : i32 to index
      %get3A_622 = tpu.vector_load %arg11[%get3A_621] {strides = array<i32>} : memref<1792xi32, #tpu.memory_space<vmem>>, vector<16xi32>,
      %get3A_623 = arith.index_cast %add3A_620 : i32 to index
      %get3A_624 = tpu.vector_load %arg13[%get3A_623] {strides = array<i32>} : memref<1792xf32, #tpu.memory_space<vmem>>, vector<16xf32>,
      %get3A_625 = arith.index_cast %add3A_620 : i32 to index
      %get3A_626 = tpu.vector_load %arg15[%get3A_625] {strides = array<i32>} : memref<1792xi32, #tpu.memory_space<vmem>>, vector<16xi32>,
      %gather3A_627 = tpu.vector_load_idx %arg7[%get3A_622] : memref<50176xf32, #tpu.memory_space<vmem>>[vector<16xi32>], vector<16xf32>,
      %mul3A_628 = arith.mulf %gather3A_627, %get3A_624 : vector<16xf32>
      tpu.vector_store_idx %arg8[%get3A_626], %mul3A_628 {add = true} : memref<50176xf32, #tpu.memory_space<vmem>>[vector<16xi32>], vector<16xf32>,
      %scan3A_629 = arith.constant 0 : i32
      scf.yield %scan3A_629 : i32
    }
    %scan3A_228 = arith.constant 28 : i32
    %mul3A_229 = arith.constant 25088 : i32
    %mul3A_230 = arith.muli %add3A, %mul3A_229 : i32
    %add3A_231 = arith.constant 10752 : i32
    %add3A_232 = arith.addi %mul3A_230, %add3A_231 : i32
    %dma_start3A_233 = arith.constant 0 : i32
    %dma_start3A_234 = tpu.memref_slice %arg3[%add3A_232] : memref<802816xi32, #tpu.memory_space<hbm>> -> memref<1792xi32, #tpu.memory_space<hbm>>
    %dma_start3A_235 = tpu.memref_slice %arg10[%dma_start3A_233] : memref<2x!tpu.dma_semaphore, #tpu.memory_space<semaphore_mem>> -> memref<1x!tpu.dma_semaphore, #tpu.memory_space<semaphore_mem>>
    %dma_start3A_236 = tpu.memref_squeeze %dma_start3A_235 : memref<1x!tpu.dma_semaphore, #tpu.memory_space<semaphore_mem>> -> memref<!tpu.dma_semaphore, #tpu.memory_space<semaphore_mem>>
    %dma_start3A_237 = tpu.memref_slice %arg3[%add3A_232] : memref<802816xi32, #tpu.memory_space<hbm>> -> memref<1792xi32, #tpu.memory_space<hbm>>
    tpu.enqueue_dma source(%dma_start3A_237 : memref<1792xi32, #tpu.memory_space<hbm>>) target(%arg11 : memref<1792xi32, #tpu.memory_space<vmem>>) target_semaphore(%dma_start3A_236 : memref<!tpu.dma_semaphore, #tpu.memory_space<semaphore_mem>>)
    %dma_start3A_238 = arith.constant 0 : i32
    %dma_start3A_239 = tpu.memref_slice %arg4[%add3A_232] : memref<802816xf32, #tpu.memory_space<hbm>> -> memref<1792xf32, #tpu.memory_space<hbm>>
    %dma_start3A_240 = tpu.memref_slice %arg10[%dma_start3A_238] : memref<2x!tpu.dma_semaphore, #tpu.memory_space<semaphore_mem>> -> memref<1x!tpu.dma_semaphore, #tpu.memory_space<semaphore_mem>>
    %dma_start3A_241 = tpu.memref_squeeze %dma_start3A_240 : memref<1x!tpu.dma_semaphore, #tpu.memory_space<semaphore_mem>> -> memref<!tpu.dma_semaphore, #tpu.memory_space<semaphore_mem>>
    %dma_start3A_242 = tpu.memref_slice %arg4[%add3A_232] : memref<802816xf32, #tpu.memory_space<hbm>> -> memref<1792xf32, #tpu.memory_space<hbm>>
    tpu.enqueue_dma source(%dma_start3A_242 : memref<1792xf32, #tpu.memory_space<hbm>>) target(%arg13 : memref<1792xf32, #tpu.memory_space<vmem>>) target_semaphore(%dma_start3A_241 : memref<!tpu.dma_semaphore, #tpu.memory_space<semaphore_mem>>)
    %dma_start3A_243 = arith.constant 0 : i32
    %dma_start3A_244 = tpu.memref_slice %arg5[%add3A_232] : memref<802816xi32, #tpu.memory_space<hbm>> -> memref<1792xi32, #tpu.memory_space<hbm>>
    %dma_start3A_245 = tpu.memref_slice %arg10[%dma_start3A_243] : memref<2x!tpu.dma_semaphore, #tpu.memory_space<semaphore_mem>> -> memref<1x!tpu.dma_semaphore, #tpu.memory_space<semaphore_mem>>
    %dma_start3A_246 = tpu.memref_squeeze %dma_start3A_245 : memref<1x!tpu.dma_semaphore, #tpu.memory_space<semaphore_mem>> -> memref<!tpu.dma_semaphore, #tpu.memory_space<semaphore_mem>>
    %dma_start3A_247 = tpu.memref_slice %arg5[%add3A_232] : memref<802816xi32, #tpu.memory_space<hbm>> -> memref<1792xi32, #tpu.memory_space<hbm>>
    tpu.enqueue_dma source(%dma_start3A_247 : memref<1792xi32, #tpu.memory_space<hbm>>) target(%arg15 : memref<1792xi32, #tpu.memory_space<vmem>>) target_semaphore(%dma_start3A_246 : memref<!tpu.dma_semaphore, #tpu.memory_space<semaphore_mem>>)
    %dma_wait3A_248 = arith.constant 1 : i32
    %dma_wait3A_249 = tpu.memref_slice %arg3[%add3A_191] : memref<802816xi32, #tpu.memory_space<hbm>> -> memref<1792xi32, #tpu.memory_space<hbm>>
    %dma_wait3A_250 = tpu.memref_slice %arg10[%dma_wait3A_248] : memref<2x!tpu.dma_semaphore, #tpu.memory_space<semaphore_mem>> -> memref<1x!tpu.dma_semaphore, #tpu.memory_space<semaphore_mem>>
    %dma_wait3A_251 = tpu.memref_squeeze %dma_wait3A_250 : memref<1x!tpu.dma_semaphore, #tpu.memory_space<semaphore_mem>> -> memref<!tpu.dma_semaphore, #tpu.memory_space<semaphore_mem>>
    %dma_wait3A_252 = tpu.memref_slice %arg3[%add3A_191] : memref<802816xi32, #tpu.memory_space<hbm>> -> memref<1792xi32, #tpu.memory_space<hbm>>
    tpu.wait_dma2 semaphore(%dma_wait3A_251 : memref<!tpu.dma_semaphore, #tpu.memory_space<semaphore_mem>>) src(%dma_wait3A_252 : memref<1792xi32, #tpu.memory_space<hbm>>) dst(%arg12 : memref<1792xi32, #tpu.memory_space<vmem>>)
    %dma_wait3A_253 = arith.constant 1 : i32
    %dma_wait3A_254 = tpu.memref_slice %arg4[%add3A_191] : memref<802816xf32, #tpu.memory_space<hbm>> -> memref<1792xf32, #tpu.memory_space<hbm>>
    %dma_wait3A_255 = tpu.memref_slice %arg10[%dma_wait3A_253] : memref<2x!tpu.dma_semaphore, #tpu.memory_space<semaphore_mem>> -> memref<1x!tpu.dma_semaphore, #tpu.memory_space<semaphore_mem>>
    %dma_wait3A_256 = tpu.memref_squeeze %dma_wait3A_255 : memref<1x!tpu.dma_semaphore, #tpu.memory_space<semaphore_mem>> -> memref<!tpu.dma_semaphore, #tpu.memory_space<semaphore_mem>>
    %dma_wait3A_257 = tpu.memref_slice %arg4[%add3A_191] : memref<802816xf32, #tpu.memory_space<hbm>> -> memref<1792xf32, #tpu.memory_space<hbm>>
    tpu.wait_dma2 semaphore(%dma_wait3A_256 : memref<!tpu.dma_semaphore, #tpu.memory_space<semaphore_mem>>) src(%dma_wait3A_257 : memref<1792xf32, #tpu.memory_space<hbm>>) dst(%arg14 : memref<1792xf32, #tpu.memory_space<vmem>>)
    %dma_wait3A_258 = arith.constant 1 : i32
    %dma_wait3A_259 = tpu.memref_slice %arg5[%add3A_191] : memref<802816xi32, #tpu.memory_space<hbm>> -> memref<1792xi32, #tpu.memory_space<hbm>>
    %dma_wait3A_260 = tpu.memref_slice %arg10[%dma_wait3A_258] : memref<2x!tpu.dma_semaphore, #tpu.memory_space<semaphore_mem>> -> memref<1x!tpu.dma_semaphore, #tpu.memory_space<semaphore_mem>>
    %dma_wait3A_261 = tpu.memref_squeeze %dma_wait3A_260 : memref<1x!tpu.dma_semaphore, #tpu.memory_space<semaphore_mem>> -> memref<!tpu.dma_semaphore, #tpu.memory_space<semaphore_mem>>
    %dma_wait3A_262 = tpu.memref_slice %arg5[%add3A_191] : memref<802816xi32, #tpu.memory_space<hbm>> -> memref<1792xi32, #tpu.memory_space<hbm>>
    tpu.wait_dma2 semaphore(%dma_wait3A_261 : memref<!tpu.dma_semaphore, #tpu.memory_space<semaphore_mem>>) src(%dma_wait3A_262 : memref<1792xi32, #tpu.memory_space<hbm>>) dst(%arg16 : memref<1792xi32, #tpu.memory_space<vmem>>)
    %scan3A_263 = arith.constant 0 : i32
    %scan3A_264 = arith.constant 0 : i32
    %scan3A_265 = arith.constant 28 : i32
    %scan3A_266 = arith.addi %scan3A_264, %scan3A_265 : i32
    %scan3A_267 = arith.constant 1 : i32
    %scan3A_268 = scf.for %scan3A_581 = %scan3A_264 to %scan3A_266 step %scan3A_267 iter_args(%scan3A_582 = %scan3A_263) -> (i32)  : i32 {
      %mul3A_583 = arith.constant 64 : i32
      %mul3A_584 = arith.muli %scan3A_581, %mul3A_583 : i32
      %add3A_585 = arith.constant 0 : i32
      %add3A_586 = arith.addi %mul3A_584, %add3A_585 : i32
      %get3A = arith.index_cast %add3A_586 : i32 to index
      %get3A_587 = tpu.vector_load %arg12[%get3A] {strides = array<i32>} : memref<1792xi32, #tpu.memory_space<vmem>>, vector<16xi32>,
      %get3A_588 = arith.index_cast %add3A_586 : i32 to index
      %get3A_589 = tpu.vector_load %arg14[%get3A_588] {strides = array<i32>} : memref<1792xf32, #tpu.memory_space<vmem>>, vector<16xf32>,
      %get3A_590 = arith.index_cast %add3A_586 : i32 to index
      %get3A_591 = tpu.vector_load %arg16[%get3A_590] {strides = array<i32>} : memref<1792xi32, #tpu.memory_space<vmem>>, vector<16xi32>,
      %gather3A = tpu.vector_load_idx %arg7[%get3A_587] : memref<50176xf32, #tpu.memory_space<vmem>>[vector<16xi32>], vector<16xf32>,
      %mul3A_592 = arith.mulf %gather3A, %get3A_589 : vector<16xf32>
      tpu.vector_store_idx %arg8[%get3A_591], %mul3A_592 {add = true} : memref<50176xf32, #tpu.memory_space<vmem>>[vector<16xi32>], vector<16xf32>,
      %mul3A_593 = arith.constant 64 : i32
      %mul3A_594 = arith.muli %scan3A_581, %mul3A_593 : i32
      %add3A_595 = arith.constant 16 : i32
      %add3A_596 = arith.addi %mul3A_594, %add3A_595 : i32
      %get3A_597 = arith.index_cast %add3A_596 : i32 to index
      %get3A_598 = tpu.vector_load %arg12[%get3A_597] {strides = array<i32>} : memref<1792xi32, #tpu.memory_space<vmem>>, vector<16xi32>,
      %get3A_599 = arith.index_cast %add3A_596 : i32 to index
      %get3A_600 = tpu.vector_load %arg14[%get3A_599] {strides = array<i32>} : memref<1792xf32, #tpu.memory_space<vmem>>, vector<16xf32>,
      %get3A_601 = arith.index_cast %add3A_596 : i32 to index
      %get3A_602 = tpu.vector_load %arg16[%get3A_601] {strides = array<i32>} : memref<1792xi32, #tpu.memory_space<vmem>>, vector<16xi32>,
      %gather3A_603 = tpu.vector_load_idx %arg7[%get3A_598] : memref<50176xf32, #tpu.memory_space<vmem>>[vector<16xi32>], vector<16xf32>,
      %mul3A_604 = arith.mulf %gather3A_603, %get3A_600 : vector<16xf32>
      tpu.vector_store_idx %arg8[%get3A_602], %mul3A_604 {add = true} : memref<50176xf32, #tpu.memory_space<vmem>>[vector<16xi32>], vector<16xf32>,
      %mul3A_605 = arith.constant 64 : i32
      %mul3A_606 = arith.muli %scan3A_581, %mul3A_605 : i32
      %add3A_607 = arith.constant 32 : i32
      %add3A_608 = arith.addi %mul3A_606, %add3A_607 : i32
      %get3A_609 = arith.index_cast %add3A_608 : i32 to index
      %get3A_610 = tpu.vector_load %arg12[%get3A_609] {strides = array<i32>} : memref<1792xi32, #tpu.memory_space<vmem>>, vector<16xi32>,
      %get3A_611 = arith.index_cast %add3A_608 : i32 to index
      %get3A_612 = tpu.vector_load %arg14[%get3A_611] {strides = array<i32>} : memref<1792xf32, #tpu.memory_space<vmem>>, vector<16xf32>,
      %get3A_613 = arith.index_cast %add3A_608 : i32 to index
      %get3A_614 = tpu.vector_load %arg16[%get3A_613] {strides = array<i32>} : memref<1792xi32, #tpu.memory_space<vmem>>, vector<16xi32>,
      %gather3A_615 = tpu.vector_load_idx %arg7[%get3A_610] : memref<50176xf32, #tpu.memory_space<vmem>>[vector<16xi32>], vector<16xf32>,
      %mul3A_616 = arith.mulf %gather3A_615, %get3A_612 : vector<16xf32>
      tpu.vector_store_idx %arg8[%get3A_614], %mul3A_616 {add = true} : memref<50176xf32, #tpu.memory_space<vmem>>[vector<16xi32>], vector<16xf32>,
      %mul3A_617 = arith.constant 64 : i32
      %mul3A_618 = arith.muli %scan3A_581, %mul3A_617 : i32
      %add3A_619 = arith.constant 48 : i32
      %add3A_620 = arith.addi %mul3A_618, %add3A_619 : i32
      %get3A_621 = arith.index_cast %add3A_620 : i32 to index
      %get3A_622 = tpu.vector_load %arg12[%get3A_621] {strides = array<i32>} : memref<1792xi32, #tpu.memory_space<vmem>>, vector<16xi32>,
      %get3A_623 = arith.index_cast %add3A_620 : i32 to index
      %get3A_624 = tpu.vector_load %arg14[%get3A_623] {strides = array<i32>} : memref<1792xf32, #tpu.memory_space<vmem>>, vector<16xf32>,
      %get3A_625 = arith.index_cast %add3A_620 : i32 to index
      %get3A_626 = tpu.vector_load %arg16[%get3A_625] {strides = array<i32>} : memref<1792xi32, #tpu.memory_space<vmem>>, vector<16xi32>,
      %gather3A_627 = tpu.vector_load_idx %arg7[%get3A_622] : memref<50176xf32, #tpu.memory_space<vmem>>[vector<16xi32>], vector<16xf32>,
      %mul3A_628 = arith.mulf %gather3A_627, %get3A_624 : vector<16xf32>
      tpu.vector_store_idx %arg8[%get3A_626], %mul3A_628 {add = true} : memref<50176xf32, #tpu.memory_space<vmem>>[vector<16xi32>], vector<16xf32>,
      %scan3A_629 = arith.constant 0 : i32
      scf.yield %scan3A_629 : i32
    }
    %scan3A_269 = arith.constant 28 : i32
    %mul3A_270 = arith.constant 25088 : i32
    %mul3A_271 = arith.muli %add3A, %mul3A_270 : i32
    %add3A_272 = arith.constant 12544 : i32
    %add3A_273 = arith.addi %mul3A_271, %add3A_272 : i32
    %dma_start3A_274 = arith.constant 1 : i32
    %dma_start3A_275 = tpu.memref_slice %arg3[%add3A_273] : memref<802816xi32, #tpu.memory_space<hbm>> -> memref<1792xi32, #tpu.memory_space<hbm>>
    %dma_start3A_276 = tpu.memref_slice %arg10[%dma_start3A_274] : memref<2x!tpu.dma_semaphore, #tpu.memory_space<semaphore_mem>> -> memref<1x!tpu.dma_semaphore, #tpu.memory_space<semaphore_mem>>
    %dma_start3A_277 = tpu.memref_squeeze %dma_start3A_276 : memref<1x!tpu.dma_semaphore, #tpu.memory_space<semaphore_mem>> -> memref<!tpu.dma_semaphore, #tpu.memory_space<semaphore_mem>>
    %dma_start3A_278 = tpu.memref_slice %arg3[%add3A_273] : memref<802816xi32, #tpu.memory_space<hbm>> -> memref<1792xi32, #tpu.memory_space<hbm>>
    tpu.enqueue_dma source(%dma_start3A_278 : memref<1792xi32, #tpu.memory_space<hbm>>) target(%arg12 : memref<1792xi32, #tpu.memory_space<vmem>>) target_semaphore(%dma_start3A_277 : memref<!tpu.dma_semaphore, #tpu.memory_space<semaphore_mem>>)
    %dma_start3A_279 = arith.constant 1 : i32
    %dma_start3A_280 = tpu.memref_slice %arg4[%add3A_273] : memref<802816xf32, #tpu.memory_space<hbm>> -> memref<1792xf32, #tpu.memory_space<hbm>>
    %dma_start3A_281 = tpu.memref_slice %arg10[%dma_start3A_279] : memref<2x!tpu.dma_semaphore, #tpu.memory_space<semaphore_mem>> -> memref<1x!tpu.dma_semaphore, #tpu.memory_space<semaphore_mem>>
    %dma_start3A_282 = tpu.memref_squeeze %dma_start3A_281 : memref<1x!tpu.dma_semaphore, #tpu.memory_space<semaphore_mem>> -> memref<!tpu.dma_semaphore, #tpu.memory_space<semaphore_mem>>
    %dma_start3A_283 = tpu.memref_slice %arg4[%add3A_273] : memref<802816xf32, #tpu.memory_space<hbm>> -> memref<1792xf32, #tpu.memory_space<hbm>>
    tpu.enqueue_dma source(%dma_start3A_283 : memref<1792xf32, #tpu.memory_space<hbm>>) target(%arg14 : memref<1792xf32, #tpu.memory_space<vmem>>) target_semaphore(%dma_start3A_282 : memref<!tpu.dma_semaphore, #tpu.memory_space<semaphore_mem>>)
    %dma_start3A_284 = arith.constant 1 : i32
    %dma_start3A_285 = tpu.memref_slice %arg5[%add3A_273] : memref<802816xi32, #tpu.memory_space<hbm>> -> memref<1792xi32, #tpu.memory_space<hbm>>
    %dma_start3A_286 = tpu.memref_slice %arg10[%dma_start3A_284] : memref<2x!tpu.dma_semaphore, #tpu.memory_space<semaphore_mem>> -> memref<1x!tpu.dma_semaphore, #tpu.memory_space<semaphore_mem>>
    %dma_start3A_287 = tpu.memref_squeeze %dma_start3A_286 : memref<1x!tpu.dma_semaphore, #tpu.memory_space<semaphore_mem>> -> memref<!tpu.dma_semaphore, #tpu.memory_space<semaphore_mem>>
    %dma_start3A_288 = tpu.memref_slice %arg5[%add3A_273] : memref<802816xi32, #tpu.memory_space<hbm>> -> memref<1792xi32, #tpu.memory_space<hbm>>
    tpu.enqueue_dma source(%dma_start3A_288 : memref<1792xi32, #tpu.memory_space<hbm>>) target(%arg16 : memref<1792xi32, #tpu.memory_space<vmem>>) target_semaphore(%dma_start3A_287 : memref<!tpu.dma_semaphore, #tpu.memory_space<semaphore_mem>>)
    %dma_wait3A_289 = arith.constant 0 : i32
    %dma_wait3A_290 = tpu.memref_slice %arg3[%add3A_232] : memref<802816xi32, #tpu.memory_space<hbm>> -> memref<1792xi32, #tpu.memory_space<hbm>>
    %dma_wait3A_291 = tpu.memref_slice %arg10[%dma_wait3A_289] : memref<2x!tpu.dma_semaphore, #tpu.memory_space<semaphore_mem>> -> memref<1x!tpu.dma_semaphore, #tpu.memory_space<semaphore_mem>>
    %dma_wait3A_292 = tpu.memref_squeeze %dma_wait3A_291 : memref<1x!tpu.dma_semaphore, #tpu.memory_space<semaphore_mem>> -> memref<!tpu.dma_semaphore, #tpu.memory_space<semaphore_mem>>
    %dma_wait3A_293 = tpu.memref_slice %arg3[%add3A_232] : memref<802816xi32, #tpu.memory_space<hbm>> -> memref<1792xi32, #tpu.memory_space<hbm>>
    tpu.wait_dma2 semaphore(%dma_wait3A_292 : memref<!tpu.dma_semaphore, #tpu.memory_space<semaphore_mem>>) src(%dma_wait3A_293 : memref<1792xi32, #tpu.memory_space<hbm>>) dst(%arg11 : memref<1792xi32, #tpu.memory_space<vmem>>)
    %dma_wait3A_294 = arith.constant 0 : i32
    %dma_wait3A_295 = tpu.memref_slice %arg4[%add3A_232] : memref<802816xf32, #tpu.memory_space<hbm>> -> memref<1792xf32, #tpu.memory_space<hbm>>
    %dma_wait3A_296 = tpu.memref_slice %arg10[%dma_wait3A_294] : memref<2x!tpu.dma_semaphore, #tpu.memory_space<semaphore_mem>> -> memref<1x!tpu.dma_semaphore, #tpu.memory_space<semaphore_mem>>
    %dma_wait3A_297 = tpu.memref_squeeze %dma_wait3A_296 : memref<1x!tpu.dma_semaphore, #tpu.memory_space<semaphore_mem>> -> memref<!tpu.dma_semaphore, #tpu.memory_space<semaphore_mem>>
    %dma_wait3A_298 = tpu.memref_slice %arg4[%add3A_232] : memref<802816xf32, #tpu.memory_space<hbm>> -> memref<1792xf32, #tpu.memory_space<hbm>>
    tpu.wait_dma2 semaphore(%dma_wait3A_297 : memref<!tpu.dma_semaphore, #tpu.memory_space<semaphore_mem>>) src(%dma_wait3A_298 : memref<1792xf32, #tpu.memory_space<hbm>>) dst(%arg13 : memref<1792xf32, #tpu.memory_space<vmem>>)
    %dma_wait3A_299 = arith.constant 0 : i32
    %dma_wait3A_300 = tpu.memref_slice %arg5[%add3A_232] : memref<802816xi32, #tpu.memory_space<hbm>> -> memref<1792xi32, #tpu.memory_space<hbm>>
    %dma_wait3A_301 = tpu.memref_slice %arg10[%dma_wait3A_299] : memref<2x!tpu.dma_semaphore, #tpu.memory_space<semaphore_mem>> -> memref<1x!tpu.dma_semaphore, #tpu.memory_space<semaphore_mem>>
    %dma_wait3A_302 = tpu.memref_squeeze %dma_wait3A_301 : memref<1x!tpu.dma_semaphore, #tpu.memory_space<semaphore_mem>> -> memref<!tpu.dma_semaphore, #tpu.memory_space<semaphore_mem>>
    %dma_wait3A_303 = tpu.memref_slice %arg5[%add3A_232] : memref<802816xi32, #tpu.memory_space<hbm>> -> memref<1792xi32, #tpu.memory_space<hbm>>
    tpu.wait_dma2 semaphore(%dma_wait3A_302 : memref<!tpu.dma_semaphore, #tpu.memory_space<semaphore_mem>>) src(%dma_wait3A_303 : memref<1792xi32, #tpu.memory_space<hbm>>) dst(%arg15 : memref<1792xi32, #tpu.memory_space<vmem>>)
    %scan3A_304 = arith.constant 0 : i32
    %scan3A_305 = arith.constant 0 : i32
    %scan3A_306 = arith.constant 28 : i32
    %scan3A_307 = arith.addi %scan3A_305, %scan3A_306 : i32
    %scan3A_308 = arith.constant 1 : i32
    %scan3A_309 = scf.for %scan3A_581 = %scan3A_305 to %scan3A_307 step %scan3A_308 iter_args(%scan3A_582 = %scan3A_304) -> (i32)  : i32 {
      %mul3A_583 = arith.constant 64 : i32
      %mul3A_584 = arith.muli %scan3A_581, %mul3A_583 : i32
      %add3A_585 = arith.constant 0 : i32
      %add3A_586 = arith.addi %mul3A_584, %add3A_585 : i32
      %get3A = arith.index_cast %add3A_586 : i32 to index
      %get3A_587 = tpu.vector_load %arg11[%get3A] {strides = array<i32>} : memref<1792xi32, #tpu.memory_space<vmem>>, vector<16xi32>,
      %get3A_588 = arith.index_cast %add3A_586 : i32 to index
      %get3A_589 = tpu.vector_load %arg13[%get3A_588] {strides = array<i32>} : memref<1792xf32, #tpu.memory_space<vmem>>, vector<16xf32>,
      %get3A_590 = arith.index_cast %add3A_586 : i32 to index
      %get3A_591 = tpu.vector_load %arg15[%get3A_590] {strides = array<i32>} : memref<1792xi32, #tpu.memory_space<vmem>>, vector<16xi32>,
      %gather3A = tpu.vector_load_idx %arg7[%get3A_587] : memref<50176xf32, #tpu.memory_space<vmem>>[vector<16xi32>], vector<16xf32>,
      %mul3A_592 = arith.mulf %gather3A, %get3A_589 : vector<16xf32>
      tpu.vector_store_idx %arg8[%get3A_591], %mul3A_592 {add = true} : memref<50176xf32, #tpu.memory_space<vmem>>[vector<16xi32>], vector<16xf32>,
      %mul3A_593 = arith.constant 64 : i32
      %mul3A_594 = arith.muli %scan3A_581, %mul3A_593 : i32
      %add3A_595 = arith.constant 16 : i32
      %add3A_596 = arith.addi %mul3A_594, %add3A_595 : i32
      %get3A_597 = arith.index_cast %add3A_596 : i32 to index
      %get3A_598 = tpu.vector_load %arg11[%get3A_597] {strides = array<i32>} : memref<1792xi32, #tpu.memory_space<vmem>>, vector<16xi32>,
      %get3A_599 = arith.index_cast %add3A_596 : i32 to index
      %get3A_600 = tpu.vector_load %arg13[%get3A_599] {strides = array<i32>} : memref<1792xf32, #tpu.memory_space<vmem>>, vector<16xf32>,
      %get3A_601 = arith.index_cast %add3A_596 : i32 to index
      %get3A_602 = tpu.vector_load %arg15[%get3A_601] {strides = array<i32>} : memref<1792xi32, #tpu.memory_space<vmem>>, vector<16xi32>,
      %gather3A_603 = tpu.vector_load_idx %arg7[%get3A_598] : memref<50176xf32, #tpu.memory_space<vmem>>[vector<16xi32>], vector<16xf32>,
      %mul3A_604 = arith.mulf %gather3A_603, %get3A_600 : vector<16xf32>
      tpu.vector_store_idx %arg8[%get3A_602], %mul3A_604 {add = true} : memref<50176xf32, #tpu.memory_space<vmem>>[vector<16xi32>], vector<16xf32>,
      %mul3A_605 = arith.constant 64 : i32
      %mul3A_606 = arith.muli %scan3A_581, %mul3A_605 : i32
      %add3A_607 = arith.constant 32 : i32
      %add3A_608 = arith.addi %mul3A_606, %add3A_607 : i32
      %get3A_609 = arith.index_cast %add3A_608 : i32 to index
      %get3A_610 = tpu.vector_load %arg11[%get3A_609] {strides = array<i32>} : memref<1792xi32, #tpu.memory_space<vmem>>, vector<16xi32>,
      %get3A_611 = arith.index_cast %add3A_608 : i32 to index
      %get3A_612 = tpu.vector_load %arg13[%get3A_611] {strides = array<i32>} : memref<1792xf32, #tpu.memory_space<vmem>>, vector<16xf32>,
      %get3A_613 = arith.index_cast %add3A_608 : i32 to index
      %get3A_614 = tpu.vector_load %arg15[%get3A_613] {strides = array<i32>} : memref<1792xi32, #tpu.memory_space<vmem>>, vector<16xi32>,
      %gather3A_615 = tpu.vector_load_idx %arg7[%get3A_610] : memref<50176xf32, #tpu.memory_space<vmem>>[vector<16xi32>], vector<16xf32>,
      %mul3A_616 = arith.mulf %gather3A_615, %get3A_612 : vector<16xf32>
      tpu.vector_store_idx %arg8[%get3A_614], %mul3A_616 {add = true} : memref<50176xf32, #tpu.memory_space<vmem>>[vector<16xi32>], vector<16xf32>,
      %mul3A_617 = arith.constant 64 : i32
      %mul3A_618 = arith.muli %scan3A_581, %mul3A_617 : i32
      %add3A_619 = arith.constant 48 : i32
      %add3A_620 = arith.addi %mul3A_618, %add3A_619 : i32
      %get3A_621 = arith.index_cast %add3A_620 : i32 to index
      %get3A_622 = tpu.vector_load %arg11[%get3A_621] {strides = array<i32>} : memref<1792xi32, #tpu.memory_space<vmem>>, vector<16xi32>,
      %get3A_623 = arith.index_cast %add3A_620 : i32 to index
      %get3A_624 = tpu.vector_load %arg13[%get3A_623] {strides = array<i32>} : memref<1792xf32, #tpu.memory_space<vmem>>, vector<16xf32>,
      %get3A_625 = arith.index_cast %add3A_620 : i32 to index
      %get3A_626 = tpu.vector_load %arg15[%get3A_625] {strides = array<i32>} : memref<1792xi32, #tpu.memory_space<vmem>>, vector<16xi32>,
      %gather3A_627 = tpu.vector_load_idx %arg7[%get3A_622] : memref<50176xf32, #tpu.memory_space<vmem>>[vector<16xi32>], vector<16xf32>,
      %mul3A_628 = arith.mulf %gather3A_627, %get3A_624 : vector<16xf32>
      tpu.vector_store_idx %arg8[%get3A_626], %mul3A_628 {add = true} : memref<50176xf32, #tpu.memory_space<vmem>>[vector<16xi32>], vector<16xf32>,
      %scan3A_629 = arith.constant 0 : i32
      scf.yield %scan3A_629 : i32
    }
    %scan3A_310 = arith.constant 28 : i32
    %mul3A_311 = arith.constant 25088 : i32
    %mul3A_312 = arith.muli %add3A, %mul3A_311 : i32
    %add3A_313 = arith.constant 14336 : i32
    %add3A_314 = arith.addi %mul3A_312, %add3A_313 : i32
    %dma_start3A_315 = arith.constant 0 : i32
    %dma_start3A_316 = tpu.memref_slice %arg3[%add3A_314] : memref<802816xi32, #tpu.memory_space<hbm>> -> memref<1792xi32, #tpu.memory_space<hbm>>
    %dma_start3A_317 = tpu.memref_slice %arg10[%dma_start3A_315] : memref<2x!tpu.dma_semaphore, #tpu.memory_space<semaphore_mem>> -> memref<1x!tpu.dma_semaphore, #tpu.memory_space<semaphore_mem>>
    %dma_start3A_318 = tpu.memref_squeeze %dma_start3A_317 : memref<1x!tpu.dma_semaphore, #tpu.memory_space<semaphore_mem>> -> memref<!tpu.dma_semaphore, #tpu.memory_space<semaphore_mem>>
    %dma_start3A_319 = tpu.memref_slice %arg3[%add3A_314] : memref<802816xi32, #tpu.memory_space<hbm>> -> memref<1792xi32, #tpu.memory_space<hbm>>
    tpu.enqueue_dma source(%dma_start3A_319 : memref<1792xi32, #tpu.memory_space<hbm>>) target(%arg11 : memref<1792xi32, #tpu.memory_space<vmem>>) target_semaphore(%dma_start3A_318 : memref<!tpu.dma_semaphore, #tpu.memory_space<semaphore_mem>>)
    %dma_start3A_320 = arith.constant 0 : i32
    %dma_start3A_321 = tpu.memref_slice %arg4[%add3A_314] : memref<802816xf32, #tpu.memory_space<hbm>> -> memref<1792xf32, #tpu.memory_space<hbm>>
    %dma_start3A_322 = tpu.memref_slice %arg10[%dma_start3A_320] : memref<2x!tpu.dma_semaphore, #tpu.memory_space<semaphore_mem>> -> memref<1x!tpu.dma_semaphore, #tpu.memory_space<semaphore_mem>>
    %dma_start3A_323 = tpu.memref_squeeze %dma_start3A_322 : memref<1x!tpu.dma_semaphore, #tpu.memory_space<semaphore_mem>> -> memref<!tpu.dma_semaphore, #tpu.memory_space<semaphore_mem>>
    %dma_start3A_324 = tpu.memref_slice %arg4[%add3A_314] : memref<802816xf32, #tpu.memory_space<hbm>> -> memref<1792xf32, #tpu.memory_space<hbm>>
    tpu.enqueue_dma source(%dma_start3A_324 : memref<1792xf32, #tpu.memory_space<hbm>>) target(%arg13 : memref<1792xf32, #tpu.memory_space<vmem>>) target_semaphore(%dma_start3A_323 : memref<!tpu.dma_semaphore, #tpu.memory_space<semaphore_mem>>)
    %dma_start3A_325 = arith.constant 0 : i32
    %dma_start3A_326 = tpu.memref_slice %arg5[%add3A_314] : memref<802816xi32, #tpu.memory_space<hbm>> -> memref<1792xi32, #tpu.memory_space<hbm>>
    %dma_start3A_327 = tpu.memref_slice %arg10[%dma_start3A_325] : memref<2x!tpu.dma_semaphore, #tpu.memory_space<semaphore_mem>> -> memref<1x!tpu.dma_semaphore, #tpu.memory_space<semaphore_mem>>
    %dma_start3A_328 = tpu.memref_squeeze %dma_start3A_327 : memref<1x!tpu.dma_semaphore, #tpu.memory_space<semaphore_mem>> -> memref<!tpu.dma_semaphore, #tpu.memory_space<semaphore_mem>>
    %dma_start3A_329 = tpu.memref_slice %arg5[%add3A_314] : memref<802816xi32, #tpu.memory_space<hbm>> -> memref<1792xi32, #tpu.memory_space<hbm>>
    tpu.enqueue_dma source(%dma_start3A_329 : memref<1792xi32, #tpu.memory_space<hbm>>) target(%arg15 : memref<1792xi32, #tpu.memory_space<vmem>>) target_semaphore(%dma_start3A_328 : memref<!tpu.dma_semaphore, #tpu.memory_space<semaphore_mem>>)
    %dma_wait3A_330 = arith.constant 1 : i32
    %dma_wait3A_331 = tpu.memref_slice %arg3[%add3A_273] : memref<802816xi32, #tpu.memory_space<hbm>> -> memref<1792xi32, #tpu.memory_space<hbm>>
    %dma_wait3A_332 = tpu.memref_slice %arg10[%dma_wait3A_330] : memref<2x!tpu.dma_semaphore, #tpu.memory_space<semaphore_mem>> -> memref<1x!tpu.dma_semaphore, #tpu.memory_space<semaphore_mem>>
    %dma_wait3A_333 = tpu.memref_squeeze %dma_wait3A_332 : memref<1x!tpu.dma_semaphore, #tpu.memory_space<semaphore_mem>> -> memref<!tpu.dma_semaphore, #tpu.memory_space<semaphore_mem>>
    %dma_wait3A_334 = tpu.memref_slice %arg3[%add3A_273] : memref<802816xi32, #tpu.memory_space<hbm>> -> memref<1792xi32, #tpu.memory_space<hbm>>
    tpu.wait_dma2 semaphore(%dma_wait3A_333 : memref<!tpu.dma_semaphore, #tpu.memory_space<semaphore_mem>>) src(%dma_wait3A_334 : memref<1792xi32, #tpu.memory_space<hbm>>) dst(%arg12 : memref<1792xi32, #tpu.memory_space<vmem>>)
    %dma_wait3A_335 = arith.constant 1 : i32
    %dma_wait3A_336 = tpu.memref_slice %arg4[%add3A_273] : memref<802816xf32, #tpu.memory_space<hbm>> -> memref<1792xf32, #tpu.memory_space<hbm>>
    %dma_wait3A_337 = tpu.memref_slice %arg10[%dma_wait3A_335] : memref<2x!tpu.dma_semaphore, #tpu.memory_space<semaphore_mem>> -> memref<1x!tpu.dma_semaphore, #tpu.memory_space<semaphore_mem>>
    %dma_wait3A_338 = tpu.memref_squeeze %dma_wait3A_337 : memref<1x!tpu.dma_semaphore, #tpu.memory_space<semaphore_mem>> -> memref<!tpu.dma_semaphore, #tpu.memory_space<semaphore_mem>>
    %dma_wait3A_339 = tpu.memref_slice %arg4[%add3A_273] : memref<802816xf32, #tpu.memory_space<hbm>> -> memref<1792xf32, #tpu.memory_space<hbm>>
    tpu.wait_dma2 semaphore(%dma_wait3A_338 : memref<!tpu.dma_semaphore, #tpu.memory_space<semaphore_mem>>) src(%dma_wait3A_339 : memref<1792xf32, #tpu.memory_space<hbm>>) dst(%arg14 : memref<1792xf32, #tpu.memory_space<vmem>>)
    %dma_wait3A_340 = arith.constant 1 : i32
    %dma_wait3A_341 = tpu.memref_slice %arg5[%add3A_273] : memref<802816xi32, #tpu.memory_space<hbm>> -> memref<1792xi32, #tpu.memory_space<hbm>>
    %dma_wait3A_342 = tpu.memref_slice %arg10[%dma_wait3A_340] : memref<2x!tpu.dma_semaphore, #tpu.memory_space<semaphore_mem>> -> memref<1x!tpu.dma_semaphore, #tpu.memory_space<semaphore_mem>>
    %dma_wait3A_343 = tpu.memref_squeeze %dma_wait3A_342 : memref<1x!tpu.dma_semaphore, #tpu.memory_space<semaphore_mem>> -> memref<!tpu.dma_semaphore, #tpu.memory_space<semaphore_mem>>
    %dma_wait3A_344 = tpu.memref_slice %arg5[%add3A_273] : memref<802816xi32, #tpu.memory_space<hbm>> -> memref<1792xi32, #tpu.memory_space<hbm>>
    tpu.wait_dma2 semaphore(%dma_wait3A_343 : memref<!tpu.dma_semaphore, #tpu.memory_space<semaphore_mem>>) src(%dma_wait3A_344 : memref<1792xi32, #tpu.memory_space<hbm>>) dst(%arg16 : memref<1792xi32, #tpu.memory_space<vmem>>)
    %scan3A_345 = arith.constant 0 : i32
    %scan3A_346 = arith.constant 0 : i32
    %scan3A_347 = arith.constant 28 : i32
    %scan3A_348 = arith.addi %scan3A_346, %scan3A_347 : i32
    %scan3A_349 = arith.constant 1 : i32
    %scan3A_350 = scf.for %scan3A_581 = %scan3A_346 to %scan3A_348 step %scan3A_349 iter_args(%scan3A_582 = %scan3A_345) -> (i32)  : i32 {
      %mul3A_583 = arith.constant 64 : i32
      %mul3A_584 = arith.muli %scan3A_581, %mul3A_583 : i32
      %add3A_585 = arith.constant 0 : i32
      %add3A_586 = arith.addi %mul3A_584, %add3A_585 : i32
      %get3A = arith.index_cast %add3A_586 : i32 to index
      %get3A_587 = tpu.vector_load %arg12[%get3A] {strides = array<i32>} : memref<1792xi32, #tpu.memory_space<vmem>>, vector<16xi32>,
      %get3A_588 = arith.index_cast %add3A_586 : i32 to index
      %get3A_589 = tpu.vector_load %arg14[%get3A_588] {strides = array<i32>} : memref<1792xf32, #tpu.memory_space<vmem>>, vector<16xf32>,
      %get3A_590 = arith.index_cast %add3A_586 : i32 to index
      %get3A_591 = tpu.vector_load %arg16[%get3A_590] {strides = array<i32>} : memref<1792xi32, #tpu.memory_space<vmem>>, vector<16xi32>,
      %gather3A = tpu.vector_load_idx %arg7[%get3A_587] : memref<50176xf32, #tpu.memory_space<vmem>>[vector<16xi32>], vector<16xf32>,
      %mul3A_592 = arith.mulf %gather3A, %get3A_589 : vector<16xf32>
      tpu.vector_store_idx %arg8[%get3A_591], %mul3A_592 {add = true} : memref<50176xf32, #tpu.memory_space<vmem>>[vector<16xi32>], vector<16xf32>,
      %mul3A_593 = arith.constant 64 : i32
      %mul3A_594 = arith.muli %scan3A_581, %mul3A_593 : i32
      %add3A_595 = arith.constant 16 : i32
      %add3A_596 = arith.addi %mul3A_594, %add3A_595 : i32
      %get3A_597 = arith.index_cast %add3A_596 : i32 to index
      %get3A_598 = tpu.vector_load %arg12[%get3A_597] {strides = array<i32>} : memref<1792xi32, #tpu.memory_space<vmem>>, vector<16xi32>,
      %get3A_599 = arith.index_cast %add3A_596 : i32 to index
      %get3A_600 = tpu.vector_load %arg14[%get3A_599] {strides = array<i32>} : memref<1792xf32, #tpu.memory_space<vmem>>, vector<16xf32>,
      %get3A_601 = arith.index_cast %add3A_596 : i32 to index
      %get3A_602 = tpu.vector_load %arg16[%get3A_601] {strides = array<i32>} : memref<1792xi32, #tpu.memory_space<vmem>>, vector<16xi32>,
      %gather3A_603 = tpu.vector_load_idx %arg7[%get3A_598] : memref<50176xf32, #tpu.memory_space<vmem>>[vector<16xi32>], vector<16xf32>,
      %mul3A_604 = arith.mulf %gather3A_603, %get3A_600 : vector<16xf32>
      tpu.vector_store_idx %arg8[%get3A_602], %mul3A_604 {add = true} : memref<50176xf32, #tpu.memory_space<vmem>>[vector<16xi32>], vector<16xf32>,
      %mul3A_605 = arith.constant 64 : i32
      %mul3A_606 = arith.muli %scan3A_581, %mul3A_605 : i32
      %add3A_607 = arith.constant 32 : i32
      %add3A_608 = arith.addi %mul3A_606, %add3A_607 : i32
      %get3A_609 = arith.index_cast %add3A_608 : i32 to index
      %get3A_610 = tpu.vector_load %arg12[%get3A_609] {strides = array<i32>} : memref<1792xi32, #tpu.memory_space<vmem>>, vector<16xi32>,
      %get3A_611 = arith.index_cast %add3A_608 : i32 to index
      %get3A_612 = tpu.vector_load %arg14[%get3A_611] {strides = array<i32>} : memref<1792xf32, #tpu.memory_space<vmem>>, vector<16xf32>,
      %get3A_613 = arith.index_cast %add3A_608 : i32 to index
      %get3A_614 = tpu.vector_load %arg16[%get3A_613] {strides = array<i32>} : memref<1792xi32, #tpu.memory_space<vmem>>, vector<16xi32>,
      %gather3A_615 = tpu.vector_load_idx %arg7[%get3A_610] : memref<50176xf32, #tpu.memory_space<vmem>>[vector<16xi32>], vector<16xf32>,
      %mul3A_616 = arith.mulf %gather3A_615, %get3A_612 : vector<16xf32>
      tpu.vector_store_idx %arg8[%get3A_614], %mul3A_616 {add = true} : memref<50176xf32, #tpu.memory_space<vmem>>[vector<16xi32>], vector<16xf32>,
      %mul3A_617 = arith.constant 64 : i32
      %mul3A_618 = arith.muli %scan3A_581, %mul3A_617 : i32
      %add3A_619 = arith.constant 48 : i32
      %add3A_620 = arith.addi %mul3A_618, %add3A_619 : i32
      %get3A_621 = arith.index_cast %add3A_620 : i32 to index
      %get3A_622 = tpu.vector_load %arg12[%get3A_621] {strides = array<i32>} : memref<1792xi32, #tpu.memory_space<vmem>>, vector<16xi32>,
      %get3A_623 = arith.index_cast %add3A_620 : i32 to index
      %get3A_624 = tpu.vector_load %arg14[%get3A_623] {strides = array<i32>} : memref<1792xf32, #tpu.memory_space<vmem>>, vector<16xf32>,
      %get3A_625 = arith.index_cast %add3A_620 : i32 to index
      %get3A_626 = tpu.vector_load %arg16[%get3A_625] {strides = array<i32>} : memref<1792xi32, #tpu.memory_space<vmem>>, vector<16xi32>,
      %gather3A_627 = tpu.vector_load_idx %arg7[%get3A_622] : memref<50176xf32, #tpu.memory_space<vmem>>[vector<16xi32>], vector<16xf32>,
      %mul3A_628 = arith.mulf %gather3A_627, %get3A_624 : vector<16xf32>
      tpu.vector_store_idx %arg8[%get3A_626], %mul3A_628 {add = true} : memref<50176xf32, #tpu.memory_space<vmem>>[vector<16xi32>], vector<16xf32>,
      %scan3A_629 = arith.constant 0 : i32
      scf.yield %scan3A_629 : i32
    }
    %scan3A_351 = arith.constant 28 : i32
    %mul3A_352 = arith.constant 25088 : i32
    %mul3A_353 = arith.muli %add3A, %mul3A_352 : i32
    %add3A_354 = arith.constant 16128 : i32
    %add3A_355 = arith.addi %mul3A_353, %add3A_354 : i32
    %dma_start3A_356 = arith.constant 1 : i32
    %dma_start3A_357 = tpu.memref_slice %arg3[%add3A_355] : memref<802816xi32, #tpu.memory_space<hbm>> -> memref<1792xi32, #tpu.memory_space<hbm>>
    %dma_start3A_358 = tpu.memref_slice %arg10[%dma_start3A_356] : memref<2x!tpu.dma_semaphore, #tpu.memory_space<semaphore_mem>> -> memref<1x!tpu.dma_semaphore, #tpu.memory_space<semaphore_mem>>
    %dma_start3A_359 = tpu.memref_squeeze %dma_start3A_358 : memref<1x!tpu.dma_semaphore, #tpu.memory_space<semaphore_mem>> -> memref<!tpu.dma_semaphore, #tpu.memory_space<semaphore_mem>>
    %dma_start3A_360 = tpu.memref_slice %arg3[%add3A_355] : memref<802816xi32, #tpu.memory_space<hbm>> -> memref<1792xi32, #tpu.memory_space<hbm>>
    tpu.enqueue_dma source(%dma_start3A_360 : memref<1792xi32, #tpu.memory_space<hbm>>) target(%arg12 : memref<1792xi32, #tpu.memory_space<vmem>>) target_semaphore(%dma_start3A_359 : memref<!tpu.dma_semaphore, #tpu.memory_space<semaphore_mem>>)
    %dma_start3A_361 = arith.constant 1 : i32
    %dma_start3A_362 = tpu.memref_slice %arg4[%add3A_355] : memref<802816xf32, #tpu.memory_space<hbm>> -> memref<1792xf32, #tpu.memory_space<hbm>>
    %dma_start3A_363 = tpu.memref_slice %arg10[%dma_start3A_361] : memref<2x!tpu.dma_semaphore, #tpu.memory_space<semaphore_mem>> -> memref<1x!tpu.dma_semaphore, #tpu.memory_space<semaphore_mem>>
    %dma_start3A_364 = tpu.memref_squeeze %dma_start3A_363 : memref<1x!tpu.dma_semaphore, #tpu.memory_space<semaphore_mem>> -> memref<!tpu.dma_semaphore, #tpu.memory_space<semaphore_mem>>
    %dma_start3A_365 = tpu.memref_slice %arg4[%add3A_355] : memref<802816xf32, #tpu.memory_space<hbm>> -> memref<1792xf32, #tpu.memory_space<hbm>>
    tpu.enqueue_dma source(%dma_start3A_365 : memref<1792xf32, #tpu.memory_space<hbm>>) target(%arg14 : memref<1792xf32, #tpu.memory_space<vmem>>) target_semaphore(%dma_start3A_364 : memref<!tpu.dma_semaphore, #tpu.memory_space<semaphore_mem>>)
    %dma_start3A_366 = arith.constant 1 : i32
    %dma_start3A_367 = tpu.memref_slice %arg5[%add3A_355] : memref<802816xi32, #tpu.memory_space<hbm>> -> memref<1792xi32, #tpu.memory_space<hbm>>
    %dma_start3A_368 = tpu.memref_slice %arg10[%dma_start3A_366] : memref<2x!tpu.dma_semaphore, #tpu.memory_space<semaphore_mem>> -> memref<1x!tpu.dma_semaphore, #tpu.memory_space<semaphore_mem>>
    %dma_start3A_369 = tpu.memref_squeeze %dma_start3A_368 : memref<1x!tpu.dma_semaphore, #tpu.memory_space<semaphore_mem>> -> memref<!tpu.dma_semaphore, #tpu.memory_space<semaphore_mem>>
    %dma_start3A_370 = tpu.memref_slice %arg5[%add3A_355] : memref<802816xi32, #tpu.memory_space<hbm>> -> memref<1792xi32, #tpu.memory_space<hbm>>
    tpu.enqueue_dma source(%dma_start3A_370 : memref<1792xi32, #tpu.memory_space<hbm>>) target(%arg16 : memref<1792xi32, #tpu.memory_space<vmem>>) target_semaphore(%dma_start3A_369 : memref<!tpu.dma_semaphore, #tpu.memory_space<semaphore_mem>>)
    %dma_wait3A_371 = arith.constant 0 : i32
    %dma_wait3A_372 = tpu.memref_slice %arg3[%add3A_314] : memref<802816xi32, #tpu.memory_space<hbm>> -> memref<1792xi32, #tpu.memory_space<hbm>>
    %dma_wait3A_373 = tpu.memref_slice %arg10[%dma_wait3A_371] : memref<2x!tpu.dma_semaphore, #tpu.memory_space<semaphore_mem>> -> memref<1x!tpu.dma_semaphore, #tpu.memory_space<semaphore_mem>>
    %dma_wait3A_374 = tpu.memref_squeeze %dma_wait3A_373 : memref<1x!tpu.dma_semaphore, #tpu.memory_space<semaphore_mem>> -> memref<!tpu.dma_semaphore, #tpu.memory_space<semaphore_mem>>
    %dma_wait3A_375 = tpu.memref_slice %arg3[%add3A_314] : memref<802816xi32, #tpu.memory_space<hbm>> -> memref<1792xi32, #tpu.memory_space<hbm>>
    tpu.wait_dma2 semaphore(%dma_wait3A_374 : memref<!tpu.dma_semaphore, #tpu.memory_space<semaphore_mem>>) src(%dma_wait3A_375 : memref<1792xi32, #tpu.memory_space<hbm>>) dst(%arg11 : memref<1792xi32, #tpu.memory_space<vmem>>)
    %dma_wait3A_376 = arith.constant 0 : i32
    %dma_wait3A_377 = tpu.memref_slice %arg4[%add3A_314] : memref<802816xf32, #tpu.memory_space<hbm>> -> memref<1792xf32, #tpu.memory_space<hbm>>
    %dma_wait3A_378 = tpu.memref_slice %arg10[%dma_wait3A_376] : memref<2x!tpu.dma_semaphore, #tpu.memory_space<semaphore_mem>> -> memref<1x!tpu.dma_semaphore, #tpu.memory_space<semaphore_mem>>
    %dma_wait3A_379 = tpu.memref_squeeze %dma_wait3A_378 : memref<1x!tpu.dma_semaphore, #tpu.memory_space<semaphore_mem>> -> memref<!tpu.dma_semaphore, #tpu.memory_space<semaphore_mem>>
    %dma_wait3A_380 = tpu.memref_slice %arg4[%add3A_314] : memref<802816xf32, #tpu.memory_space<hbm>> -> memref<1792xf32, #tpu.memory_space<hbm>>
    tpu.wait_dma2 semaphore(%dma_wait3A_379 : memref<!tpu.dma_semaphore, #tpu.memory_space<semaphore_mem>>) src(%dma_wait3A_380 : memref<1792xf32, #tpu.memory_space<hbm>>) dst(%arg13 : memref<1792xf32, #tpu.memory_space<vmem>>)
    %dma_wait3A_381 = arith.constant 0 : i32
    %dma_wait3A_382 = tpu.memref_slice %arg5[%add3A_314] : memref<802816xi32, #tpu.memory_space<hbm>> -> memref<1792xi32, #tpu.memory_space<hbm>>
    %dma_wait3A_383 = tpu.memref_slice %arg10[%dma_wait3A_381] : memref<2x!tpu.dma_semaphore, #tpu.memory_space<semaphore_mem>> -> memref<1x!tpu.dma_semaphore, #tpu.memory_space<semaphore_mem>>
    %dma_wait3A_384 = tpu.memref_squeeze %dma_wait3A_383 : memref<1x!tpu.dma_semaphore, #tpu.memory_space<semaphore_mem>> -> memref<!tpu.dma_semaphore, #tpu.memory_space<semaphore_mem>>
    %dma_wait3A_385 = tpu.memref_slice %arg5[%add3A_314] : memref<802816xi32, #tpu.memory_space<hbm>> -> memref<1792xi32, #tpu.memory_space<hbm>>
    tpu.wait_dma2 semaphore(%dma_wait3A_384 : memref<!tpu.dma_semaphore, #tpu.memory_space<semaphore_mem>>) src(%dma_wait3A_385 : memref<1792xi32, #tpu.memory_space<hbm>>) dst(%arg15 : memref<1792xi32, #tpu.memory_space<vmem>>)
    %scan3A_386 = arith.constant 0 : i32
    %scan3A_387 = arith.constant 0 : i32
    %scan3A_388 = arith.constant 28 : i32
    %scan3A_389 = arith.addi %scan3A_387, %scan3A_388 : i32
    %scan3A_390 = arith.constant 1 : i32
    %scan3A_391 = scf.for %scan3A_581 = %scan3A_387 to %scan3A_389 step %scan3A_390 iter_args(%scan3A_582 = %scan3A_386) -> (i32)  : i32 {
      %mul3A_583 = arith.constant 64 : i32
      %mul3A_584 = arith.muli %scan3A_581, %mul3A_583 : i32
      %add3A_585 = arith.constant 0 : i32
      %add3A_586 = arith.addi %mul3A_584, %add3A_585 : i32
      %get3A = arith.index_cast %add3A_586 : i32 to index
      %get3A_587 = tpu.vector_load %arg11[%get3A] {strides = array<i32>} : memref<1792xi32, #tpu.memory_space<vmem>>, vector<16xi32>,
      %get3A_588 = arith.index_cast %add3A_586 : i32 to index
      %get3A_589 = tpu.vector_load %arg13[%get3A_588] {strides = array<i32>} : memref<1792xf32, #tpu.memory_space<vmem>>, vector<16xf32>,
      %get3A_590 = arith.index_cast %add3A_586 : i32 to index
      %get3A_591 = tpu.vector_load %arg15[%get3A_590] {strides = array<i32>} : memref<1792xi32, #tpu.memory_space<vmem>>, vector<16xi32>,
      %gather3A = tpu.vector_load_idx %arg7[%get3A_587] : memref<50176xf32, #tpu.memory_space<vmem>>[vector<16xi32>], vector<16xf32>,
      %mul3A_592 = arith.mulf %gather3A, %get3A_589 : vector<16xf32>
      tpu.vector_store_idx %arg8[%get3A_591], %mul3A_592 {add = true} : memref<50176xf32, #tpu.memory_space<vmem>>[vector<16xi32>], vector<16xf32>,
      %mul3A_593 = arith.constant 64 : i32
      %mul3A_594 = arith.muli %scan3A_581, %mul3A_593 : i32
      %add3A_595 = arith.constant 16 : i32
      %add3A_596 = arith.addi %mul3A_594, %add3A_595 : i32
      %get3A_597 = arith.index_cast %add3A_596 : i32 to index
      %get3A_598 = tpu.vector_load %arg11[%get3A_597] {strides = array<i32>} : memref<1792xi32, #tpu.memory_space<vmem>>, vector<16xi32>,
      %get3A_599 = arith.index_cast %add3A_596 : i32 to index
      %get3A_600 = tpu.vector_load %arg13[%get3A_599] {strides = array<i32>} : memref<1792xf32, #tpu.memory_space<vmem>>, vector<16xf32>,
      %get3A_601 = arith.index_cast %add3A_596 : i32 to index
      %get3A_602 = tpu.vector_load %arg15[%get3A_601] {strides = array<i32>} : memref<1792xi32, #tpu.memory_space<vmem>>, vector<16xi32>,
      %gather3A_603 = tpu.vector_load_idx %arg7[%get3A_598] : memref<50176xf32, #tpu.memory_space<vmem>>[vector<16xi32>], vector<16xf32>,
      %mul3A_604 = arith.mulf %gather3A_603, %get3A_600 : vector<16xf32>
      tpu.vector_store_idx %arg8[%get3A_602], %mul3A_604 {add = true} : memref<50176xf32, #tpu.memory_space<vmem>>[vector<16xi32>], vector<16xf32>,
      %mul3A_605 = arith.constant 64 : i32
      %mul3A_606 = arith.muli %scan3A_581, %mul3A_605 : i32
      %add3A_607 = arith.constant 32 : i32
      %add3A_608 = arith.addi %mul3A_606, %add3A_607 : i32
      %get3A_609 = arith.index_cast %add3A_608 : i32 to index
      %get3A_610 = tpu.vector_load %arg11[%get3A_609] {strides = array<i32>} : memref<1792xi32, #tpu.memory_space<vmem>>, vector<16xi32>,
      %get3A_611 = arith.index_cast %add3A_608 : i32 to index
      %get3A_612 = tpu.vector_load %arg13[%get3A_611] {strides = array<i32>} : memref<1792xf32, #tpu.memory_space<vmem>>, vector<16xf32>,
      %get3A_613 = arith.index_cast %add3A_608 : i32 to index
      %get3A_614 = tpu.vector_load %arg15[%get3A_613] {strides = array<i32>} : memref<1792xi32, #tpu.memory_space<vmem>>, vector<16xi32>,
      %gather3A_615 = tpu.vector_load_idx %arg7[%get3A_610] : memref<50176xf32, #tpu.memory_space<vmem>>[vector<16xi32>], vector<16xf32>,
      %mul3A_616 = arith.mulf %gather3A_615, %get3A_612 : vector<16xf32>
      tpu.vector_store_idx %arg8[%get3A_614], %mul3A_616 {add = true} : memref<50176xf32, #tpu.memory_space<vmem>>[vector<16xi32>], vector<16xf32>,
      %mul3A_617 = arith.constant 64 : i32
      %mul3A_618 = arith.muli %scan3A_581, %mul3A_617 : i32
      %add3A_619 = arith.constant 48 : i32
      %add3A_620 = arith.addi %mul3A_618, %add3A_619 : i32
      %get3A_621 = arith.index_cast %add3A_620 : i32 to index
      %get3A_622 = tpu.vector_load %arg11[%get3A_621] {strides = array<i32>} : memref<1792xi32, #tpu.memory_space<vmem>>, vector<16xi32>,
      %get3A_623 = arith.index_cast %add3A_620 : i32 to index
      %get3A_624 = tpu.vector_load %arg13[%get3A_623] {strides = array<i32>} : memref<1792xf32, #tpu.memory_space<vmem>>, vector<16xf32>,
      %get3A_625 = arith.index_cast %add3A_620 : i32 to index
      %get3A_626 = tpu.vector_load %arg15[%get3A_625] {strides = array<i32>} : memref<1792xi32, #tpu.memory_space<vmem>>, vector<16xi32>,
      %gather3A_627 = tpu.vector_load_idx %arg7[%get3A_622] : memref<50176xf32, #tpu.memory_space<vmem>>[vector<16xi32>], vector<16xf32>,
      %mul3A_628 = arith.mulf %gather3A_627, %get3A_624 : vector<16xf32>
      tpu.vector_store_idx %arg8[%get3A_626], %mul3A_628 {add = true} : memref<50176xf32, #tpu.memory_space<vmem>>[vector<16xi32>], vector<16xf32>,
      %scan3A_629 = arith.constant 0 : i32
      scf.yield %scan3A_629 : i32
    }
    %scan3A_392 = arith.constant 28 : i32
    %mul3A_393 = arith.constant 25088 : i32
    %mul3A_394 = arith.muli %add3A, %mul3A_393 : i32
    %add3A_395 = arith.constant 17920 : i32
    %add3A_396 = arith.addi %mul3A_394, %add3A_395 : i32
    %dma_start3A_397 = arith.constant 0 : i32
    %dma_start3A_398 = tpu.memref_slice %arg3[%add3A_396] : memref<802816xi32, #tpu.memory_space<hbm>> -> memref<1792xi32, #tpu.memory_space<hbm>>
    %dma_start3A_399 = tpu.memref_slice %arg10[%dma_start3A_397] : memref<2x!tpu.dma_semaphore, #tpu.memory_space<semaphore_mem>> -> memref<1x!tpu.dma_semaphore, #tpu.memory_space<semaphore_mem>>
    %dma_start3A_400 = tpu.memref_squeeze %dma_start3A_399 : memref<1x!tpu.dma_semaphore, #tpu.memory_space<semaphore_mem>> -> memref<!tpu.dma_semaphore, #tpu.memory_space<semaphore_mem>>
    %dma_start3A_401 = tpu.memref_slice %arg3[%add3A_396] : memref<802816xi32, #tpu.memory_space<hbm>> -> memref<1792xi32, #tpu.memory_space<hbm>>
    tpu.enqueue_dma source(%dma_start3A_401 : memref<1792xi32, #tpu.memory_space<hbm>>) target(%arg11 : memref<1792xi32, #tpu.memory_space<vmem>>) target_semaphore(%dma_start3A_400 : memref<!tpu.dma_semaphore, #tpu.memory_space<semaphore_mem>>)
    %dma_start3A_402 = arith.constant 0 : i32
    %dma_start3A_403 = tpu.memref_slice %arg4[%add3A_396] : memref<802816xf32, #tpu.memory_space<hbm>> -> memref<1792xf32, #tpu.memory_space<hbm>>
    %dma_start3A_404 = tpu.memref_slice %arg10[%dma_start3A_402] : memref<2x!tpu.dma_semaphore, #tpu.memory_space<semaphore_mem>> -> memref<1x!tpu.dma_semaphore, #tpu.memory_space<semaphore_mem>>
    %dma_start3A_405 = tpu.memref_squeeze %dma_start3A_404 : memref<1x!tpu.dma_semaphore, #tpu.memory_space<semaphore_mem>> -> memref<!tpu.dma_semaphore, #tpu.memory_space<semaphore_mem>>
    %dma_start3A_406 = tpu.memref_slice %arg4[%add3A_396] : memref<802816xf32, #tpu.memory_space<hbm>> -> memref<1792xf32, #tpu.memory_space<hbm>>
    tpu.enqueue_dma source(%dma_start3A_406 : memref<1792xf32, #tpu.memory_space<hbm>>) target(%arg13 : memref<1792xf32, #tpu.memory_space<vmem>>) target_semaphore(%dma_start3A_405 : memref<!tpu.dma_semaphore, #tpu.memory_space<semaphore_mem>>)
    %dma_start3A_407 = arith.constant 0 : i32
    %dma_start3A_408 = tpu.memref_slice %arg5[%add3A_396] : memref<802816xi32, #tpu.memory_space<hbm>> -> memref<1792xi32, #tpu.memory_space<hbm>>
    %dma_start3A_409 = tpu.memref_slice %arg10[%dma_start3A_407] : memref<2x!tpu.dma_semaphore, #tpu.memory_space<semaphore_mem>> -> memref<1x!tpu.dma_semaphore, #tpu.memory_space<semaphore_mem>>
    %dma_start3A_410 = tpu.memref_squeeze %dma_start3A_409 : memref<1x!tpu.dma_semaphore, #tpu.memory_space<semaphore_mem>> -> memref<!tpu.dma_semaphore, #tpu.memory_space<semaphore_mem>>
    %dma_start3A_411 = tpu.memref_slice %arg5[%add3A_396] : memref<802816xi32, #tpu.memory_space<hbm>> -> memref<1792xi32, #tpu.memory_space<hbm>>
    tpu.enqueue_dma source(%dma_start3A_411 : memref<1792xi32, #tpu.memory_space<hbm>>) target(%arg15 : memref<1792xi32, #tpu.memory_space<vmem>>) target_semaphore(%dma_start3A_410 : memref<!tpu.dma_semaphore, #tpu.memory_space<semaphore_mem>>)
    %dma_wait3A_412 = arith.constant 1 : i32
    %dma_wait3A_413 = tpu.memref_slice %arg3[%add3A_355] : memref<802816xi32, #tpu.memory_space<hbm>> -> memref<1792xi32, #tpu.memory_space<hbm>>
    %dma_wait3A_414 = tpu.memref_slice %arg10[%dma_wait3A_412] : memref<2x!tpu.dma_semaphore, #tpu.memory_space<semaphore_mem>> -> memref<1x!tpu.dma_semaphore, #tpu.memory_space<semaphore_mem>>
    %dma_wait3A_415 = tpu.memref_squeeze %dma_wait3A_414 : memref<1x!tpu.dma_semaphore, #tpu.memory_space<semaphore_mem>> -> memref<!tpu.dma_semaphore, #tpu.memory_space<semaphore_mem>>
    %dma_wait3A_416 = tpu.memref_slice %arg3[%add3A_355] : memref<802816xi32, #tpu.memory_space<hbm>> -> memref<1792xi32, #tpu.memory_space<hbm>>
    tpu.wait_dma2 semaphore(%dma_wait3A_415 : memref<!tpu.dma_semaphore, #tpu.memory_space<semaphore_mem>>) src(%dma_wait3A_416 : memref<1792xi32, #tpu.memory_space<hbm>>) dst(%arg12 : memref<1792xi32, #tpu.memory_space<vmem>>)
    %dma_wait3A_417 = arith.constant 1 : i32
    %dma_wait3A_418 = tpu.memref_slice %arg4[%add3A_355] : memref<802816xf32, #tpu.memory_space<hbm>> -> memref<1792xf32, #tpu.memory_space<hbm>>
    %dma_wait3A_419 = tpu.memref_slice %arg10[%dma_wait3A_417] : memref<2x!tpu.dma_semaphore, #tpu.memory_space<semaphore_mem>> -> memref<1x!tpu.dma_semaphore, #tpu.memory_space<semaphore_mem>>
    %dma_wait3A_420 = tpu.memref_squeeze %dma_wait3A_419 : memref<1x!tpu.dma_semaphore, #tpu.memory_space<semaphore_mem>> -> memref<!tpu.dma_semaphore, #tpu.memory_space<semaphore_mem>>
    %dma_wait3A_421 = tpu.memref_slice %arg4[%add3A_355] : memref<802816xf32, #tpu.memory_space<hbm>> -> memref<1792xf32, #tpu.memory_space<hbm>>
    tpu.wait_dma2 semaphore(%dma_wait3A_420 : memref<!tpu.dma_semaphore, #tpu.memory_space<semaphore_mem>>) src(%dma_wait3A_421 : memref<1792xf32, #tpu.memory_space<hbm>>) dst(%arg14 : memref<1792xf32, #tpu.memory_space<vmem>>)
    %dma_wait3A_422 = arith.constant 1 : i32
    %dma_wait3A_423 = tpu.memref_slice %arg5[%add3A_355] : memref<802816xi32, #tpu.memory_space<hbm>> -> memref<1792xi32, #tpu.memory_space<hbm>>
    %dma_wait3A_424 = tpu.memref_slice %arg10[%dma_wait3A_422] : memref<2x!tpu.dma_semaphore, #tpu.memory_space<semaphore_mem>> -> memref<1x!tpu.dma_semaphore, #tpu.memory_space<semaphore_mem>>
    %dma_wait3A_425 = tpu.memref_squeeze %dma_wait3A_424 : memref<1x!tpu.dma_semaphore, #tpu.memory_space<semaphore_mem>> -> memref<!tpu.dma_semaphore, #tpu.memory_space<semaphore_mem>>
    %dma_wait3A_426 = tpu.memref_slice %arg5[%add3A_355] : memref<802816xi32, #tpu.memory_space<hbm>> -> memref<1792xi32, #tpu.memory_space<hbm>>
    tpu.wait_dma2 semaphore(%dma_wait3A_425 : memref<!tpu.dma_semaphore, #tpu.memory_space<semaphore_mem>>) src(%dma_wait3A_426 : memref<1792xi32, #tpu.memory_space<hbm>>) dst(%arg16 : memref<1792xi32, #tpu.memory_space<vmem>>)
    %scan3A_427 = arith.constant 0 : i32
    %scan3A_428 = arith.constant 0 : i32
    %scan3A_429 = arith.constant 28 : i32
    %scan3A_430 = arith.addi %scan3A_428, %scan3A_429 : i32
    %scan3A_431 = arith.constant 1 : i32
    %scan3A_432 = scf.for %scan3A_581 = %scan3A_428 to %scan3A_430 step %scan3A_431 iter_args(%scan3A_582 = %scan3A_427) -> (i32)  : i32 {
      %mul3A_583 = arith.constant 64 : i32
      %mul3A_584 = arith.muli %scan3A_581, %mul3A_583 : i32
      %add3A_585 = arith.constant 0 : i32
      %add3A_586 = arith.addi %mul3A_584, %add3A_585 : i32
      %get3A = arith.index_cast %add3A_586 : i32 to index
      %get3A_587 = tpu.vector_load %arg12[%get3A] {strides = array<i32>} : memref<1792xi32, #tpu.memory_space<vmem>>, vector<16xi32>,
      %get3A_588 = arith.index_cast %add3A_586 : i32 to index
      %get3A_589 = tpu.vector_load %arg14[%get3A_588] {strides = array<i32>} : memref<1792xf32, #tpu.memory_space<vmem>>, vector<16xf32>,
      %get3A_590 = arith.index_cast %add3A_586 : i32 to index
      %get3A_591 = tpu.vector_load %arg16[%get3A_590] {strides = array<i32>} : memref<1792xi32, #tpu.memory_space<vmem>>, vector<16xi32>,
      %gather3A = tpu.vector_load_idx %arg7[%get3A_587] : memref<50176xf32, #tpu.memory_space<vmem>>[vector<16xi32>], vector<16xf32>,
      %mul3A_592 = arith.mulf %gather3A, %get3A_589 : vector<16xf32>
      tpu.vector_store_idx %arg8[%get3A_591], %mul3A_592 {add = true} : memref<50176xf32, #tpu.memory_space<vmem>>[vector<16xi32>], vector<16xf32>,
      %mul3A_593 = arith.constant 64 : i32
      %mul3A_594 = arith.muli %scan3A_581, %mul3A_593 : i32
      %add3A_595 = arith.constant 16 : i32
      %add3A_596 = arith.addi %mul3A_594, %add3A_595 : i32
      %get3A_597 = arith.index_cast %add3A_596 : i32 to index
      %get3A_598 = tpu.vector_load %arg12[%get3A_597] {strides = array<i32>} : memref<1792xi32, #tpu.memory_space<vmem>>, vector<16xi32>,
      %get3A_599 = arith.index_cast %add3A_596 : i32 to index
      %get3A_600 = tpu.vector_load %arg14[%get3A_599] {strides = array<i32>} : memref<1792xf32, #tpu.memory_space<vmem>>, vector<16xf32>,
      %get3A_601 = arith.index_cast %add3A_596 : i32 to index
      %get3A_602 = tpu.vector_load %arg16[%get3A_601] {strides = array<i32>} : memref<1792xi32, #tpu.memory_space<vmem>>, vector<16xi32>,
      %gather3A_603 = tpu.vector_load_idx %arg7[%get3A_598] : memref<50176xf32, #tpu.memory_space<vmem>>[vector<16xi32>], vector<16xf32>,
      %mul3A_604 = arith.mulf %gather3A_603, %get3A_600 : vector<16xf32>
      tpu.vector_store_idx %arg8[%get3A_602], %mul3A_604 {add = true} : memref<50176xf32, #tpu.memory_space<vmem>>[vector<16xi32>], vector<16xf32>,
      %mul3A_605 = arith.constant 64 : i32
      %mul3A_606 = arith.muli %scan3A_581, %mul3A_605 : i32
      %add3A_607 = arith.constant 32 : i32
      %add3A_608 = arith.addi %mul3A_606, %add3A_607 : i32
      %get3A_609 = arith.index_cast %add3A_608 : i32 to index
      %get3A_610 = tpu.vector_load %arg12[%get3A_609] {strides = array<i32>} : memref<1792xi32, #tpu.memory_space<vmem>>, vector<16xi32>,
      %get3A_611 = arith.index_cast %add3A_608 : i32 to index
      %get3A_612 = tpu.vector_load %arg14[%get3A_611] {strides = array<i32>} : memref<1792xf32, #tpu.memory_space<vmem>>, vector<16xf32>,
      %get3A_613 = arith.index_cast %add3A_608 : i32 to index
      %get3A_614 = tpu.vector_load %arg16[%get3A_613] {strides = array<i32>} : memref<1792xi32, #tpu.memory_space<vmem>>, vector<16xi32>,
      %gather3A_615 = tpu.vector_load_idx %arg7[%get3A_610] : memref<50176xf32, #tpu.memory_space<vmem>>[vector<16xi32>], vector<16xf32>,
      %mul3A_616 = arith.mulf %gather3A_615, %get3A_612 : vector<16xf32>
      tpu.vector_store_idx %arg8[%get3A_614], %mul3A_616 {add = true} : memref<50176xf32, #tpu.memory_space<vmem>>[vector<16xi32>], vector<16xf32>,
      %mul3A_617 = arith.constant 64 : i32
      %mul3A_618 = arith.muli %scan3A_581, %mul3A_617 : i32
      %add3A_619 = arith.constant 48 : i32
      %add3A_620 = arith.addi %mul3A_618, %add3A_619 : i32
      %get3A_621 = arith.index_cast %add3A_620 : i32 to index
      %get3A_622 = tpu.vector_load %arg12[%get3A_621] {strides = array<i32>} : memref<1792xi32, #tpu.memory_space<vmem>>, vector<16xi32>,
      %get3A_623 = arith.index_cast %add3A_620 : i32 to index
      %get3A_624 = tpu.vector_load %arg14[%get3A_623] {strides = array<i32>} : memref<1792xf32, #tpu.memory_space<vmem>>, vector<16xf32>,
      %get3A_625 = arith.index_cast %add3A_620 : i32 to index
      %get3A_626 = tpu.vector_load %arg16[%get3A_625] {strides = array<i32>} : memref<1792xi32, #tpu.memory_space<vmem>>, vector<16xi32>,
      %gather3A_627 = tpu.vector_load_idx %arg7[%get3A_622] : memref<50176xf32, #tpu.memory_space<vmem>>[vector<16xi32>], vector<16xf32>,
      %mul3A_628 = arith.mulf %gather3A_627, %get3A_624 : vector<16xf32>
      tpu.vector_store_idx %arg8[%get3A_626], %mul3A_628 {add = true} : memref<50176xf32, #tpu.memory_space<vmem>>[vector<16xi32>], vector<16xf32>,
      %scan3A_629 = arith.constant 0 : i32
      scf.yield %scan3A_629 : i32
    }
    %scan3A_433 = arith.constant 28 : i32
    %mul3A_434 = arith.constant 25088 : i32
    %mul3A_435 = arith.muli %add3A, %mul3A_434 : i32
    %add3A_436 = arith.constant 19712 : i32
    %add3A_437 = arith.addi %mul3A_435, %add3A_436 : i32
    %dma_start3A_438 = arith.constant 1 : i32
    %dma_start3A_439 = tpu.memref_slice %arg3[%add3A_437] : memref<802816xi32, #tpu.memory_space<hbm>> -> memref<1792xi32, #tpu.memory_space<hbm>>
    %dma_start3A_440 = tpu.memref_slice %arg10[%dma_start3A_438] : memref<2x!tpu.dma_semaphore, #tpu.memory_space<semaphore_mem>> -> memref<1x!tpu.dma_semaphore, #tpu.memory_space<semaphore_mem>>
    %dma_start3A_441 = tpu.memref_squeeze %dma_start3A_440 : memref<1x!tpu.dma_semaphore, #tpu.memory_space<semaphore_mem>> -> memref<!tpu.dma_semaphore, #tpu.memory_space<semaphore_mem>>
    %dma_start3A_442 = tpu.memref_slice %arg3[%add3A_437] : memref<802816xi32, #tpu.memory_space<hbm>> -> memref<1792xi32, #tpu.memory_space<hbm>>
    tpu.enqueue_dma source(%dma_start3A_442 : memref<1792xi32, #tpu.memory_space<hbm>>) target(%arg12 : memref<1792xi32, #tpu.memory_space<vmem>>) target_semaphore(%dma_start3A_441 : memref<!tpu.dma_semaphore, #tpu.memory_space<semaphore_mem>>)
    %dma_start3A_443 = arith.constant 1 : i32
    %dma_start3A_444 = tpu.memref_slice %arg4[%add3A_437] : memref<802816xf32, #tpu.memory_space<hbm>> -> memref<1792xf32, #tpu.memory_space<hbm>>
    %dma_start3A_445 = tpu.memref_slice %arg10[%dma_start3A_443] : memref<2x!tpu.dma_semaphore, #tpu.memory_space<semaphore_mem>> -> memref<1x!tpu.dma_semaphore, #tpu.memory_space<semaphore_mem>>
    %dma_start3A_446 = tpu.memref_squeeze %dma_start3A_445 : memref<1x!tpu.dma_semaphore, #tpu.memory_space<semaphore_mem>> -> memref<!tpu.dma_semaphore, #tpu.memory_space<semaphore_mem>>
    %dma_start3A_447 = tpu.memref_slice %arg4[%add3A_437] : memref<802816xf32, #tpu.memory_space<hbm>> -> memref<1792xf32, #tpu.memory_space<hbm>>
    tpu.enqueue_dma source(%dma_start3A_447 : memref<1792xf32, #tpu.memory_space<hbm>>) target(%arg14 : memref<1792xf32, #tpu.memory_space<vmem>>) target_semaphore(%dma_start3A_446 : memref<!tpu.dma_semaphore, #tpu.memory_space<semaphore_mem>>)
    %dma_start3A_448 = arith.constant 1 : i32
    %dma_start3A_449 = tpu.memref_slice %arg5[%add3A_437] : memref<802816xi32, #tpu.memory_space<hbm>> -> memref<1792xi32, #tpu.memory_space<hbm>>
    %dma_start3A_450 = tpu.memref_slice %arg10[%dma_start3A_448] : memref<2x!tpu.dma_semaphore, #tpu.memory_space<semaphore_mem>> -> memref<1x!tpu.dma_semaphore, #tpu.memory_space<semaphore_mem>>
    %dma_start3A_451 = tpu.memref_squeeze %dma_start3A_450 : memref<1x!tpu.dma_semaphore, #tpu.memory_space<semaphore_mem>> -> memref<!tpu.dma_semaphore, #tpu.memory_space<semaphore_mem>>
    %dma_start3A_452 = tpu.memref_slice %arg5[%add3A_437] : memref<802816xi32, #tpu.memory_space<hbm>> -> memref<1792xi32, #tpu.memory_space<hbm>>
    tpu.enqueue_dma source(%dma_start3A_452 : memref<1792xi32, #tpu.memory_space<hbm>>) target(%arg16 : memref<1792xi32, #tpu.memory_space<vmem>>) target_semaphore(%dma_start3A_451 : memref<!tpu.dma_semaphore, #tpu.memory_space<semaphore_mem>>)
    %dma_wait3A_453 = arith.constant 0 : i32
    %dma_wait3A_454 = tpu.memref_slice %arg3[%add3A_396] : memref<802816xi32, #tpu.memory_space<hbm>> -> memref<1792xi32, #tpu.memory_space<hbm>>
    %dma_wait3A_455 = tpu.memref_slice %arg10[%dma_wait3A_453] : memref<2x!tpu.dma_semaphore, #tpu.memory_space<semaphore_mem>> -> memref<1x!tpu.dma_semaphore, #tpu.memory_space<semaphore_mem>>
    %dma_wait3A_456 = tpu.memref_squeeze %dma_wait3A_455 : memref<1x!tpu.dma_semaphore, #tpu.memory_space<semaphore_mem>> -> memref<!tpu.dma_semaphore, #tpu.memory_space<semaphore_mem>>
    %dma_wait3A_457 = tpu.memref_slice %arg3[%add3A_396] : memref<802816xi32, #tpu.memory_space<hbm>> -> memref<1792xi32, #tpu.memory_space<hbm>>
    tpu.wait_dma2 semaphore(%dma_wait3A_456 : memref<!tpu.dma_semaphore, #tpu.memory_space<semaphore_mem>>) src(%dma_wait3A_457 : memref<1792xi32, #tpu.memory_space<hbm>>) dst(%arg11 : memref<1792xi32, #tpu.memory_space<vmem>>)
    %dma_wait3A_458 = arith.constant 0 : i32
    %dma_wait3A_459 = tpu.memref_slice %arg4[%add3A_396] : memref<802816xf32, #tpu.memory_space<hbm>> -> memref<1792xf32, #tpu.memory_space<hbm>>
    %dma_wait3A_460 = tpu.memref_slice %arg10[%dma_wait3A_458] : memref<2x!tpu.dma_semaphore, #tpu.memory_space<semaphore_mem>> -> memref<1x!tpu.dma_semaphore, #tpu.memory_space<semaphore_mem>>
    %dma_wait3A_461 = tpu.memref_squeeze %dma_wait3A_460 : memref<1x!tpu.dma_semaphore, #tpu.memory_space<semaphore_mem>> -> memref<!tpu.dma_semaphore, #tpu.memory_space<semaphore_mem>>
    %dma_wait3A_462 = tpu.memref_slice %arg4[%add3A_396] : memref<802816xf32, #tpu.memory_space<hbm>> -> memref<1792xf32, #tpu.memory_space<hbm>>
    tpu.wait_dma2 semaphore(%dma_wait3A_461 : memref<!tpu.dma_semaphore, #tpu.memory_space<semaphore_mem>>) src(%dma_wait3A_462 : memref<1792xf32, #tpu.memory_space<hbm>>) dst(%arg13 : memref<1792xf32, #tpu.memory_space<vmem>>)
    %dma_wait3A_463 = arith.constant 0 : i32
    %dma_wait3A_464 = tpu.memref_slice %arg5[%add3A_396] : memref<802816xi32, #tpu.memory_space<hbm>> -> memref<1792xi32, #tpu.memory_space<hbm>>
    %dma_wait3A_465 = tpu.memref_slice %arg10[%dma_wait3A_463] : memref<2x!tpu.dma_semaphore, #tpu.memory_space<semaphore_mem>> -> memref<1x!tpu.dma_semaphore, #tpu.memory_space<semaphore_mem>>
    %dma_wait3A_466 = tpu.memref_squeeze %dma_wait3A_465 : memref<1x!tpu.dma_semaphore, #tpu.memory_space<semaphore_mem>> -> memref<!tpu.dma_semaphore, #tpu.memory_space<semaphore_mem>>
    %dma_wait3A_467 = tpu.memref_slice %arg5[%add3A_396] : memref<802816xi32, #tpu.memory_space<hbm>> -> memref<1792xi32, #tpu.memory_space<hbm>>
    tpu.wait_dma2 semaphore(%dma_wait3A_466 : memref<!tpu.dma_semaphore, #tpu.memory_space<semaphore_mem>>) src(%dma_wait3A_467 : memref<1792xi32, #tpu.memory_space<hbm>>) dst(%arg15 : memref<1792xi32, #tpu.memory_space<vmem>>)
    %scan3A_468 = arith.constant 0 : i32
    %scan3A_469 = arith.constant 0 : i32
    %scan3A_470 = arith.constant 28 : i32
    %scan3A_471 = arith.addi %scan3A_469, %scan3A_470 : i32
    %scan3A_472 = arith.constant 1 : i32
    %scan3A_473 = scf.for %scan3A_581 = %scan3A_469 to %scan3A_471 step %scan3A_472 iter_args(%scan3A_582 = %scan3A_468) -> (i32)  : i32 {
      %mul3A_583 = arith.constant 64 : i32
      %mul3A_584 = arith.muli %scan3A_581, %mul3A_583 : i32
      %add3A_585 = arith.constant 0 : i32
      %add3A_586 = arith.addi %mul3A_584, %add3A_585 : i32
      %get3A = arith.index_cast %add3A_586 : i32 to index
      %get3A_587 = tpu.vector_load %arg11[%get3A] {strides = array<i32>} : memref<1792xi32, #tpu.memory_space<vmem>>, vector<16xi32>,
      %get3A_588 = arith.index_cast %add3A_586 : i32 to index
      %get3A_589 = tpu.vector_load %arg13[%get3A_588] {strides = array<i32>} : memref<1792xf32, #tpu.memory_space<vmem>>, vector<16xf32>,
      %get3A_590 = arith.index_cast %add3A_586 : i32 to index
      %get3A_591 = tpu.vector_load %arg15[%get3A_590] {strides = array<i32>} : memref<1792xi32, #tpu.memory_space<vmem>>, vector<16xi32>,
      %gather3A = tpu.vector_load_idx %arg7[%get3A_587] : memref<50176xf32, #tpu.memory_space<vmem>>[vector<16xi32>], vector<16xf32>,
      %mul3A_592 = arith.mulf %gather3A, %get3A_589 : vector<16xf32>
      tpu.vector_store_idx %arg8[%get3A_591], %mul3A_592 {add = true} : memref<50176xf32, #tpu.memory_space<vmem>>[vector<16xi32>], vector<16xf32>,
      %mul3A_593 = arith.constant 64 : i32
      %mul3A_594 = arith.muli %scan3A_581, %mul3A_593 : i32
      %add3A_595 = arith.constant 16 : i32
      %add3A_596 = arith.addi %mul3A_594, %add3A_595 : i32
      %get3A_597 = arith.index_cast %add3A_596 : i32 to index
      %get3A_598 = tpu.vector_load %arg11[%get3A_597] {strides = array<i32>} : memref<1792xi32, #tpu.memory_space<vmem>>, vector<16xi32>,
      %get3A_599 = arith.index_cast %add3A_596 : i32 to index
      %get3A_600 = tpu.vector_load %arg13[%get3A_599] {strides = array<i32>} : memref<1792xf32, #tpu.memory_space<vmem>>, vector<16xf32>,
      %get3A_601 = arith.index_cast %add3A_596 : i32 to index
      %get3A_602 = tpu.vector_load %arg15[%get3A_601] {strides = array<i32>} : memref<1792xi32, #tpu.memory_space<vmem>>, vector<16xi32>,
      %gather3A_603 = tpu.vector_load_idx %arg7[%get3A_598] : memref<50176xf32, #tpu.memory_space<vmem>>[vector<16xi32>], vector<16xf32>,
      %mul3A_604 = arith.mulf %gather3A_603, %get3A_600 : vector<16xf32>
      tpu.vector_store_idx %arg8[%get3A_602], %mul3A_604 {add = true} : memref<50176xf32, #tpu.memory_space<vmem>>[vector<16xi32>], vector<16xf32>,
      %mul3A_605 = arith.constant 64 : i32
      %mul3A_606 = arith.muli %scan3A_581, %mul3A_605 : i32
      %add3A_607 = arith.constant 32 : i32
      %add3A_608 = arith.addi %mul3A_606, %add3A_607 : i32
      %get3A_609 = arith.index_cast %add3A_608 : i32 to index
      %get3A_610 = tpu.vector_load %arg11[%get3A_609] {strides = array<i32>} : memref<1792xi32, #tpu.memory_space<vmem>>, vector<16xi32>,
      %get3A_611 = arith.index_cast %add3A_608 : i32 to index
      %get3A_612 = tpu.vector_load %arg13[%get3A_611] {strides = array<i32>} : memref<1792xf32, #tpu.memory_space<vmem>>, vector<16xf32>,
      %get3A_613 = arith.index_cast %add3A_608 : i32 to index
      %get3A_614 = tpu.vector_load %arg15[%get3A_613] {strides = array<i32>} : memref<1792xi32, #tpu.memory_space<vmem>>, vector<16xi32>,
      %gather3A_615 = tpu.vector_load_idx %arg7[%get3A_610] : memref<50176xf32, #tpu.memory_space<vmem>>[vector<16xi32>], vector<16xf32>,
      %mul3A_616 = arith.mulf %gather3A_615, %get3A_612 : vector<16xf32>
      tpu.vector_store_idx %arg8[%get3A_614], %mul3A_616 {add = true} : memref<50176xf32, #tpu.memory_space<vmem>>[vector<16xi32>], vector<16xf32>,
      %mul3A_617 = arith.constant 64 : i32
      %mul3A_618 = arith.muli %scan3A_581, %mul3A_617 : i32
      %add3A_619 = arith.constant 48 : i32
      %add3A_620 = arith.addi %mul3A_618, %add3A_619 : i32
      %get3A_621 = arith.index_cast %add3A_620 : i32 to index
      %get3A_622 = tpu.vector_load %arg11[%get3A_621] {strides = array<i32>} : memref<1792xi32, #tpu.memory_space<vmem>>, vector<16xi32>,
      %get3A_623 = arith.index_cast %add3A_620 : i32 to index
      %get3A_624 = tpu.vector_load %arg13[%get3A_623] {strides = array<i32>} : memref<1792xf32, #tpu.memory_space<vmem>>, vector<16xf32>,
      %get3A_625 = arith.index_cast %add3A_620 : i32 to index
      %get3A_626 = tpu.vector_load %arg15[%get3A_625] {strides = array<i32>} : memref<1792xi32, #tpu.memory_space<vmem>>, vector<16xi32>,
      %gather3A_627 = tpu.vector_load_idx %arg7[%get3A_622] : memref<50176xf32, #tpu.memory_space<vmem>>[vector<16xi32>], vector<16xf32>,
      %mul3A_628 = arith.mulf %gather3A_627, %get3A_624 : vector<16xf32>
      tpu.vector_store_idx %arg8[%get3A_626], %mul3A_628 {add = true} : memref<50176xf32, #tpu.memory_space<vmem>>[vector<16xi32>], vector<16xf32>,
      %scan3A_629 = arith.constant 0 : i32
      scf.yield %scan3A_629 : i32
    }
    %scan3A_474 = arith.constant 28 : i32
    %mul3A_475 = arith.constant 25088 : i32
    %mul3A_476 = arith.muli %add3A, %mul3A_475 : i32
    %add3A_477 = arith.constant 21504 : i32
    %add3A_478 = arith.addi %mul3A_476, %add3A_477 : i32
    %dma_start3A_479 = arith.constant 0 : i32
    %dma_start3A_480 = tpu.memref_slice %arg3[%add3A_478] : memref<802816xi32, #tpu.memory_space<hbm>> -> memref<1792xi32, #tpu.memory_space<hbm>>
    %dma_start3A_481 = tpu.memref_slice %arg10[%dma_start3A_479] : memref<2x!tpu.dma_semaphore, #tpu.memory_space<semaphore_mem>> -> memref<1x!tpu.dma_semaphore, #tpu.memory_space<semaphore_mem>>
    %dma_start3A_482 = tpu.memref_squeeze %dma_start3A_481 : memref<1x!tpu.dma_semaphore, #tpu.memory_space<semaphore_mem>> -> memref<!tpu.dma_semaphore, #tpu.memory_space<semaphore_mem>>
    %dma_start3A_483 = tpu.memref_slice %arg3[%add3A_478] : memref<802816xi32, #tpu.memory_space<hbm>> -> memref<1792xi32, #tpu.memory_space<hbm>>
    tpu.enqueue_dma source(%dma_start3A_483 : memref<1792xi32, #tpu.memory_space<hbm>>) target(%arg11 : memref<1792xi32, #tpu.memory_space<vmem>>) target_semaphore(%dma_start3A_482 : memref<!tpu.dma_semaphore, #tpu.memory_space<semaphore_mem>>)
    %dma_start3A_484 = arith.constant 0 : i32
    %dma_start3A_485 = tpu.memref_slice %arg4[%add3A_478] : memref<802816xf32, #tpu.memory_space<hbm>> -> memref<1792xf32, #tpu.memory_space<hbm>>
    %dma_start3A_486 = tpu.memref_slice %arg10[%dma_start3A_484] : memref<2x!tpu.dma_semaphore, #tpu.memory_space<semaphore_mem>> -> memref<1x!tpu.dma_semaphore, #tpu.memory_space<semaphore_mem>>
    %dma_start3A_487 = tpu.memref_squeeze %dma_start3A_486 : memref<1x!tpu.dma_semaphore, #tpu.memory_space<semaphore_mem>> -> memref<!tpu.dma_semaphore, #tpu.memory_space<semaphore_mem>>
    %dma_start3A_488 = tpu.memref_slice %arg4[%add3A_478] : memref<802816xf32, #tpu.memory_space<hbm>> -> memref<1792xf32, #tpu.memory_space<hbm>>
    tpu.enqueue_dma source(%dma_start3A_488 : memref<1792xf32, #tpu.memory_space<hbm>>) target(%arg13 : memref<1792xf32, #tpu.memory_space<vmem>>) target_semaphore(%dma_start3A_487 : memref<!tpu.dma_semaphore, #tpu.memory_space<semaphore_mem>>)
    %dma_start3A_489 = arith.constant 0 : i32
    %dma_start3A_490 = tpu.memref_slice %arg5[%add3A_478] : memref<802816xi32, #tpu.memory_space<hbm>> -> memref<1792xi32, #tpu.memory_space<hbm>>
    %dma_start3A_491 = tpu.memref_slice %arg10[%dma_start3A_489] : memref<2x!tpu.dma_semaphore, #tpu.memory_space<semaphore_mem>> -> memref<1x!tpu.dma_semaphore, #tpu.memory_space<semaphore_mem>>
    %dma_start3A_492 = tpu.memref_squeeze %dma_start3A_491 : memref<1x!tpu.dma_semaphore, #tpu.memory_space<semaphore_mem>> -> memref<!tpu.dma_semaphore, #tpu.memory_space<semaphore_mem>>
    %dma_start3A_493 = tpu.memref_slice %arg5[%add3A_478] : memref<802816xi32, #tpu.memory_space<hbm>> -> memref<1792xi32, #tpu.memory_space<hbm>>
    tpu.enqueue_dma source(%dma_start3A_493 : memref<1792xi32, #tpu.memory_space<hbm>>) target(%arg15 : memref<1792xi32, #tpu.memory_space<vmem>>) target_semaphore(%dma_start3A_492 : memref<!tpu.dma_semaphore, #tpu.memory_space<semaphore_mem>>)
    %dma_wait3A_494 = arith.constant 1 : i32
    %dma_wait3A_495 = tpu.memref_slice %arg3[%add3A_437] : memref<802816xi32, #tpu.memory_space<hbm>> -> memref<1792xi32, #tpu.memory_space<hbm>>
    %dma_wait3A_496 = tpu.memref_slice %arg10[%dma_wait3A_494] : memref<2x!tpu.dma_semaphore, #tpu.memory_space<semaphore_mem>> -> memref<1x!tpu.dma_semaphore, #tpu.memory_space<semaphore_mem>>
    %dma_wait3A_497 = tpu.memref_squeeze %dma_wait3A_496 : memref<1x!tpu.dma_semaphore, #tpu.memory_space<semaphore_mem>> -> memref<!tpu.dma_semaphore, #tpu.memory_space<semaphore_mem>>
    %dma_wait3A_498 = tpu.memref_slice %arg3[%add3A_437] : memref<802816xi32, #tpu.memory_space<hbm>> -> memref<1792xi32, #tpu.memory_space<hbm>>
    tpu.wait_dma2 semaphore(%dma_wait3A_497 : memref<!tpu.dma_semaphore, #tpu.memory_space<semaphore_mem>>) src(%dma_wait3A_498 : memref<1792xi32, #tpu.memory_space<hbm>>) dst(%arg12 : memref<1792xi32, #tpu.memory_space<vmem>>)
    %dma_wait3A_499 = arith.constant 1 : i32
    %dma_wait3A_500 = tpu.memref_slice %arg4[%add3A_437] : memref<802816xf32, #tpu.memory_space<hbm>> -> memref<1792xf32, #tpu.memory_space<hbm>>
    %dma_wait3A_501 = tpu.memref_slice %arg10[%dma_wait3A_499] : memref<2x!tpu.dma_semaphore, #tpu.memory_space<semaphore_mem>> -> memref<1x!tpu.dma_semaphore, #tpu.memory_space<semaphore_mem>>
    %dma_wait3A_502 = tpu.memref_squeeze %dma_wait3A_501 : memref<1x!tpu.dma_semaphore, #tpu.memory_space<semaphore_mem>> -> memref<!tpu.dma_semaphore, #tpu.memory_space<semaphore_mem>>
    %dma_wait3A_503 = tpu.memref_slice %arg4[%add3A_437] : memref<802816xf32, #tpu.memory_space<hbm>> -> memref<1792xf32, #tpu.memory_space<hbm>>
    tpu.wait_dma2 semaphore(%dma_wait3A_502 : memref<!tpu.dma_semaphore, #tpu.memory_space<semaphore_mem>>) src(%dma_wait3A_503 : memref<1792xf32, #tpu.memory_space<hbm>>) dst(%arg14 : memref<1792xf32, #tpu.memory_space<vmem>>)
    %dma_wait3A_504 = arith.constant 1 : i32
    %dma_wait3A_505 = tpu.memref_slice %arg5[%add3A_437] : memref<802816xi32, #tpu.memory_space<hbm>> -> memref<1792xi32, #tpu.memory_space<hbm>>
    %dma_wait3A_506 = tpu.memref_slice %arg10[%dma_wait3A_504] : memref<2x!tpu.dma_semaphore, #tpu.memory_space<semaphore_mem>> -> memref<1x!tpu.dma_semaphore, #tpu.memory_space<semaphore_mem>>
    %dma_wait3A_507 = tpu.memref_squeeze %dma_wait3A_506 : memref<1x!tpu.dma_semaphore, #tpu.memory_space<semaphore_mem>> -> memref<!tpu.dma_semaphore, #tpu.memory_space<semaphore_mem>>
    %dma_wait3A_508 = tpu.memref_slice %arg5[%add3A_437] : memref<802816xi32, #tpu.memory_space<hbm>> -> memref<1792xi32, #tpu.memory_space<hbm>>
    tpu.wait_dma2 semaphore(%dma_wait3A_507 : memref<!tpu.dma_semaphore, #tpu.memory_space<semaphore_mem>>) src(%dma_wait3A_508 : memref<1792xi32, #tpu.memory_space<hbm>>) dst(%arg16 : memref<1792xi32, #tpu.memory_space<vmem>>)
    %scan3A_509 = arith.constant 0 : i32
    %scan3A_510 = arith.constant 0 : i32
    %scan3A_511 = arith.constant 28 : i32
    %scan3A_512 = arith.addi %scan3A_510, %scan3A_511 : i32
    %scan3A_513 = arith.constant 1 : i32
    %scan3A_514 = scf.for %scan3A_581 = %scan3A_510 to %scan3A_512 step %scan3A_513 iter_args(%scan3A_582 = %scan3A_509) -> (i32)  : i32 {
      %mul3A_583 = arith.constant 64 : i32
      %mul3A_584 = arith.muli %scan3A_581, %mul3A_583 : i32
      %add3A_585 = arith.constant 0 : i32
      %add3A_586 = arith.addi %mul3A_584, %add3A_585 : i32
      %get3A = arith.index_cast %add3A_586 : i32 to index
      %get3A_587 = tpu.vector_load %arg12[%get3A] {strides = array<i32>} : memref<1792xi32, #tpu.memory_space<vmem>>, vector<16xi32>,
      %get3A_588 = arith.index_cast %add3A_586 : i32 to index
      %get3A_589 = tpu.vector_load %arg14[%get3A_588] {strides = array<i32>} : memref<1792xf32, #tpu.memory_space<vmem>>, vector<16xf32>,
      %get3A_590 = arith.index_cast %add3A_586 : i32 to index
      %get3A_591 = tpu.vector_load %arg16[%get3A_590] {strides = array<i32>} : memref<1792xi32, #tpu.memory_space<vmem>>, vector<16xi32>,
      %gather3A = tpu.vector_load_idx %arg7[%get3A_587] : memref<50176xf32, #tpu.memory_space<vmem>>[vector<16xi32>], vector<16xf32>,
      %mul3A_592 = arith.mulf %gather3A, %get3A_589 : vector<16xf32>
      tpu.vector_store_idx %arg8[%get3A_591], %mul3A_592 {add = true} : memref<50176xf32, #tpu.memory_space<vmem>>[vector<16xi32>], vector<16xf32>,
      %mul3A_593 = arith.constant 64 : i32
      %mul3A_594 = arith.muli %scan3A_581, %mul3A_593 : i32
      %add3A_595 = arith.constant 16 : i32
      %add3A_596 = arith.addi %mul3A_594, %add3A_595 : i32
      %get3A_597 = arith.index_cast %add3A_596 : i32 to index
      %get3A_598 = tpu.vector_load %arg12[%get3A_597] {strides = array<i32>} : memref<1792xi32, #tpu.memory_space<vmem>>, vector<16xi32>,
      %get3A_599 = arith.index_cast %add3A_596 : i32 to index
      %get3A_600 = tpu.vector_load %arg14[%get3A_599] {strides = array<i32>} : memref<1792xf32, #tpu.memory_space<vmem>>, vector<16xf32>,
      %get3A_601 = arith.index_cast %add3A_596 : i32 to index
      %get3A_602 = tpu.vector_load %arg16[%get3A_601] {strides = array<i32>} : memref<1792xi32, #tpu.memory_space<vmem>>, vector<16xi32>,
      %gather3A_603 = tpu.vector_load_idx %arg7[%get3A_598] : memref<50176xf32, #tpu.memory_space<vmem>>[vector<16xi32>], vector<16xf32>,
      %mul3A_604 = arith.mulf %gather3A_603, %get3A_600 : vector<16xf32>
      tpu.vector_store_idx %arg8[%get3A_602], %mul3A_604 {add = true} : memref<50176xf32, #tpu.memory_space<vmem>>[vector<16xi32>], vector<16xf32>,
      %mul3A_605 = arith.constant 64 : i32
      %mul3A_606 = arith.muli %scan3A_581, %mul3A_605 : i32
      %add3A_607 = arith.constant 32 : i32
      %add3A_608 = arith.addi %mul3A_606, %add3A_607 : i32
      %get3A_609 = arith.index_cast %add3A_608 : i32 to index
      %get3A_610 = tpu.vector_load %arg12[%get3A_609] {strides = array<i32>} : memref<1792xi32, #tpu.memory_space<vmem>>, vector<16xi32>,
      %get3A_611 = arith.index_cast %add3A_608 : i32 to index
      %get3A_612 = tpu.vector_load %arg14[%get3A_611] {strides = array<i32>} : memref<1792xf32, #tpu.memory_space<vmem>>, vector<16xf32>,
      %get3A_613 = arith.index_cast %add3A_608 : i32 to index
      %get3A_614 = tpu.vector_load %arg16[%get3A_613] {strides = array<i32>} : memref<1792xi32, #tpu.memory_space<vmem>>, vector<16xi32>,
      %gather3A_615 = tpu.vector_load_idx %arg7[%get3A_610] : memref<50176xf32, #tpu.memory_space<vmem>>[vector<16xi32>], vector<16xf32>,
      %mul3A_616 = arith.mulf %gather3A_615, %get3A_612 : vector<16xf32>
      tpu.vector_store_idx %arg8[%get3A_614], %mul3A_616 {add = true} : memref<50176xf32, #tpu.memory_space<vmem>>[vector<16xi32>], vector<16xf32>,
      %mul3A_617 = arith.constant 64 : i32
      %mul3A_618 = arith.muli %scan3A_581, %mul3A_617 : i32
      %add3A_619 = arith.constant 48 : i32
      %add3A_620 = arith.addi %mul3A_618, %add3A_619 : i32
      %get3A_621 = arith.index_cast %add3A_620 : i32 to index
      %get3A_622 = tpu.vector_load %arg12[%get3A_621] {strides = array<i32>} : memref<1792xi32, #tpu.memory_space<vmem>>, vector<16xi32>,
      %get3A_623 = arith.index_cast %add3A_620 : i32 to index
      %get3A_624 = tpu.vector_load %arg14[%get3A_623] {strides = array<i32>} : memref<1792xf32, #tpu.memory_space<vmem>>, vector<16xf32>,
      %get3A_625 = arith.index_cast %add3A_620 : i32 to index
      %get3A_626 = tpu.vector_load %arg16[%get3A_625] {strides = array<i32>} : memref<1792xi32, #tpu.memory_space<vmem>>, vector<16xi32>,
      %gather3A_627 = tpu.vector_load_idx %arg7[%get3A_622] : memref<50176xf32, #tpu.memory_space<vmem>>[vector<16xi32>], vector<16xf32>,
      %mul3A_628 = arith.mulf %gather3A_627, %get3A_624 : vector<16xf32>
      tpu.vector_store_idx %arg8[%get3A_626], %mul3A_628 {add = true} : memref<50176xf32, #tpu.memory_space<vmem>>[vector<16xi32>], vector<16xf32>,
      %scan3A_629 = arith.constant 0 : i32
      scf.yield %scan3A_629 : i32
    }
    %scan3A_515 = arith.constant 28 : i32
    %mul3A_516 = arith.constant 25088 : i32
    %mul3A_517 = arith.muli %add3A, %mul3A_516 : i32
    %add3A_518 = arith.constant 23296 : i32
    %add3A_519 = arith.addi %mul3A_517, %add3A_518 : i32
    %dma_start3A_520 = arith.constant 1 : i32
    %dma_start3A_521 = tpu.memref_slice %arg3[%add3A_519] : memref<802816xi32, #tpu.memory_space<hbm>> -> memref<1792xi32, #tpu.memory_space<hbm>>
    %dma_start3A_522 = tpu.memref_slice %arg10[%dma_start3A_520] : memref<2x!tpu.dma_semaphore, #tpu.memory_space<semaphore_mem>> -> memref<1x!tpu.dma_semaphore, #tpu.memory_space<semaphore_mem>>
    %dma_start3A_523 = tpu.memref_squeeze %dma_start3A_522 : memref<1x!tpu.dma_semaphore, #tpu.memory_space<semaphore_mem>> -> memref<!tpu.dma_semaphore, #tpu.memory_space<semaphore_mem>>
    %dma_start3A_524 = tpu.memref_slice %arg3[%add3A_519] : memref<802816xi32, #tpu.memory_space<hbm>> -> memref<1792xi32, #tpu.memory_space<hbm>>
    tpu.enqueue_dma source(%dma_start3A_524 : memref<1792xi32, #tpu.memory_space<hbm>>) target(%arg12 : memref<1792xi32, #tpu.memory_space<vmem>>) target_semaphore(%dma_start3A_523 : memref<!tpu.dma_semaphore, #tpu.memory_space<semaphore_mem>>)
    %dma_start3A_525 = arith.constant 1 : i32
    %dma_start3A_526 = tpu.memref_slice %arg4[%add3A_519] : memref<802816xf32, #tpu.memory_space<hbm>> -> memref<1792xf32, #tpu.memory_space<hbm>>
    %dma_start3A_527 = tpu.memref_slice %arg10[%dma_start3A_525] : memref<2x!tpu.dma_semaphore, #tpu.memory_space<semaphore_mem>> -> memref<1x!tpu.dma_semaphore, #tpu.memory_space<semaphore_mem>>
    %dma_start3A_528 = tpu.memref_squeeze %dma_start3A_527 : memref<1x!tpu.dma_semaphore, #tpu.memory_space<semaphore_mem>> -> memref<!tpu.dma_semaphore, #tpu.memory_space<semaphore_mem>>
    %dma_start3A_529 = tpu.memref_slice %arg4[%add3A_519] : memref<802816xf32, #tpu.memory_space<hbm>> -> memref<1792xf32, #tpu.memory_space<hbm>>
    tpu.enqueue_dma source(%dma_start3A_529 : memref<1792xf32, #tpu.memory_space<hbm>>) target(%arg14 : memref<1792xf32, #tpu.memory_space<vmem>>) target_semaphore(%dma_start3A_528 : memref<!tpu.dma_semaphore, #tpu.memory_space<semaphore_mem>>)
    %dma_start3A_530 = arith.constant 1 : i32
    %dma_start3A_531 = tpu.memref_slice %arg5[%add3A_519] : memref<802816xi32, #tpu.memory_space<hbm>> -> memref<1792xi32, #tpu.memory_space<hbm>>
    %dma_start3A_532 = tpu.memref_slice %arg10[%dma_start3A_530] : memref<2x!tpu.dma_semaphore, #tpu.memory_space<semaphore_mem>> -> memref<1x!tpu.dma_semaphore, #tpu.memory_space<semaphore_mem>>
    %dma_start3A_533 = tpu.memref_squeeze %dma_start3A_532 : memref<1x!tpu.dma_semaphore, #tpu.memory_space<semaphore_mem>> -> memref<!tpu.dma_semaphore, #tpu.memory_space<semaphore_mem>>
    %dma_start3A_534 = tpu.memref_slice %arg5[%add3A_519] : memref<802816xi32, #tpu.memory_space<hbm>> -> memref<1792xi32, #tpu.memory_space<hbm>>
    tpu.enqueue_dma source(%dma_start3A_534 : memref<1792xi32, #tpu.memory_space<hbm>>) target(%arg16 : memref<1792xi32, #tpu.memory_space<vmem>>) target_semaphore(%dma_start3A_533 : memref<!tpu.dma_semaphore, #tpu.memory_space<semaphore_mem>>)
    %dma_wait3A_535 = arith.constant 0 : i32
    %dma_wait3A_536 = tpu.memref_slice %arg3[%add3A_478] : memref<802816xi32, #tpu.memory_space<hbm>> -> memref<1792xi32, #tpu.memory_space<hbm>>
    %dma_wait3A_537 = tpu.memref_slice %arg10[%dma_wait3A_535] : memref<2x!tpu.dma_semaphore, #tpu.memory_space<semaphore_mem>> -> memref<1x!tpu.dma_semaphore, #tpu.memory_space<semaphore_mem>>
    %dma_wait3A_538 = tpu.memref_squeeze %dma_wait3A_537 : memref<1x!tpu.dma_semaphore, #tpu.memory_space<semaphore_mem>> -> memref<!tpu.dma_semaphore, #tpu.memory_space<semaphore_mem>>
    %dma_wait3A_539 = tpu.memref_slice %arg3[%add3A_478] : memref<802816xi32, #tpu.memory_space<hbm>> -> memref<1792xi32, #tpu.memory_space<hbm>>
    tpu.wait_dma2 semaphore(%dma_wait3A_538 : memref<!tpu.dma_semaphore, #tpu.memory_space<semaphore_mem>>) src(%dma_wait3A_539 : memref<1792xi32, #tpu.memory_space<hbm>>) dst(%arg11 : memref<1792xi32, #tpu.memory_space<vmem>>)
    %dma_wait3A_540 = arith.constant 0 : i32
    %dma_wait3A_541 = tpu.memref_slice %arg4[%add3A_478] : memref<802816xf32, #tpu.memory_space<hbm>> -> memref<1792xf32, #tpu.memory_space<hbm>>
    %dma_wait3A_542 = tpu.memref_slice %arg10[%dma_wait3A_540] : memref<2x!tpu.dma_semaphore, #tpu.memory_space<semaphore_mem>> -> memref<1x!tpu.dma_semaphore, #tpu.memory_space<semaphore_mem>>
    %dma_wait3A_543 = tpu.memref_squeeze %dma_wait3A_542 : memref<1x!tpu.dma_semaphore, #tpu.memory_space<semaphore_mem>> -> memref<!tpu.dma_semaphore, #tpu.memory_space<semaphore_mem>>
    %dma_wait3A_544 = tpu.memref_slice %arg4[%add3A_478] : memref<802816xf32, #tpu.memory_space<hbm>> -> memref<1792xf32, #tpu.memory_space<hbm>>
    tpu.wait_dma2 semaphore(%dma_wait3A_543 : memref<!tpu.dma_semaphore, #tpu.memory_space<semaphore_mem>>) src(%dma_wait3A_544 : memref<1792xf32, #tpu.memory_space<hbm>>) dst(%arg13 : memref<1792xf32, #tpu.memory_space<vmem>>)
    %dma_wait3A_545 = arith.constant 0 : i32
    %dma_wait3A_546 = tpu.memref_slice %arg5[%add3A_478] : memref<802816xi32, #tpu.memory_space<hbm>> -> memref<1792xi32, #tpu.memory_space<hbm>>
    %dma_wait3A_547 = tpu.memref_slice %arg10[%dma_wait3A_545] : memref<2x!tpu.dma_semaphore, #tpu.memory_space<semaphore_mem>> -> memref<1x!tpu.dma_semaphore, #tpu.memory_space<semaphore_mem>>
    %dma_wait3A_548 = tpu.memref_squeeze %dma_wait3A_547 : memref<1x!tpu.dma_semaphore, #tpu.memory_space<semaphore_mem>> -> memref<!tpu.dma_semaphore, #tpu.memory_space<semaphore_mem>>
    %dma_wait3A_549 = tpu.memref_slice %arg5[%add3A_478] : memref<802816xi32, #tpu.memory_space<hbm>> -> memref<1792xi32, #tpu.memory_space<hbm>>
    tpu.wait_dma2 semaphore(%dma_wait3A_548 : memref<!tpu.dma_semaphore, #tpu.memory_space<semaphore_mem>>) src(%dma_wait3A_549 : memref<1792xi32, #tpu.memory_space<hbm>>) dst(%arg15 : memref<1792xi32, #tpu.memory_space<vmem>>)
    %scan3A_550 = arith.constant 0 : i32
    %scan3A_551 = arith.constant 0 : i32
    %scan3A_552 = arith.constant 28 : i32
    %scan3A_553 = arith.addi %scan3A_551, %scan3A_552 : i32
    %scan3A_554 = arith.constant 1 : i32
    %scan3A_555 = scf.for %scan3A_581 = %scan3A_551 to %scan3A_553 step %scan3A_554 iter_args(%scan3A_582 = %scan3A_550) -> (i32)  : i32 {
      %mul3A_583 = arith.constant 64 : i32
      %mul3A_584 = arith.muli %scan3A_581, %mul3A_583 : i32
      %add3A_585 = arith.constant 0 : i32
      %add3A_586 = arith.addi %mul3A_584, %add3A_585 : i32
      %get3A = arith.index_cast %add3A_586 : i32 to index
      %get3A_587 = tpu.vector_load %arg11[%get3A] {strides = array<i32>} : memref<1792xi32, #tpu.memory_space<vmem>>, vector<16xi32>,
      %get3A_588 = arith.index_cast %add3A_586 : i32 to index
      %get3A_589 = tpu.vector_load %arg13[%get3A_588] {strides = array<i32>} : memref<1792xf32, #tpu.memory_space<vmem>>, vector<16xf32>,
      %get3A_590 = arith.index_cast %add3A_586 : i32 to index
      %get3A_591 = tpu.vector_load %arg15[%get3A_590] {strides = array<i32>} : memref<1792xi32, #tpu.memory_space<vmem>>, vector<16xi32>,
      %gather3A = tpu.vector_load_idx %arg7[%get3A_587] : memref<50176xf32, #tpu.memory_space<vmem>>[vector<16xi32>], vector<16xf32>,
      %mul3A_592 = arith.mulf %gather3A, %get3A_589 : vector<16xf32>
      tpu.vector_store_idx %arg8[%get3A_591], %mul3A_592 {add = true} : memref<50176xf32, #tpu.memory_space<vmem>>[vector<16xi32>], vector<16xf32>,
      %mul3A_593 = arith.constant 64 : i32
      %mul3A_594 = arith.muli %scan3A_581, %mul3A_593 : i32
      %add3A_595 = arith.constant 16 : i32
      %add3A_596 = arith.addi %mul3A_594, %add3A_595 : i32
      %get3A_597 = arith.index_cast %add3A_596 : i32 to index
      %get3A_598 = tpu.vector_load %arg11[%get3A_597] {strides = array<i32>} : memref<1792xi32, #tpu.memory_space<vmem>>, vector<16xi32>,
      %get3A_599 = arith.index_cast %add3A_596 : i32 to index
      %get3A_600 = tpu.vector_load %arg13[%get3A_599] {strides = array<i32>} : memref<1792xf32, #tpu.memory_space<vmem>>, vector<16xf32>,
      %get3A_601 = arith.index_cast %add3A_596 : i32 to index
      %get3A_602 = tpu.vector_load %arg15[%get3A_601] {strides = array<i32>} : memref<1792xi32, #tpu.memory_space<vmem>>, vector<16xi32>,
      %gather3A_603 = tpu.vector_load_idx %arg7[%get3A_598] : memref<50176xf32, #tpu.memory_space<vmem>>[vector<16xi32>], vector<16xf32>,
      %mul3A_604 = arith.mulf %gather3A_603, %get3A_600 : vector<16xf32>
      tpu.vector_store_idx %arg8[%get3A_602], %mul3A_604 {add = true} : memref<50176xf32, #tpu.memory_space<vmem>>[vector<16xi32>], vector<16xf32>,
      %mul3A_605 = arith.constant 64 : i32
      %mul3A_606 = arith.muli %scan3A_581, %mul3A_605 : i32
      %add3A_607 = arith.constant 32 : i32
      %add3A_608 = arith.addi %mul3A_606, %add3A_607 : i32
      %get3A_609 = arith.index_cast %add3A_608 : i32 to index
      %get3A_610 = tpu.vector_load %arg11[%get3A_609] {strides = array<i32>} : memref<1792xi32, #tpu.memory_space<vmem>>, vector<16xi32>,
      %get3A_611 = arith.index_cast %add3A_608 : i32 to index
      %get3A_612 = tpu.vector_load %arg13[%get3A_611] {strides = array<i32>} : memref<1792xf32, #tpu.memory_space<vmem>>, vector<16xf32>,
      %get3A_613 = arith.index_cast %add3A_608 : i32 to index
      %get3A_614 = tpu.vector_load %arg15[%get3A_613] {strides = array<i32>} : memref<1792xi32, #tpu.memory_space<vmem>>, vector<16xi32>,
      %gather3A_615 = tpu.vector_load_idx %arg7[%get3A_610] : memref<50176xf32, #tpu.memory_space<vmem>>[vector<16xi32>], vector<16xf32>,
      %mul3A_616 = arith.mulf %gather3A_615, %get3A_612 : vector<16xf32>
      tpu.vector_store_idx %arg8[%get3A_614], %mul3A_616 {add = true} : memref<50176xf32, #tpu.memory_space<vmem>>[vector<16xi32>], vector<16xf32>,
      %mul3A_617 = arith.constant 64 : i32
      %mul3A_618 = arith.muli %scan3A_581, %mul3A_617 : i32
      %add3A_619 = arith.constant 48 : i32
      %add3A_620 = arith.addi %mul3A_618, %add3A_619 : i32
      %get3A_621 = arith.index_cast %add3A_620 : i32 to index
      %get3A_622 = tpu.vector_load %arg11[%get3A_621] {strides = array<i32>} : memref<1792xi32, #tpu.memory_space<vmem>>, vector<16xi32>,
      %get3A_623 = arith.index_cast %add3A_620 : i32 to index
      %get3A_624 = tpu.vector_load %arg13[%get3A_623] {strides = array<i32>} : memref<1792xf32, #tpu.memory_space<vmem>>, vector<16xf32>,
      %get3A_625 = arith.index_cast %add3A_620 : i32 to index
      %get3A_626 = tpu.vector_load %arg15[%get3A_625] {strides = array<i32>} : memref<1792xi32, #tpu.memory_space<vmem>>, vector<16xi32>,
      %gather3A_627 = tpu.vector_load_idx %arg7[%get3A_622] : memref<50176xf32, #tpu.memory_space<vmem>>[vector<16xi32>], vector<16xf32>,
      %mul3A_628 = arith.mulf %gather3A_627, %get3A_624 : vector<16xf32>
      tpu.vector_store_idx %arg8[%get3A_626], %mul3A_628 {add = true} : memref<50176xf32, #tpu.memory_space<vmem>>[vector<16xi32>], vector<16xf32>,
      %scan3A_629 = arith.constant 0 : i32
      scf.yield %scan3A_629 : i32
    }
    %scan3A_556 = arith.constant 28 : i32
    %dma_wait3A_557 = arith.constant 1 : i32
    %dma_wait3A_558 = tpu.memref_slice %arg3[%add3A_519] : memref<802816xi32, #tpu.memory_space<hbm>> -> memref<1792xi32, #tpu.memory_space<hbm>>
    %dma_wait3A_559 = tpu.memref_slice %arg10[%dma_wait3A_557] : memref<2x!tpu.dma_semaphore, #tpu.memory_space<semaphore_mem>> -> memref<1x!tpu.dma_semaphore, #tpu.memory_space<semaphore_mem>>
    %dma_wait3A_560 = tpu.memref_squeeze %dma_wait3A_559 : memref<1x!tpu.dma_semaphore, #tpu.memory_space<semaphore_mem>> -> memref<!tpu.dma_semaphore, #tpu.memory_space<semaphore_mem>>
    %dma_wait3A_561 = tpu.memref_slice %arg3[%add3A_519] : memref<802816xi32, #tpu.memory_space<hbm>> -> memref<1792xi32, #tpu.memory_space<hbm>>
    tpu.wait_dma2 semaphore(%dma_wait3A_560 : memref<!tpu.dma_semaphore, #tpu.memory_space<semaphore_mem>>) src(%dma_wait3A_561 : memref<1792xi32, #tpu.memory_space<hbm>>) dst(%arg12 : memref<1792xi32, #tpu.memory_space<vmem>>)
    %dma_wait3A_562 = arith.constant 1 : i32
    %dma_wait3A_563 = tpu.memref_slice %arg4[%add3A_519] : memref<802816xf32, #tpu.memory_space<hbm>> -> memref<1792xf32, #tpu.memory_space<hbm>>
    %dma_wait3A_564 = tpu.memref_slice %arg10[%dma_wait3A_562] : memref<2x!tpu.dma_semaphore, #tpu.memory_space<semaphore_mem>> -> memref<1x!tpu.dma_semaphore, #tpu.memory_space<semaphore_mem>>
    %dma_wait3A_565 = tpu.memref_squeeze %dma_wait3A_564 : memref<1x!tpu.dma_semaphore, #tpu.memory_space<semaphore_mem>> -> memref<!tpu.dma_semaphore, #tpu.memory_space<semaphore_mem>>
    %dma_wait3A_566 = tpu.memref_slice %arg4[%add3A_519] : memref<802816xf32, #tpu.memory_space<hbm>> -> memref<1792xf32, #tpu.memory_space<hbm>>
    tpu.wait_dma2 semaphore(%dma_wait3A_565 : memref<!tpu.dma_semaphore, #tpu.memory_space<semaphore_mem>>) src(%dma_wait3A_566 : memref<1792xf32, #tpu.memory_space<hbm>>) dst(%arg14 : memref<1792xf32, #tpu.memory_space<vmem>>)
    %dma_wait3A_567 = arith.constant 1 : i32
    %dma_wait3A_568 = tpu.memref_slice %arg5[%add3A_519] : memref<802816xi32, #tpu.memory_space<hbm>> -> memref<1792xi32, #tpu.memory_space<hbm>>
    %dma_wait3A_569 = tpu.memref_slice %arg10[%dma_wait3A_567] : memref<2x!tpu.dma_semaphore, #tpu.memory_space<semaphore_mem>> -> memref<1x!tpu.dma_semaphore, #tpu.memory_space<semaphore_mem>>
    %dma_wait3A_570 = tpu.memref_squeeze %dma_wait3A_569 : memref<1x!tpu.dma_semaphore, #tpu.memory_space<semaphore_mem>> -> memref<!tpu.dma_semaphore, #tpu.memory_space<semaphore_mem>>
    %dma_wait3A_571 = tpu.memref_slice %arg5[%add3A_519] : memref<802816xi32, #tpu.memory_space<hbm>> -> memref<1792xi32, #tpu.memory_space<hbm>>
    tpu.wait_dma2 semaphore(%dma_wait3A_570 : memref<!tpu.dma_semaphore, #tpu.memory_space<semaphore_mem>>) src(%dma_wait3A_571 : memref<1792xi32, #tpu.memory_space<hbm>>) dst(%arg16 : memref<1792xi32, #tpu.memory_space<vmem>>)
    %scan3A_572 = arith.constant 0 : i32
    %scan3A_573 = arith.constant 0 : i32
    %scan3A_574 = arith.constant 28 : i32
    %scan3A_575 = arith.addi %scan3A_573, %scan3A_574 : i32
    %scan3A_576 = arith.constant 1 : i32
    %scan3A_577 = scf.for %scan3A_581 = %scan3A_573 to %scan3A_575 step %scan3A_576 iter_args(%scan3A_582 = %scan3A_572) -> (i32)  : i32 {
      %mul3A_583 = arith.constant 64 : i32
      %mul3A_584 = arith.muli %scan3A_581, %mul3A_583 : i32
      %add3A_585 = arith.constant 0 : i32
      %add3A_586 = arith.addi %mul3A_584, %add3A_585 : i32
      %get3A = arith.index_cast %add3A_586 : i32 to index
      %get3A_587 = tpu.vector_load %arg12[%get3A] {strides = array<i32>} : memref<1792xi32, #tpu.memory_space<vmem>>, vector<16xi32>,
      %get3A_588 = arith.index_cast %add3A_586 : i32 to index
      %get3A_589 = tpu.vector_load %arg14[%get3A_588] {strides = array<i32>} : memref<1792xf32, #tpu.memory_space<vmem>>, vector<16xf32>,
      %get3A_590 = arith.index_cast %add3A_586 : i32 to index
      %get3A_591 = tpu.vector_load %arg16[%get3A_590] {strides = array<i32>} : memref<1792xi32, #tpu.memory_space<vmem>>, vector<16xi32>,
      %gather3A = tpu.vector_load_idx %arg7[%get3A_587] : memref<50176xf32, #tpu.memory_space<vmem>>[vector<16xi32>], vector<16xf32>,
      %mul3A_592 = arith.mulf %gather3A, %get3A_589 : vector<16xf32>
      tpu.vector_store_idx %arg8[%get3A_591], %mul3A_592 {add = true} : memref<50176xf32, #tpu.memory_space<vmem>>[vector<16xi32>], vector<16xf32>,
      %mul3A_593 = arith.constant 64 : i32
      %mul3A_594 = arith.muli %scan3A_581, %mul3A_593 : i32
      %add3A_595 = arith.constant 16 : i32
      %add3A_596 = arith.addi %mul3A_594, %add3A_595 : i32
      %get3A_597 = arith.index_cast %add3A_596 : i32 to index
      %get3A_598 = tpu.vector_load %arg12[%get3A_597] {strides = array<i32>} : memref<1792xi32, #tpu.memory_space<vmem>>, vector<16xi32>,
      %get3A_599 = arith.index_cast %add3A_596 : i32 to index
      %get3A_600 = tpu.vector_load %arg14[%get3A_599] {strides = array<i32>} : memref<1792xf32, #tpu.memory_space<vmem>>, vector<16xf32>,
      %get3A_601 = arith.index_cast %add3A_596 : i32 to index
      %get3A_602 = tpu.vector_load %arg16[%get3A_601] {strides = array<i32>} : memref<1792xi32, #tpu.memory_space<vmem>>, vector<16xi32>,
      %gather3A_603 = tpu.vector_load_idx %arg7[%get3A_598] : memref<50176xf32, #tpu.memory_space<vmem>>[vector<16xi32>], vector<16xf32>,
      %mul3A_604 = arith.mulf %gather3A_603, %get3A_600 : vector<16xf32>
      tpu.vector_store_idx %arg8[%get3A_602], %mul3A_604 {add = true} : memref<50176xf32, #tpu.memory_space<vmem>>[vector<16xi32>], vector<16xf32>,
      %mul3A_605 = arith.constant 64 : i32
      %mul3A_606 = arith.muli %scan3A_581, %mul3A_605 : i32
      %add3A_607 = arith.constant 32 : i32
      %add3A_608 = arith.addi %mul3A_606, %add3A_607 : i32
      %get3A_609 = arith.index_cast %add3A_608 : i32 to index
      %get3A_610 = tpu.vector_load %arg12[%get3A_609] {strides = array<i32>} : memref<1792xi32, #tpu.memory_space<vmem>>, vector<16xi32>,
      %get3A_611 = arith.index_cast %add3A_608 : i32 to index
      %get3A_612 = tpu.vector_load %arg14[%get3A_611] {strides = array<i32>} : memref<1792xf32, #tpu.memory_space<vmem>>, vector<16xf32>,
      %get3A_613 = arith.index_cast %add3A_608 : i32 to index
      %get3A_614 = tpu.vector_load %arg16[%get3A_613] {strides = array<i32>} : memref<1792xi32, #tpu.memory_space<vmem>>, vector<16xi32>,
      %gather3A_615 = tpu.vector_load_idx %arg7[%get3A_610] : memref<50176xf32, #tpu.memory_space<vmem>>[vector<16xi32>], vector<16xf32>,
      %mul3A_616 = arith.mulf %gather3A_615, %get3A_612 : vector<16xf32>
      tpu.vector_store_idx %arg8[%get3A_614], %mul3A_616 {add = true} : memref<50176xf32, #tpu.memory_space<vmem>>[vector<16xi32>], vector<16xf32>,
      %mul3A_617 = arith.constant 64 : i32
      %mul3A_618 = arith.muli %scan3A_581, %mul3A_617 : i32
      %add3A_619 = arith.constant 48 : i32
      %add3A_620 = arith.addi %mul3A_618, %add3A_619 : i32
      %get3A_621 = arith.index_cast %add3A_620 : i32 to index
      %get3A_622 = tpu.vector_load %arg12[%get3A_621] {strides = array<i32>} : memref<1792xi32, #tpu.memory_space<vmem>>, vector<16xi32>,
      %get3A_623 = arith.index_cast %add3A_620 : i32 to index
      %get3A_624 = tpu.vector_load %arg14[%get3A_623] {strides = array<i32>} : memref<1792xf32, #tpu.memory_space<vmem>>, vector<16xf32>,
      %get3A_625 = arith.index_cast %add3A_620 : i32 to index
      %get3A_626 = tpu.vector_load %arg16[%get3A_625] {strides = array<i32>} : memref<1792xi32, #tpu.memory_space<vmem>>, vector<16xi32>,
      %gather3A_627 = tpu.vector_load_idx %arg7[%get3A_622] : memref<50176xf32, #tpu.memory_space<vmem>>[vector<16xi32>], vector<16xf32>,
      %mul3A_628 = arith.mulf %gather3A_627, %get3A_624 : vector<16xf32>
      tpu.vector_store_idx %arg8[%get3A_626], %mul3A_628 {add = true} : memref<50176xf32, #tpu.memory_space<vmem>>[vector<16xi32>], vector<16xf32>,
      %scan3A_629 = arith.constant 0 : i32
      scf.yield %scan3A_629 : i32
    }
    %scan3A_578 = arith.constant 28 : i32
    %mul3A_579 = arith.constant 50176 : i32
    %mul3A_580 = arith.muli %add3A, %mul3A_579 : i32
    "tpu.region"() ({
      %run_scoped3A = tpu.sem_alloc : memref<!tpu.dma_semaphore, #tpu.memory_space<semaphore_mem>>
      %dma_start3A_581 = tpu.memref_slice %arg6[%mul3A_580] : memref<1605632xf32, #tpu.memory_space<hbm>> -> memref<50176xf32, #tpu.memory_space<hbm>>
      %dma_start3A_582 = tpu.memref_slice %arg6[%mul3A_580] : memref<1605632xf32, #tpu.memory_space<hbm>> -> memref<50176xf32, #tpu.memory_space<hbm>>
      tpu.enqueue_dma source(%arg8 : memref<50176xf32, #tpu.memory_space<vmem>>) target(%dma_start3A_582 : memref<50176xf32, #tpu.memory_space<hbm>>) target_semaphore(%run_scoped3A : memref<!tpu.dma_semaphore, #tpu.memory_space<semaphore_mem>>)
      %dma_wait3A_583 = tpu.memref_slice %arg6[%mul3A_580] : memref<1605632xf32, #tpu.memory_space<hbm>> -> memref<50176xf32, #tpu.memory_space<hbm>>
      %dma_wait3A_584 = tpu.memref_slice %arg6[%mul3A_580] : memref<1605632xf32, #tpu.memory_space<hbm>> -> memref<50176xf32, #tpu.memory_space<hbm>>
      tpu.wait_dma2 semaphore(%run_scoped3A : memref<!tpu.dma_semaphore, #tpu.memory_space<semaphore_mem>>) src(%arg8 : memref<50176xf32, #tpu.memory_space<vmem>>) dst(%dma_wait3A_584 : memref<50176xf32, #tpu.memory_space<hbm>>)
      tpu.yield
    }) : () -> ()
    return
  }
}

#map = affine_map<(d0, d1) -> (0)>
module attributes {stable_mosaic.version = 14 : i64} {
  func.func @_seg_body(%arg0: i32, %arg1: i32, %arg2: memref<50176xf32, #tpu.memory_space<hbm>>, %arg3: memref<802816xi32, #tpu.memory_space<hbm>>, %arg4: memref<802816xf32, #tpu.memory_space<hbm>>, %arg5: memref<802816xi32, #tpu.memory_space<hbm>>, %arg6: memref<1605632xf32, #tpu.memory_space<hbm>>, %arg7: memref<50176xf32, #tpu.memory_space<vmem>>, %arg8: memref<50176xf32, #tpu.memory_space<vmem>>, %arg9: memref<!tpu.dma_semaphore, #tpu.memory_space<semaphore_mem>>, %arg10: memref<2x!tpu.dma_semaphore, #tpu.memory_space<semaphore_mem>>, %arg11: memref<1792xi32, #tpu.memory_space<vmem>>, %arg12: memref<1792xi32, #tpu.memory_space<vmem>>, %arg13: memref<1792xf32, #tpu.memory_space<vmem>>, %arg14: memref<1792xf32, #tpu.memory_space<vmem>>, %arg15: memref<1792xi32, #tpu.memory_space<vmem>>, %arg16: memref<1792xi32, #tpu.memory_space<vmem>>) attributes {dimension_semantics = [#tpu.dimension_semantics<core_parallel>, #tpu.dimension_semantics<subcore_parallel>], iteration_bounds = array<i64: 2, 16>, scalar_prefetch = 0 : i64, scratch_operands = 10 : i64, tpu.core_type = #tpu.core_type<sc_vector_subcore>, window_params = [{transform_indices = #map}, {transform_indices = #map}, {transform_indices = #map}, {transform_indices = #map}, {transform_indices = #map}]} {
    %mul3A = arith.constant 16 : i32
    %mul3A_0 = arith.muli %arg0, %mul3A : i32
    %add3A = arith.addi %mul3A_0, %arg1 : i32
    tpu.enqueue_dma source(%arg2 : memref<50176xf32, #tpu.memory_space<hbm>>) target(%arg7 : memref<50176xf32, #tpu.memory_space<vmem>>) target_semaphore(%arg9 : memref<!tpu.dma_semaphore, #tpu.memory_space<semaphore_mem>>)
    %scan3A = arith.constant 0 : i32
    %scan3A_1 = arith.constant 0 : i32
    %scan3A_2 = arith.constant 784 : i32
    %scan3A_3 = arith.addi %scan3A_1, %scan3A_2 : i32
    %scan3A_4 = arith.constant 1 : i32
    %scan3A_5 = scf.for %scan3A_581 = %scan3A_1 to %scan3A_3 step %scan3A_4 iter_args(%scan3A_582 = %scan3A) -> (i32)  : i32 {
      %broadcast_in_dim3A = arith.constant 0.000000e+00 : f32
      %broadcast_in_dim3A_583 = vector.broadcast %broadcast_in_dim3A : f32 to vector<16xf32>
      %mul3A_584 = arith.constant 64 : i32
      %mul3A_585 = arith.muli %scan3A_581, %mul3A_584 : i32
      %add3A_586 = arith.constant 0 : i32
      %add3A_587 = arith.addi %mul3A_585, %add3A_586 : i32
      %swap3A = arith.index_cast %add3A_587 : i32 to index
      %swap3A_588 = tpu.vector_load %arg8[%swap3A] {strides = array<i32>} : memref<50176xf32, #tpu.memory_space<vmem>>, vector<16xf32>,
      tpu.vector_store %arg8[%swap3A], %broadcast_in_dim3A_583 {strides = array<i32>} : memref<50176xf32, #tpu.memory_space<vmem>>, vector<16xf32>,
      %broadcast_in_dim3A_589 = arith.constant 0.000000e+00 : f32
      %broadcast_in_dim3A_590 = vector.broadcast %broadcast_in_dim3A_589 : f32 to vector<16xf32>
      %mul3A_591 = arith.constant 64 : i32
      %mul3A_592 = arith.muli %scan3A_581, %mul3A_591 : i32
      %add3A_593 = arith.constant 16 : i32
      %add3A_594 = arith.addi %mul3A_592, %add3A_593 : i32
      %swap3A_595 = arith.index_cast %add3A_594 : i32 to index
      %swap3A_596 = tpu.vector_load %arg8[%swap3A_595] {strides = array<i32>} : memref<50176xf32, #tpu.memory_space<vmem>>, vector<16xf32>,
      tpu.vector_store %arg8[%swap3A_595], %broadcast_in_dim3A_590 {strides = array<i32>} : memref<50176xf32, #tpu.memory_space<vmem>>, vector<16xf32>,
      %broadcast_in_dim3A_597 = arith.constant 0.000000e+00 : f32
      %broadcast_in_dim3A_598 = vector.broadcast %broadcast_in_dim3A_597 : f32 to vector<16xf32>
      %mul3A_599 = arith.constant 64 : i32
      %mul3A_600 = arith.muli %scan3A_581, %mul3A_599 : i32
      %add3A_601 = arith.constant 32 : i32
      %add3A_602 = arith.addi %mul3A_600, %add3A_601 : i32
      %swap3A_603 = arith.index_cast %add3A_602 : i32 to index
      %swap3A_604 = tpu.vector_load %arg8[%swap3A_603] {strides = array<i32>} : memref<50176xf32, #tpu.memory_space<vmem>>, vector<16xf32>,
      tpu.vector_store %arg8[%swap3A_603], %broadcast_in_dim3A_598 {strides = array<i32>} : memref<50176xf32, #tpu.memory_space<vmem>>, vector<16xf32>,
      %broadcast_in_dim3A_605 = arith.constant 0.000000e+00 : f32
      %broadcast_in_dim3A_606 = vector.broadcast %broadcast_in_dim3A_605 : f32 to vector<16xf32>
      %mul3A_607 = arith.constant 64 : i32
      %mul3A_608 = arith.muli %scan3A_581, %mul3A_607 : i32
      %add3A_609 = arith.constant 48 : i32
      %add3A_610 = arith.addi %mul3A_608, %add3A_609 : i32
      %swap3A_611 = arith.index_cast %add3A_610 : i32 to index
      %swap3A_612 = tpu.vector_load %arg8[%swap3A_611] {strides = array<i32>} : memref<50176xf32, #tpu.memory_space<vmem>>, vector<16xf32>,
      tpu.vector_store %arg8[%swap3A_611], %broadcast_in_dim3A_606 {strides = array<i32>} : memref<50176xf32, #tpu.memory_space<vmem>>, vector<16xf32>,
      %scan3A_613 = arith.constant 0 : i32
      scf.yield %scan3A_613 : i32
    }
    %scan3A_6 = arith.constant 784 : i32
    tpu.wait_dma2 semaphore(%arg9 : memref<!tpu.dma_semaphore, #tpu.memory_space<semaphore_mem>>) src(%arg2 : memref<50176xf32, #tpu.memory_space<hbm>>) dst(%arg7 : memref<50176xf32, #tpu.memory_space<vmem>>)
    %mul3A_7 = arith.constant 25088 : i32
    %mul3A_8 = arith.muli %add3A, %mul3A_7 : i32
    %add3A_9 = arith.constant 0 : i32
    %add3A_10 = arith.addi %mul3A_8, %add3A_9 : i32
    %dma_start3A = arith.constant 0 : i32
    %dma_start3A_11 = tpu.memref_slice %arg3[%add3A_10] : memref<802816xi32, #tpu.memory_space<hbm>> -> memref<1792xi32, #tpu.memory_space<hbm>>
    %dma_start3A_12 = tpu.memref_slice %arg10[%dma_start3A] : memref<2x!tpu.dma_semaphore, #tpu.memory_space<semaphore_mem>> -> memref<1x!tpu.dma_semaphore, #tpu.memory_space<semaphore_mem>>
    %dma_start3A_13 = tpu.memref_squeeze %dma_start3A_12 : memref<1x!tpu.dma_semaphore, #tpu.memory_space<semaphore_mem>> -> memref<!tpu.dma_semaphore, #tpu.memory_space<semaphore_mem>>
    %dma_start3A_14 = tpu.memref_slice %arg3[%add3A_10] : memref<802816xi32, #tpu.memory_space<hbm>> -> memref<1792xi32, #tpu.memory_space<hbm>>
    tpu.enqueue_dma source(%dma_start3A_14 : memref<1792xi32, #tpu.memory_space<hbm>>) target(%arg11 : memref<1792xi32, #tpu.memory_space<vmem>>) target_semaphore(%dma_start3A_13 : memref<!tpu.dma_semaphore, #tpu.memory_space<semaphore_mem>>)
    %dma_start3A_15 = arith.constant 0 : i32
    %dma_start3A_16 = tpu.memref_slice %arg4[%add3A_10] : memref<802816xf32, #tpu.memory_space<hbm>> -> memref<1792xf32, #tpu.memory_space<hbm>>
    %dma_start3A_17 = tpu.memref_slice %arg10[%dma_start3A_15] : memref<2x!tpu.dma_semaphore, #tpu.memory_space<semaphore_mem>> -> memref<1x!tpu.dma_semaphore, #tpu.memory_space<semaphore_mem>>
    %dma_start3A_18 = tpu.memref_squeeze %dma_start3A_17 : memref<1x!tpu.dma_semaphore, #tpu.memory_space<semaphore_mem>> -> memref<!tpu.dma_semaphore, #tpu.memory_space<semaphore_mem>>
    %dma_start3A_19 = tpu.memref_slice %arg4[%add3A_10] : memref<802816xf32, #tpu.memory_space<hbm>> -> memref<1792xf32, #tpu.memory_space<hbm>>
    tpu.enqueue_dma source(%dma_start3A_19 : memref<1792xf32, #tpu.memory_space<hbm>>) target(%arg13 : memref<1792xf32, #tpu.memory_space<vmem>>) target_semaphore(%dma_start3A_18 : memref<!tpu.dma_semaphore, #tpu.memory_space<semaphore_mem>>)
    %dma_start3A_20 = arith.constant 0 : i32
    %dma_start3A_21 = tpu.memref_slice %arg5[%add3A_10] : memref<802816xi32, #tpu.memory_space<hbm>> -> memref<1792xi32, #tpu.memory_space<hbm>>
    %dma_start3A_22 = tpu.memref_slice %arg10[%dma_start3A_20] : memref<2x!tpu.dma_semaphore, #tpu.memory_space<semaphore_mem>> -> memref<1x!tpu.dma_semaphore, #tpu.memory_space<semaphore_mem>>
    %dma_start3A_23 = tpu.memref_squeeze %dma_start3A_22 : memref<1x!tpu.dma_semaphore, #tpu.memory_space<semaphore_mem>> -> memref<!tpu.dma_semaphore, #tpu.memory_space<semaphore_mem>>
    %dma_start3A_24 = tpu.memref_slice %arg5[%add3A_10] : memref<802816xi32, #tpu.memory_space<hbm>> -> memref<1792xi32, #tpu.memory_space<hbm>>
    tpu.enqueue_dma source(%dma_start3A_24 : memref<1792xi32, #tpu.memory_space<hbm>>) target(%arg15 : memref<1792xi32, #tpu.memory_space<vmem>>) target_semaphore(%dma_start3A_23 : memref<!tpu.dma_semaphore, #tpu.memory_space<semaphore_mem>>)
    %mul3A_25 = arith.constant 25088 : i32
    %mul3A_26 = arith.muli %add3A, %mul3A_25 : i32
    %add3A_27 = arith.constant 1792 : i32
    %add3A_28 = arith.addi %mul3A_26, %add3A_27 : i32
    %dma_start3A_29 = arith.constant 1 : i32
    %dma_start3A_30 = tpu.memref_slice %arg3[%add3A_28] : memref<802816xi32, #tpu.memory_space<hbm>> -> memref<1792xi32, #tpu.memory_space<hbm>>
    %dma_start3A_31 = tpu.memref_slice %arg10[%dma_start3A_29] : memref<2x!tpu.dma_semaphore, #tpu.memory_space<semaphore_mem>> -> memref<1x!tpu.dma_semaphore, #tpu.memory_space<semaphore_mem>>
    %dma_start3A_32 = tpu.memref_squeeze %dma_start3A_31 : memref<1x!tpu.dma_semaphore, #tpu.memory_space<semaphore_mem>> -> memref<!tpu.dma_semaphore, #tpu.memory_space<semaphore_mem>>
    %dma_start3A_33 = tpu.memref_slice %arg3[%add3A_28] : memref<802816xi32, #tpu.memory_space<hbm>> -> memref<1792xi32, #tpu.memory_space<hbm>>
    tpu.enqueue_dma source(%dma_start3A_33 : memref<1792xi32, #tpu.memory_space<hbm>>) target(%arg12 : memref<1792xi32, #tpu.memory_space<vmem>>) target_semaphore(%dma_start3A_32 : memref<!tpu.dma_semaphore, #tpu.memory_space<semaphore_mem>>)
    %dma_start3A_34 = arith.constant 1 : i32
    %dma_start3A_35 = tpu.memref_slice %arg4[%add3A_28] : memref<802816xf32, #tpu.memory_space<hbm>> -> memref<1792xf32, #tpu.memory_space<hbm>>
    %dma_start3A_36 = tpu.memref_slice %arg10[%dma_start3A_34] : memref<2x!tpu.dma_semaphore, #tpu.memory_space<semaphore_mem>> -> memref<1x!tpu.dma_semaphore, #tpu.memory_space<semaphore_mem>>
    %dma_start3A_37 = tpu.memref_squeeze %dma_start3A_36 : memref<1x!tpu.dma_semaphore, #tpu.memory_space<semaphore_mem>> -> memref<!tpu.dma_semaphore, #tpu.memory_space<semaphore_mem>>
    %dma_start3A_38 = tpu.memref_slice %arg4[%add3A_28] : memref<802816xf32, #tpu.memory_space<hbm>> -> memref<1792xf32, #tpu.memory_space<hbm>>
    tpu.enqueue_dma source(%dma_start3A_38 : memref<1792xf32, #tpu.memory_space<hbm>>) target(%arg14 : memref<1792xf32, #tpu.memory_space<vmem>>) target_semaphore(%dma_start3A_37 : memref<!tpu.dma_semaphore, #tpu.memory_space<semaphore_mem>>)
    %dma_start3A_39 = arith.constant 1 : i32
    %dma_start3A_40 = tpu.memref_slice %arg5[%add3A_28] : memref<802816xi32, #tpu.memory_space<hbm>> -> memref<1792xi32, #tpu.memory_space<hbm>>
    %dma_start3A_41 = tpu.memref_slice %arg10[%dma_start3A_39] : memref<2x!tpu.dma_semaphore, #tpu.memory_space<semaphore_mem>> -> memref<1x!tpu.dma_semaphore, #tpu.memory_space<semaphore_mem>>
    %dma_start3A_42 = tpu.memref_squeeze %dma_start3A_41 : memref<1x!tpu.dma_semaphore, #tpu.memory_space<semaphore_mem>> -> memref<!tpu.dma_semaphore, #tpu.memory_space<semaphore_mem>>
    %dma_start3A_43 = tpu.memref_slice %arg5[%add3A_28] : memref<802816xi32, #tpu.memory_space<hbm>> -> memref<1792xi32, #tpu.memory_space<hbm>>
    tpu.enqueue_dma source(%dma_start3A_43 : memref<1792xi32, #tpu.memory_space<hbm>>) target(%arg16 : memref<1792xi32, #tpu.memory_space<vmem>>) target_semaphore(%dma_start3A_42 : memref<!tpu.dma_semaphore, #tpu.memory_space<semaphore_mem>>)
    %dma_wait3A = arith.constant 0 : i32
    %dma_wait3A_44 = tpu.memref_slice %arg3[%add3A_10] : memref<802816xi32, #tpu.memory_space<hbm>> -> memref<1792xi32, #tpu.memory_space<hbm>>
    %dma_wait3A_45 = tpu.memref_slice %arg10[%dma_wait3A] : memref<2x!tpu.dma_semaphore, #tpu.memory_space<semaphore_mem>> -> memref<1x!tpu.dma_semaphore, #tpu.memory_space<semaphore_mem>>
    %dma_wait3A_46 = tpu.memref_squeeze %dma_wait3A_45 : memref<1x!tpu.dma_semaphore, #tpu.memory_space<semaphore_mem>> -> memref<!tpu.dma_semaphore, #tpu.memory_space<semaphore_mem>>
    %dma_wait3A_47 = tpu.memref_slice %arg3[%add3A_10] : memref<802816xi32, #tpu.memory_space<hbm>> -> memref<1792xi32, #tpu.memory_space<hbm>>
    tpu.wait_dma2 semaphore(%dma_wait3A_46 : memref<!tpu.dma_semaphore, #tpu.memory_space<semaphore_mem>>) src(%dma_wait3A_47 : memref<1792xi32, #tpu.memory_space<hbm>>) dst(%arg11 : memref<1792xi32, #tpu.memory_space<vmem>>)
    %dma_wait3A_48 = arith.constant 0 : i32
    %dma_wait3A_49 = tpu.memref_slice %arg4[%add3A_10] : memref<802816xf32, #tpu.memory_space<hbm>> -> memref<1792xf32, #tpu.memory_space<hbm>>
    %dma_wait3A_50 = tpu.memref_slice %arg10[%dma_wait3A_48] : memref<2x!tpu.dma_semaphore, #tpu.memory_space<semaphore_mem>> -> memref<1x!tpu.dma_semaphore, #tpu.memory_space<semaphore_mem>>
    %dma_wait3A_51 = tpu.memref_squeeze %dma_wait3A_50 : memref<1x!tpu.dma_semaphore, #tpu.memory_space<semaphore_mem>> -> memref<!tpu.dma_semaphore, #tpu.memory_space<semaphore_mem>>
    %dma_wait3A_52 = tpu.memref_slice %arg4[%add3A_10] : memref<802816xf32, #tpu.memory_space<hbm>> -> memref<1792xf32, #tpu.memory_space<hbm>>
    tpu.wait_dma2 semaphore(%dma_wait3A_51 : memref<!tpu.dma_semaphore, #tpu.memory_space<semaphore_mem>>) src(%dma_wait3A_52 : memref<1792xf32, #tpu.memory_space<hbm>>) dst(%arg13 : memref<1792xf32, #tpu.memory_space<vmem>>)
    %dma_wait3A_53 = arith.constant 0 : i32
    %dma_wait3A_54 = tpu.memref_slice %arg5[%add3A_10] : memref<802816xi32, #tpu.memory_space<hbm>> -> memref<1792xi32, #tpu.memory_space<hbm>>
    %dma_wait3A_55 = tpu.memref_slice %arg10[%dma_wait3A_53] : memref<2x!tpu.dma_semaphore, #tpu.memory_space<semaphore_mem>> -> memref<1x!tpu.dma_semaphore, #tpu.memory_space<semaphore_mem>>
    %dma_wait3A_56 = tpu.memref_squeeze %dma_wait3A_55 : memref<1x!tpu.dma_semaphore, #tpu.memory_space<semaphore_mem>> -> memref<!tpu.dma_semaphore, #tpu.memory_space<semaphore_mem>>
    %dma_wait3A_57 = tpu.memref_slice %arg5[%add3A_10] : memref<802816xi32, #tpu.memory_space<hbm>> -> memref<1792xi32, #tpu.memory_space<hbm>>
    tpu.wait_dma2 semaphore(%dma_wait3A_56 : memref<!tpu.dma_semaphore, #tpu.memory_space<semaphore_mem>>) src(%dma_wait3A_57 : memref<1792xi32, #tpu.memory_space<hbm>>) dst(%arg15 : memref<1792xi32, #tpu.memory_space<vmem>>)
    %scan3A_58 = arith.constant 0 : i32
    %scan3A_59 = arith.constant 0 : i32
    %scan3A_60 = arith.constant 28 : i32
    %scan3A_61 = arith.addi %scan3A_59, %scan3A_60 : i32
    %scan3A_62 = arith.constant 1 : i32
    %scan3A_63 = scf.for %scan3A_581 = %scan3A_59 to %scan3A_61 step %scan3A_62 iter_args(%scan3A_582 = %scan3A_58) -> (i32)  : i32 {
      %mul3A_583 = arith.constant 64 : i32
      %mul3A_584 = arith.muli %scan3A_581, %mul3A_583 : i32
      %add3A_585 = arith.constant 0 : i32
      %add3A_586 = arith.addi %mul3A_584, %add3A_585 : i32
      %get3A = arith.index_cast %add3A_586 : i32 to index
      %get3A_587 = tpu.vector_load %arg11[%get3A] {strides = array<i32>} : memref<1792xi32, #tpu.memory_space<vmem>>, vector<16xi32>,
      %get3A_588 = arith.index_cast %add3A_586 : i32 to index
      %get3A_589 = tpu.vector_load %arg13[%get3A_588] {strides = array<i32>} : memref<1792xf32, #tpu.memory_space<vmem>>, vector<16xf32>,
      %get3A_590 = arith.index_cast %add3A_586 : i32 to index
      %get3A_591 = tpu.vector_load %arg15[%get3A_590] {strides = array<i32>} : memref<1792xi32, #tpu.memory_space<vmem>>, vector<16xi32>,
      %gather3A = tpu.vector_load_idx %arg7[%get3A_587] : memref<50176xf32, #tpu.memory_space<vmem>>[vector<16xi32>], vector<16xf32>,
      %mul3A_592 = arith.mulf %gather3A, %get3A_589 : vector<16xf32>
      tpu.vector_store_idx %arg8[%get3A_591], %mul3A_592 {add = true} : memref<50176xf32, #tpu.memory_space<vmem>>[vector<16xi32>], vector<16xf32>,
      %mul3A_593 = arith.constant 64 : i32
      %mul3A_594 = arith.muli %scan3A_581, %mul3A_593 : i32
      %add3A_595 = arith.constant 16 : i32
      %add3A_596 = arith.addi %mul3A_594, %add3A_595 : i32
      %get3A_597 = arith.index_cast %add3A_596 : i32 to index
      %get3A_598 = tpu.vector_load %arg11[%get3A_597] {strides = array<i32>} : memref<1792xi32, #tpu.memory_space<vmem>>, vector<16xi32>,
      %get3A_599 = arith.index_cast %add3A_596 : i32 to index
      %get3A_600 = tpu.vector_load %arg13[%get3A_599] {strides = array<i32>} : memref<1792xf32, #tpu.memory_space<vmem>>, vector<16xf32>,
      %get3A_601 = arith.index_cast %add3A_596 : i32 to index
      %get3A_602 = tpu.vector_load %arg15[%get3A_601] {strides = array<i32>} : memref<1792xi32, #tpu.memory_space<vmem>>, vector<16xi32>,
      %gather3A_603 = tpu.vector_load_idx %arg7[%get3A_598] : memref<50176xf32, #tpu.memory_space<vmem>>[vector<16xi32>], vector<16xf32>,
      %mul3A_604 = arith.mulf %gather3A_603, %get3A_600 : vector<16xf32>
      tpu.vector_store_idx %arg8[%get3A_602], %mul3A_604 {add = true} : memref<50176xf32, #tpu.memory_space<vmem>>[vector<16xi32>], vector<16xf32>,
      %mul3A_605 = arith.constant 64 : i32
      %mul3A_606 = arith.muli %scan3A_581, %mul3A_605 : i32
      %add3A_607 = arith.constant 32 : i32
      %add3A_608 = arith.addi %mul3A_606, %add3A_607 : i32
      %get3A_609 = arith.index_cast %add3A_608 : i32 to index
      %get3A_610 = tpu.vector_load %arg11[%get3A_609] {strides = array<i32>} : memref<1792xi32, #tpu.memory_space<vmem>>, vector<16xi32>,
      %get3A_611 = arith.index_cast %add3A_608 : i32 to index
      %get3A_612 = tpu.vector_load %arg13[%get3A_611] {strides = array<i32>} : memref<1792xf32, #tpu.memory_space<vmem>>, vector<16xf32>,
      %get3A_613 = arith.index_cast %add3A_608 : i32 to index
      %get3A_614 = tpu.vector_load %arg15[%get3A_613] {strides = array<i32>} : memref<1792xi32, #tpu.memory_space<vmem>>, vector<16xi32>,
      %gather3A_615 = tpu.vector_load_idx %arg7[%get3A_610] : memref<50176xf32, #tpu.memory_space<vmem>>[vector<16xi32>], vector<16xf32>,
      %mul3A_616 = arith.mulf %gather3A_615, %get3A_612 : vector<16xf32>
      tpu.vector_store_idx %arg8[%get3A_614], %mul3A_616 {add = true} : memref<50176xf32, #tpu.memory_space<vmem>>[vector<16xi32>], vector<16xf32>,
      %mul3A_617 = arith.constant 64 : i32
      %mul3A_618 = arith.muli %scan3A_581, %mul3A_617 : i32
      %add3A_619 = arith.constant 48 : i32
      %add3A_620 = arith.addi %mul3A_618, %add3A_619 : i32
      %get3A_621 = arith.index_cast %add3A_620 : i32 to index
      %get3A_622 = tpu.vector_load %arg11[%get3A_621] {strides = array<i32>} : memref<1792xi32, #tpu.memory_space<vmem>>, vector<16xi32>,
      %get3A_623 = arith.index_cast %add3A_620 : i32 to index
      %get3A_624 = tpu.vector_load %arg13[%get3A_623] {strides = array<i32>} : memref<1792xf32, #tpu.memory_space<vmem>>, vector<16xf32>,
      %get3A_625 = arith.index_cast %add3A_620 : i32 to index
      %get3A_626 = tpu.vector_load %arg15[%get3A_625] {strides = array<i32>} : memref<1792xi32, #tpu.memory_space<vmem>>, vector<16xi32>,
      %gather3A_627 = tpu.vector_load_idx %arg7[%get3A_622] : memref<50176xf32, #tpu.memory_space<vmem>>[vector<16xi32>], vector<16xf32>,
      %mul3A_628 = arith.mulf %gather3A_627, %get3A_624 : vector<16xf32>
      tpu.vector_store_idx %arg8[%get3A_626], %mul3A_628 {add = true} : memref<50176xf32, #tpu.memory_space<vmem>>[vector<16xi32>], vector<16xf32>,
      %scan3A_629 = arith.constant 0 : i32
      scf.yield %scan3A_629 : i32
    }
    %scan3A_64 = arith.constant 28 : i32
    %mul3A_65 = arith.constant 25088 : i32
    %mul3A_66 = arith.muli %add3A, %mul3A_65 : i32
    %add3A_67 = arith.constant 3584 : i32
    %add3A_68 = arith.addi %mul3A_66, %add3A_67 : i32
    %dma_start3A_69 = arith.constant 0 : i32
    %dma_start3A_70 = tpu.memref_slice %arg3[%add3A_68] : memref<802816xi32, #tpu.memory_space<hbm>> -> memref<1792xi32, #tpu.memory_space<hbm>>
    %dma_start3A_71 = tpu.memref_slice %arg10[%dma_start3A_69] : memref<2x!tpu.dma_semaphore, #tpu.memory_space<semaphore_mem>> -> memref<1x!tpu.dma_semaphore, #tpu.memory_space<semaphore_mem>>
    %dma_start3A_72 = tpu.memref_squeeze %dma_start3A_71 : memref<1x!tpu.dma_semaphore, #tpu.memory_space<semaphore_mem>> -> memref<!tpu.dma_semaphore, #tpu.memory_space<semaphore_mem>>
    %dma_start3A_73 = tpu.memref_slice %arg3[%add3A_68] : memref<802816xi32, #tpu.memory_space<hbm>> -> memref<1792xi32, #tpu.memory_space<hbm>>
    tpu.enqueue_dma source(%dma_start3A_73 : memref<1792xi32, #tpu.memory_space<hbm>>) target(%arg11 : memref<1792xi32, #tpu.memory_space<vmem>>) target_semaphore(%dma_start3A_72 : memref<!tpu.dma_semaphore, #tpu.memory_space<semaphore_mem>>)
    %dma_start3A_74 = arith.constant 0 : i32
    %dma_start3A_75 = tpu.memref_slice %arg4[%add3A_68] : memref<802816xf32, #tpu.memory_space<hbm>> -> memref<1792xf32, #tpu.memory_space<hbm>>
    %dma_start3A_76 = tpu.memref_slice %arg10[%dma_start3A_74] : memref<2x!tpu.dma_semaphore, #tpu.memory_space<semaphore_mem>> -> memref<1x!tpu.dma_semaphore, #tpu.memory_space<semaphore_mem>>
    %dma_start3A_77 = tpu.memref_squeeze %dma_start3A_76 : memref<1x!tpu.dma_semaphore, #tpu.memory_space<semaphore_mem>> -> memref<!tpu.dma_semaphore, #tpu.memory_space<semaphore_mem>>
    %dma_start3A_78 = tpu.memref_slice %arg4[%add3A_68] : memref<802816xf32, #tpu.memory_space<hbm>> -> memref<1792xf32, #tpu.memory_space<hbm>>
    tpu.enqueue_dma source(%dma_start3A_78 : memref<1792xf32, #tpu.memory_space<hbm>>) target(%arg13 : memref<1792xf32, #tpu.memory_space<vmem>>) target_semaphore(%dma_start3A_77 : memref<!tpu.dma_semaphore, #tpu.memory_space<semaphore_mem>>)
    %dma_start3A_79 = arith.constant 0 : i32
    %dma_start3A_80 = tpu.memref_slice %arg5[%add3A_68] : memref<802816xi32, #tpu.memory_space<hbm>> -> memref<1792xi32, #tpu.memory_space<hbm>>
    %dma_start3A_81 = tpu.memref_slice %arg10[%dma_start3A_79] : memref<2x!tpu.dma_semaphore, #tpu.memory_space<semaphore_mem>> -> memref<1x!tpu.dma_semaphore, #tpu.memory_space<semaphore_mem>>
    %dma_start3A_82 = tpu.memref_squeeze %dma_start3A_81 : memref<1x!tpu.dma_semaphore, #tpu.memory_space<semaphore_mem>> -> memref<!tpu.dma_semaphore, #tpu.memory_space<semaphore_mem>>
    %dma_start3A_83 = tpu.memref_slice %arg5[%add3A_68] : memref<802816xi32, #tpu.memory_space<hbm>> -> memref<1792xi32, #tpu.memory_space<hbm>>
    tpu.enqueue_dma source(%dma_start3A_83 : memref<1792xi32, #tpu.memory_space<hbm>>) target(%arg15 : memref<1792xi32, #tpu.memory_space<vmem>>) target_semaphore(%dma_start3A_82 : memref<!tpu.dma_semaphore, #tpu.memory_space<semaphore_mem>>)
    %dma_wait3A_84 = arith.constant 1 : i32
    %dma_wait3A_85 = tpu.memref_slice %arg3[%add3A_28] : memref<802816xi32, #tpu.memory_space<hbm>> -> memref<1792xi32, #tpu.memory_space<hbm>>
    %dma_wait3A_86 = tpu.memref_slice %arg10[%dma_wait3A_84] : memref<2x!tpu.dma_semaphore, #tpu.memory_space<semaphore_mem>> -> memref<1x!tpu.dma_semaphore, #tpu.memory_space<semaphore_mem>>
    %dma_wait3A_87 = tpu.memref_squeeze %dma_wait3A_86 : memref<1x!tpu.dma_semaphore, #tpu.memory_space<semaphore_mem>> -> memref<!tpu.dma_semaphore, #tpu.memory_space<semaphore_mem>>
    %dma_wait3A_88 = tpu.memref_slice %arg3[%add3A_28] : memref<802816xi32, #tpu.memory_space<hbm>> -> memref<1792xi32, #tpu.memory_space<hbm>>
    tpu.wait_dma2 semaphore(%dma_wait3A_87 : memref<!tpu.dma_semaphore, #tpu.memory_space<semaphore_mem>>) src(%dma_wait3A_88 : memref<1792xi32, #tpu.memory_space<hbm>>) dst(%arg12 : memref<1792xi32, #tpu.memory_space<vmem>>)
    %dma_wait3A_89 = arith.constant 1 : i32
    %dma_wait3A_90 = tpu.memref_slice %arg4[%add3A_28] : memref<802816xf32, #tpu.memory_space<hbm>> -> memref<1792xf32, #tpu.memory_space<hbm>>
    %dma_wait3A_91 = tpu.memref_slice %arg10[%dma_wait3A_89] : memref<2x!tpu.dma_semaphore, #tpu.memory_space<semaphore_mem>> -> memref<1x!tpu.dma_semaphore, #tpu.memory_space<semaphore_mem>>
    %dma_wait3A_92 = tpu.memref_squeeze %dma_wait3A_91 : memref<1x!tpu.dma_semaphore, #tpu.memory_space<semaphore_mem>> -> memref<!tpu.dma_semaphore, #tpu.memory_space<semaphore_mem>>
    %dma_wait3A_93 = tpu.memref_slice %arg4[%add3A_28] : memref<802816xf32, #tpu.memory_space<hbm>> -> memref<1792xf32, #tpu.memory_space<hbm>>
    tpu.wait_dma2 semaphore(%dma_wait3A_92 : memref<!tpu.dma_semaphore, #tpu.memory_space<semaphore_mem>>) src(%dma_wait3A_93 : memref<1792xf32, #tpu.memory_space<hbm>>) dst(%arg14 : memref<1792xf32, #tpu.memory_space<vmem>>)
    %dma_wait3A_94 = arith.constant 1 : i32
    %dma_wait3A_95 = tpu.memref_slice %arg5[%add3A_28] : memref<802816xi32, #tpu.memory_space<hbm>> -> memref<1792xi32, #tpu.memory_space<hbm>>
    %dma_wait3A_96 = tpu.memref_slice %arg10[%dma_wait3A_94] : memref<2x!tpu.dma_semaphore, #tpu.memory_space<semaphore_mem>> -> memref<1x!tpu.dma_semaphore, #tpu.memory_space<semaphore_mem>>
    %dma_wait3A_97 = tpu.memref_squeeze %dma_wait3A_96 : memref<1x!tpu.dma_semaphore, #tpu.memory_space<semaphore_mem>> -> memref<!tpu.dma_semaphore, #tpu.memory_space<semaphore_mem>>
    %dma_wait3A_98 = tpu.memref_slice %arg5[%add3A_28] : memref<802816xi32, #tpu.memory_space<hbm>> -> memref<1792xi32, #tpu.memory_space<hbm>>
    tpu.wait_dma2 semaphore(%dma_wait3A_97 : memref<!tpu.dma_semaphore, #tpu.memory_space<semaphore_mem>>) src(%dma_wait3A_98 : memref<1792xi32, #tpu.memory_space<hbm>>) dst(%arg16 : memref<1792xi32, #tpu.memory_space<vmem>>)
    %scan3A_99 = arith.constant 0 : i32
    %scan3A_100 = arith.constant 0 : i32
    %scan3A_101 = arith.constant 28 : i32
    %scan3A_102 = arith.addi %scan3A_100, %scan3A_101 : i32
    %scan3A_103 = arith.constant 1 : i32
    %scan3A_104 = scf.for %scan3A_581 = %scan3A_100 to %scan3A_102 step %scan3A_103 iter_args(%scan3A_582 = %scan3A_99) -> (i32)  : i32 {
      %mul3A_583 = arith.constant 64 : i32
      %mul3A_584 = arith.muli %scan3A_581, %mul3A_583 : i32
      %add3A_585 = arith.constant 0 : i32
      %add3A_586 = arith.addi %mul3A_584, %add3A_585 : i32
      %get3A = arith.index_cast %add3A_586 : i32 to index
      %get3A_587 = tpu.vector_load %arg12[%get3A] {strides = array<i32>} : memref<1792xi32, #tpu.memory_space<vmem>>, vector<16xi32>,
      %get3A_588 = arith.index_cast %add3A_586 : i32 to index
      %get3A_589 = tpu.vector_load %arg14[%get3A_588] {strides = array<i32>} : memref<1792xf32, #tpu.memory_space<vmem>>, vector<16xf32>,
      %get3A_590 = arith.index_cast %add3A_586 : i32 to index
      %get3A_591 = tpu.vector_load %arg16[%get3A_590] {strides = array<i32>} : memref<1792xi32, #tpu.memory_space<vmem>>, vector<16xi32>,
      %gather3A = tpu.vector_load_idx %arg7[%get3A_587] : memref<50176xf32, #tpu.memory_space<vmem>>[vector<16xi32>], vector<16xf32>,
      %mul3A_592 = arith.mulf %gather3A, %get3A_589 : vector<16xf32>
      tpu.vector_store_idx %arg8[%get3A_591], %mul3A_592 {add = true} : memref<50176xf32, #tpu.memory_space<vmem>>[vector<16xi32>], vector<16xf32>,
      %mul3A_593 = arith.constant 64 : i32
      %mul3A_594 = arith.muli %scan3A_581, %mul3A_593 : i32
      %add3A_595 = arith.constant 16 : i32
      %add3A_596 = arith.addi %mul3A_594, %add3A_595 : i32
      %get3A_597 = arith.index_cast %add3A_596 : i32 to index
      %get3A_598 = tpu.vector_load %arg12[%get3A_597] {strides = array<i32>} : memref<1792xi32, #tpu.memory_space<vmem>>, vector<16xi32>,
      %get3A_599 = arith.index_cast %add3A_596 : i32 to index
      %get3A_600 = tpu.vector_load %arg14[%get3A_599] {strides = array<i32>} : memref<1792xf32, #tpu.memory_space<vmem>>, vector<16xf32>,
      %get3A_601 = arith.index_cast %add3A_596 : i32 to index
      %get3A_602 = tpu.vector_load %arg16[%get3A_601] {strides = array<i32>} : memref<1792xi32, #tpu.memory_space<vmem>>, vector<16xi32>,
      %gather3A_603 = tpu.vector_load_idx %arg7[%get3A_598] : memref<50176xf32, #tpu.memory_space<vmem>>[vector<16xi32>], vector<16xf32>,
      %mul3A_604 = arith.mulf %gather3A_603, %get3A_600 : vector<16xf32>
      tpu.vector_store_idx %arg8[%get3A_602], %mul3A_604 {add = true} : memref<50176xf32, #tpu.memory_space<vmem>>[vector<16xi32>], vector<16xf32>,
      %mul3A_605 = arith.constant 64 : i32
      %mul3A_606 = arith.muli %scan3A_581, %mul3A_605 : i32
      %add3A_607 = arith.constant 32 : i32
      %add3A_608 = arith.addi %mul3A_606, %add3A_607 : i32
      %get3A_609 = arith.index_cast %add3A_608 : i32 to index
      %get3A_610 = tpu.vector_load %arg12[%get3A_609] {strides = array<i32>} : memref<1792xi32, #tpu.memory_space<vmem>>, vector<16xi32>,
      %get3A_611 = arith.index_cast %add3A_608 : i32 to index
      %get3A_612 = tpu.vector_load %arg14[%get3A_611] {strides = array<i32>} : memref<1792xf32, #tpu.memory_space<vmem>>, vector<16xf32>,
      %get3A_613 = arith.index_cast %add3A_608 : i32 to index
      %get3A_614 = tpu.vector_load %arg16[%get3A_613] {strides = array<i32>} : memref<1792xi32, #tpu.memory_space<vmem>>, vector<16xi32>,
      %gather3A_615 = tpu.vector_load_idx %arg7[%get3A_610] : memref<50176xf32, #tpu.memory_space<vmem>>[vector<16xi32>], vector<16xf32>,
      %mul3A_616 = arith.mulf %gather3A_615, %get3A_612 : vector<16xf32>
      tpu.vector_store_idx %arg8[%get3A_614], %mul3A_616 {add = true} : memref<50176xf32, #tpu.memory_space<vmem>>[vector<16xi32>], vector<16xf32>,
      %mul3A_617 = arith.constant 64 : i32
      %mul3A_618 = arith.muli %scan3A_581, %mul3A_617 : i32
      %add3A_619 = arith.constant 48 : i32
      %add3A_620 = arith.addi %mul3A_618, %add3A_619 : i32
      %get3A_621 = arith.index_cast %add3A_620 : i32 to index
      %get3A_622 = tpu.vector_load %arg12[%get3A_621] {strides = array<i32>} : memref<1792xi32, #tpu.memory_space<vmem>>, vector<16xi32>,
      %get3A_623 = arith.index_cast %add3A_620 : i32 to index
      %get3A_624 = tpu.vector_load %arg14[%get3A_623] {strides = array<i32>} : memref<1792xf32, #tpu.memory_space<vmem>>, vector<16xf32>,
      %get3A_625 = arith.index_cast %add3A_620 : i32 to index
      %get3A_626 = tpu.vector_load %arg16[%get3A_625] {strides = array<i32>} : memref<1792xi32, #tpu.memory_space<vmem>>, vector<16xi32>,
      %gather3A_627 = tpu.vector_load_idx %arg7[%get3A_622] : memref<50176xf32, #tpu.memory_space<vmem>>[vector<16xi32>], vector<16xf32>,
      %mul3A_628 = arith.mulf %gather3A_627, %get3A_624 : vector<16xf32>
      tpu.vector_store_idx %arg8[%get3A_626], %mul3A_628 {add = true} : memref<50176xf32, #tpu.memory_space<vmem>>[vector<16xi32>], vector<16xf32>,
      %scan3A_629 = arith.constant 0 : i32
      scf.yield %scan3A_629 : i32
    }
    %scan3A_105 = arith.constant 28 : i32
    %mul3A_106 = arith.constant 25088 : i32
    %mul3A_107 = arith.muli %add3A, %mul3A_106 : i32
    %add3A_108 = arith.constant 5376 : i32
    %add3A_109 = arith.addi %mul3A_107, %add3A_108 : i32
    %dma_start3A_110 = arith.constant 1 : i32
    %dma_start3A_111 = tpu.memref_slice %arg3[%add3A_109] : memref<802816xi32, #tpu.memory_space<hbm>> -> memref<1792xi32, #tpu.memory_space<hbm>>
    %dma_start3A_112 = tpu.memref_slice %arg10[%dma_start3A_110] : memref<2x!tpu.dma_semaphore, #tpu.memory_space<semaphore_mem>> -> memref<1x!tpu.dma_semaphore, #tpu.memory_space<semaphore_mem>>
    %dma_start3A_113 = tpu.memref_squeeze %dma_start3A_112 : memref<1x!tpu.dma_semaphore, #tpu.memory_space<semaphore_mem>> -> memref<!tpu.dma_semaphore, #tpu.memory_space<semaphore_mem>>
    %dma_start3A_114 = tpu.memref_slice %arg3[%add3A_109] : memref<802816xi32, #tpu.memory_space<hbm>> -> memref<1792xi32, #tpu.memory_space<hbm>>
    tpu.enqueue_dma source(%dma_start3A_114 : memref<1792xi32, #tpu.memory_space<hbm>>) target(%arg12 : memref<1792xi32, #tpu.memory_space<vmem>>) target_semaphore(%dma_start3A_113 : memref<!tpu.dma_semaphore, #tpu.memory_space<semaphore_mem>>)
    %dma_start3A_115 = arith.constant 1 : i32
    %dma_start3A_116 = tpu.memref_slice %arg4[%add3A_109] : memref<802816xf32, #tpu.memory_space<hbm>> -> memref<1792xf32, #tpu.memory_space<hbm>>
    %dma_start3A_117 = tpu.memref_slice %arg10[%dma_start3A_115] : memref<2x!tpu.dma_semaphore, #tpu.memory_space<semaphore_mem>> -> memref<1x!tpu.dma_semaphore, #tpu.memory_space<semaphore_mem>>
    %dma_start3A_118 = tpu.memref_squeeze %dma_start3A_117 : memref<1x!tpu.dma_semaphore, #tpu.memory_space<semaphore_mem>> -> memref<!tpu.dma_semaphore, #tpu.memory_space<semaphore_mem>>
    %dma_start3A_119 = tpu.memref_slice %arg4[%add3A_109] : memref<802816xf32, #tpu.memory_space<hbm>> -> memref<1792xf32, #tpu.memory_space<hbm>>
    tpu.enqueue_dma source(%dma_start3A_119 : memref<1792xf32, #tpu.memory_space<hbm>>) target(%arg14 : memref<1792xf32, #tpu.memory_space<vmem>>) target_semaphore(%dma_start3A_118 : memref<!tpu.dma_semaphore, #tpu.memory_space<semaphore_mem>>)
    %dma_start3A_120 = arith.constant 1 : i32
    %dma_start3A_121 = tpu.memref_slice %arg5[%add3A_109] : memref<802816xi32, #tpu.memory_space<hbm>> -> memref<1792xi32, #tpu.memory_space<hbm>>
    %dma_start3A_122 = tpu.memref_slice %arg10[%dma_start3A_120] : memref<2x!tpu.dma_semaphore, #tpu.memory_space<semaphore_mem>> -> memref<1x!tpu.dma_semaphore, #tpu.memory_space<semaphore_mem>>
    %dma_start3A_123 = tpu.memref_squeeze %dma_start3A_122 : memref<1x!tpu.dma_semaphore, #tpu.memory_space<semaphore_mem>> -> memref<!tpu.dma_semaphore, #tpu.memory_space<semaphore_mem>>
    %dma_start3A_124 = tpu.memref_slice %arg5[%add3A_109] : memref<802816xi32, #tpu.memory_space<hbm>> -> memref<1792xi32, #tpu.memory_space<hbm>>
    tpu.enqueue_dma source(%dma_start3A_124 : memref<1792xi32, #tpu.memory_space<hbm>>) target(%arg16 : memref<1792xi32, #tpu.memory_space<vmem>>) target_semaphore(%dma_start3A_123 : memref<!tpu.dma_semaphore, #tpu.memory_space<semaphore_mem>>)
    %dma_wait3A_125 = arith.constant 0 : i32
    %dma_wait3A_126 = tpu.memref_slice %arg3[%add3A_68] : memref<802816xi32, #tpu.memory_space<hbm>> -> memref<1792xi32, #tpu.memory_space<hbm>>
    %dma_wait3A_127 = tpu.memref_slice %arg10[%dma_wait3A_125] : memref<2x!tpu.dma_semaphore, #tpu.memory_space<semaphore_mem>> -> memref<1x!tpu.dma_semaphore, #tpu.memory_space<semaphore_mem>>
    %dma_wait3A_128 = tpu.memref_squeeze %dma_wait3A_127 : memref<1x!tpu.dma_semaphore, #tpu.memory_space<semaphore_mem>> -> memref<!tpu.dma_semaphore, #tpu.memory_space<semaphore_mem>>
    %dma_wait3A_129 = tpu.memref_slice %arg3[%add3A_68] : memref<802816xi32, #tpu.memory_space<hbm>> -> memref<1792xi32, #tpu.memory_space<hbm>>
    tpu.wait_dma2 semaphore(%dma_wait3A_128 : memref<!tpu.dma_semaphore, #tpu.memory_space<semaphore_mem>>) src(%dma_wait3A_129 : memref<1792xi32, #tpu.memory_space<hbm>>) dst(%arg11 : memref<1792xi32, #tpu.memory_space<vmem>>)
    %dma_wait3A_130 = arith.constant 0 : i32
    %dma_wait3A_131 = tpu.memref_slice %arg4[%add3A_68] : memref<802816xf32, #tpu.memory_space<hbm>> -> memref<1792xf32, #tpu.memory_space<hbm>>
    %dma_wait3A_132 = tpu.memref_slice %arg10[%dma_wait3A_130] : memref<2x!tpu.dma_semaphore, #tpu.memory_space<semaphore_mem>> -> memref<1x!tpu.dma_semaphore, #tpu.memory_space<semaphore_mem>>
    %dma_wait3A_133 = tpu.memref_squeeze %dma_wait3A_132 : memref<1x!tpu.dma_semaphore, #tpu.memory_space<semaphore_mem>> -> memref<!tpu.dma_semaphore, #tpu.memory_space<semaphore_mem>>
    %dma_wait3A_134 = tpu.memref_slice %arg4[%add3A_68] : memref<802816xf32, #tpu.memory_space<hbm>> -> memref<1792xf32, #tpu.memory_space<hbm>>
    tpu.wait_dma2 semaphore(%dma_wait3A_133 : memref<!tpu.dma_semaphore, #tpu.memory_space<semaphore_mem>>) src(%dma_wait3A_134 : memref<1792xf32, #tpu.memory_space<hbm>>) dst(%arg13 : memref<1792xf32, #tpu.memory_space<vmem>>)
    %dma_wait3A_135 = arith.constant 0 : i32
    %dma_wait3A_136 = tpu.memref_slice %arg5[%add3A_68] : memref<802816xi32, #tpu.memory_space<hbm>> -> memref<1792xi32, #tpu.memory_space<hbm>>
    %dma_wait3A_137 = tpu.memref_slice %arg10[%dma_wait3A_135] : memref<2x!tpu.dma_semaphore, #tpu.memory_space<semaphore_mem>> -> memref<1x!tpu.dma_semaphore, #tpu.memory_space<semaphore_mem>>
    %dma_wait3A_138 = tpu.memref_squeeze %dma_wait3A_137 : memref<1x!tpu.dma_semaphore, #tpu.memory_space<semaphore_mem>> -> memref<!tpu.dma_semaphore, #tpu.memory_space<semaphore_mem>>
    %dma_wait3A_139 = tpu.memref_slice %arg5[%add3A_68] : memref<802816xi32, #tpu.memory_space<hbm>> -> memref<1792xi32, #tpu.memory_space<hbm>>
    tpu.wait_dma2 semaphore(%dma_wait3A_138 : memref<!tpu.dma_semaphore, #tpu.memory_space<semaphore_mem>>) src(%dma_wait3A_139 : memref<1792xi32, #tpu.memory_space<hbm>>) dst(%arg15 : memref<1792xi32, #tpu.memory_space<vmem>>)
    %scan3A_140 = arith.constant 0 : i32
    %scan3A_141 = arith.constant 0 : i32
    %scan3A_142 = arith.constant 28 : i32
    %scan3A_143 = arith.addi %scan3A_141, %scan3A_142 : i32
    %scan3A_144 = arith.constant 1 : i32
    %scan3A_145 = scf.for %scan3A_581 = %scan3A_141 to %scan3A_143 step %scan3A_144 iter_args(%scan3A_582 = %scan3A_140) -> (i32)  : i32 {
      %mul3A_583 = arith.constant 64 : i32
      %mul3A_584 = arith.muli %scan3A_581, %mul3A_583 : i32
      %add3A_585 = arith.constant 0 : i32
      %add3A_586 = arith.addi %mul3A_584, %add3A_585 : i32
      %get3A = arith.index_cast %add3A_586 : i32 to index
      %get3A_587 = tpu.vector_load %arg11[%get3A] {strides = array<i32>} : memref<1792xi32, #tpu.memory_space<vmem>>, vector<16xi32>,
      %get3A_588 = arith.index_cast %add3A_586 : i32 to index
      %get3A_589 = tpu.vector_load %arg13[%get3A_588] {strides = array<i32>} : memref<1792xf32, #tpu.memory_space<vmem>>, vector<16xf32>,
      %get3A_590 = arith.index_cast %add3A_586 : i32 to index
      %get3A_591 = tpu.vector_load %arg15[%get3A_590] {strides = array<i32>} : memref<1792xi32, #tpu.memory_space<vmem>>, vector<16xi32>,
      %gather3A = tpu.vector_load_idx %arg7[%get3A_587] : memref<50176xf32, #tpu.memory_space<vmem>>[vector<16xi32>], vector<16xf32>,
      %mul3A_592 = arith.mulf %gather3A, %get3A_589 : vector<16xf32>
      tpu.vector_store_idx %arg8[%get3A_591], %mul3A_592 {add = true} : memref<50176xf32, #tpu.memory_space<vmem>>[vector<16xi32>], vector<16xf32>,
      %mul3A_593 = arith.constant 64 : i32
      %mul3A_594 = arith.muli %scan3A_581, %mul3A_593 : i32
      %add3A_595 = arith.constant 16 : i32
      %add3A_596 = arith.addi %mul3A_594, %add3A_595 : i32
      %get3A_597 = arith.index_cast %add3A_596 : i32 to index
      %get3A_598 = tpu.vector_load %arg11[%get3A_597] {strides = array<i32>} : memref<1792xi32, #tpu.memory_space<vmem>>, vector<16xi32>,
      %get3A_599 = arith.index_cast %add3A_596 : i32 to index
      %get3A_600 = tpu.vector_load %arg13[%get3A_599] {strides = array<i32>} : memref<1792xf32, #tpu.memory_space<vmem>>, vector<16xf32>,
      %get3A_601 = arith.index_cast %add3A_596 : i32 to index
      %get3A_602 = tpu.vector_load %arg15[%get3A_601] {strides = array<i32>} : memref<1792xi32, #tpu.memory_space<vmem>>, vector<16xi32>,
      %gather3A_603 = tpu.vector_load_idx %arg7[%get3A_598] : memref<50176xf32, #tpu.memory_space<vmem>>[vector<16xi32>], vector<16xf32>,
      %mul3A_604 = arith.mulf %gather3A_603, %get3A_600 : vector<16xf32>
      tpu.vector_store_idx %arg8[%get3A_602], %mul3A_604 {add = true} : memref<50176xf32, #tpu.memory_space<vmem>>[vector<16xi32>], vector<16xf32>,
      %mul3A_605 = arith.constant 64 : i32
      %mul3A_606 = arith.muli %scan3A_581, %mul3A_605 : i32
      %add3A_607 = arith.constant 32 : i32
      %add3A_608 = arith.addi %mul3A_606, %add3A_607 : i32
      %get3A_609 = arith.index_cast %add3A_608 : i32 to index
      %get3A_610 = tpu.vector_load %arg11[%get3A_609] {strides = array<i32>} : memref<1792xi32, #tpu.memory_space<vmem>>, vector<16xi32>,
      %get3A_611 = arith.index_cast %add3A_608 : i32 to index
      %get3A_612 = tpu.vector_load %arg13[%get3A_611] {strides = array<i32>} : memref<1792xf32, #tpu.memory_space<vmem>>, vector<16xf32>,
      %get3A_613 = arith.index_cast %add3A_608 : i32 to index
      %get3A_614 = tpu.vector_load %arg15[%get3A_613] {strides = array<i32>} : memref<1792xi32, #tpu.memory_space<vmem>>, vector<16xi32>,
      %gather3A_615 = tpu.vector_load_idx %arg7[%get3A_610] : memref<50176xf32, #tpu.memory_space<vmem>>[vector<16xi32>], vector<16xf32>,
      %mul3A_616 = arith.mulf %gather3A_615, %get3A_612 : vector<16xf32>
      tpu.vector_store_idx %arg8[%get3A_614], %mul3A_616 {add = true} : memref<50176xf32, #tpu.memory_space<vmem>>[vector<16xi32>], vector<16xf32>,
      %mul3A_617 = arith.constant 64 : i32
      %mul3A_618 = arith.muli %scan3A_581, %mul3A_617 : i32
      %add3A_619 = arith.constant 48 : i32
      %add3A_620 = arith.addi %mul3A_618, %add3A_619 : i32
      %get3A_621 = arith.index_cast %add3A_620 : i32 to index
      %get3A_622 = tpu.vector_load %arg11[%get3A_621] {strides = array<i32>} : memref<1792xi32, #tpu.memory_space<vmem>>, vector<16xi32>,
      %get3A_623 = arith.index_cast %add3A_620 : i32 to index
      %get3A_624 = tpu.vector_load %arg13[%get3A_623] {strides = array<i32>} : memref<1792xf32, #tpu.memory_space<vmem>>, vector<16xf32>,
      %get3A_625 = arith.index_cast %add3A_620 : i32 to index
      %get3A_626 = tpu.vector_load %arg15[%get3A_625] {strides = array<i32>} : memref<1792xi32, #tpu.memory_space<vmem>>, vector<16xi32>,
      %gather3A_627 = tpu.vector_load_idx %arg7[%get3A_622] : memref<50176xf32, #tpu.memory_space<vmem>>[vector<16xi32>], vector<16xf32>,
      %mul3A_628 = arith.mulf %gather3A_627, %get3A_624 : vector<16xf32>
      tpu.vector_store_idx %arg8[%get3A_626], %mul3A_628 {add = true} : memref<50176xf32, #tpu.memory_space<vmem>>[vector<16xi32>], vector<16xf32>,
      %scan3A_629 = arith.constant 0 : i32
      scf.yield %scan3A_629 : i32
    }
    %scan3A_146 = arith.constant 28 : i32
    %mul3A_147 = arith.constant 25088 : i32
    %mul3A_148 = arith.muli %add3A, %mul3A_147 : i32
    %add3A_149 = arith.constant 7168 : i32
    %add3A_150 = arith.addi %mul3A_148, %add3A_149 : i32
    %dma_start3A_151 = arith.constant 0 : i32
    %dma_start3A_152 = tpu.memref_slice %arg3[%add3A_150] : memref<802816xi32, #tpu.memory_space<hbm>> -> memref<1792xi32, #tpu.memory_space<hbm>>
    %dma_start3A_153 = tpu.memref_slice %arg10[%dma_start3A_151] : memref<2x!tpu.dma_semaphore, #tpu.memory_space<semaphore_mem>> -> memref<1x!tpu.dma_semaphore, #tpu.memory_space<semaphore_mem>>
    %dma_start3A_154 = tpu.memref_squeeze %dma_start3A_153 : memref<1x!tpu.dma_semaphore, #tpu.memory_space<semaphore_mem>> -> memref<!tpu.dma_semaphore, #tpu.memory_space<semaphore_mem>>
    %dma_start3A_155 = tpu.memref_slice %arg3[%add3A_150] : memref<802816xi32, #tpu.memory_space<hbm>> -> memref<1792xi32, #tpu.memory_space<hbm>>
    tpu.enqueue_dma source(%dma_start3A_155 : memref<1792xi32, #tpu.memory_space<hbm>>) target(%arg11 : memref<1792xi32, #tpu.memory_space<vmem>>) target_semaphore(%dma_start3A_154 : memref<!tpu.dma_semaphore, #tpu.memory_space<semaphore_mem>>)
    %dma_start3A_156 = arith.constant 0 : i32
    %dma_start3A_157 = tpu.memref_slice %arg4[%add3A_150] : memref<802816xf32, #tpu.memory_space<hbm>> -> memref<1792xf32, #tpu.memory_space<hbm>>
    %dma_start3A_158 = tpu.memref_slice %arg10[%dma_start3A_156] : memref<2x!tpu.dma_semaphore, #tpu.memory_space<semaphore_mem>> -> memref<1x!tpu.dma_semaphore, #tpu.memory_space<semaphore_mem>>
    %dma_start3A_159 = tpu.memref_squeeze %dma_start3A_158 : memref<1x!tpu.dma_semaphore, #tpu.memory_space<semaphore_mem>> -> memref<!tpu.dma_semaphore, #tpu.memory_space<semaphore_mem>>
    %dma_start3A_160 = tpu.memref_slice %arg4[%add3A_150] : memref<802816xf32, #tpu.memory_space<hbm>> -> memref<1792xf32, #tpu.memory_space<hbm>>
    tpu.enqueue_dma source(%dma_start3A_160 : memref<1792xf32, #tpu.memory_space<hbm>>) target(%arg13 : memref<1792xf32, #tpu.memory_space<vmem>>) target_semaphore(%dma_start3A_159 : memref<!tpu.dma_semaphore, #tpu.memory_space<semaphore_mem>>)
    %dma_start3A_161 = arith.constant 0 : i32
    %dma_start3A_162 = tpu.memref_slice %arg5[%add3A_150] : memref<802816xi32, #tpu.memory_space<hbm>> -> memref<1792xi32, #tpu.memory_space<hbm>>
    %dma_start3A_163 = tpu.memref_slice %arg10[%dma_start3A_161] : memref<2x!tpu.dma_semaphore, #tpu.memory_space<semaphore_mem>> -> memref<1x!tpu.dma_semaphore, #tpu.memory_space<semaphore_mem>>
    %dma_start3A_164 = tpu.memref_squeeze %dma_start3A_163 : memref<1x!tpu.dma_semaphore, #tpu.memory_space<semaphore_mem>> -> memref<!tpu.dma_semaphore, #tpu.memory_space<semaphore_mem>>
    %dma_start3A_165 = tpu.memref_slice %arg5[%add3A_150] : memref<802816xi32, #tpu.memory_space<hbm>> -> memref<1792xi32, #tpu.memory_space<hbm>>
    tpu.enqueue_dma source(%dma_start3A_165 : memref<1792xi32, #tpu.memory_space<hbm>>) target(%arg15 : memref<1792xi32, #tpu.memory_space<vmem>>) target_semaphore(%dma_start3A_164 : memref<!tpu.dma_semaphore, #tpu.memory_space<semaphore_mem>>)
    %dma_wait3A_166 = arith.constant 1 : i32
    %dma_wait3A_167 = tpu.memref_slice %arg3[%add3A_109] : memref<802816xi32, #tpu.memory_space<hbm>> -> memref<1792xi32, #tpu.memory_space<hbm>>
    %dma_wait3A_168 = tpu.memref_slice %arg10[%dma_wait3A_166] : memref<2x!tpu.dma_semaphore, #tpu.memory_space<semaphore_mem>> -> memref<1x!tpu.dma_semaphore, #tpu.memory_space<semaphore_mem>>
    %dma_wait3A_169 = tpu.memref_squeeze %dma_wait3A_168 : memref<1x!tpu.dma_semaphore, #tpu.memory_space<semaphore_mem>> -> memref<!tpu.dma_semaphore, #tpu.memory_space<semaphore_mem>>
    %dma_wait3A_170 = tpu.memref_slice %arg3[%add3A_109] : memref<802816xi32, #tpu.memory_space<hbm>> -> memref<1792xi32, #tpu.memory_space<hbm>>
    tpu.wait_dma2 semaphore(%dma_wait3A_169 : memref<!tpu.dma_semaphore, #tpu.memory_space<semaphore_mem>>) src(%dma_wait3A_170 : memref<1792xi32, #tpu.memory_space<hbm>>) dst(%arg12 : memref<1792xi32, #tpu.memory_space<vmem>>)
    %dma_wait3A_171 = arith.constant 1 : i32
    %dma_wait3A_172 = tpu.memref_slice %arg4[%add3A_109] : memref<802816xf32, #tpu.memory_space<hbm>> -> memref<1792xf32, #tpu.memory_space<hbm>>
    %dma_wait3A_173 = tpu.memref_slice %arg10[%dma_wait3A_171] : memref<2x!tpu.dma_semaphore, #tpu.memory_space<semaphore_mem>> -> memref<1x!tpu.dma_semaphore, #tpu.memory_space<semaphore_mem>>
    %dma_wait3A_174 = tpu.memref_squeeze %dma_wait3A_173 : memref<1x!tpu.dma_semaphore, #tpu.memory_space<semaphore_mem>> -> memref<!tpu.dma_semaphore, #tpu.memory_space<semaphore_mem>>
    %dma_wait3A_175 = tpu.memref_slice %arg4[%add3A_109] : memref<802816xf32, #tpu.memory_space<hbm>> -> memref<1792xf32, #tpu.memory_space<hbm>>
    tpu.wait_dma2 semaphore(%dma_wait3A_174 : memref<!tpu.dma_semaphore, #tpu.memory_space<semaphore_mem>>) src(%dma_wait3A_175 : memref<1792xf32, #tpu.memory_space<hbm>>) dst(%arg14 : memref<1792xf32, #tpu.memory_space<vmem>>)
    %dma_wait3A_176 = arith.constant 1 : i32
    %dma_wait3A_177 = tpu.memref_slice %arg5[%add3A_109] : memref<802816xi32, #tpu.memory_space<hbm>> -> memref<1792xi32, #tpu.memory_space<hbm>>
    %dma_wait3A_178 = tpu.memref_slice %arg10[%dma_wait3A_176] : memref<2x!tpu.dma_semaphore, #tpu.memory_space<semaphore_mem>> -> memref<1x!tpu.dma_semaphore, #tpu.memory_space<semaphore_mem>>
    %dma_wait3A_179 = tpu.memref_squeeze %dma_wait3A_178 : memref<1x!tpu.dma_semaphore, #tpu.memory_space<semaphore_mem>> -> memref<!tpu.dma_semaphore, #tpu.memory_space<semaphore_mem>>
    %dma_wait3A_180 = tpu.memref_slice %arg5[%add3A_109] : memref<802816xi32, #tpu.memory_space<hbm>> -> memref<1792xi32, #tpu.memory_space<hbm>>
    tpu.wait_dma2 semaphore(%dma_wait3A_179 : memref<!tpu.dma_semaphore, #tpu.memory_space<semaphore_mem>>) src(%dma_wait3A_180 : memref<1792xi32, #tpu.memory_space<hbm>>) dst(%arg16 : memref<1792xi32, #tpu.memory_space<vmem>>)
    %scan3A_181 = arith.constant 0 : i32
    %scan3A_182 = arith.constant 0 : i32
    %scan3A_183 = arith.constant 28 : i32
    %scan3A_184 = arith.addi %scan3A_182, %scan3A_183 : i32
    %scan3A_185 = arith.constant 1 : i32
    %scan3A_186 = scf.for %scan3A_581 = %scan3A_182 to %scan3A_184 step %scan3A_185 iter_args(%scan3A_582 = %scan3A_181) -> (i32)  : i32 {
      %mul3A_583 = arith.constant 64 : i32
      %mul3A_584 = arith.muli %scan3A_581, %mul3A_583 : i32
      %add3A_585 = arith.constant 0 : i32
      %add3A_586 = arith.addi %mul3A_584, %add3A_585 : i32
      %get3A = arith.index_cast %add3A_586 : i32 to index
      %get3A_587 = tpu.vector_load %arg12[%get3A] {strides = array<i32>} : memref<1792xi32, #tpu.memory_space<vmem>>, vector<16xi32>,
      %get3A_588 = arith.index_cast %add3A_586 : i32 to index
      %get3A_589 = tpu.vector_load %arg14[%get3A_588] {strides = array<i32>} : memref<1792xf32, #tpu.memory_space<vmem>>, vector<16xf32>,
      %get3A_590 = arith.index_cast %add3A_586 : i32 to index
      %get3A_591 = tpu.vector_load %arg16[%get3A_590] {strides = array<i32>} : memref<1792xi32, #tpu.memory_space<vmem>>, vector<16xi32>,
      %gather3A = tpu.vector_load_idx %arg7[%get3A_587] : memref<50176xf32, #tpu.memory_space<vmem>>[vector<16xi32>], vector<16xf32>,
      %mul3A_592 = arith.mulf %gather3A, %get3A_589 : vector<16xf32>
      tpu.vector_store_idx %arg8[%get3A_591], %mul3A_592 {add = true} : memref<50176xf32, #tpu.memory_space<vmem>>[vector<16xi32>], vector<16xf32>,
      %mul3A_593 = arith.constant 64 : i32
      %mul3A_594 = arith.muli %scan3A_581, %mul3A_593 : i32
      %add3A_595 = arith.constant 16 : i32
      %add3A_596 = arith.addi %mul3A_594, %add3A_595 : i32
      %get3A_597 = arith.index_cast %add3A_596 : i32 to index
      %get3A_598 = tpu.vector_load %arg12[%get3A_597] {strides = array<i32>} : memref<1792xi32, #tpu.memory_space<vmem>>, vector<16xi32>,
      %get3A_599 = arith.index_cast %add3A_596 : i32 to index
      %get3A_600 = tpu.vector_load %arg14[%get3A_599] {strides = array<i32>} : memref<1792xf32, #tpu.memory_space<vmem>>, vector<16xf32>,
      %get3A_601 = arith.index_cast %add3A_596 : i32 to index
      %get3A_602 = tpu.vector_load %arg16[%get3A_601] {strides = array<i32>} : memref<1792xi32, #tpu.memory_space<vmem>>, vector<16xi32>,
      %gather3A_603 = tpu.vector_load_idx %arg7[%get3A_598] : memref<50176xf32, #tpu.memory_space<vmem>>[vector<16xi32>], vector<16xf32>,
      %mul3A_604 = arith.mulf %gather3A_603, %get3A_600 : vector<16xf32>
      tpu.vector_store_idx %arg8[%get3A_602], %mul3A_604 {add = true} : memref<50176xf32, #tpu.memory_space<vmem>>[vector<16xi32>], vector<16xf32>,
      %mul3A_605 = arith.constant 64 : i32
      %mul3A_606 = arith.muli %scan3A_581, %mul3A_605 : i32
      %add3A_607 = arith.constant 32 : i32
      %add3A_608 = arith.addi %mul3A_606, %add3A_607 : i32
      %get3A_609 = arith.index_cast %add3A_608 : i32 to index
      %get3A_610 = tpu.vector_load %arg12[%get3A_609] {strides = array<i32>} : memref<1792xi32, #tpu.memory_space<vmem>>, vector<16xi32>,
      %get3A_611 = arith.index_cast %add3A_608 : i32 to index
      %get3A_612 = tpu.vector_load %arg14[%get3A_611] {strides = array<i32>} : memref<1792xf32, #tpu.memory_space<vmem>>, vector<16xf32>,
      %get3A_613 = arith.index_cast %add3A_608 : i32 to index
      %get3A_614 = tpu.vector_load %arg16[%get3A_613] {strides = array<i32>} : memref<1792xi32, #tpu.memory_space<vmem>>, vector<16xi32>,
      %gather3A_615 = tpu.vector_load_idx %arg7[%get3A_610] : memref<50176xf32, #tpu.memory_space<vmem>>[vector<16xi32>], vector<16xf32>,
      %mul3A_616 = arith.mulf %gather3A_615, %get3A_612 : vector<16xf32>
      tpu.vector_store_idx %arg8[%get3A_614], %mul3A_616 {add = true} : memref<50176xf32, #tpu.memory_space<vmem>>[vector<16xi32>], vector<16xf32>,
      %mul3A_617 = arith.constant 64 : i32
      %mul3A_618 = arith.muli %scan3A_581, %mul3A_617 : i32
      %add3A_619 = arith.constant 48 : i32
      %add3A_620 = arith.addi %mul3A_618, %add3A_619 : i32
      %get3A_621 = arith.index_cast %add3A_620 : i32 to index
      %get3A_622 = tpu.vector_load %arg12[%get3A_621] {strides = array<i32>} : memref<1792xi32, #tpu.memory_space<vmem>>, vector<16xi32>,
      %get3A_623 = arith.index_cast %add3A_620 : i32 to index
      %get3A_624 = tpu.vector_load %arg14[%get3A_623] {strides = array<i32>} : memref<1792xf32, #tpu.memory_space<vmem>>, vector<16xf32>,
      %get3A_625 = arith.index_cast %add3A_620 : i32 to index
      %get3A_626 = tpu.vector_load %arg16[%get3A_625] {strides = array<i32>} : memref<1792xi32, #tpu.memory_space<vmem>>, vector<16xi32>,
      %gather3A_627 = tpu.vector_load_idx %arg7[%get3A_622] : memref<50176xf32, #tpu.memory_space<vmem>>[vector<16xi32>], vector<16xf32>,
      %mul3A_628 = arith.mulf %gather3A_627, %get3A_624 : vector<16xf32>
      tpu.vector_store_idx %arg8[%get3A_626], %mul3A_628 {add = true} : memref<50176xf32, #tpu.memory_space<vmem>>[vector<16xi32>], vector<16xf32>,
      %scan3A_629 = arith.constant 0 : i32
      scf.yield %scan3A_629 : i32
    }
    %scan3A_187 = arith.constant 28 : i32
    %mul3A_188 = arith.constant 25088 : i32
    %mul3A_189 = arith.muli %add3A, %mul3A_188 : i32
    %add3A_190 = arith.constant 8960 : i32
    %add3A_191 = arith.addi %mul3A_189, %add3A_190 : i32
    %dma_start3A_192 = arith.constant 1 : i32
    %dma_start3A_193 = tpu.memref_slice %arg3[%add3A_191] : memref<802816xi32, #tpu.memory_space<hbm>> -> memref<1792xi32, #tpu.memory_space<hbm>>
    %dma_start3A_194 = tpu.memref_slice %arg10[%dma_start3A_192] : memref<2x!tpu.dma_semaphore, #tpu.memory_space<semaphore_mem>> -> memref<1x!tpu.dma_semaphore, #tpu.memory_space<semaphore_mem>>
    %dma_start3A_195 = tpu.memref_squeeze %dma_start3A_194 : memref<1x!tpu.dma_semaphore, #tpu.memory_space<semaphore_mem>> -> memref<!tpu.dma_semaphore, #tpu.memory_space<semaphore_mem>>
    %dma_start3A_196 = tpu.memref_slice %arg3[%add3A_191] : memref<802816xi32, #tpu.memory_space<hbm>> -> memref<1792xi32, #tpu.memory_space<hbm>>
    tpu.enqueue_dma source(%dma_start3A_196 : memref<1792xi32, #tpu.memory_space<hbm>>) target(%arg12 : memref<1792xi32, #tpu.memory_space<vmem>>) target_semaphore(%dma_start3A_195 : memref<!tpu.dma_semaphore, #tpu.memory_space<semaphore_mem>>)
    %dma_start3A_197 = arith.constant 1 : i32
    %dma_start3A_198 = tpu.memref_slice %arg4[%add3A_191] : memref<802816xf32, #tpu.memory_space<hbm>> -> memref<1792xf32, #tpu.memory_space<hbm>>
    %dma_start3A_199 = tpu.memref_slice %arg10[%dma_start3A_197] : memref<2x!tpu.dma_semaphore, #tpu.memory_space<semaphore_mem>> -> memref<1x!tpu.dma_semaphore, #tpu.memory_space<semaphore_mem>>
    %dma_start3A_200 = tpu.memref_squeeze %dma_start3A_199 : memref<1x!tpu.dma_semaphore, #tpu.memory_space<semaphore_mem>> -> memref<!tpu.dma_semaphore, #tpu.memory_space<semaphore_mem>>
    %dma_start3A_201 = tpu.memref_slice %arg4[%add3A_191] : memref<802816xf32, #tpu.memory_space<hbm>> -> memref<1792xf32, #tpu.memory_space<hbm>>
    tpu.enqueue_dma source(%dma_start3A_201 : memref<1792xf32, #tpu.memory_space<hbm>>) target(%arg14 : memref<1792xf32, #tpu.memory_space<vmem>>) target_semaphore(%dma_start3A_200 : memref<!tpu.dma_semaphore, #tpu.memory_space<semaphore_mem>>)
    %dma_start3A_202 = arith.constant 1 : i32
    %dma_start3A_203 = tpu.memref_slice %arg5[%add3A_191] : memref<802816xi32, #tpu.memory_space<hbm>> -> memref<1792xi32, #tpu.memory_space<hbm>>
    %dma_start3A_204 = tpu.memref_slice %arg10[%dma_start3A_202] : memref<2x!tpu.dma_semaphore, #tpu.memory_space<semaphore_mem>> -> memref<1x!tpu.dma_semaphore, #tpu.memory_space<semaphore_mem>>
    %dma_start3A_205 = tpu.memref_squeeze %dma_start3A_204 : memref<1x!tpu.dma_semaphore, #tpu.memory_space<semaphore_mem>> -> memref<!tpu.dma_semaphore, #tpu.memory_space<semaphore_mem>>
    %dma_start3A_206 = tpu.memref_slice %arg5[%add3A_191] : memref<802816xi32, #tpu.memory_space<hbm>> -> memref<1792xi32, #tpu.memory_space<hbm>>
    tpu.enqueue_dma source(%dma_start3A_206 : memref<1792xi32, #tpu.memory_space<hbm>>) target(%arg16 : memref<1792xi32, #tpu.memory_space<vmem>>) target_semaphore(%dma_start3A_205 : memref<!tpu.dma_semaphore, #tpu.memory_space<semaphore_mem>>)
    %dma_wait3A_207 = arith.constant 0 : i32
    %dma_wait3A_208 = tpu.memref_slice %arg3[%add3A_150] : memref<802816xi32, #tpu.memory_space<hbm>> -> memref<1792xi32, #tpu.memory_space<hbm>>
    %dma_wait3A_209 = tpu.memref_slice %arg10[%dma_wait3A_207] : memref<2x!tpu.dma_semaphore, #tpu.memory_space<semaphore_mem>> -> memref<1x!tpu.dma_semaphore, #tpu.memory_space<semaphore_mem>>
    %dma_wait3A_210 = tpu.memref_squeeze %dma_wait3A_209 : memref<1x!tpu.dma_semaphore, #tpu.memory_space<semaphore_mem>> -> memref<!tpu.dma_semaphore, #tpu.memory_space<semaphore_mem>>
    %dma_wait3A_211 = tpu.memref_slice %arg3[%add3A_150] : memref<802816xi32, #tpu.memory_space<hbm>> -> memref<1792xi32, #tpu.memory_space<hbm>>
    tpu.wait_dma2 semaphore(%dma_wait3A_210 : memref<!tpu.dma_semaphore, #tpu.memory_space<semaphore_mem>>) src(%dma_wait3A_211 : memref<1792xi32, #tpu.memory_space<hbm>>) dst(%arg11 : memref<1792xi32, #tpu.memory_space<vmem>>)
    %dma_wait3A_212 = arith.constant 0 : i32
    %dma_wait3A_213 = tpu.memref_slice %arg4[%add3A_150] : memref<802816xf32, #tpu.memory_space<hbm>> -> memref<1792xf32, #tpu.memory_space<hbm>>
    %dma_wait3A_214 = tpu.memref_slice %arg10[%dma_wait3A_212] : memref<2x!tpu.dma_semaphore, #tpu.memory_space<semaphore_mem>> -> memref<1x!tpu.dma_semaphore, #tpu.memory_space<semaphore_mem>>
    %dma_wait3A_215 = tpu.memref_squeeze %dma_wait3A_214 : memref<1x!tpu.dma_semaphore, #tpu.memory_space<semaphore_mem>> -> memref<!tpu.dma_semaphore, #tpu.memory_space<semaphore_mem>>
    %dma_wait3A_216 = tpu.memref_slice %arg4[%add3A_150] : memref<802816xf32, #tpu.memory_space<hbm>> -> memref<1792xf32, #tpu.memory_space<hbm>>
    tpu.wait_dma2 semaphore(%dma_wait3A_215 : memref<!tpu.dma_semaphore, #tpu.memory_space<semaphore_mem>>) src(%dma_wait3A_216 : memref<1792xf32, #tpu.memory_space<hbm>>) dst(%arg13 : memref<1792xf32, #tpu.memory_space<vmem>>)
    %dma_wait3A_217 = arith.constant 0 : i32
    %dma_wait3A_218 = tpu.memref_slice %arg5[%add3A_150] : memref<802816xi32, #tpu.memory_space<hbm>> -> memref<1792xi32, #tpu.memory_space<hbm>>
    %dma_wait3A_219 = tpu.memref_slice %arg10[%dma_wait3A_217] : memref<2x!tpu.dma_semaphore, #tpu.memory_space<semaphore_mem>> -> memref<1x!tpu.dma_semaphore, #tpu.memory_space<semaphore_mem>>
    %dma_wait3A_220 = tpu.memref_squeeze %dma_wait3A_219 : memref<1x!tpu.dma_semaphore, #tpu.memory_space<semaphore_mem>> -> memref<!tpu.dma_semaphore, #tpu.memory_space<semaphore_mem>>
    %dma_wait3A_221 = tpu.memref_slice %arg5[%add3A_150] : memref<802816xi32, #tpu.memory_space<hbm>> -> memref<1792xi32, #tpu.memory_space<hbm>>
    tpu.wait_dma2 semaphore(%dma_wait3A_220 : memref<!tpu.dma_semaphore, #tpu.memory_space<semaphore_mem>>) src(%dma_wait3A_221 : memref<1792xi32, #tpu.memory_space<hbm>>) dst(%arg15 : memref<1792xi32, #tpu.memory_space<vmem>>)
    %scan3A_222 = arith.constant 0 : i32
    %scan3A_223 = arith.constant 0 : i32
    %scan3A_224 = arith.constant 28 : i32
    %scan3A_225 = arith.addi %scan3A_223, %scan3A_224 : i32
    %scan3A_226 = arith.constant 1 : i32
    %scan3A_227 = scf.for %scan3A_581 = %scan3A_223 to %scan3A_225 step %scan3A_226 iter_args(%scan3A_582 = %scan3A_222) -> (i32)  : i32 {
      %mul3A_583 = arith.constant 64 : i32
      %mul3A_584 = arith.muli %scan3A_581, %mul3A_583 : i32
      %add3A_585 = arith.constant 0 : i32
      %add3A_586 = arith.addi %mul3A_584, %add3A_585 : i32
      %get3A = arith.index_cast %add3A_586 : i32 to index
      %get3A_587 = tpu.vector_load %arg11[%get3A] {strides = array<i32>} : memref<1792xi32, #tpu.memory_space<vmem>>, vector<16xi32>,
      %get3A_588 = arith.index_cast %add3A_586 : i32 to index
      %get3A_589 = tpu.vector_load %arg13[%get3A_588] {strides = array<i32>} : memref<1792xf32, #tpu.memory_space<vmem>>, vector<16xf32>,
      %get3A_590 = arith.index_cast %add3A_586 : i32 to index
      %get3A_591 = tpu.vector_load %arg15[%get3A_590] {strides = array<i32>} : memref<1792xi32, #tpu.memory_space<vmem>>, vector<16xi32>,
      %gather3A = tpu.vector_load_idx %arg7[%get3A_587] : memref<50176xf32, #tpu.memory_space<vmem>>[vector<16xi32>], vector<16xf32>,
      %mul3A_592 = arith.mulf %gather3A, %get3A_589 : vector<16xf32>
      tpu.vector_store_idx %arg8[%get3A_591], %mul3A_592 {add = true} : memref<50176xf32, #tpu.memory_space<vmem>>[vector<16xi32>], vector<16xf32>,
      %mul3A_593 = arith.constant 64 : i32
      %mul3A_594 = arith.muli %scan3A_581, %mul3A_593 : i32
      %add3A_595 = arith.constant 16 : i32
      %add3A_596 = arith.addi %mul3A_594, %add3A_595 : i32
      %get3A_597 = arith.index_cast %add3A_596 : i32 to index
      %get3A_598 = tpu.vector_load %arg11[%get3A_597] {strides = array<i32>} : memref<1792xi32, #tpu.memory_space<vmem>>, vector<16xi32>,
      %get3A_599 = arith.index_cast %add3A_596 : i32 to index
      %get3A_600 = tpu.vector_load %arg13[%get3A_599] {strides = array<i32>} : memref<1792xf32, #tpu.memory_space<vmem>>, vector<16xf32>,
      %get3A_601 = arith.index_cast %add3A_596 : i32 to index
      %get3A_602 = tpu.vector_load %arg15[%get3A_601] {strides = array<i32>} : memref<1792xi32, #tpu.memory_space<vmem>>, vector<16xi32>,
      %gather3A_603 = tpu.vector_load_idx %arg7[%get3A_598] : memref<50176xf32, #tpu.memory_space<vmem>>[vector<16xi32>], vector<16xf32>,
      %mul3A_604 = arith.mulf %gather3A_603, %get3A_600 : vector<16xf32>
      tpu.vector_store_idx %arg8[%get3A_602], %mul3A_604 {add = true} : memref<50176xf32, #tpu.memory_space<vmem>>[vector<16xi32>], vector<16xf32>,
      %mul3A_605 = arith.constant 64 : i32
      %mul3A_606 = arith.muli %scan3A_581, %mul3A_605 : i32
      %add3A_607 = arith.constant 32 : i32
      %add3A_608 = arith.addi %mul3A_606, %add3A_607 : i32
      %get3A_609 = arith.index_cast %add3A_608 : i32 to index
      %get3A_610 = tpu.vector_load %arg11[%get3A_609] {strides = array<i32>} : memref<1792xi32, #tpu.memory_space<vmem>>, vector<16xi32>,
      %get3A_611 = arith.index_cast %add3A_608 : i32 to index
      %get3A_612 = tpu.vector_load %arg13[%get3A_611] {strides = array<i32>} : memref<1792xf32, #tpu.memory_space<vmem>>, vector<16xf32>,
      %get3A_613 = arith.index_cast %add3A_608 : i32 to index
      %get3A_614 = tpu.vector_load %arg15[%get3A_613] {strides = array<i32>} : memref<1792xi32, #tpu.memory_space<vmem>>, vector<16xi32>,
      %gather3A_615 = tpu.vector_load_idx %arg7[%get3A_610] : memref<50176xf32, #tpu.memory_space<vmem>>[vector<16xi32>], vector<16xf32>,
      %mul3A_616 = arith.mulf %gather3A_615, %get3A_612 : vector<16xf32>
      tpu.vector_store_idx %arg8[%get3A_614], %mul3A_616 {add = true} : memref<50176xf32, #tpu.memory_space<vmem>>[vector<16xi32>], vector<16xf32>,
      %mul3A_617 = arith.constant 64 : i32
      %mul3A_618 = arith.muli %scan3A_581, %mul3A_617 : i32
      %add3A_619 = arith.constant 48 : i32
      %add3A_620 = arith.addi %mul3A_618, %add3A_619 : i32
      %get3A_621 = arith.index_cast %add3A_620 : i32 to index
      %get3A_622 = tpu.vector_load %arg11[%get3A_621] {strides = array<i32>} : memref<1792xi32, #tpu.memory_space<vmem>>, vector<16xi32>,
      %get3A_623 = arith.index_cast %add3A_620 : i32 to index
      %get3A_624 = tpu.vector_load %arg13[%get3A_623] {strides = array<i32>} : memref<1792xf32, #tpu.memory_space<vmem>>, vector<16xf32>,
      %get3A_625 = arith.index_cast %add3A_620 : i32 to index
      %get3A_626 = tpu.vector_load %arg15[%get3A_625] {strides = array<i32>} : memref<1792xi32, #tpu.memory_space<vmem>>, vector<16xi32>,
      %gather3A_627 = tpu.vector_load_idx %arg7[%get3A_622] : memref<50176xf32, #tpu.memory_space<vmem>>[vector<16xi32>], vector<16xf32>,
      %mul3A_628 = arith.mulf %gather3A_627, %get3A_624 : vector<16xf32>
      tpu.vector_store_idx %arg8[%get3A_626], %mul3A_628 {add = true} : memref<50176xf32, #tpu.memory_space<vmem>>[vector<16xi32>], vector<16xf32>,
      %scan3A_629 = arith.constant 0 : i32
      scf.yield %scan3A_629 : i32
    }
    %scan3A_228 = arith.constant 28 : i32
    %mul3A_229 = arith.constant 25088 : i32
    %mul3A_230 = arith.muli %add3A, %mul3A_229 : i32
    %add3A_231 = arith.constant 10752 : i32
    %add3A_232 = arith.addi %mul3A_230, %add3A_231 : i32
    %dma_start3A_233 = arith.constant 0 : i32
    %dma_start3A_234 = tpu.memref_slice %arg3[%add3A_232] : memref<802816xi32, #tpu.memory_space<hbm>> -> memref<1792xi32, #tpu.memory_space<hbm>>
    %dma_start3A_235 = tpu.memref_slice %arg10[%dma_start3A_233] : memref<2x!tpu.dma_semaphore, #tpu.memory_space<semaphore_mem>> -> memref<1x!tpu.dma_semaphore, #tpu.memory_space<semaphore_mem>>
    %dma_start3A_236 = tpu.memref_squeeze %dma_start3A_235 : memref<1x!tpu.dma_semaphore, #tpu.memory_space<semaphore_mem>> -> memref<!tpu.dma_semaphore, #tpu.memory_space<semaphore_mem>>
    %dma_start3A_237 = tpu.memref_slice %arg3[%add3A_232] : memref<802816xi32, #tpu.memory_space<hbm>> -> memref<1792xi32, #tpu.memory_space<hbm>>
    tpu.enqueue_dma source(%dma_start3A_237 : memref<1792xi32, #tpu.memory_space<hbm>>) target(%arg11 : memref<1792xi32, #tpu.memory_space<vmem>>) target_semaphore(%dma_start3A_236 : memref<!tpu.dma_semaphore, #tpu.memory_space<semaphore_mem>>)
    %dma_start3A_238 = arith.constant 0 : i32
    %dma_start3A_239 = tpu.memref_slice %arg4[%add3A_232] : memref<802816xf32, #tpu.memory_space<hbm>> -> memref<1792xf32, #tpu.memory_space<hbm>>
    %dma_start3A_240 = tpu.memref_slice %arg10[%dma_start3A_238] : memref<2x!tpu.dma_semaphore, #tpu.memory_space<semaphore_mem>> -> memref<1x!tpu.dma_semaphore, #tpu.memory_space<semaphore_mem>>
    %dma_start3A_241 = tpu.memref_squeeze %dma_start3A_240 : memref<1x!tpu.dma_semaphore, #tpu.memory_space<semaphore_mem>> -> memref<!tpu.dma_semaphore, #tpu.memory_space<semaphore_mem>>
    %dma_start3A_242 = tpu.memref_slice %arg4[%add3A_232] : memref<802816xf32, #tpu.memory_space<hbm>> -> memref<1792xf32, #tpu.memory_space<hbm>>
    tpu.enqueue_dma source(%dma_start3A_242 : memref<1792xf32, #tpu.memory_space<hbm>>) target(%arg13 : memref<1792xf32, #tpu.memory_space<vmem>>) target_semaphore(%dma_start3A_241 : memref<!tpu.dma_semaphore, #tpu.memory_space<semaphore_mem>>)
    %dma_start3A_243 = arith.constant 0 : i32
    %dma_start3A_244 = tpu.memref_slice %arg5[%add3A_232] : memref<802816xi32, #tpu.memory_space<hbm>> -> memref<1792xi32, #tpu.memory_space<hbm>>
    %dma_start3A_245 = tpu.memref_slice %arg10[%dma_start3A_243] : memref<2x!tpu.dma_semaphore, #tpu.memory_space<semaphore_mem>> -> memref<1x!tpu.dma_semaphore, #tpu.memory_space<semaphore_mem>>
    %dma_start3A_246 = tpu.memref_squeeze %dma_start3A_245 : memref<1x!tpu.dma_semaphore, #tpu.memory_space<semaphore_mem>> -> memref<!tpu.dma_semaphore, #tpu.memory_space<semaphore_mem>>
    %dma_start3A_247 = tpu.memref_slice %arg5[%add3A_232] : memref<802816xi32, #tpu.memory_space<hbm>> -> memref<1792xi32, #tpu.memory_space<hbm>>
    tpu.enqueue_dma source(%dma_start3A_247 : memref<1792xi32, #tpu.memory_space<hbm>>) target(%arg15 : memref<1792xi32, #tpu.memory_space<vmem>>) target_semaphore(%dma_start3A_246 : memref<!tpu.dma_semaphore, #tpu.memory_space<semaphore_mem>>)
    %dma_wait3A_248 = arith.constant 1 : i32
    %dma_wait3A_249 = tpu.memref_slice %arg3[%add3A_191] : memref<802816xi32, #tpu.memory_space<hbm>> -> memref<1792xi32, #tpu.memory_space<hbm>>
    %dma_wait3A_250 = tpu.memref_slice %arg10[%dma_wait3A_248] : memref<2x!tpu.dma_semaphore, #tpu.memory_space<semaphore_mem>> -> memref<1x!tpu.dma_semaphore, #tpu.memory_space<semaphore_mem>>
    %dma_wait3A_251 = tpu.memref_squeeze %dma_wait3A_250 : memref<1x!tpu.dma_semaphore, #tpu.memory_space<semaphore_mem>> -> memref<!tpu.dma_semaphore, #tpu.memory_space<semaphore_mem>>
    %dma_wait3A_252 = tpu.memref_slice %arg3[%add3A_191] : memref<802816xi32, #tpu.memory_space<hbm>> -> memref<1792xi32, #tpu.memory_space<hbm>>
    tpu.wait_dma2 semaphore(%dma_wait3A_251 : memref<!tpu.dma_semaphore, #tpu.memory_space<semaphore_mem>>) src(%dma_wait3A_252 : memref<1792xi32, #tpu.memory_space<hbm>>) dst(%arg12 : memref<1792xi32, #tpu.memory_space<vmem>>)
    %dma_wait3A_253 = arith.constant 1 : i32
    %dma_wait3A_254 = tpu.memref_slice %arg4[%add3A_191] : memref<802816xf32, #tpu.memory_space<hbm>> -> memref<1792xf32, #tpu.memory_space<hbm>>
    %dma_wait3A_255 = tpu.memref_slice %arg10[%dma_wait3A_253] : memref<2x!tpu.dma_semaphore, #tpu.memory_space<semaphore_mem>> -> memref<1x!tpu.dma_semaphore, #tpu.memory_space<semaphore_mem>>
    %dma_wait3A_256 = tpu.memref_squeeze %dma_wait3A_255 : memref<1x!tpu.dma_semaphore, #tpu.memory_space<semaphore_mem>> -> memref<!tpu.dma_semaphore, #tpu.memory_space<semaphore_mem>>
    %dma_wait3A_257 = tpu.memref_slice %arg4[%add3A_191] : memref<802816xf32, #tpu.memory_space<hbm>> -> memref<1792xf32, #tpu.memory_space<hbm>>
    tpu.wait_dma2 semaphore(%dma_wait3A_256 : memref<!tpu.dma_semaphore, #tpu.memory_space<semaphore_mem>>) src(%dma_wait3A_257 : memref<1792xf32, #tpu.memory_space<hbm>>) dst(%arg14 : memref<1792xf32, #tpu.memory_space<vmem>>)
    %dma_wait3A_258 = arith.constant 1 : i32
    %dma_wait3A_259 = tpu.memref_slice %arg5[%add3A_191] : memref<802816xi32, #tpu.memory_space<hbm>> -> memref<1792xi32, #tpu.memory_space<hbm>>
    %dma_wait3A_260 = tpu.memref_slice %arg10[%dma_wait3A_258] : memref<2x!tpu.dma_semaphore, #tpu.memory_space<semaphore_mem>> -> memref<1x!tpu.dma_semaphore, #tpu.memory_space<semaphore_mem>>
    %dma_wait3A_261 = tpu.memref_squeeze %dma_wait3A_260 : memref<1x!tpu.dma_semaphore, #tpu.memory_space<semaphore_mem>> -> memref<!tpu.dma_semaphore, #tpu.memory_space<semaphore_mem>>
    %dma_wait3A_262 = tpu.memref_slice %arg5[%add3A_191] : memref<802816xi32, #tpu.memory_space<hbm>> -> memref<1792xi32, #tpu.memory_space<hbm>>
    tpu.wait_dma2 semaphore(%dma_wait3A_261 : memref<!tpu.dma_semaphore, #tpu.memory_space<semaphore_mem>>) src(%dma_wait3A_262 : memref<1792xi32, #tpu.memory_space<hbm>>) dst(%arg16 : memref<1792xi32, #tpu.memory_space<vmem>>)
    %scan3A_263 = arith.constant 0 : i32
    %scan3A_264 = arith.constant 0 : i32
    %scan3A_265 = arith.constant 28 : i32
    %scan3A_266 = arith.addi %scan3A_264, %scan3A_265 : i32
    %scan3A_267 = arith.constant 1 : i32
    %scan3A_268 = scf.for %scan3A_581 = %scan3A_264 to %scan3A_266 step %scan3A_267 iter_args(%scan3A_582 = %scan3A_263) -> (i32)  : i32 {
      %mul3A_583 = arith.constant 64 : i32
      %mul3A_584 = arith.muli %scan3A_581, %mul3A_583 : i32
      %add3A_585 = arith.constant 0 : i32
      %add3A_586 = arith.addi %mul3A_584, %add3A_585 : i32
      %get3A = arith.index_cast %add3A_586 : i32 to index
      %get3A_587 = tpu.vector_load %arg12[%get3A] {strides = array<i32>} : memref<1792xi32, #tpu.memory_space<vmem>>, vector<16xi32>,
      %get3A_588 = arith.index_cast %add3A_586 : i32 to index
      %get3A_589 = tpu.vector_load %arg14[%get3A_588] {strides = array<i32>} : memref<1792xf32, #tpu.memory_space<vmem>>, vector<16xf32>,
      %get3A_590 = arith.index_cast %add3A_586 : i32 to index
      %get3A_591 = tpu.vector_load %arg16[%get3A_590] {strides = array<i32>} : memref<1792xi32, #tpu.memory_space<vmem>>, vector<16xi32>,
      %gather3A = tpu.vector_load_idx %arg7[%get3A_587] : memref<50176xf32, #tpu.memory_space<vmem>>[vector<16xi32>], vector<16xf32>,
      %mul3A_592 = arith.mulf %gather3A, %get3A_589 : vector<16xf32>
      tpu.vector_store_idx %arg8[%get3A_591], %mul3A_592 {add = true} : memref<50176xf32, #tpu.memory_space<vmem>>[vector<16xi32>], vector<16xf32>,
      %mul3A_593 = arith.constant 64 : i32
      %mul3A_594 = arith.muli %scan3A_581, %mul3A_593 : i32
      %add3A_595 = arith.constant 16 : i32
      %add3A_596 = arith.addi %mul3A_594, %add3A_595 : i32
      %get3A_597 = arith.index_cast %add3A_596 : i32 to index
      %get3A_598 = tpu.vector_load %arg12[%get3A_597] {strides = array<i32>} : memref<1792xi32, #tpu.memory_space<vmem>>, vector<16xi32>,
      %get3A_599 = arith.index_cast %add3A_596 : i32 to index
      %get3A_600 = tpu.vector_load %arg14[%get3A_599] {strides = array<i32>} : memref<1792xf32, #tpu.memory_space<vmem>>, vector<16xf32>,
      %get3A_601 = arith.index_cast %add3A_596 : i32 to index
      %get3A_602 = tpu.vector_load %arg16[%get3A_601] {strides = array<i32>} : memref<1792xi32, #tpu.memory_space<vmem>>, vector<16xi32>,
      %gather3A_603 = tpu.vector_load_idx %arg7[%get3A_598] : memref<50176xf32, #tpu.memory_space<vmem>>[vector<16xi32>], vector<16xf32>,
      %mul3A_604 = arith.mulf %gather3A_603, %get3A_600 : vector<16xf32>
      tpu.vector_store_idx %arg8[%get3A_602], %mul3A_604 {add = true} : memref<50176xf32, #tpu.memory_space<vmem>>[vector<16xi32>], vector<16xf32>,
      %mul3A_605 = arith.constant 64 : i32
      %mul3A_606 = arith.muli %scan3A_581, %mul3A_605 : i32
      %add3A_607 = arith.constant 32 : i32
      %add3A_608 = arith.addi %mul3A_606, %add3A_607 : i32
      %get3A_609 = arith.index_cast %add3A_608 : i32 to index
      %get3A_610 = tpu.vector_load %arg12[%get3A_609] {strides = array<i32>} : memref<1792xi32, #tpu.memory_space<vmem>>, vector<16xi32>,
      %get3A_611 = arith.index_cast %add3A_608 : i32 to index
      %get3A_612 = tpu.vector_load %arg14[%get3A_611] {strides = array<i32>} : memref<1792xf32, #tpu.memory_space<vmem>>, vector<16xf32>,
      %get3A_613 = arith.index_cast %add3A_608 : i32 to index
      %get3A_614 = tpu.vector_load %arg16[%get3A_613] {strides = array<i32>} : memref<1792xi32, #tpu.memory_space<vmem>>, vector<16xi32>,
      %gather3A_615 = tpu.vector_load_idx %arg7[%get3A_610] : memref<50176xf32, #tpu.memory_space<vmem>>[vector<16xi32>], vector<16xf32>,
      %mul3A_616 = arith.mulf %gather3A_615, %get3A_612 : vector<16xf32>
      tpu.vector_store_idx %arg8[%get3A_614], %mul3A_616 {add = true} : memref<50176xf32, #tpu.memory_space<vmem>>[vector<16xi32>], vector<16xf32>,
      %mul3A_617 = arith.constant 64 : i32
      %mul3A_618 = arith.muli %scan3A_581, %mul3A_617 : i32
      %add3A_619 = arith.constant 48 : i32
      %add3A_620 = arith.addi %mul3A_618, %add3A_619 : i32
      %get3A_621 = arith.index_cast %add3A_620 : i32 to index
      %get3A_622 = tpu.vector_load %arg12[%get3A_621] {strides = array<i32>} : memref<1792xi32, #tpu.memory_space<vmem>>, vector<16xi32>,
      %get3A_623 = arith.index_cast %add3A_620 : i32 to index
      %get3A_624 = tpu.vector_load %arg14[%get3A_623] {strides = array<i32>} : memref<1792xf32, #tpu.memory_space<vmem>>, vector<16xf32>,
      %get3A_625 = arith.index_cast %add3A_620 : i32 to index
      %get3A_626 = tpu.vector_load %arg16[%get3A_625] {strides = array<i32>} : memref<1792xi32, #tpu.memory_space<vmem>>, vector<16xi32>,
      %gather3A_627 = tpu.vector_load_idx %arg7[%get3A_622] : memref<50176xf32, #tpu.memory_space<vmem>>[vector<16xi32>], vector<16xf32>,
      %mul3A_628 = arith.mulf %gather3A_627, %get3A_624 : vector<16xf32>
      tpu.vector_store_idx %arg8[%get3A_626], %mul3A_628 {add = true} : memref<50176xf32, #tpu.memory_space<vmem>>[vector<16xi32>], vector<16xf32>,
      %scan3A_629 = arith.constant 0 : i32
      scf.yield %scan3A_629 : i32
    }
    %scan3A_269 = arith.constant 28 : i32
    %mul3A_270 = arith.constant 25088 : i32
    %mul3A_271 = arith.muli %add3A, %mul3A_270 : i32
    %add3A_272 = arith.constant 12544 : i32
    %add3A_273 = arith.addi %mul3A_271, %add3A_272 : i32
    %dma_start3A_274 = arith.constant 1 : i32
    %dma_start3A_275 = tpu.memref_slice %arg3[%add3A_273] : memref<802816xi32, #tpu.memory_space<hbm>> -> memref<1792xi32, #tpu.memory_space<hbm>>
    %dma_start3A_276 = tpu.memref_slice %arg10[%dma_start3A_274] : memref<2x!tpu.dma_semaphore, #tpu.memory_space<semaphore_mem>> -> memref<1x!tpu.dma_semaphore, #tpu.memory_space<semaphore_mem>>
    %dma_start3A_277 = tpu.memref_squeeze %dma_start3A_276 : memref<1x!tpu.dma_semaphore, #tpu.memory_space<semaphore_mem>> -> memref<!tpu.dma_semaphore, #tpu.memory_space<semaphore_mem>>
    %dma_start3A_278 = tpu.memref_slice %arg3[%add3A_273] : memref<802816xi32, #tpu.memory_space<hbm>> -> memref<1792xi32, #tpu.memory_space<hbm>>
    tpu.enqueue_dma source(%dma_start3A_278 : memref<1792xi32, #tpu.memory_space<hbm>>) target(%arg12 : memref<1792xi32, #tpu.memory_space<vmem>>) target_semaphore(%dma_start3A_277 : memref<!tpu.dma_semaphore, #tpu.memory_space<semaphore_mem>>)
    %dma_start3A_279 = arith.constant 1 : i32
    %dma_start3A_280 = tpu.memref_slice %arg4[%add3A_273] : memref<802816xf32, #tpu.memory_space<hbm>> -> memref<1792xf32, #tpu.memory_space<hbm>>
    %dma_start3A_281 = tpu.memref_slice %arg10[%dma_start3A_279] : memref<2x!tpu.dma_semaphore, #tpu.memory_space<semaphore_mem>> -> memref<1x!tpu.dma_semaphore, #tpu.memory_space<semaphore_mem>>
    %dma_start3A_282 = tpu.memref_squeeze %dma_start3A_281 : memref<1x!tpu.dma_semaphore, #tpu.memory_space<semaphore_mem>> -> memref<!tpu.dma_semaphore, #tpu.memory_space<semaphore_mem>>
    %dma_start3A_283 = tpu.memref_slice %arg4[%add3A_273] : memref<802816xf32, #tpu.memory_space<hbm>> -> memref<1792xf32, #tpu.memory_space<hbm>>
    tpu.enqueue_dma source(%dma_start3A_283 : memref<1792xf32, #tpu.memory_space<hbm>>) target(%arg14 : memref<1792xf32, #tpu.memory_space<vmem>>) target_semaphore(%dma_start3A_282 : memref<!tpu.dma_semaphore, #tpu.memory_space<semaphore_mem>>)
    %dma_start3A_284 = arith.constant 1 : i32
    %dma_start3A_285 = tpu.memref_slice %arg5[%add3A_273] : memref<802816xi32, #tpu.memory_space<hbm>> -> memref<1792xi32, #tpu.memory_space<hbm>>
    %dma_start3A_286 = tpu.memref_slice %arg10[%dma_start3A_284] : memref<2x!tpu.dma_semaphore, #tpu.memory_space<semaphore_mem>> -> memref<1x!tpu.dma_semaphore, #tpu.memory_space<semaphore_mem>>
    %dma_start3A_287 = tpu.memref_squeeze %dma_start3A_286 : memref<1x!tpu.dma_semaphore, #tpu.memory_space<semaphore_mem>> -> memref<!tpu.dma_semaphore, #tpu.memory_space<semaphore_mem>>
    %dma_start3A_288 = tpu.memref_slice %arg5[%add3A_273] : memref<802816xi32, #tpu.memory_space<hbm>> -> memref<1792xi32, #tpu.memory_space<hbm>>
    tpu.enqueue_dma source(%dma_start3A_288 : memref<1792xi32, #tpu.memory_space<hbm>>) target(%arg16 : memref<1792xi32, #tpu.memory_space<vmem>>) target_semaphore(%dma_start3A_287 : memref<!tpu.dma_semaphore, #tpu.memory_space<semaphore_mem>>)
    %dma_wait3A_289 = arith.constant 0 : i32
    %dma_wait3A_290 = tpu.memref_slice %arg3[%add3A_232] : memref<802816xi32, #tpu.memory_space<hbm>> -> memref<1792xi32, #tpu.memory_space<hbm>>
    %dma_wait3A_291 = tpu.memref_slice %arg10[%dma_wait3A_289] : memref<2x!tpu.dma_semaphore, #tpu.memory_space<semaphore_mem>> -> memref<1x!tpu.dma_semaphore, #tpu.memory_space<semaphore_mem>>
    %dma_wait3A_292 = tpu.memref_squeeze %dma_wait3A_291 : memref<1x!tpu.dma_semaphore, #tpu.memory_space<semaphore_mem>> -> memref<!tpu.dma_semaphore, #tpu.memory_space<semaphore_mem>>
    %dma_wait3A_293 = tpu.memref_slice %arg3[%add3A_232] : memref<802816xi32, #tpu.memory_space<hbm>> -> memref<1792xi32, #tpu.memory_space<hbm>>
    tpu.wait_dma2 semaphore(%dma_wait3A_292 : memref<!tpu.dma_semaphore, #tpu.memory_space<semaphore_mem>>) src(%dma_wait3A_293 : memref<1792xi32, #tpu.memory_space<hbm>>) dst(%arg11 : memref<1792xi32, #tpu.memory_space<vmem>>)
    %dma_wait3A_294 = arith.constant 0 : i32
    %dma_wait3A_295 = tpu.memref_slice %arg4[%add3A_232] : memref<802816xf32, #tpu.memory_space<hbm>> -> memref<1792xf32, #tpu.memory_space<hbm>>
    %dma_wait3A_296 = tpu.memref_slice %arg10[%dma_wait3A_294] : memref<2x!tpu.dma_semaphore, #tpu.memory_space<semaphore_mem>> -> memref<1x!tpu.dma_semaphore, #tpu.memory_space<semaphore_mem>>
    %dma_wait3A_297 = tpu.memref_squeeze %dma_wait3A_296 : memref<1x!tpu.dma_semaphore, #tpu.memory_space<semaphore_mem>> -> memref<!tpu.dma_semaphore, #tpu.memory_space<semaphore_mem>>
    %dma_wait3A_298 = tpu.memref_slice %arg4[%add3A_232] : memref<802816xf32, #tpu.memory_space<hbm>> -> memref<1792xf32, #tpu.memory_space<hbm>>
    tpu.wait_dma2 semaphore(%dma_wait3A_297 : memref<!tpu.dma_semaphore, #tpu.memory_space<semaphore_mem>>) src(%dma_wait3A_298 : memref<1792xf32, #tpu.memory_space<hbm>>) dst(%arg13 : memref<1792xf32, #tpu.memory_space<vmem>>)
    %dma_wait3A_299 = arith.constant 0 : i32
    %dma_wait3A_300 = tpu.memref_slice %arg5[%add3A_232] : memref<802816xi32, #tpu.memory_space<hbm>> -> memref<1792xi32, #tpu.memory_space<hbm>>
    %dma_wait3A_301 = tpu.memref_slice %arg10[%dma_wait3A_299] : memref<2x!tpu.dma_semaphore, #tpu.memory_space<semaphore_mem>> -> memref<1x!tpu.dma_semaphore, #tpu.memory_space<semaphore_mem>>
    %dma_wait3A_302 = tpu.memref_squeeze %dma_wait3A_301 : memref<1x!tpu.dma_semaphore, #tpu.memory_space<semaphore_mem>> -> memref<!tpu.dma_semaphore, #tpu.memory_space<semaphore_mem>>
    %dma_wait3A_303 = tpu.memref_slice %arg5[%add3A_232] : memref<802816xi32, #tpu.memory_space<hbm>> -> memref<1792xi32, #tpu.memory_space<hbm>>
    tpu.wait_dma2 semaphore(%dma_wait3A_302 : memref<!tpu.dma_semaphore, #tpu.memory_space<semaphore_mem>>) src(%dma_wait3A_303 : memref<1792xi32, #tpu.memory_space<hbm>>) dst(%arg15 : memref<1792xi32, #tpu.memory_space<vmem>>)
    %scan3A_304 = arith.constant 0 : i32
    %scan3A_305 = arith.constant 0 : i32
    %scan3A_306 = arith.constant 28 : i32
    %scan3A_307 = arith.addi %scan3A_305, %scan3A_306 : i32
    %scan3A_308 = arith.constant 1 : i32
    %scan3A_309 = scf.for %scan3A_581 = %scan3A_305 to %scan3A_307 step %scan3A_308 iter_args(%scan3A_582 = %scan3A_304) -> (i32)  : i32 {
      %mul3A_583 = arith.constant 64 : i32
      %mul3A_584 = arith.muli %scan3A_581, %mul3A_583 : i32
      %add3A_585 = arith.constant 0 : i32
      %add3A_586 = arith.addi %mul3A_584, %add3A_585 : i32
      %get3A = arith.index_cast %add3A_586 : i32 to index
      %get3A_587 = tpu.vector_load %arg11[%get3A] {strides = array<i32>} : memref<1792xi32, #tpu.memory_space<vmem>>, vector<16xi32>,
      %get3A_588 = arith.index_cast %add3A_586 : i32 to index
      %get3A_589 = tpu.vector_load %arg13[%get3A_588] {strides = array<i32>} : memref<1792xf32, #tpu.memory_space<vmem>>, vector<16xf32>,
      %get3A_590 = arith.index_cast %add3A_586 : i32 to index
      %get3A_591 = tpu.vector_load %arg15[%get3A_590] {strides = array<i32>} : memref<1792xi32, #tpu.memory_space<vmem>>, vector<16xi32>,
      %gather3A = tpu.vector_load_idx %arg7[%get3A_587] : memref<50176xf32, #tpu.memory_space<vmem>>[vector<16xi32>], vector<16xf32>,
      %mul3A_592 = arith.mulf %gather3A, %get3A_589 : vector<16xf32>
      tpu.vector_store_idx %arg8[%get3A_591], %mul3A_592 {add = true} : memref<50176xf32, #tpu.memory_space<vmem>>[vector<16xi32>], vector<16xf32>,
      %mul3A_593 = arith.constant 64 : i32
      %mul3A_594 = arith.muli %scan3A_581, %mul3A_593 : i32
      %add3A_595 = arith.constant 16 : i32
      %add3A_596 = arith.addi %mul3A_594, %add3A_595 : i32
      %get3A_597 = arith.index_cast %add3A_596 : i32 to index
      %get3A_598 = tpu.vector_load %arg11[%get3A_597] {strides = array<i32>} : memref<1792xi32, #tpu.memory_space<vmem>>, vector<16xi32>,
      %get3A_599 = arith.index_cast %add3A_596 : i32 to index
      %get3A_600 = tpu.vector_load %arg13[%get3A_599] {strides = array<i32>} : memref<1792xf32, #tpu.memory_space<vmem>>, vector<16xf32>,
      %get3A_601 = arith.index_cast %add3A_596 : i32 to index
      %get3A_602 = tpu.vector_load %arg15[%get3A_601] {strides = array<i32>} : memref<1792xi32, #tpu.memory_space<vmem>>, vector<16xi32>,
      %gather3A_603 = tpu.vector_load_idx %arg7[%get3A_598] : memref<50176xf32, #tpu.memory_space<vmem>>[vector<16xi32>], vector<16xf32>,
      %mul3A_604 = arith.mulf %gather3A_603, %get3A_600 : vector<16xf32>
      tpu.vector_store_idx %arg8[%get3A_602], %mul3A_604 {add = true} : memref<50176xf32, #tpu.memory_space<vmem>>[vector<16xi32>], vector<16xf32>,
      %mul3A_605 = arith.constant 64 : i32
      %mul3A_606 = arith.muli %scan3A_581, %mul3A_605 : i32
      %add3A_607 = arith.constant 32 : i32
      %add3A_608 = arith.addi %mul3A_606, %add3A_607 : i32
      %get3A_609 = arith.index_cast %add3A_608 : i32 to index
      %get3A_610 = tpu.vector_load %arg11[%get3A_609] {strides = array<i32>} : memref<1792xi32, #tpu.memory_space<vmem>>, vector<16xi32>,
      %get3A_611 = arith.index_cast %add3A_608 : i32 to index
      %get3A_612 = tpu.vector_load %arg13[%get3A_611] {strides = array<i32>} : memref<1792xf32, #tpu.memory_space<vmem>>, vector<16xf32>,
      %get3A_613 = arith.index_cast %add3A_608 : i32 to index
      %get3A_614 = tpu.vector_load %arg15[%get3A_613] {strides = array<i32>} : memref<1792xi32, #tpu.memory_space<vmem>>, vector<16xi32>,
      %gather3A_615 = tpu.vector_load_idx %arg7[%get3A_610] : memref<50176xf32, #tpu.memory_space<vmem>>[vector<16xi32>], vector<16xf32>,
      %mul3A_616 = arith.mulf %gather3A_615, %get3A_612 : vector<16xf32>
      tpu.vector_store_idx %arg8[%get3A_614], %mul3A_616 {add = true} : memref<50176xf32, #tpu.memory_space<vmem>>[vector<16xi32>], vector<16xf32>,
      %mul3A_617 = arith.constant 64 : i32
      %mul3A_618 = arith.muli %scan3A_581, %mul3A_617 : i32
      %add3A_619 = arith.constant 48 : i32
      %add3A_620 = arith.addi %mul3A_618, %add3A_619 : i32
      %get3A_621 = arith.index_cast %add3A_620 : i32 to index
      %get3A_622 = tpu.vector_load %arg11[%get3A_621] {strides = array<i32>} : memref<1792xi32, #tpu.memory_space<vmem>>, vector<16xi32>,
      %get3A_623 = arith.index_cast %add3A_620 : i32 to index
      %get3A_624 = tpu.vector_load %arg13[%get3A_623] {strides = array<i32>} : memref<1792xf32, #tpu.memory_space<vmem>>, vector<16xf32>,
      %get3A_625 = arith.index_cast %add3A_620 : i32 to index
      %get3A_626 = tpu.vector_load %arg15[%get3A_625] {strides = array<i32>} : memref<1792xi32, #tpu.memory_space<vmem>>, vector<16xi32>,
      %gather3A_627 = tpu.vector_load_idx %arg7[%get3A_622] : memref<50176xf32, #tpu.memory_space<vmem>>[vector<16xi32>], vector<16xf32>,
      %mul3A_628 = arith.mulf %gather3A_627, %get3A_624 : vector<16xf32>
      tpu.vector_store_idx %arg8[%get3A_626], %mul3A_628 {add = true} : memref<50176xf32, #tpu.memory_space<vmem>>[vector<16xi32>], vector<16xf32>,
      %scan3A_629 = arith.constant 0 : i32
      scf.yield %scan3A_629 : i32
    }
    %scan3A_310 = arith.constant 28 : i32
    %mul3A_311 = arith.constant 25088 : i32
    %mul3A_312 = arith.muli %add3A, %mul3A_311 : i32
    %add3A_313 = arith.constant 14336 : i32
    %add3A_314 = arith.addi %mul3A_312, %add3A_313 : i32
    %dma_start3A_315 = arith.constant 0 : i32
    %dma_start3A_316 = tpu.memref_slice %arg3[%add3A_314] : memref<802816xi32, #tpu.memory_space<hbm>> -> memref<1792xi32, #tpu.memory_space<hbm>>
    %dma_start3A_317 = tpu.memref_slice %arg10[%dma_start3A_315] : memref<2x!tpu.dma_semaphore, #tpu.memory_space<semaphore_mem>> -> memref<1x!tpu.dma_semaphore, #tpu.memory_space<semaphore_mem>>
    %dma_start3A_318 = tpu.memref_squeeze %dma_start3A_317 : memref<1x!tpu.dma_semaphore, #tpu.memory_space<semaphore_mem>> -> memref<!tpu.dma_semaphore, #tpu.memory_space<semaphore_mem>>
    %dma_start3A_319 = tpu.memref_slice %arg3[%add3A_314] : memref<802816xi32, #tpu.memory_space<hbm>> -> memref<1792xi32, #tpu.memory_space<hbm>>
    tpu.enqueue_dma source(%dma_start3A_319 : memref<1792xi32, #tpu.memory_space<hbm>>) target(%arg11 : memref<1792xi32, #tpu.memory_space<vmem>>) target_semaphore(%dma_start3A_318 : memref<!tpu.dma_semaphore, #tpu.memory_space<semaphore_mem>>)
    %dma_start3A_320 = arith.constant 0 : i32
    %dma_start3A_321 = tpu.memref_slice %arg4[%add3A_314] : memref<802816xf32, #tpu.memory_space<hbm>> -> memref<1792xf32, #tpu.memory_space<hbm>>
    %dma_start3A_322 = tpu.memref_slice %arg10[%dma_start3A_320] : memref<2x!tpu.dma_semaphore, #tpu.memory_space<semaphore_mem>> -> memref<1x!tpu.dma_semaphore, #tpu.memory_space<semaphore_mem>>
    %dma_start3A_323 = tpu.memref_squeeze %dma_start3A_322 : memref<1x!tpu.dma_semaphore, #tpu.memory_space<semaphore_mem>> -> memref<!tpu.dma_semaphore, #tpu.memory_space<semaphore_mem>>
    %dma_start3A_324 = tpu.memref_slice %arg4[%add3A_314] : memref<802816xf32, #tpu.memory_space<hbm>> -> memref<1792xf32, #tpu.memory_space<hbm>>
    tpu.enqueue_dma source(%dma_start3A_324 : memref<1792xf32, #tpu.memory_space<hbm>>) target(%arg13 : memref<1792xf32, #tpu.memory_space<vmem>>) target_semaphore(%dma_start3A_323 : memref<!tpu.dma_semaphore, #tpu.memory_space<semaphore_mem>>)
    %dma_start3A_325 = arith.constant 0 : i32
    %dma_start3A_326 = tpu.memref_slice %arg5[%add3A_314] : memref<802816xi32, #tpu.memory_space<hbm>> -> memref<1792xi32, #tpu.memory_space<hbm>>
    %dma_start3A_327 = tpu.memref_slice %arg10[%dma_start3A_325] : memref<2x!tpu.dma_semaphore, #tpu.memory_space<semaphore_mem>> -> memref<1x!tpu.dma_semaphore, #tpu.memory_space<semaphore_mem>>
    %dma_start3A_328 = tpu.memref_squeeze %dma_start3A_327 : memref<1x!tpu.dma_semaphore, #tpu.memory_space<semaphore_mem>> -> memref<!tpu.dma_semaphore, #tpu.memory_space<semaphore_mem>>
    %dma_start3A_329 = tpu.memref_slice %arg5[%add3A_314] : memref<802816xi32, #tpu.memory_space<hbm>> -> memref<1792xi32, #tpu.memory_space<hbm>>
    tpu.enqueue_dma source(%dma_start3A_329 : memref<1792xi32, #tpu.memory_space<hbm>>) target(%arg15 : memref<1792xi32, #tpu.memory_space<vmem>>) target_semaphore(%dma_start3A_328 : memref<!tpu.dma_semaphore, #tpu.memory_space<semaphore_mem>>)
    %dma_wait3A_330 = arith.constant 1 : i32
    %dma_wait3A_331 = tpu.memref_slice %arg3[%add3A_273] : memref<802816xi32, #tpu.memory_space<hbm>> -> memref<1792xi32, #tpu.memory_space<hbm>>
    %dma_wait3A_332 = tpu.memref_slice %arg10[%dma_wait3A_330] : memref<2x!tpu.dma_semaphore, #tpu.memory_space<semaphore_mem>> -> memref<1x!tpu.dma_semaphore, #tpu.memory_space<semaphore_mem>>
    %dma_wait3A_333 = tpu.memref_squeeze %dma_wait3A_332 : memref<1x!tpu.dma_semaphore, #tpu.memory_space<semaphore_mem>> -> memref<!tpu.dma_semaphore, #tpu.memory_space<semaphore_mem>>
    %dma_wait3A_334 = tpu.memref_slice %arg3[%add3A_273] : memref<802816xi32, #tpu.memory_space<hbm>> -> memref<1792xi32, #tpu.memory_space<hbm>>
    tpu.wait_dma2 semaphore(%dma_wait3A_333 : memref<!tpu.dma_semaphore, #tpu.memory_space<semaphore_mem>>) src(%dma_wait3A_334 : memref<1792xi32, #tpu.memory_space<hbm>>) dst(%arg12 : memref<1792xi32, #tpu.memory_space<vmem>>)
    %dma_wait3A_335 = arith.constant 1 : i32
    %dma_wait3A_336 = tpu.memref_slice %arg4[%add3A_273] : memref<802816xf32, #tpu.memory_space<hbm>> -> memref<1792xf32, #tpu.memory_space<hbm>>
    %dma_wait3A_337 = tpu.memref_slice %arg10[%dma_wait3A_335] : memref<2x!tpu.dma_semaphore, #tpu.memory_space<semaphore_mem>> -> memref<1x!tpu.dma_semaphore, #tpu.memory_space<semaphore_mem>>
    %dma_wait3A_338 = tpu.memref_squeeze %dma_wait3A_337 : memref<1x!tpu.dma_semaphore, #tpu.memory_space<semaphore_mem>> -> memref<!tpu.dma_semaphore, #tpu.memory_space<semaphore_mem>>
    %dma_wait3A_339 = tpu.memref_slice %arg4[%add3A_273] : memref<802816xf32, #tpu.memory_space<hbm>> -> memref<1792xf32, #tpu.memory_space<hbm>>
    tpu.wait_dma2 semaphore(%dma_wait3A_338 : memref<!tpu.dma_semaphore, #tpu.memory_space<semaphore_mem>>) src(%dma_wait3A_339 : memref<1792xf32, #tpu.memory_space<hbm>>) dst(%arg14 : memref<1792xf32, #tpu.memory_space<vmem>>)
    %dma_wait3A_340 = arith.constant 1 : i32
    %dma_wait3A_341 = tpu.memref_slice %arg5[%add3A_273] : memref<802816xi32, #tpu.memory_space<hbm>> -> memref<1792xi32, #tpu.memory_space<hbm>>
    %dma_wait3A_342 = tpu.memref_slice %arg10[%dma_wait3A_340] : memref<2x!tpu.dma_semaphore, #tpu.memory_space<semaphore_mem>> -> memref<1x!tpu.dma_semaphore, #tpu.memory_space<semaphore_mem>>
    %dma_wait3A_343 = tpu.memref_squeeze %dma_wait3A_342 : memref<1x!tpu.dma_semaphore, #tpu.memory_space<semaphore_mem>> -> memref<!tpu.dma_semaphore, #tpu.memory_space<semaphore_mem>>
    %dma_wait3A_344 = tpu.memref_slice %arg5[%add3A_273] : memref<802816xi32, #tpu.memory_space<hbm>> -> memref<1792xi32, #tpu.memory_space<hbm>>
    tpu.wait_dma2 semaphore(%dma_wait3A_343 : memref<!tpu.dma_semaphore, #tpu.memory_space<semaphore_mem>>) src(%dma_wait3A_344 : memref<1792xi32, #tpu.memory_space<hbm>>) dst(%arg16 : memref<1792xi32, #tpu.memory_space<vmem>>)
    %scan3A_345 = arith.constant 0 : i32
    %scan3A_346 = arith.constant 0 : i32
    %scan3A_347 = arith.constant 28 : i32
    %scan3A_348 = arith.addi %scan3A_346, %scan3A_347 : i32
    %scan3A_349 = arith.constant 1 : i32
    %scan3A_350 = scf.for %scan3A_581 = %scan3A_346 to %scan3A_348 step %scan3A_349 iter_args(%scan3A_582 = %scan3A_345) -> (i32)  : i32 {
      %mul3A_583 = arith.constant 64 : i32
      %mul3A_584 = arith.muli %scan3A_581, %mul3A_583 : i32
      %add3A_585 = arith.constant 0 : i32
      %add3A_586 = arith.addi %mul3A_584, %add3A_585 : i32
      %get3A = arith.index_cast %add3A_586 : i32 to index
      %get3A_587 = tpu.vector_load %arg12[%get3A] {strides = array<i32>} : memref<1792xi32, #tpu.memory_space<vmem>>, vector<16xi32>,
      %get3A_588 = arith.index_cast %add3A_586 : i32 to index
      %get3A_589 = tpu.vector_load %arg14[%get3A_588] {strides = array<i32>} : memref<1792xf32, #tpu.memory_space<vmem>>, vector<16xf32>,
      %get3A_590 = arith.index_cast %add3A_586 : i32 to index
      %get3A_591 = tpu.vector_load %arg16[%get3A_590] {strides = array<i32>} : memref<1792xi32, #tpu.memory_space<vmem>>, vector<16xi32>,
      %gather3A = tpu.vector_load_idx %arg7[%get3A_587] : memref<50176xf32, #tpu.memory_space<vmem>>[vector<16xi32>], vector<16xf32>,
      %mul3A_592 = arith.mulf %gather3A, %get3A_589 : vector<16xf32>
      tpu.vector_store_idx %arg8[%get3A_591], %mul3A_592 {add = true} : memref<50176xf32, #tpu.memory_space<vmem>>[vector<16xi32>], vector<16xf32>,
      %mul3A_593 = arith.constant 64 : i32
      %mul3A_594 = arith.muli %scan3A_581, %mul3A_593 : i32
      %add3A_595 = arith.constant 16 : i32
      %add3A_596 = arith.addi %mul3A_594, %add3A_595 : i32
      %get3A_597 = arith.index_cast %add3A_596 : i32 to index
      %get3A_598 = tpu.vector_load %arg12[%get3A_597] {strides = array<i32>} : memref<1792xi32, #tpu.memory_space<vmem>>, vector<16xi32>,
      %get3A_599 = arith.index_cast %add3A_596 : i32 to index
      %get3A_600 = tpu.vector_load %arg14[%get3A_599] {strides = array<i32>} : memref<1792xf32, #tpu.memory_space<vmem>>, vector<16xf32>,
      %get3A_601 = arith.index_cast %add3A_596 : i32 to index
      %get3A_602 = tpu.vector_load %arg16[%get3A_601] {strides = array<i32>} : memref<1792xi32, #tpu.memory_space<vmem>>, vector<16xi32>,
      %gather3A_603 = tpu.vector_load_idx %arg7[%get3A_598] : memref<50176xf32, #tpu.memory_space<vmem>>[vector<16xi32>], vector<16xf32>,
      %mul3A_604 = arith.mulf %gather3A_603, %get3A_600 : vector<16xf32>
      tpu.vector_store_idx %arg8[%get3A_602], %mul3A_604 {add = true} : memref<50176xf32, #tpu.memory_space<vmem>>[vector<16xi32>], vector<16xf32>,
      %mul3A_605 = arith.constant 64 : i32
      %mul3A_606 = arith.muli %scan3A_581, %mul3A_605 : i32
      %add3A_607 = arith.constant 32 : i32
      %add3A_608 = arith.addi %mul3A_606, %add3A_607 : i32
      %get3A_609 = arith.index_cast %add3A_608 : i32 to index
      %get3A_610 = tpu.vector_load %arg12[%get3A_609] {strides = array<i32>} : memref<1792xi32, #tpu.memory_space<vmem>>, vector<16xi32>,
      %get3A_611 = arith.index_cast %add3A_608 : i32 to index
      %get3A_612 = tpu.vector_load %arg14[%get3A_611] {strides = array<i32>} : memref<1792xf32, #tpu.memory_space<vmem>>, vector<16xf32>,
      %get3A_613 = arith.index_cast %add3A_608 : i32 to index
      %get3A_614 = tpu.vector_load %arg16[%get3A_613] {strides = array<i32>} : memref<1792xi32, #tpu.memory_space<vmem>>, vector<16xi32>,
      %gather3A_615 = tpu.vector_load_idx %arg7[%get3A_610] : memref<50176xf32, #tpu.memory_space<vmem>>[vector<16xi32>], vector<16xf32>,
      %mul3A_616 = arith.mulf %gather3A_615, %get3A_612 : vector<16xf32>
      tpu.vector_store_idx %arg8[%get3A_614], %mul3A_616 {add = true} : memref<50176xf32, #tpu.memory_space<vmem>>[vector<16xi32>], vector<16xf32>,
      %mul3A_617 = arith.constant 64 : i32
      %mul3A_618 = arith.muli %scan3A_581, %mul3A_617 : i32
      %add3A_619 = arith.constant 48 : i32
      %add3A_620 = arith.addi %mul3A_618, %add3A_619 : i32
      %get3A_621 = arith.index_cast %add3A_620 : i32 to index
      %get3A_622 = tpu.vector_load %arg12[%get3A_621] {strides = array<i32>} : memref<1792xi32, #tpu.memory_space<vmem>>, vector<16xi32>,
      %get3A_623 = arith.index_cast %add3A_620 : i32 to index
      %get3A_624 = tpu.vector_load %arg14[%get3A_623] {strides = array<i32>} : memref<1792xf32, #tpu.memory_space<vmem>>, vector<16xf32>,
      %get3A_625 = arith.index_cast %add3A_620 : i32 to index
      %get3A_626 = tpu.vector_load %arg16[%get3A_625] {strides = array<i32>} : memref<1792xi32, #tpu.memory_space<vmem>>, vector<16xi32>,
      %gather3A_627 = tpu.vector_load_idx %arg7[%get3A_622] : memref<50176xf32, #tpu.memory_space<vmem>>[vector<16xi32>], vector<16xf32>,
      %mul3A_628 = arith.mulf %gather3A_627, %get3A_624 : vector<16xf32>
      tpu.vector_store_idx %arg8[%get3A_626], %mul3A_628 {add = true} : memref<50176xf32, #tpu.memory_space<vmem>>[vector<16xi32>], vector<16xf32>,
      %scan3A_629 = arith.constant 0 : i32
      scf.yield %scan3A_629 : i32
    }
    %scan3A_351 = arith.constant 28 : i32
    %mul3A_352 = arith.constant 25088 : i32
    %mul3A_353 = arith.muli %add3A, %mul3A_352 : i32
    %add3A_354 = arith.constant 16128 : i32
    %add3A_355 = arith.addi %mul3A_353, %add3A_354 : i32
    %dma_start3A_356 = arith.constant 1 : i32
    %dma_start3A_357 = tpu.memref_slice %arg3[%add3A_355] : memref<802816xi32, #tpu.memory_space<hbm>> -> memref<1792xi32, #tpu.memory_space<hbm>>
    %dma_start3A_358 = tpu.memref_slice %arg10[%dma_start3A_356] : memref<2x!tpu.dma_semaphore, #tpu.memory_space<semaphore_mem>> -> memref<1x!tpu.dma_semaphore, #tpu.memory_space<semaphore_mem>>
    %dma_start3A_359 = tpu.memref_squeeze %dma_start3A_358 : memref<1x!tpu.dma_semaphore, #tpu.memory_space<semaphore_mem>> -> memref<!tpu.dma_semaphore, #tpu.memory_space<semaphore_mem>>
    %dma_start3A_360 = tpu.memref_slice %arg3[%add3A_355] : memref<802816xi32, #tpu.memory_space<hbm>> -> memref<1792xi32, #tpu.memory_space<hbm>>
    tpu.enqueue_dma source(%dma_start3A_360 : memref<1792xi32, #tpu.memory_space<hbm>>) target(%arg12 : memref<1792xi32, #tpu.memory_space<vmem>>) target_semaphore(%dma_start3A_359 : memref<!tpu.dma_semaphore, #tpu.memory_space<semaphore_mem>>)
    %dma_start3A_361 = arith.constant 1 : i32
    %dma_start3A_362 = tpu.memref_slice %arg4[%add3A_355] : memref<802816xf32, #tpu.memory_space<hbm>> -> memref<1792xf32, #tpu.memory_space<hbm>>
    %dma_start3A_363 = tpu.memref_slice %arg10[%dma_start3A_361] : memref<2x!tpu.dma_semaphore, #tpu.memory_space<semaphore_mem>> -> memref<1x!tpu.dma_semaphore, #tpu.memory_space<semaphore_mem>>
    %dma_start3A_364 = tpu.memref_squeeze %dma_start3A_363 : memref<1x!tpu.dma_semaphore, #tpu.memory_space<semaphore_mem>> -> memref<!tpu.dma_semaphore, #tpu.memory_space<semaphore_mem>>
    %dma_start3A_365 = tpu.memref_slice %arg4[%add3A_355] : memref<802816xf32, #tpu.memory_space<hbm>> -> memref<1792xf32, #tpu.memory_space<hbm>>
    tpu.enqueue_dma source(%dma_start3A_365 : memref<1792xf32, #tpu.memory_space<hbm>>) target(%arg14 : memref<1792xf32, #tpu.memory_space<vmem>>) target_semaphore(%dma_start3A_364 : memref<!tpu.dma_semaphore, #tpu.memory_space<semaphore_mem>>)
    %dma_start3A_366 = arith.constant 1 : i32
    %dma_start3A_367 = tpu.memref_slice %arg5[%add3A_355] : memref<802816xi32, #tpu.memory_space<hbm>> -> memref<1792xi32, #tpu.memory_space<hbm>>
    %dma_start3A_368 = tpu.memref_slice %arg10[%dma_start3A_366] : memref<2x!tpu.dma_semaphore, #tpu.memory_space<semaphore_mem>> -> memref<1x!tpu.dma_semaphore, #tpu.memory_space<semaphore_mem>>
    %dma_start3A_369 = tpu.memref_squeeze %dma_start3A_368 : memref<1x!tpu.dma_semaphore, #tpu.memory_space<semaphore_mem>> -> memref<!tpu.dma_semaphore, #tpu.memory_space<semaphore_mem>>
    %dma_start3A_370 = tpu.memref_slice %arg5[%add3A_355] : memref<802816xi32, #tpu.memory_space<hbm>> -> memref<1792xi32, #tpu.memory_space<hbm>>
    tpu.enqueue_dma source(%dma_start3A_370 : memref<1792xi32, #tpu.memory_space<hbm>>) target(%arg16 : memref<1792xi32, #tpu.memory_space<vmem>>) target_semaphore(%dma_start3A_369 : memref<!tpu.dma_semaphore, #tpu.memory_space<semaphore_mem>>)
    %dma_wait3A_371 = arith.constant 0 : i32
    %dma_wait3A_372 = tpu.memref_slice %arg3[%add3A_314] : memref<802816xi32, #tpu.memory_space<hbm>> -> memref<1792xi32, #tpu.memory_space<hbm>>
    %dma_wait3A_373 = tpu.memref_slice %arg10[%dma_wait3A_371] : memref<2x!tpu.dma_semaphore, #tpu.memory_space<semaphore_mem>> -> memref<1x!tpu.dma_semaphore, #tpu.memory_space<semaphore_mem>>
    %dma_wait3A_374 = tpu.memref_squeeze %dma_wait3A_373 : memref<1x!tpu.dma_semaphore, #tpu.memory_space<semaphore_mem>> -> memref<!tpu.dma_semaphore, #tpu.memory_space<semaphore_mem>>
    %dma_wait3A_375 = tpu.memref_slice %arg3[%add3A_314] : memref<802816xi32, #tpu.memory_space<hbm>> -> memref<1792xi32, #tpu.memory_space<hbm>>
    tpu.wait_dma2 semaphore(%dma_wait3A_374 : memref<!tpu.dma_semaphore, #tpu.memory_space<semaphore_mem>>) src(%dma_wait3A_375 : memref<1792xi32, #tpu.memory_space<hbm>>) dst(%arg11 : memref<1792xi32, #tpu.memory_space<vmem>>)
    %dma_wait3A_376 = arith.constant 0 : i32
    %dma_wait3A_377 = tpu.memref_slice %arg4[%add3A_314] : memref<802816xf32, #tpu.memory_space<hbm>> -> memref<1792xf32, #tpu.memory_space<hbm>>
    %dma_wait3A_378 = tpu.memref_slice %arg10[%dma_wait3A_376] : memref<2x!tpu.dma_semaphore, #tpu.memory_space<semaphore_mem>> -> memref<1x!tpu.dma_semaphore, #tpu.memory_space<semaphore_mem>>
    %dma_wait3A_379 = tpu.memref_squeeze %dma_wait3A_378 : memref<1x!tpu.dma_semaphore, #tpu.memory_space<semaphore_mem>> -> memref<!tpu.dma_semaphore, #tpu.memory_space<semaphore_mem>>
    %dma_wait3A_380 = tpu.memref_slice %arg4[%add3A_314] : memref<802816xf32, #tpu.memory_space<hbm>> -> memref<1792xf32, #tpu.memory_space<hbm>>
    tpu.wait_dma2 semaphore(%dma_wait3A_379 : memref<!tpu.dma_semaphore, #tpu.memory_space<semaphore_mem>>) src(%dma_wait3A_380 : memref<1792xf32, #tpu.memory_space<hbm>>) dst(%arg13 : memref<1792xf32, #tpu.memory_space<vmem>>)
    %dma_wait3A_381 = arith.constant 0 : i32
    %dma_wait3A_382 = tpu.memref_slice %arg5[%add3A_314] : memref<802816xi32, #tpu.memory_space<hbm>> -> memref<1792xi32, #tpu.memory_space<hbm>>
    %dma_wait3A_383 = tpu.memref_slice %arg10[%dma_wait3A_381] : memref<2x!tpu.dma_semaphore, #tpu.memory_space<semaphore_mem>> -> memref<1x!tpu.dma_semaphore, #tpu.memory_space<semaphore_mem>>
    %dma_wait3A_384 = tpu.memref_squeeze %dma_wait3A_383 : memref<1x!tpu.dma_semaphore, #tpu.memory_space<semaphore_mem>> -> memref<!tpu.dma_semaphore, #tpu.memory_space<semaphore_mem>>
    %dma_wait3A_385 = tpu.memref_slice %arg5[%add3A_314] : memref<802816xi32, #tpu.memory_space<hbm>> -> memref<1792xi32, #tpu.memory_space<hbm>>
    tpu.wait_dma2 semaphore(%dma_wait3A_384 : memref<!tpu.dma_semaphore, #tpu.memory_space<semaphore_mem>>) src(%dma_wait3A_385 : memref<1792xi32, #tpu.memory_space<hbm>>) dst(%arg15 : memref<1792xi32, #tpu.memory_space<vmem>>)
    %scan3A_386 = arith.constant 0 : i32
    %scan3A_387 = arith.constant 0 : i32
    %scan3A_388 = arith.constant 28 : i32
    %scan3A_389 = arith.addi %scan3A_387, %scan3A_388 : i32
    %scan3A_390 = arith.constant 1 : i32
    %scan3A_391 = scf.for %scan3A_581 = %scan3A_387 to %scan3A_389 step %scan3A_390 iter_args(%scan3A_582 = %scan3A_386) -> (i32)  : i32 {
      %mul3A_583 = arith.constant 64 : i32
      %mul3A_584 = arith.muli %scan3A_581, %mul3A_583 : i32
      %add3A_585 = arith.constant 0 : i32
      %add3A_586 = arith.addi %mul3A_584, %add3A_585 : i32
      %get3A = arith.index_cast %add3A_586 : i32 to index
      %get3A_587 = tpu.vector_load %arg11[%get3A] {strides = array<i32>} : memref<1792xi32, #tpu.memory_space<vmem>>, vector<16xi32>,
      %get3A_588 = arith.index_cast %add3A_586 : i32 to index
      %get3A_589 = tpu.vector_load %arg13[%get3A_588] {strides = array<i32>} : memref<1792xf32, #tpu.memory_space<vmem>>, vector<16xf32>,
      %get3A_590 = arith.index_cast %add3A_586 : i32 to index
      %get3A_591 = tpu.vector_load %arg15[%get3A_590] {strides = array<i32>} : memref<1792xi32, #tpu.memory_space<vmem>>, vector<16xi32>,
      %gather3A = tpu.vector_load_idx %arg7[%get3A_587] : memref<50176xf32, #tpu.memory_space<vmem>>[vector<16xi32>], vector<16xf32>,
      %mul3A_592 = arith.mulf %gather3A, %get3A_589 : vector<16xf32>
      tpu.vector_store_idx %arg8[%get3A_591], %mul3A_592 {add = true} : memref<50176xf32, #tpu.memory_space<vmem>>[vector<16xi32>], vector<16xf32>,
      %mul3A_593 = arith.constant 64 : i32
      %mul3A_594 = arith.muli %scan3A_581, %mul3A_593 : i32
      %add3A_595 = arith.constant 16 : i32
      %add3A_596 = arith.addi %mul3A_594, %add3A_595 : i32
      %get3A_597 = arith.index_cast %add3A_596 : i32 to index
      %get3A_598 = tpu.vector_load %arg11[%get3A_597] {strides = array<i32>} : memref<1792xi32, #tpu.memory_space<vmem>>, vector<16xi32>,
      %get3A_599 = arith.index_cast %add3A_596 : i32 to index
      %get3A_600 = tpu.vector_load %arg13[%get3A_599] {strides = array<i32>} : memref<1792xf32, #tpu.memory_space<vmem>>, vector<16xf32>,
      %get3A_601 = arith.index_cast %add3A_596 : i32 to index
      %get3A_602 = tpu.vector_load %arg15[%get3A_601] {strides = array<i32>} : memref<1792xi32, #tpu.memory_space<vmem>>, vector<16xi32>,
      %gather3A_603 = tpu.vector_load_idx %arg7[%get3A_598] : memref<50176xf32, #tpu.memory_space<vmem>>[vector<16xi32>], vector<16xf32>,
      %mul3A_604 = arith.mulf %gather3A_603, %get3A_600 : vector<16xf32>
      tpu.vector_store_idx %arg8[%get3A_602], %mul3A_604 {add = true} : memref<50176xf32, #tpu.memory_space<vmem>>[vector<16xi32>], vector<16xf32>,
      %mul3A_605 = arith.constant 64 : i32
      %mul3A_606 = arith.muli %scan3A_581, %mul3A_605 : i32
      %add3A_607 = arith.constant 32 : i32
      %add3A_608 = arith.addi %mul3A_606, %add3A_607 : i32
      %get3A_609 = arith.index_cast %add3A_608 : i32 to index
      %get3A_610 = tpu.vector_load %arg11[%get3A_609] {strides = array<i32>} : memref<1792xi32, #tpu.memory_space<vmem>>, vector<16xi32>,
      %get3A_611 = arith.index_cast %add3A_608 : i32 to index
      %get3A_612 = tpu.vector_load %arg13[%get3A_611] {strides = array<i32>} : memref<1792xf32, #tpu.memory_space<vmem>>, vector<16xf32>,
      %get3A_613 = arith.index_cast %add3A_608 : i32 to index
      %get3A_614 = tpu.vector_load %arg15[%get3A_613] {strides = array<i32>} : memref<1792xi32, #tpu.memory_space<vmem>>, vector<16xi32>,
      %gather3A_615 = tpu.vector_load_idx %arg7[%get3A_610] : memref<50176xf32, #tpu.memory_space<vmem>>[vector<16xi32>], vector<16xf32>,
      %mul3A_616 = arith.mulf %gather3A_615, %get3A_612 : vector<16xf32>
      tpu.vector_store_idx %arg8[%get3A_614], %mul3A_616 {add = true} : memref<50176xf32, #tpu.memory_space<vmem>>[vector<16xi32>], vector<16xf32>,
      %mul3A_617 = arith.constant 64 : i32
      %mul3A_618 = arith.muli %scan3A_581, %mul3A_617 : i32
      %add3A_619 = arith.constant 48 : i32
      %add3A_620 = arith.addi %mul3A_618, %add3A_619 : i32
      %get3A_621 = arith.index_cast %add3A_620 : i32 to index
      %get3A_622 = tpu.vector_load %arg11[%get3A_621] {strides = array<i32>} : memref<1792xi32, #tpu.memory_space<vmem>>, vector<16xi32>,
      %get3A_623 = arith.index_cast %add3A_620 : i32 to index
      %get3A_624 = tpu.vector_load %arg13[%get3A_623] {strides = array<i32>} : memref<1792xf32, #tpu.memory_space<vmem>>, vector<16xf32>,
      %get3A_625 = arith.index_cast %add3A_620 : i32 to index
      %get3A_626 = tpu.vector_load %arg15[%get3A_625] {strides = array<i32>} : memref<1792xi32, #tpu.memory_space<vmem>>, vector<16xi32>,
      %gather3A_627 = tpu.vector_load_idx %arg7[%get3A_622] : memref<50176xf32, #tpu.memory_space<vmem>>[vector<16xi32>], vector<16xf32>,
      %mul3A_628 = arith.mulf %gather3A_627, %get3A_624 : vector<16xf32>
      tpu.vector_store_idx %arg8[%get3A_626], %mul3A_628 {add = true} : memref<50176xf32, #tpu.memory_space<vmem>>[vector<16xi32>], vector<16xf32>,
      %scan3A_629 = arith.constant 0 : i32
      scf.yield %scan3A_629 : i32
    }
    %scan3A_392 = arith.constant 28 : i32
    %mul3A_393 = arith.constant 25088 : i32
    %mul3A_394 = arith.muli %add3A, %mul3A_393 : i32
    %add3A_395 = arith.constant 17920 : i32
    %add3A_396 = arith.addi %mul3A_394, %add3A_395 : i32
    %dma_start3A_397 = arith.constant 0 : i32
    %dma_start3A_398 = tpu.memref_slice %arg3[%add3A_396] : memref<802816xi32, #tpu.memory_space<hbm>> -> memref<1792xi32, #tpu.memory_space<hbm>>
    %dma_start3A_399 = tpu.memref_slice %arg10[%dma_start3A_397] : memref<2x!tpu.dma_semaphore, #tpu.memory_space<semaphore_mem>> -> memref<1x!tpu.dma_semaphore, #tpu.memory_space<semaphore_mem>>
    %dma_start3A_400 = tpu.memref_squeeze %dma_start3A_399 : memref<1x!tpu.dma_semaphore, #tpu.memory_space<semaphore_mem>> -> memref<!tpu.dma_semaphore, #tpu.memory_space<semaphore_mem>>
    %dma_start3A_401 = tpu.memref_slice %arg3[%add3A_396] : memref<802816xi32, #tpu.memory_space<hbm>> -> memref<1792xi32, #tpu.memory_space<hbm>>
    tpu.enqueue_dma source(%dma_start3A_401 : memref<1792xi32, #tpu.memory_space<hbm>>) target(%arg11 : memref<1792xi32, #tpu.memory_space<vmem>>) target_semaphore(%dma_start3A_400 : memref<!tpu.dma_semaphore, #tpu.memory_space<semaphore_mem>>)
    %dma_start3A_402 = arith.constant 0 : i32
    %dma_start3A_403 = tpu.memref_slice %arg4[%add3A_396] : memref<802816xf32, #tpu.memory_space<hbm>> -> memref<1792xf32, #tpu.memory_space<hbm>>
    %dma_start3A_404 = tpu.memref_slice %arg10[%dma_start3A_402] : memref<2x!tpu.dma_semaphore, #tpu.memory_space<semaphore_mem>> -> memref<1x!tpu.dma_semaphore, #tpu.memory_space<semaphore_mem>>
    %dma_start3A_405 = tpu.memref_squeeze %dma_start3A_404 : memref<1x!tpu.dma_semaphore, #tpu.memory_space<semaphore_mem>> -> memref<!tpu.dma_semaphore, #tpu.memory_space<semaphore_mem>>
    %dma_start3A_406 = tpu.memref_slice %arg4[%add3A_396] : memref<802816xf32, #tpu.memory_space<hbm>> -> memref<1792xf32, #tpu.memory_space<hbm>>
    tpu.enqueue_dma source(%dma_start3A_406 : memref<1792xf32, #tpu.memory_space<hbm>>) target(%arg13 : memref<1792xf32, #tpu.memory_space<vmem>>) target_semaphore(%dma_start3A_405 : memref<!tpu.dma_semaphore, #tpu.memory_space<semaphore_mem>>)
    %dma_start3A_407 = arith.constant 0 : i32
    %dma_start3A_408 = tpu.memref_slice %arg5[%add3A_396] : memref<802816xi32, #tpu.memory_space<hbm>> -> memref<1792xi32, #tpu.memory_space<hbm>>
    %dma_start3A_409 = tpu.memref_slice %arg10[%dma_start3A_407] : memref<2x!tpu.dma_semaphore, #tpu.memory_space<semaphore_mem>> -> memref<1x!tpu.dma_semaphore, #tpu.memory_space<semaphore_mem>>
    %dma_start3A_410 = tpu.memref_squeeze %dma_start3A_409 : memref<1x!tpu.dma_semaphore, #tpu.memory_space<semaphore_mem>> -> memref<!tpu.dma_semaphore, #tpu.memory_space<semaphore_mem>>
    %dma_start3A_411 = tpu.memref_slice %arg5[%add3A_396] : memref<802816xi32, #tpu.memory_space<hbm>> -> memref<1792xi32, #tpu.memory_space<hbm>>
    tpu.enqueue_dma source(%dma_start3A_411 : memref<1792xi32, #tpu.memory_space<hbm>>) target(%arg15 : memref<1792xi32, #tpu.memory_space<vmem>>) target_semaphore(%dma_start3A_410 : memref<!tpu.dma_semaphore, #tpu.memory_space<semaphore_mem>>)
    %dma_wait3A_412 = arith.constant 1 : i32
    %dma_wait3A_413 = tpu.memref_slice %arg3[%add3A_355] : memref<802816xi32, #tpu.memory_space<hbm>> -> memref<1792xi32, #tpu.memory_space<hbm>>
    %dma_wait3A_414 = tpu.memref_slice %arg10[%dma_wait3A_412] : memref<2x!tpu.dma_semaphore, #tpu.memory_space<semaphore_mem>> -> memref<1x!tpu.dma_semaphore, #tpu.memory_space<semaphore_mem>>
    %dma_wait3A_415 = tpu.memref_squeeze %dma_wait3A_414 : memref<1x!tpu.dma_semaphore, #tpu.memory_space<semaphore_mem>> -> memref<!tpu.dma_semaphore, #tpu.memory_space<semaphore_mem>>
    %dma_wait3A_416 = tpu.memref_slice %arg3[%add3A_355] : memref<802816xi32, #tpu.memory_space<hbm>> -> memref<1792xi32, #tpu.memory_space<hbm>>
    tpu.wait_dma2 semaphore(%dma_wait3A_415 : memref<!tpu.dma_semaphore, #tpu.memory_space<semaphore_mem>>) src(%dma_wait3A_416 : memref<1792xi32, #tpu.memory_space<hbm>>) dst(%arg12 : memref<1792xi32, #tpu.memory_space<vmem>>)
    %dma_wait3A_417 = arith.constant 1 : i32
    %dma_wait3A_418 = tpu.memref_slice %arg4[%add3A_355] : memref<802816xf32, #tpu.memory_space<hbm>> -> memref<1792xf32, #tpu.memory_space<hbm>>
    %dma_wait3A_419 = tpu.memref_slice %arg10[%dma_wait3A_417] : memref<2x!tpu.dma_semaphore, #tpu.memory_space<semaphore_mem>> -> memref<1x!tpu.dma_semaphore, #tpu.memory_space<semaphore_mem>>
    %dma_wait3A_420 = tpu.memref_squeeze %dma_wait3A_419 : memref<1x!tpu.dma_semaphore, #tpu.memory_space<semaphore_mem>> -> memref<!tpu.dma_semaphore, #tpu.memory_space<semaphore_mem>>
    %dma_wait3A_421 = tpu.memref_slice %arg4[%add3A_355] : memref<802816xf32, #tpu.memory_space<hbm>> -> memref<1792xf32, #tpu.memory_space<hbm>>
    tpu.wait_dma2 semaphore(%dma_wait3A_420 : memref<!tpu.dma_semaphore, #tpu.memory_space<semaphore_mem>>) src(%dma_wait3A_421 : memref<1792xf32, #tpu.memory_space<hbm>>) dst(%arg14 : memref<1792xf32, #tpu.memory_space<vmem>>)
    %dma_wait3A_422 = arith.constant 1 : i32
    %dma_wait3A_423 = tpu.memref_slice %arg5[%add3A_355] : memref<802816xi32, #tpu.memory_space<hbm>> -> memref<1792xi32, #tpu.memory_space<hbm>>
    %dma_wait3A_424 = tpu.memref_slice %arg10[%dma_wait3A_422] : memref<2x!tpu.dma_semaphore, #tpu.memory_space<semaphore_mem>> -> memref<1x!tpu.dma_semaphore, #tpu.memory_space<semaphore_mem>>
    %dma_wait3A_425 = tpu.memref_squeeze %dma_wait3A_424 : memref<1x!tpu.dma_semaphore, #tpu.memory_space<semaphore_mem>> -> memref<!tpu.dma_semaphore, #tpu.memory_space<semaphore_mem>>
    %dma_wait3A_426 = tpu.memref_slice %arg5[%add3A_355] : memref<802816xi32, #tpu.memory_space<hbm>> -> memref<1792xi32, #tpu.memory_space<hbm>>
    tpu.wait_dma2 semaphore(%dma_wait3A_425 : memref<!tpu.dma_semaphore, #tpu.memory_space<semaphore_mem>>) src(%dma_wait3A_426 : memref<1792xi32, #tpu.memory_space<hbm>>) dst(%arg16 : memref<1792xi32, #tpu.memory_space<vmem>>)
    %scan3A_427 = arith.constant 0 : i32
    %scan3A_428 = arith.constant 0 : i32
    %scan3A_429 = arith.constant 28 : i32
    %scan3A_430 = arith.addi %scan3A_428, %scan3A_429 : i32
    %scan3A_431 = arith.constant 1 : i32
    %scan3A_432 = scf.for %scan3A_581 = %scan3A_428 to %scan3A_430 step %scan3A_431 iter_args(%scan3A_582 = %scan3A_427) -> (i32)  : i32 {
      %mul3A_583 = arith.constant 64 : i32
      %mul3A_584 = arith.muli %scan3A_581, %mul3A_583 : i32
      %add3A_585 = arith.constant 0 : i32
      %add3A_586 = arith.addi %mul3A_584, %add3A_585 : i32
      %get3A = arith.index_cast %add3A_586 : i32 to index
      %get3A_587 = tpu.vector_load %arg12[%get3A] {strides = array<i32>} : memref<1792xi32, #tpu.memory_space<vmem>>, vector<16xi32>,
      %get3A_588 = arith.index_cast %add3A_586 : i32 to index
      %get3A_589 = tpu.vector_load %arg14[%get3A_588] {strides = array<i32>} : memref<1792xf32, #tpu.memory_space<vmem>>, vector<16xf32>,
      %get3A_590 = arith.index_cast %add3A_586 : i32 to index
      %get3A_591 = tpu.vector_load %arg16[%get3A_590] {strides = array<i32>} : memref<1792xi32, #tpu.memory_space<vmem>>, vector<16xi32>,
      %gather3A = tpu.vector_load_idx %arg7[%get3A_587] : memref<50176xf32, #tpu.memory_space<vmem>>[vector<16xi32>], vector<16xf32>,
      %mul3A_592 = arith.mulf %gather3A, %get3A_589 : vector<16xf32>
      tpu.vector_store_idx %arg8[%get3A_591], %mul3A_592 {add = true} : memref<50176xf32, #tpu.memory_space<vmem>>[vector<16xi32>], vector<16xf32>,
      %mul3A_593 = arith.constant 64 : i32
      %mul3A_594 = arith.muli %scan3A_581, %mul3A_593 : i32
      %add3A_595 = arith.constant 16 : i32
      %add3A_596 = arith.addi %mul3A_594, %add3A_595 : i32
      %get3A_597 = arith.index_cast %add3A_596 : i32 to index
      %get3A_598 = tpu.vector_load %arg12[%get3A_597] {strides = array<i32>} : memref<1792xi32, #tpu.memory_space<vmem>>, vector<16xi32>,
      %get3A_599 = arith.index_cast %add3A_596 : i32 to index
      %get3A_600 = tpu.vector_load %arg14[%get3A_599] {strides = array<i32>} : memref<1792xf32, #tpu.memory_space<vmem>>, vector<16xf32>,
      %get3A_601 = arith.index_cast %add3A_596 : i32 to index
      %get3A_602 = tpu.vector_load %arg16[%get3A_601] {strides = array<i32>} : memref<1792xi32, #tpu.memory_space<vmem>>, vector<16xi32>,
      %gather3A_603 = tpu.vector_load_idx %arg7[%get3A_598] : memref<50176xf32, #tpu.memory_space<vmem>>[vector<16xi32>], vector<16xf32>,
      %mul3A_604 = arith.mulf %gather3A_603, %get3A_600 : vector<16xf32>
      tpu.vector_store_idx %arg8[%get3A_602], %mul3A_604 {add = true} : memref<50176xf32, #tpu.memory_space<vmem>>[vector<16xi32>], vector<16xf32>,
      %mul3A_605 = arith.constant 64 : i32
      %mul3A_606 = arith.muli %scan3A_581, %mul3A_605 : i32
      %add3A_607 = arith.constant 32 : i32
      %add3A_608 = arith.addi %mul3A_606, %add3A_607 : i32
      %get3A_609 = arith.index_cast %add3A_608 : i32 to index
      %get3A_610 = tpu.vector_load %arg12[%get3A_609] {strides = array<i32>} : memref<1792xi32, #tpu.memory_space<vmem>>, vector<16xi32>,
      %get3A_611 = arith.index_cast %add3A_608 : i32 to index
      %get3A_612 = tpu.vector_load %arg14[%get3A_611] {strides = array<i32>} : memref<1792xf32, #tpu.memory_space<vmem>>, vector<16xf32>,
      %get3A_613 = arith.index_cast %add3A_608 : i32 to index
      %get3A_614 = tpu.vector_load %arg16[%get3A_613] {strides = array<i32>} : memref<1792xi32, #tpu.memory_space<vmem>>, vector<16xi32>,
      %gather3A_615 = tpu.vector_load_idx %arg7[%get3A_610] : memref<50176xf32, #tpu.memory_space<vmem>>[vector<16xi32>], vector<16xf32>,
      %mul3A_616 = arith.mulf %gather3A_615, %get3A_612 : vector<16xf32>
      tpu.vector_store_idx %arg8[%get3A_614], %mul3A_616 {add = true} : memref<50176xf32, #tpu.memory_space<vmem>>[vector<16xi32>], vector<16xf32>,
      %mul3A_617 = arith.constant 64 : i32
      %mul3A_618 = arith.muli %scan3A_581, %mul3A_617 : i32
      %add3A_619 = arith.constant 48 : i32
      %add3A_620 = arith.addi %mul3A_618, %add3A_619 : i32
      %get3A_621 = arith.index_cast %add3A_620 : i32 to index
      %get3A_622 = tpu.vector_load %arg12[%get3A_621] {strides = array<i32>} : memref<1792xi32, #tpu.memory_space<vmem>>, vector<16xi32>,
      %get3A_623 = arith.index_cast %add3A_620 : i32 to index
      %get3A_624 = tpu.vector_load %arg14[%get3A_623] {strides = array<i32>} : memref<1792xf32, #tpu.memory_space<vmem>>, vector<16xf32>,
      %get3A_625 = arith.index_cast %add3A_620 : i32 to index
      %get3A_626 = tpu.vector_load %arg16[%get3A_625] {strides = array<i32>} : memref<1792xi32, #tpu.memory_space<vmem>>, vector<16xi32>,
      %gather3A_627 = tpu.vector_load_idx %arg7[%get3A_622] : memref<50176xf32, #tpu.memory_space<vmem>>[vector<16xi32>], vector<16xf32>,
      %mul3A_628 = arith.mulf %gather3A_627, %get3A_624 : vector<16xf32>
      tpu.vector_store_idx %arg8[%get3A_626], %mul3A_628 {add = true} : memref<50176xf32, #tpu.memory_space<vmem>>[vector<16xi32>], vector<16xf32>,
      %scan3A_629 = arith.constant 0 : i32
      scf.yield %scan3A_629 : i32
    }
    %scan3A_433 = arith.constant 28 : i32
    %mul3A_434 = arith.constant 25088 : i32
    %mul3A_435 = arith.muli %add3A, %mul3A_434 : i32
    %add3A_436 = arith.constant 19712 : i32
    %add3A_437 = arith.addi %mul3A_435, %add3A_436 : i32
    %dma_start3A_438 = arith.constant 1 : i32
    %dma_start3A_439 = tpu.memref_slice %arg3[%add3A_437] : memref<802816xi32, #tpu.memory_space<hbm>> -> memref<1792xi32, #tpu.memory_space<hbm>>
    %dma_start3A_440 = tpu.memref_slice %arg10[%dma_start3A_438] : memref<2x!tpu.dma_semaphore, #tpu.memory_space<semaphore_mem>> -> memref<1x!tpu.dma_semaphore, #tpu.memory_space<semaphore_mem>>
    %dma_start3A_441 = tpu.memref_squeeze %dma_start3A_440 : memref<1x!tpu.dma_semaphore, #tpu.memory_space<semaphore_mem>> -> memref<!tpu.dma_semaphore, #tpu.memory_space<semaphore_mem>>
    %dma_start3A_442 = tpu.memref_slice %arg3[%add3A_437] : memref<802816xi32, #tpu.memory_space<hbm>> -> memref<1792xi32, #tpu.memory_space<hbm>>
    tpu.enqueue_dma source(%dma_start3A_442 : memref<1792xi32, #tpu.memory_space<hbm>>) target(%arg12 : memref<1792xi32, #tpu.memory_space<vmem>>) target_semaphore(%dma_start3A_441 : memref<!tpu.dma_semaphore, #tpu.memory_space<semaphore_mem>>)
    %dma_start3A_443 = arith.constant 1 : i32
    %dma_start3A_444 = tpu.memref_slice %arg4[%add3A_437] : memref<802816xf32, #tpu.memory_space<hbm>> -> memref<1792xf32, #tpu.memory_space<hbm>>
    %dma_start3A_445 = tpu.memref_slice %arg10[%dma_start3A_443] : memref<2x!tpu.dma_semaphore, #tpu.memory_space<semaphore_mem>> -> memref<1x!tpu.dma_semaphore, #tpu.memory_space<semaphore_mem>>
    %dma_start3A_446 = tpu.memref_squeeze %dma_start3A_445 : memref<1x!tpu.dma_semaphore, #tpu.memory_space<semaphore_mem>> -> memref<!tpu.dma_semaphore, #tpu.memory_space<semaphore_mem>>
    %dma_start3A_447 = tpu.memref_slice %arg4[%add3A_437] : memref<802816xf32, #tpu.memory_space<hbm>> -> memref<1792xf32, #tpu.memory_space<hbm>>
    tpu.enqueue_dma source(%dma_start3A_447 : memref<1792xf32, #tpu.memory_space<hbm>>) target(%arg14 : memref<1792xf32, #tpu.memory_space<vmem>>) target_semaphore(%dma_start3A_446 : memref<!tpu.dma_semaphore, #tpu.memory_space<semaphore_mem>>)
    %dma_start3A_448 = arith.constant 1 : i32
    %dma_start3A_449 = tpu.memref_slice %arg5[%add3A_437] : memref<802816xi32, #tpu.memory_space<hbm>> -> memref<1792xi32, #tpu.memory_space<hbm>>
    %dma_start3A_450 = tpu.memref_slice %arg10[%dma_start3A_448] : memref<2x!tpu.dma_semaphore, #tpu.memory_space<semaphore_mem>> -> memref<1x!tpu.dma_semaphore, #tpu.memory_space<semaphore_mem>>
    %dma_start3A_451 = tpu.memref_squeeze %dma_start3A_450 : memref<1x!tpu.dma_semaphore, #tpu.memory_space<semaphore_mem>> -> memref<!tpu.dma_semaphore, #tpu.memory_space<semaphore_mem>>
    %dma_start3A_452 = tpu.memref_slice %arg5[%add3A_437] : memref<802816xi32, #tpu.memory_space<hbm>> -> memref<1792xi32, #tpu.memory_space<hbm>>
    tpu.enqueue_dma source(%dma_start3A_452 : memref<1792xi32, #tpu.memory_space<hbm>>) target(%arg16 : memref<1792xi32, #tpu.memory_space<vmem>>) target_semaphore(%dma_start3A_451 : memref<!tpu.dma_semaphore, #tpu.memory_space<semaphore_mem>>)
    %dma_wait3A_453 = arith.constant 0 : i32
    %dma_wait3A_454 = tpu.memref_slice %arg3[%add3A_396] : memref<802816xi32, #tpu.memory_space<hbm>> -> memref<1792xi32, #tpu.memory_space<hbm>>
    %dma_wait3A_455 = tpu.memref_slice %arg10[%dma_wait3A_453] : memref<2x!tpu.dma_semaphore, #tpu.memory_space<semaphore_mem>> -> memref<1x!tpu.dma_semaphore, #tpu.memory_space<semaphore_mem>>
    %dma_wait3A_456 = tpu.memref_squeeze %dma_wait3A_455 : memref<1x!tpu.dma_semaphore, #tpu.memory_space<semaphore_mem>> -> memref<!tpu.dma_semaphore, #tpu.memory_space<semaphore_mem>>
    %dma_wait3A_457 = tpu.memref_slice %arg3[%add3A_396] : memref<802816xi32, #tpu.memory_space<hbm>> -> memref<1792xi32, #tpu.memory_space<hbm>>
    tpu.wait_dma2 semaphore(%dma_wait3A_456 : memref<!tpu.dma_semaphore, #tpu.memory_space<semaphore_mem>>) src(%dma_wait3A_457 : memref<1792xi32, #tpu.memory_space<hbm>>) dst(%arg11 : memref<1792xi32, #tpu.memory_space<vmem>>)
    %dma_wait3A_458 = arith.constant 0 : i32
    %dma_wait3A_459 = tpu.memref_slice %arg4[%add3A_396] : memref<802816xf32, #tpu.memory_space<hbm>> -> memref<1792xf32, #tpu.memory_space<hbm>>
    %dma_wait3A_460 = tpu.memref_slice %arg10[%dma_wait3A_458] : memref<2x!tpu.dma_semaphore, #tpu.memory_space<semaphore_mem>> -> memref<1x!tpu.dma_semaphore, #tpu.memory_space<semaphore_mem>>
    %dma_wait3A_461 = tpu.memref_squeeze %dma_wait3A_460 : memref<1x!tpu.dma_semaphore, #tpu.memory_space<semaphore_mem>> -> memref<!tpu.dma_semaphore, #tpu.memory_space<semaphore_mem>>
    %dma_wait3A_462 = tpu.memref_slice %arg4[%add3A_396] : memref<802816xf32, #tpu.memory_space<hbm>> -> memref<1792xf32, #tpu.memory_space<hbm>>
    tpu.wait_dma2 semaphore(%dma_wait3A_461 : memref<!tpu.dma_semaphore, #tpu.memory_space<semaphore_mem>>) src(%dma_wait3A_462 : memref<1792xf32, #tpu.memory_space<hbm>>) dst(%arg13 : memref<1792xf32, #tpu.memory_space<vmem>>)
    %dma_wait3A_463 = arith.constant 0 : i32
    %dma_wait3A_464 = tpu.memref_slice %arg5[%add3A_396] : memref<802816xi32, #tpu.memory_space<hbm>> -> memref<1792xi32, #tpu.memory_space<hbm>>
    %dma_wait3A_465 = tpu.memref_slice %arg10[%dma_wait3A_463] : memref<2x!tpu.dma_semaphore, #tpu.memory_space<semaphore_mem>> -> memref<1x!tpu.dma_semaphore, #tpu.memory_space<semaphore_mem>>
    %dma_wait3A_466 = tpu.memref_squeeze %dma_wait3A_465 : memref<1x!tpu.dma_semaphore, #tpu.memory_space<semaphore_mem>> -> memref<!tpu.dma_semaphore, #tpu.memory_space<semaphore_mem>>
    %dma_wait3A_467 = tpu.memref_slice %arg5[%add3A_396] : memref<802816xi32, #tpu.memory_space<hbm>> -> memref<1792xi32, #tpu.memory_space<hbm>>
    tpu.wait_dma2 semaphore(%dma_wait3A_466 : memref<!tpu.dma_semaphore, #tpu.memory_space<semaphore_mem>>) src(%dma_wait3A_467 : memref<1792xi32, #tpu.memory_space<hbm>>) dst(%arg15 : memref<1792xi32, #tpu.memory_space<vmem>>)
    %scan3A_468 = arith.constant 0 : i32
    %scan3A_469 = arith.constant 0 : i32
    %scan3A_470 = arith.constant 28 : i32
    %scan3A_471 = arith.addi %scan3A_469, %scan3A_470 : i32
    %scan3A_472 = arith.constant 1 : i32
    %scan3A_473 = scf.for %scan3A_581 = %scan3A_469 to %scan3A_471 step %scan3A_472 iter_args(%scan3A_582 = %scan3A_468) -> (i32)  : i32 {
      %mul3A_583 = arith.constant 64 : i32
      %mul3A_584 = arith.muli %scan3A_581, %mul3A_583 : i32
      %add3A_585 = arith.constant 0 : i32
      %add3A_586 = arith.addi %mul3A_584, %add3A_585 : i32
      %get3A = arith.index_cast %add3A_586 : i32 to index
      %get3A_587 = tpu.vector_load %arg11[%get3A] {strides = array<i32>} : memref<1792xi32, #tpu.memory_space<vmem>>, vector<16xi32>,
      %get3A_588 = arith.index_cast %add3A_586 : i32 to index
      %get3A_589 = tpu.vector_load %arg13[%get3A_588] {strides = array<i32>} : memref<1792xf32, #tpu.memory_space<vmem>>, vector<16xf32>,
      %get3A_590 = arith.index_cast %add3A_586 : i32 to index
      %get3A_591 = tpu.vector_load %arg15[%get3A_590] {strides = array<i32>} : memref<1792xi32, #tpu.memory_space<vmem>>, vector<16xi32>,
      %gather3A = tpu.vector_load_idx %arg7[%get3A_587] : memref<50176xf32, #tpu.memory_space<vmem>>[vector<16xi32>], vector<16xf32>,
      %mul3A_592 = arith.mulf %gather3A, %get3A_589 : vector<16xf32>
      tpu.vector_store_idx %arg8[%get3A_591], %mul3A_592 {add = true} : memref<50176xf32, #tpu.memory_space<vmem>>[vector<16xi32>], vector<16xf32>,
      %mul3A_593 = arith.constant 64 : i32
      %mul3A_594 = arith.muli %scan3A_581, %mul3A_593 : i32
      %add3A_595 = arith.constant 16 : i32
      %add3A_596 = arith.addi %mul3A_594, %add3A_595 : i32
      %get3A_597 = arith.index_cast %add3A_596 : i32 to index
      %get3A_598 = tpu.vector_load %arg11[%get3A_597] {strides = array<i32>} : memref<1792xi32, #tpu.memory_space<vmem>>, vector<16xi32>,
      %get3A_599 = arith.index_cast %add3A_596 : i32 to index
      %get3A_600 = tpu.vector_load %arg13[%get3A_599] {strides = array<i32>} : memref<1792xf32, #tpu.memory_space<vmem>>, vector<16xf32>,
      %get3A_601 = arith.index_cast %add3A_596 : i32 to index
      %get3A_602 = tpu.vector_load %arg15[%get3A_601] {strides = array<i32>} : memref<1792xi32, #tpu.memory_space<vmem>>, vector<16xi32>,
      %gather3A_603 = tpu.vector_load_idx %arg7[%get3A_598] : memref<50176xf32, #tpu.memory_space<vmem>>[vector<16xi32>], vector<16xf32>,
      %mul3A_604 = arith.mulf %gather3A_603, %get3A_600 : vector<16xf32>
      tpu.vector_store_idx %arg8[%get3A_602], %mul3A_604 {add = true} : memref<50176xf32, #tpu.memory_space<vmem>>[vector<16xi32>], vector<16xf32>,
      %mul3A_605 = arith.constant 64 : i32
      %mul3A_606 = arith.muli %scan3A_581, %mul3A_605 : i32
      %add3A_607 = arith.constant 32 : i32
      %add3A_608 = arith.addi %mul3A_606, %add3A_607 : i32
      %get3A_609 = arith.index_cast %add3A_608 : i32 to index
      %get3A_610 = tpu.vector_load %arg11[%get3A_609] {strides = array<i32>} : memref<1792xi32, #tpu.memory_space<vmem>>, vector<16xi32>,
      %get3A_611 = arith.index_cast %add3A_608 : i32 to index
      %get3A_612 = tpu.vector_load %arg13[%get3A_611] {strides = array<i32>} : memref<1792xf32, #tpu.memory_space<vmem>>, vector<16xf32>,
      %get3A_613 = arith.index_cast %add3A_608 : i32 to index
      %get3A_614 = tpu.vector_load %arg15[%get3A_613] {strides = array<i32>} : memref<1792xi32, #tpu.memory_space<vmem>>, vector<16xi32>,
      %gather3A_615 = tpu.vector_load_idx %arg7[%get3A_610] : memref<50176xf32, #tpu.memory_space<vmem>>[vector<16xi32>], vector<16xf32>,
      %mul3A_616 = arith.mulf %gather3A_615, %get3A_612 : vector<16xf32>
      tpu.vector_store_idx %arg8[%get3A_614], %mul3A_616 {add = true} : memref<50176xf32, #tpu.memory_space<vmem>>[vector<16xi32>], vector<16xf32>,
      %mul3A_617 = arith.constant 64 : i32
      %mul3A_618 = arith.muli %scan3A_581, %mul3A_617 : i32
      %add3A_619 = arith.constant 48 : i32
      %add3A_620 = arith.addi %mul3A_618, %add3A_619 : i32
      %get3A_621 = arith.index_cast %add3A_620 : i32 to index
      %get3A_622 = tpu.vector_load %arg11[%get3A_621] {strides = array<i32>} : memref<1792xi32, #tpu.memory_space<vmem>>, vector<16xi32>,
      %get3A_623 = arith.index_cast %add3A_620 : i32 to index
      %get3A_624 = tpu.vector_load %arg13[%get3A_623] {strides = array<i32>} : memref<1792xf32, #tpu.memory_space<vmem>>, vector<16xf32>,
      %get3A_625 = arith.index_cast %add3A_620 : i32 to index
      %get3A_626 = tpu.vector_load %arg15[%get3A_625] {strides = array<i32>} : memref<1792xi32, #tpu.memory_space<vmem>>, vector<16xi32>,
      %gather3A_627 = tpu.vector_load_idx %arg7[%get3A_622] : memref<50176xf32, #tpu.memory_space<vmem>>[vector<16xi32>], vector<16xf32>,
      %mul3A_628 = arith.mulf %gather3A_627, %get3A_624 : vector<16xf32>
      tpu.vector_store_idx %arg8[%get3A_626], %mul3A_628 {add = true} : memref<50176xf32, #tpu.memory_space<vmem>>[vector<16xi32>], vector<16xf32>,
      %scan3A_629 = arith.constant 0 : i32
      scf.yield %scan3A_629 : i32
    }
    %scan3A_474 = arith.constant 28 : i32
    %mul3A_475 = arith.constant 25088 : i32
    %mul3A_476 = arith.muli %add3A, %mul3A_475 : i32
    %add3A_477 = arith.constant 21504 : i32
    %add3A_478 = arith.addi %mul3A_476, %add3A_477 : i32
    %dma_start3A_479 = arith.constant 0 : i32
    %dma_start3A_480 = tpu.memref_slice %arg3[%add3A_478] : memref<802816xi32, #tpu.memory_space<hbm>> -> memref<1792xi32, #tpu.memory_space<hbm>>
    %dma_start3A_481 = tpu.memref_slice %arg10[%dma_start3A_479] : memref<2x!tpu.dma_semaphore, #tpu.memory_space<semaphore_mem>> -> memref<1x!tpu.dma_semaphore, #tpu.memory_space<semaphore_mem>>
    %dma_start3A_482 = tpu.memref_squeeze %dma_start3A_481 : memref<1x!tpu.dma_semaphore, #tpu.memory_space<semaphore_mem>> -> memref<!tpu.dma_semaphore, #tpu.memory_space<semaphore_mem>>
    %dma_start3A_483 = tpu.memref_slice %arg3[%add3A_478] : memref<802816xi32, #tpu.memory_space<hbm>> -> memref<1792xi32, #tpu.memory_space<hbm>>
    tpu.enqueue_dma source(%dma_start3A_483 : memref<1792xi32, #tpu.memory_space<hbm>>) target(%arg11 : memref<1792xi32, #tpu.memory_space<vmem>>) target_semaphore(%dma_start3A_482 : memref<!tpu.dma_semaphore, #tpu.memory_space<semaphore_mem>>)
    %dma_start3A_484 = arith.constant 0 : i32
    %dma_start3A_485 = tpu.memref_slice %arg4[%add3A_478] : memref<802816xf32, #tpu.memory_space<hbm>> -> memref<1792xf32, #tpu.memory_space<hbm>>
    %dma_start3A_486 = tpu.memref_slice %arg10[%dma_start3A_484] : memref<2x!tpu.dma_semaphore, #tpu.memory_space<semaphore_mem>> -> memref<1x!tpu.dma_semaphore, #tpu.memory_space<semaphore_mem>>
    %dma_start3A_487 = tpu.memref_squeeze %dma_start3A_486 : memref<1x!tpu.dma_semaphore, #tpu.memory_space<semaphore_mem>> -> memref<!tpu.dma_semaphore, #tpu.memory_space<semaphore_mem>>
    %dma_start3A_488 = tpu.memref_slice %arg4[%add3A_478] : memref<802816xf32, #tpu.memory_space<hbm>> -> memref<1792xf32, #tpu.memory_space<hbm>>
    tpu.enqueue_dma source(%dma_start3A_488 : memref<1792xf32, #tpu.memory_space<hbm>>) target(%arg13 : memref<1792xf32, #tpu.memory_space<vmem>>) target_semaphore(%dma_start3A_487 : memref<!tpu.dma_semaphore, #tpu.memory_space<semaphore_mem>>)
    %dma_start3A_489 = arith.constant 0 : i32
    %dma_start3A_490 = tpu.memref_slice %arg5[%add3A_478] : memref<802816xi32, #tpu.memory_space<hbm>> -> memref<1792xi32, #tpu.memory_space<hbm>>
    %dma_start3A_491 = tpu.memref_slice %arg10[%dma_start3A_489] : memref<2x!tpu.dma_semaphore, #tpu.memory_space<semaphore_mem>> -> memref<1x!tpu.dma_semaphore, #tpu.memory_space<semaphore_mem>>
    %dma_start3A_492 = tpu.memref_squeeze %dma_start3A_491 : memref<1x!tpu.dma_semaphore, #tpu.memory_space<semaphore_mem>> -> memref<!tpu.dma_semaphore, #tpu.memory_space<semaphore_mem>>
    %dma_start3A_493 = tpu.memref_slice %arg5[%add3A_478] : memref<802816xi32, #tpu.memory_space<hbm>> -> memref<1792xi32, #tpu.memory_space<hbm>>
    tpu.enqueue_dma source(%dma_start3A_493 : memref<1792xi32, #tpu.memory_space<hbm>>) target(%arg15 : memref<1792xi32, #tpu.memory_space<vmem>>) target_semaphore(%dma_start3A_492 : memref<!tpu.dma_semaphore, #tpu.memory_space<semaphore_mem>>)
    %dma_wait3A_494 = arith.constant 1 : i32
    %dma_wait3A_495 = tpu.memref_slice %arg3[%add3A_437] : memref<802816xi32, #tpu.memory_space<hbm>> -> memref<1792xi32, #tpu.memory_space<hbm>>
    %dma_wait3A_496 = tpu.memref_slice %arg10[%dma_wait3A_494] : memref<2x!tpu.dma_semaphore, #tpu.memory_space<semaphore_mem>> -> memref<1x!tpu.dma_semaphore, #tpu.memory_space<semaphore_mem>>
    %dma_wait3A_497 = tpu.memref_squeeze %dma_wait3A_496 : memref<1x!tpu.dma_semaphore, #tpu.memory_space<semaphore_mem>> -> memref<!tpu.dma_semaphore, #tpu.memory_space<semaphore_mem>>
    %dma_wait3A_498 = tpu.memref_slice %arg3[%add3A_437] : memref<802816xi32, #tpu.memory_space<hbm>> -> memref<1792xi32, #tpu.memory_space<hbm>>
    tpu.wait_dma2 semaphore(%dma_wait3A_497 : memref<!tpu.dma_semaphore, #tpu.memory_space<semaphore_mem>>) src(%dma_wait3A_498 : memref<1792xi32, #tpu.memory_space<hbm>>) dst(%arg12 : memref<1792xi32, #tpu.memory_space<vmem>>)
    %dma_wait3A_499 = arith.constant 1 : i32
    %dma_wait3A_500 = tpu.memref_slice %arg4[%add3A_437] : memref<802816xf32, #tpu.memory_space<hbm>> -> memref<1792xf32, #tpu.memory_space<hbm>>
    %dma_wait3A_501 = tpu.memref_slice %arg10[%dma_wait3A_499] : memref<2x!tpu.dma_semaphore, #tpu.memory_space<semaphore_mem>> -> memref<1x!tpu.dma_semaphore, #tpu.memory_space<semaphore_mem>>
    %dma_wait3A_502 = tpu.memref_squeeze %dma_wait3A_501 : memref<1x!tpu.dma_semaphore, #tpu.memory_space<semaphore_mem>> -> memref<!tpu.dma_semaphore, #tpu.memory_space<semaphore_mem>>
    %dma_wait3A_503 = tpu.memref_slice %arg4[%add3A_437] : memref<802816xf32, #tpu.memory_space<hbm>> -> memref<1792xf32, #tpu.memory_space<hbm>>
    tpu.wait_dma2 semaphore(%dma_wait3A_502 : memref<!tpu.dma_semaphore, #tpu.memory_space<semaphore_mem>>) src(%dma_wait3A_503 : memref<1792xf32, #tpu.memory_space<hbm>>) dst(%arg14 : memref<1792xf32, #tpu.memory_space<vmem>>)
    %dma_wait3A_504 = arith.constant 1 : i32
    %dma_wait3A_505 = tpu.memref_slice %arg5[%add3A_437] : memref<802816xi32, #tpu.memory_space<hbm>> -> memref<1792xi32, #tpu.memory_space<hbm>>
    %dma_wait3A_506 = tpu.memref_slice %arg10[%dma_wait3A_504] : memref<2x!tpu.dma_semaphore, #tpu.memory_space<semaphore_mem>> -> memref<1x!tpu.dma_semaphore, #tpu.memory_space<semaphore_mem>>
    %dma_wait3A_507 = tpu.memref_squeeze %dma_wait3A_506 : memref<1x!tpu.dma_semaphore, #tpu.memory_space<semaphore_mem>> -> memref<!tpu.dma_semaphore, #tpu.memory_space<semaphore_mem>>
    %dma_wait3A_508 = tpu.memref_slice %arg5[%add3A_437] : memref<802816xi32, #tpu.memory_space<hbm>> -> memref<1792xi32, #tpu.memory_space<hbm>>
    tpu.wait_dma2 semaphore(%dma_wait3A_507 : memref<!tpu.dma_semaphore, #tpu.memory_space<semaphore_mem>>) src(%dma_wait3A_508 : memref<1792xi32, #tpu.memory_space<hbm>>) dst(%arg16 : memref<1792xi32, #tpu.memory_space<vmem>>)
    %scan3A_509 = arith.constant 0 : i32
    %scan3A_510 = arith.constant 0 : i32
    %scan3A_511 = arith.constant 28 : i32
    %scan3A_512 = arith.addi %scan3A_510, %scan3A_511 : i32
    %scan3A_513 = arith.constant 1 : i32
    %scan3A_514 = scf.for %scan3A_581 = %scan3A_510 to %scan3A_512 step %scan3A_513 iter_args(%scan3A_582 = %scan3A_509) -> (i32)  : i32 {
      %mul3A_583 = arith.constant 64 : i32
      %mul3A_584 = arith.muli %scan3A_581, %mul3A_583 : i32
      %add3A_585 = arith.constant 0 : i32
      %add3A_586 = arith.addi %mul3A_584, %add3A_585 : i32
      %get3A = arith.index_cast %add3A_586 : i32 to index
      %get3A_587 = tpu.vector_load %arg12[%get3A] {strides = array<i32>} : memref<1792xi32, #tpu.memory_space<vmem>>, vector<16xi32>,
      %get3A_588 = arith.index_cast %add3A_586 : i32 to index
      %get3A_589 = tpu.vector_load %arg14[%get3A_588] {strides = array<i32>} : memref<1792xf32, #tpu.memory_space<vmem>>, vector<16xf32>,
      %get3A_590 = arith.index_cast %add3A_586 : i32 to index
      %get3A_591 = tpu.vector_load %arg16[%get3A_590] {strides = array<i32>} : memref<1792xi32, #tpu.memory_space<vmem>>, vector<16xi32>,
      %gather3A = tpu.vector_load_idx %arg7[%get3A_587] : memref<50176xf32, #tpu.memory_space<vmem>>[vector<16xi32>], vector<16xf32>,
      %mul3A_592 = arith.mulf %gather3A, %get3A_589 : vector<16xf32>
      tpu.vector_store_idx %arg8[%get3A_591], %mul3A_592 {add = true} : memref<50176xf32, #tpu.memory_space<vmem>>[vector<16xi32>], vector<16xf32>,
      %mul3A_593 = arith.constant 64 : i32
      %mul3A_594 = arith.muli %scan3A_581, %mul3A_593 : i32
      %add3A_595 = arith.constant 16 : i32
      %add3A_596 = arith.addi %mul3A_594, %add3A_595 : i32
      %get3A_597 = arith.index_cast %add3A_596 : i32 to index
      %get3A_598 = tpu.vector_load %arg12[%get3A_597] {strides = array<i32>} : memref<1792xi32, #tpu.memory_space<vmem>>, vector<16xi32>,
      %get3A_599 = arith.index_cast %add3A_596 : i32 to index
      %get3A_600 = tpu.vector_load %arg14[%get3A_599] {strides = array<i32>} : memref<1792xf32, #tpu.memory_space<vmem>>, vector<16xf32>,
      %get3A_601 = arith.index_cast %add3A_596 : i32 to index
      %get3A_602 = tpu.vector_load %arg16[%get3A_601] {strides = array<i32>} : memref<1792xi32, #tpu.memory_space<vmem>>, vector<16xi32>,
      %gather3A_603 = tpu.vector_load_idx %arg7[%get3A_598] : memref<50176xf32, #tpu.memory_space<vmem>>[vector<16xi32>], vector<16xf32>,
      %mul3A_604 = arith.mulf %gather3A_603, %get3A_600 : vector<16xf32>
      tpu.vector_store_idx %arg8[%get3A_602], %mul3A_604 {add = true} : memref<50176xf32, #tpu.memory_space<vmem>>[vector<16xi32>], vector<16xf32>,
      %mul3A_605 = arith.constant 64 : i32
      %mul3A_606 = arith.muli %scan3A_581, %mul3A_605 : i32
      %add3A_607 = arith.constant 32 : i32
      %add3A_608 = arith.addi %mul3A_606, %add3A_607 : i32
      %get3A_609 = arith.index_cast %add3A_608 : i32 to index
      %get3A_610 = tpu.vector_load %arg12[%get3A_609] {strides = array<i32>} : memref<1792xi32, #tpu.memory_space<vmem>>, vector<16xi32>,
      %get3A_611 = arith.index_cast %add3A_608 : i32 to index
      %get3A_612 = tpu.vector_load %arg14[%get3A_611] {strides = array<i32>} : memref<1792xf32, #tpu.memory_space<vmem>>, vector<16xf32>,
      %get3A_613 = arith.index_cast %add3A_608 : i32 to index
      %get3A_614 = tpu.vector_load %arg16[%get3A_613] {strides = array<i32>} : memref<1792xi32, #tpu.memory_space<vmem>>, vector<16xi32>,
      %gather3A_615 = tpu.vector_load_idx %arg7[%get3A_610] : memref<50176xf32, #tpu.memory_space<vmem>>[vector<16xi32>], vector<16xf32>,
      %mul3A_616 = arith.mulf %gather3A_615, %get3A_612 : vector<16xf32>
      tpu.vector_store_idx %arg8[%get3A_614], %mul3A_616 {add = true} : memref<50176xf32, #tpu.memory_space<vmem>>[vector<16xi32>], vector<16xf32>,
      %mul3A_617 = arith.constant 64 : i32
      %mul3A_618 = arith.muli %scan3A_581, %mul3A_617 : i32
      %add3A_619 = arith.constant 48 : i32
      %add3A_620 = arith.addi %mul3A_618, %add3A_619 : i32
      %get3A_621 = arith.index_cast %add3A_620 : i32 to index
      %get3A_622 = tpu.vector_load %arg12[%get3A_621] {strides = array<i32>} : memref<1792xi32, #tpu.memory_space<vmem>>, vector<16xi32>,
      %get3A_623 = arith.index_cast %add3A_620 : i32 to index
      %get3A_624 = tpu.vector_load %arg14[%get3A_623] {strides = array<i32>} : memref<1792xf32, #tpu.memory_space<vmem>>, vector<16xf32>,
      %get3A_625 = arith.index_cast %add3A_620 : i32 to index
      %get3A_626 = tpu.vector_load %arg16[%get3A_625] {strides = array<i32>} : memref<1792xi32, #tpu.memory_space<vmem>>, vector<16xi32>,
      %gather3A_627 = tpu.vector_load_idx %arg7[%get3A_622] : memref<50176xf32, #tpu.memory_space<vmem>>[vector<16xi32>], vector<16xf32>,
      %mul3A_628 = arith.mulf %gather3A_627, %get3A_624 : vector<16xf32>
      tpu.vector_store_idx %arg8[%get3A_626], %mul3A_628 {add = true} : memref<50176xf32, #tpu.memory_space<vmem>>[vector<16xi32>], vector<16xf32>,
      %scan3A_629 = arith.constant 0 : i32
      scf.yield %scan3A_629 : i32
    }
    %scan3A_515 = arith.constant 28 : i32
    %mul3A_516 = arith.constant 25088 : i32
    %mul3A_517 = arith.muli %add3A, %mul3A_516 : i32
    %add3A_518 = arith.constant 23296 : i32
    %add3A_519 = arith.addi %mul3A_517, %add3A_518 : i32
    %dma_start3A_520 = arith.constant 1 : i32
    %dma_start3A_521 = tpu.memref_slice %arg3[%add3A_519] : memref<802816xi32, #tpu.memory_space<hbm>> -> memref<1792xi32, #tpu.memory_space<hbm>>
    %dma_start3A_522 = tpu.memref_slice %arg10[%dma_start3A_520] : memref<2x!tpu.dma_semaphore, #tpu.memory_space<semaphore_mem>> -> memref<1x!tpu.dma_semaphore, #tpu.memory_space<semaphore_mem>>
    %dma_start3A_523 = tpu.memref_squeeze %dma_start3A_522 : memref<1x!tpu.dma_semaphore, #tpu.memory_space<semaphore_mem>> -> memref<!tpu.dma_semaphore, #tpu.memory_space<semaphore_mem>>
    %dma_start3A_524 = tpu.memref_slice %arg3[%add3A_519] : memref<802816xi32, #tpu.memory_space<hbm>> -> memref<1792xi32, #tpu.memory_space<hbm>>
    tpu.enqueue_dma source(%dma_start3A_524 : memref<1792xi32, #tpu.memory_space<hbm>>) target(%arg12 : memref<1792xi32, #tpu.memory_space<vmem>>) target_semaphore(%dma_start3A_523 : memref<!tpu.dma_semaphore, #tpu.memory_space<semaphore_mem>>)
    %dma_start3A_525 = arith.constant 1 : i32
    %dma_start3A_526 = tpu.memref_slice %arg4[%add3A_519] : memref<802816xf32, #tpu.memory_space<hbm>> -> memref<1792xf32, #tpu.memory_space<hbm>>
    %dma_start3A_527 = tpu.memref_slice %arg10[%dma_start3A_525] : memref<2x!tpu.dma_semaphore, #tpu.memory_space<semaphore_mem>> -> memref<1x!tpu.dma_semaphore, #tpu.memory_space<semaphore_mem>>
    %dma_start3A_528 = tpu.memref_squeeze %dma_start3A_527 : memref<1x!tpu.dma_semaphore, #tpu.memory_space<semaphore_mem>> -> memref<!tpu.dma_semaphore, #tpu.memory_space<semaphore_mem>>
    %dma_start3A_529 = tpu.memref_slice %arg4[%add3A_519] : memref<802816xf32, #tpu.memory_space<hbm>> -> memref<1792xf32, #tpu.memory_space<hbm>>
    tpu.enqueue_dma source(%dma_start3A_529 : memref<1792xf32, #tpu.memory_space<hbm>>) target(%arg14 : memref<1792xf32, #tpu.memory_space<vmem>>) target_semaphore(%dma_start3A_528 : memref<!tpu.dma_semaphore, #tpu.memory_space<semaphore_mem>>)
    %dma_start3A_530 = arith.constant 1 : i32
    %dma_start3A_531 = tpu.memref_slice %arg5[%add3A_519] : memref<802816xi32, #tpu.memory_space<hbm>> -> memref<1792xi32, #tpu.memory_space<hbm>>
    %dma_start3A_532 = tpu.memref_slice %arg10[%dma_start3A_530] : memref<2x!tpu.dma_semaphore, #tpu.memory_space<semaphore_mem>> -> memref<1x!tpu.dma_semaphore, #tpu.memory_space<semaphore_mem>>
    %dma_start3A_533 = tpu.memref_squeeze %dma_start3A_532 : memref<1x!tpu.dma_semaphore, #tpu.memory_space<semaphore_mem>> -> memref<!tpu.dma_semaphore, #tpu.memory_space<semaphore_mem>>
    %dma_start3A_534 = tpu.memref_slice %arg5[%add3A_519] : memref<802816xi32, #tpu.memory_space<hbm>> -> memref<1792xi32, #tpu.memory_space<hbm>>
    tpu.enqueue_dma source(%dma_start3A_534 : memref<1792xi32, #tpu.memory_space<hbm>>) target(%arg16 : memref<1792xi32, #tpu.memory_space<vmem>>) target_semaphore(%dma_start3A_533 : memref<!tpu.dma_semaphore, #tpu.memory_space<semaphore_mem>>)
    %dma_wait3A_535 = arith.constant 0 : i32
    %dma_wait3A_536 = tpu.memref_slice %arg3[%add3A_478] : memref<802816xi32, #tpu.memory_space<hbm>> -> memref<1792xi32, #tpu.memory_space<hbm>>
    %dma_wait3A_537 = tpu.memref_slice %arg10[%dma_wait3A_535] : memref<2x!tpu.dma_semaphore, #tpu.memory_space<semaphore_mem>> -> memref<1x!tpu.dma_semaphore, #tpu.memory_space<semaphore_mem>>
    %dma_wait3A_538 = tpu.memref_squeeze %dma_wait3A_537 : memref<1x!tpu.dma_semaphore, #tpu.memory_space<semaphore_mem>> -> memref<!tpu.dma_semaphore, #tpu.memory_space<semaphore_mem>>
    %dma_wait3A_539 = tpu.memref_slice %arg3[%add3A_478] : memref<802816xi32, #tpu.memory_space<hbm>> -> memref<1792xi32, #tpu.memory_space<hbm>>
    tpu.wait_dma2 semaphore(%dma_wait3A_538 : memref<!tpu.dma_semaphore, #tpu.memory_space<semaphore_mem>>) src(%dma_wait3A_539 : memref<1792xi32, #tpu.memory_space<hbm>>) dst(%arg11 : memref<1792xi32, #tpu.memory_space<vmem>>)
    %dma_wait3A_540 = arith.constant 0 : i32
    %dma_wait3A_541 = tpu.memref_slice %arg4[%add3A_478] : memref<802816xf32, #tpu.memory_space<hbm>> -> memref<1792xf32, #tpu.memory_space<hbm>>
    %dma_wait3A_542 = tpu.memref_slice %arg10[%dma_wait3A_540] : memref<2x!tpu.dma_semaphore, #tpu.memory_space<semaphore_mem>> -> memref<1x!tpu.dma_semaphore, #tpu.memory_space<semaphore_mem>>
    %dma_wait3A_543 = tpu.memref_squeeze %dma_wait3A_542 : memref<1x!tpu.dma_semaphore, #tpu.memory_space<semaphore_mem>> -> memref<!tpu.dma_semaphore, #tpu.memory_space<semaphore_mem>>
    %dma_wait3A_544 = tpu.memref_slice %arg4[%add3A_478] : memref<802816xf32, #tpu.memory_space<hbm>> -> memref<1792xf32, #tpu.memory_space<hbm>>
    tpu.wait_dma2 semaphore(%dma_wait3A_543 : memref<!tpu.dma_semaphore, #tpu.memory_space<semaphore_mem>>) src(%dma_wait3A_544 : memref<1792xf32, #tpu.memory_space<hbm>>) dst(%arg13 : memref<1792xf32, #tpu.memory_space<vmem>>)
    %dma_wait3A_545 = arith.constant 0 : i32
    %dma_wait3A_546 = tpu.memref_slice %arg5[%add3A_478] : memref<802816xi32, #tpu.memory_space<hbm>> -> memref<1792xi32, #tpu.memory_space<hbm>>
    %dma_wait3A_547 = tpu.memref_slice %arg10[%dma_wait3A_545] : memref<2x!tpu.dma_semaphore, #tpu.memory_space<semaphore_mem>> -> memref<1x!tpu.dma_semaphore, #tpu.memory_space<semaphore_mem>>
    %dma_wait3A_548 = tpu.memref_squeeze %dma_wait3A_547 : memref<1x!tpu.dma_semaphore, #tpu.memory_space<semaphore_mem>> -> memref<!tpu.dma_semaphore, #tpu.memory_space<semaphore_mem>>
    %dma_wait3A_549 = tpu.memref_slice %arg5[%add3A_478] : memref<802816xi32, #tpu.memory_space<hbm>> -> memref<1792xi32, #tpu.memory_space<hbm>>
    tpu.wait_dma2 semaphore(%dma_wait3A_548 : memref<!tpu.dma_semaphore, #tpu.memory_space<semaphore_mem>>) src(%dma_wait3A_549 : memref<1792xi32, #tpu.memory_space<hbm>>) dst(%arg15 : memref<1792xi32, #tpu.memory_space<vmem>>)
    %scan3A_550 = arith.constant 0 : i32
    %scan3A_551 = arith.constant 0 : i32
    %scan3A_552 = arith.constant 28 : i32
    %scan3A_553 = arith.addi %scan3A_551, %scan3A_552 : i32
    %scan3A_554 = arith.constant 1 : i32
    %scan3A_555 = scf.for %scan3A_581 = %scan3A_551 to %scan3A_553 step %scan3A_554 iter_args(%scan3A_582 = %scan3A_550) -> (i32)  : i32 {
      %mul3A_583 = arith.constant 64 : i32
      %mul3A_584 = arith.muli %scan3A_581, %mul3A_583 : i32
      %add3A_585 = arith.constant 0 : i32
      %add3A_586 = arith.addi %mul3A_584, %add3A_585 : i32
      %get3A = arith.index_cast %add3A_586 : i32 to index
      %get3A_587 = tpu.vector_load %arg11[%get3A] {strides = array<i32>} : memref<1792xi32, #tpu.memory_space<vmem>>, vector<16xi32>,
      %get3A_588 = arith.index_cast %add3A_586 : i32 to index
      %get3A_589 = tpu.vector_load %arg13[%get3A_588] {strides = array<i32>} : memref<1792xf32, #tpu.memory_space<vmem>>, vector<16xf32>,
      %get3A_590 = arith.index_cast %add3A_586 : i32 to index
      %get3A_591 = tpu.vector_load %arg15[%get3A_590] {strides = array<i32>} : memref<1792xi32, #tpu.memory_space<vmem>>, vector<16xi32>,
      %gather3A = tpu.vector_load_idx %arg7[%get3A_587] : memref<50176xf32, #tpu.memory_space<vmem>>[vector<16xi32>], vector<16xf32>,
      %mul3A_592 = arith.mulf %gather3A, %get3A_589 : vector<16xf32>
      tpu.vector_store_idx %arg8[%get3A_591], %mul3A_592 {add = true} : memref<50176xf32, #tpu.memory_space<vmem>>[vector<16xi32>], vector<16xf32>,
      %mul3A_593 = arith.constant 64 : i32
      %mul3A_594 = arith.muli %scan3A_581, %mul3A_593 : i32
      %add3A_595 = arith.constant 16 : i32
      %add3A_596 = arith.addi %mul3A_594, %add3A_595 : i32
      %get3A_597 = arith.index_cast %add3A_596 : i32 to index
      %get3A_598 = tpu.vector_load %arg11[%get3A_597] {strides = array<i32>} : memref<1792xi32, #tpu.memory_space<vmem>>, vector<16xi32>,
      %get3A_599 = arith.index_cast %add3A_596 : i32 to index
      %get3A_600 = tpu.vector_load %arg13[%get3A_599] {strides = array<i32>} : memref<1792xf32, #tpu.memory_space<vmem>>, vector<16xf32>,
      %get3A_601 = arith.index_cast %add3A_596 : i32 to index
      %get3A_602 = tpu.vector_load %arg15[%get3A_601] {strides = array<i32>} : memref<1792xi32, #tpu.memory_space<vmem>>, vector<16xi32>,
      %gather3A_603 = tpu.vector_load_idx %arg7[%get3A_598] : memref<50176xf32, #tpu.memory_space<vmem>>[vector<16xi32>], vector<16xf32>,
      %mul3A_604 = arith.mulf %gather3A_603, %get3A_600 : vector<16xf32>
      tpu.vector_store_idx %arg8[%get3A_602], %mul3A_604 {add = true} : memref<50176xf32, #tpu.memory_space<vmem>>[vector<16xi32>], vector<16xf32>,
      %mul3A_605 = arith.constant 64 : i32
      %mul3A_606 = arith.muli %scan3A_581, %mul3A_605 : i32
      %add3A_607 = arith.constant 32 : i32
      %add3A_608 = arith.addi %mul3A_606, %add3A_607 : i32
      %get3A_609 = arith.index_cast %add3A_608 : i32 to index
      %get3A_610 = tpu.vector_load %arg11[%get3A_609] {strides = array<i32>} : memref<1792xi32, #tpu.memory_space<vmem>>, vector<16xi32>,
      %get3A_611 = arith.index_cast %add3A_608 : i32 to index
      %get3A_612 = tpu.vector_load %arg13[%get3A_611] {strides = array<i32>} : memref<1792xf32, #tpu.memory_space<vmem>>, vector<16xf32>,
      %get3A_613 = arith.index_cast %add3A_608 : i32 to index
      %get3A_614 = tpu.vector_load %arg15[%get3A_613] {strides = array<i32>} : memref<1792xi32, #tpu.memory_space<vmem>>, vector<16xi32>,
      %gather3A_615 = tpu.vector_load_idx %arg7[%get3A_610] : memref<50176xf32, #tpu.memory_space<vmem>>[vector<16xi32>], vector<16xf32>,
      %mul3A_616 = arith.mulf %gather3A_615, %get3A_612 : vector<16xf32>
      tpu.vector_store_idx %arg8[%get3A_614], %mul3A_616 {add = true} : memref<50176xf32, #tpu.memory_space<vmem>>[vector<16xi32>], vector<16xf32>,
      %mul3A_617 = arith.constant 64 : i32
      %mul3A_618 = arith.muli %scan3A_581, %mul3A_617 : i32
      %add3A_619 = arith.constant 48 : i32
      %add3A_620 = arith.addi %mul3A_618, %add3A_619 : i32
      %get3A_621 = arith.index_cast %add3A_620 : i32 to index
      %get3A_622 = tpu.vector_load %arg11[%get3A_621] {strides = array<i32>} : memref<1792xi32, #tpu.memory_space<vmem>>, vector<16xi32>,
      %get3A_623 = arith.index_cast %add3A_620 : i32 to index
      %get3A_624 = tpu.vector_load %arg13[%get3A_623] {strides = array<i32>} : memref<1792xf32, #tpu.memory_space<vmem>>, vector<16xf32>,
      %get3A_625 = arith.index_cast %add3A_620 : i32 to index
      %get3A_626 = tpu.vector_load %arg15[%get3A_625] {strides = array<i32>} : memref<1792xi32, #tpu.memory_space<vmem>>, vector<16xi32>,
      %gather3A_627 = tpu.vector_load_idx %arg7[%get3A_622] : memref<50176xf32, #tpu.memory_space<vmem>>[vector<16xi32>], vector<16xf32>,
      %mul3A_628 = arith.mulf %gather3A_627, %get3A_624 : vector<16xf32>
      tpu.vector_store_idx %arg8[%get3A_626], %mul3A_628 {add = true} : memref<50176xf32, #tpu.memory_space<vmem>>[vector<16xi32>], vector<16xf32>,
      %scan3A_629 = arith.constant 0 : i32
      scf.yield %scan3A_629 : i32
    }
    %scan3A_556 = arith.constant 28 : i32
    %dma_wait3A_557 = arith.constant 1 : i32
    %dma_wait3A_558 = tpu.memref_slice %arg3[%add3A_519] : memref<802816xi32, #tpu.memory_space<hbm>> -> memref<1792xi32, #tpu.memory_space<hbm>>
    %dma_wait3A_559 = tpu.memref_slice %arg10[%dma_wait3A_557] : memref<2x!tpu.dma_semaphore, #tpu.memory_space<semaphore_mem>> -> memref<1x!tpu.dma_semaphore, #tpu.memory_space<semaphore_mem>>
    %dma_wait3A_560 = tpu.memref_squeeze %dma_wait3A_559 : memref<1x!tpu.dma_semaphore, #tpu.memory_space<semaphore_mem>> -> memref<!tpu.dma_semaphore, #tpu.memory_space<semaphore_mem>>
    %dma_wait3A_561 = tpu.memref_slice %arg3[%add3A_519] : memref<802816xi32, #tpu.memory_space<hbm>> -> memref<1792xi32, #tpu.memory_space<hbm>>
    tpu.wait_dma2 semaphore(%dma_wait3A_560 : memref<!tpu.dma_semaphore, #tpu.memory_space<semaphore_mem>>) src(%dma_wait3A_561 : memref<1792xi32, #tpu.memory_space<hbm>>) dst(%arg12 : memref<1792xi32, #tpu.memory_space<vmem>>)
    %dma_wait3A_562 = arith.constant 1 : i32
    %dma_wait3A_563 = tpu.memref_slice %arg4[%add3A_519] : memref<802816xf32, #tpu.memory_space<hbm>> -> memref<1792xf32, #tpu.memory_space<hbm>>
    %dma_wait3A_564 = tpu.memref_slice %arg10[%dma_wait3A_562] : memref<2x!tpu.dma_semaphore, #tpu.memory_space<semaphore_mem>> -> memref<1x!tpu.dma_semaphore, #tpu.memory_space<semaphore_mem>>
    %dma_wait3A_565 = tpu.memref_squeeze %dma_wait3A_564 : memref<1x!tpu.dma_semaphore, #tpu.memory_space<semaphore_mem>> -> memref<!tpu.dma_semaphore, #tpu.memory_space<semaphore_mem>>
    %dma_wait3A_566 = tpu.memref_slice %arg4[%add3A_519] : memref<802816xf32, #tpu.memory_space<hbm>> -> memref<1792xf32, #tpu.memory_space<hbm>>
    tpu.wait_dma2 semaphore(%dma_wait3A_565 : memref<!tpu.dma_semaphore, #tpu.memory_space<semaphore_mem>>) src(%dma_wait3A_566 : memref<1792xf32, #tpu.memory_space<hbm>>) dst(%arg14 : memref<1792xf32, #tpu.memory_space<vmem>>)
    %dma_wait3A_567 = arith.constant 1 : i32
    %dma_wait3A_568 = tpu.memref_slice %arg5[%add3A_519] : memref<802816xi32, #tpu.memory_space<hbm>> -> memref<1792xi32, #tpu.memory_space<hbm>>
    %dma_wait3A_569 = tpu.memref_slice %arg10[%dma_wait3A_567] : memref<2x!tpu.dma_semaphore, #tpu.memory_space<semaphore_mem>> -> memref<1x!tpu.dma_semaphore, #tpu.memory_space<semaphore_mem>>
    %dma_wait3A_570 = tpu.memref_squeeze %dma_wait3A_569 : memref<1x!tpu.dma_semaphore, #tpu.memory_space<semaphore_mem>> -> memref<!tpu.dma_semaphore, #tpu.memory_space<semaphore_mem>>
    %dma_wait3A_571 = tpu.memref_slice %arg5[%add3A_519] : memref<802816xi32, #tpu.memory_space<hbm>> -> memref<1792xi32, #tpu.memory_space<hbm>>
    tpu.wait_dma2 semaphore(%dma_wait3A_570 : memref<!tpu.dma_semaphore, #tpu.memory_space<semaphore_mem>>) src(%dma_wait3A_571 : memref<1792xi32, #tpu.memory_space<hbm>>) dst(%arg16 : memref<1792xi32, #tpu.memory_space<vmem>>)
    %scan3A_572 = arith.constant 0 : i32
    %scan3A_573 = arith.constant 0 : i32
    %scan3A_574 = arith.constant 28 : i32
    %scan3A_575 = arith.addi %scan3A_573, %scan3A_574 : i32
    %scan3A_576 = arith.constant 1 : i32
    %scan3A_577 = scf.for %scan3A_581 = %scan3A_573 to %scan3A_575 step %scan3A_576 iter_args(%scan3A_582 = %scan3A_572) -> (i32)  : i32 {
      %mul3A_583 = arith.constant 64 : i32
      %mul3A_584 = arith.muli %scan3A_581, %mul3A_583 : i32
      %add3A_585 = arith.constant 0 : i32
      %add3A_586 = arith.addi %mul3A_584, %add3A_585 : i32
      %get3A = arith.index_cast %add3A_586 : i32 to index
      %get3A_587 = tpu.vector_load %arg12[%get3A] {strides = array<i32>} : memref<1792xi32, #tpu.memory_space<vmem>>, vector<16xi32>,
      %get3A_588 = arith.index_cast %add3A_586 : i32 to index
      %get3A_589 = tpu.vector_load %arg14[%get3A_588] {strides = array<i32>} : memref<1792xf32, #tpu.memory_space<vmem>>, vector<16xf32>,
      %get3A_590 = arith.index_cast %add3A_586 : i32 to index
      %get3A_591 = tpu.vector_load %arg16[%get3A_590] {strides = array<i32>} : memref<1792xi32, #tpu.memory_space<vmem>>, vector<16xi32>,
      %gather3A = tpu.vector_load_idx %arg7[%get3A_587] : memref<50176xf32, #tpu.memory_space<vmem>>[vector<16xi32>], vector<16xf32>,
      %mul3A_592 = arith.mulf %gather3A, %get3A_589 : vector<16xf32>
      tpu.vector_store_idx %arg8[%get3A_591], %mul3A_592 {add = true} : memref<50176xf32, #tpu.memory_space<vmem>>[vector<16xi32>], vector<16xf32>,
      %mul3A_593 = arith.constant 64 : i32
      %mul3A_594 = arith.muli %scan3A_581, %mul3A_593 : i32
      %add3A_595 = arith.constant 16 : i32
      %add3A_596 = arith.addi %mul3A_594, %add3A_595 : i32
      %get3A_597 = arith.index_cast %add3A_596 : i32 to index
      %get3A_598 = tpu.vector_load %arg12[%get3A_597] {strides = array<i32>} : memref<1792xi32, #tpu.memory_space<vmem>>, vector<16xi32>,
      %get3A_599 = arith.index_cast %add3A_596 : i32 to index
      %get3A_600 = tpu.vector_load %arg14[%get3A_599] {strides = array<i32>} : memref<1792xf32, #tpu.memory_space<vmem>>, vector<16xf32>,
      %get3A_601 = arith.index_cast %add3A_596 : i32 to index
      %get3A_602 = tpu.vector_load %arg16[%get3A_601] {strides = array<i32>} : memref<1792xi32, #tpu.memory_space<vmem>>, vector<16xi32>,
      %gather3A_603 = tpu.vector_load_idx %arg7[%get3A_598] : memref<50176xf32, #tpu.memory_space<vmem>>[vector<16xi32>], vector<16xf32>,
      %mul3A_604 = arith.mulf %gather3A_603, %get3A_600 : vector<16xf32>
      tpu.vector_store_idx %arg8[%get3A_602], %mul3A_604 {add = true} : memref<50176xf32, #tpu.memory_space<vmem>>[vector<16xi32>], vector<16xf32>,
      %mul3A_605 = arith.constant 64 : i32
      %mul3A_606 = arith.muli %scan3A_581, %mul3A_605 : i32
      %add3A_607 = arith.constant 32 : i32
      %add3A_608 = arith.addi %mul3A_606, %add3A_607 : i32
      %get3A_609 = arith.index_cast %add3A_608 : i32 to index
      %get3A_610 = tpu.vector_load %arg12[%get3A_609] {strides = array<i32>} : memref<1792xi32, #tpu.memory_space<vmem>>, vector<16xi32>,
      %get3A_611 = arith.index_cast %add3A_608 : i32 to index
      %get3A_612 = tpu.vector_load %arg14[%get3A_611] {strides = array<i32>} : memref<1792xf32, #tpu.memory_space<vmem>>, vector<16xf32>,
      %get3A_613 = arith.index_cast %add3A_608 : i32 to index
      %get3A_614 = tpu.vector_load %arg16[%get3A_613] {strides = array<i32>} : memref<1792xi32, #tpu.memory_space<vmem>>, vector<16xi32>,
      %gather3A_615 = tpu.vector_load_idx %arg7[%get3A_610] : memref<50176xf32, #tpu.memory_space<vmem>>[vector<16xi32>], vector<16xf32>,
      %mul3A_616 = arith.mulf %gather3A_615, %get3A_612 : vector<16xf32>
      tpu.vector_store_idx %arg8[%get3A_614], %mul3A_616 {add = true} : memref<50176xf32, #tpu.memory_space<vmem>>[vector<16xi32>], vector<16xf32>,
      %mul3A_617 = arith.constant 64 : i32
      %mul3A_618 = arith.muli %scan3A_581, %mul3A_617 : i32
      %add3A_619 = arith.constant 48 : i32
      %add3A_620 = arith.addi %mul3A_618, %add3A_619 : i32
      %get3A_621 = arith.index_cast %add3A_620 : i32 to index
      %get3A_622 = tpu.vector_load %arg12[%get3A_621] {strides = array<i32>} : memref<1792xi32, #tpu.memory_space<vmem>>, vector<16xi32>,
      %get3A_623 = arith.index_cast %add3A_620 : i32 to index
      %get3A_624 = tpu.vector_load %arg14[%get3A_623] {strides = array<i32>} : memref<1792xf32, #tpu.memory_space<vmem>>, vector<16xf32>,
      %get3A_625 = arith.index_cast %add3A_620 : i32 to index
      %get3A_626 = tpu.vector_load %arg16[%get3A_625] {strides = array<i32>} : memref<1792xi32, #tpu.memory_space<vmem>>, vector<16xi32>,
      %gather3A_627 = tpu.vector_load_idx %arg7[%get3A_622] : memref<50176xf32, #tpu.memory_space<vmem>>[vector<16xi32>], vector<16xf32>,
      %mul3A_628 = arith.mulf %gather3A_627, %get3A_624 : vector<16xf32>
      tpu.vector_store_idx %arg8[%get3A_626], %mul3A_628 {add = true} : memref<50176xf32, #tpu.memory_space<vmem>>[vector<16xi32>], vector<16xf32>,
      %scan3A_629 = arith.constant 0 : i32
      scf.yield %scan3A_629 : i32
    }
    %scan3A_578 = arith.constant 28 : i32
    %mul3A_579 = arith.constant 50176 : i32
    %mul3A_580 = arith.muli %add3A, %mul3A_579 : i32
    "tpu.region"() ({
      %run_scoped3A = tpu.sem_alloc : memref<!tpu.dma_semaphore, #tpu.memory_space<semaphore_mem>>
      %dma_start3A_581 = tpu.memref_slice %arg6[%mul3A_580] : memref<1605632xf32, #tpu.memory_space<hbm>> -> memref<50176xf32, #tpu.memory_space<hbm>>
      %dma_start3A_582 = tpu.memref_slice %arg6[%mul3A_580] : memref<1605632xf32, #tpu.memory_space<hbm>> -> memref<50176xf32, #tpu.memory_space<hbm>>
      tpu.enqueue_dma source(%arg8 : memref<50176xf32, #tpu.memory_space<vmem>>) target(%dma_start3A_582 : memref<50176xf32, #tpu.memory_space<hbm>>) target_semaphore(%run_scoped3A : memref<!tpu.dma_semaphore, #tpu.memory_space<semaphore_mem>>)
      %dma_wait3A_583 = tpu.memref_slice %arg6[%mul3A_580] : memref<1605632xf32, #tpu.memory_space<hbm>> -> memref<50176xf32, #tpu.memory_space<hbm>>
      %dma_wait3A_584 = tpu.memref_slice %arg6[%mul3A_580] : memref<1605632xf32, #tpu.memory_space<hbm>> -> memref<50176xf32, #tpu.memory_space<hbm>>
      tpu.wait_dma2 semaphore(%run_scoped3A : memref<!tpu.dma_semaphore, #tpu.memory_space<semaphore_mem>>) src(%arg8 : memref<50176xf32, #tpu.memory_space<vmem>>) dst(%dma_wait3A_584 : memref<50176xf32, #tpu.memory_space<hbm>>)
      tpu.yield
    }) : () -> ()
    return
  }
}

module attributes {stable_mosaic.version = 14 : i64} {
  func.func @_split_body(%arg0: memref<2x800000xi32, #tpu.memory_space<vmem>>, %arg1: memref<800000xi32, #tpu.memory_space<vmem>>, %arg2: memref<800000xi32, #tpu.memory_space<vmem>>) attributes {dimension_semantics = [], scalar_prefetch = 0 : i64, scratch_operands = 0 : i64, tpu.core_type = #tpu.core_type<tc>} {
    %get3A = arith.constant 0 : index
    %get3A_0 = arith.constant 0 : index
    %get3A_1 = vector.load %arg0[%get3A, %get3A_0] : memref<2x800000xi32, #tpu.memory_space<vmem>>, vector<1x800000xi32>
    %get3A_2 = vector.shape_cast %get3A_1 : vector<1x800000xi32> to vector<800000xi32>
    %swap3A = arith.constant 0 : index
    %swap3A_3 = vector.load %arg1[%swap3A] : memref<800000xi32, #tpu.memory_space<vmem>>, vector<800000xi32>
    tpu.vector_store %arg1[%swap3A], %get3A_2 {strides = array<i32>} : memref<800000xi32, #tpu.memory_space<vmem>>, vector<800000xi32>,
    %get3A_4 = arith.constant 1 : index
    %get3A_5 = arith.constant 0 : index
    %get3A_6 = vector.load %arg0[%get3A_4, %get3A_5] : memref<2x800000xi32, #tpu.memory_space<vmem>>, vector<1x800000xi32>
    %get3A_7 = vector.shape_cast %get3A_6 : vector<1x800000xi32> to vector<800000xi32>
    %swap3A_8 = arith.constant 0 : index
    %swap3A_9 = vector.load %arg2[%swap3A_8] : memref<800000xi32, #tpu.memory_space<vmem>>, vector<800000xi32>
    tpu.vector_store %arg2[%swap3A_8], %get3A_7 {strides = array<i32>} : memref<800000xi32, #tpu.memory_space<vmem>>, vector<800000xi32>,
    return
  }
}

module attributes {stable_mosaic.version = 14 : i64} {
  func.func @_dense_body(%arg0: memref<12544x128xf32, #tpu.memory_space<vmem>>, %arg1: memref<392x128xf32, #tpu.memory_space<vmem>>, %arg2: memref<64xf32, #tpu.memory_space<smem>>, %arg3: memref<64xf32, #tpu.memory_space<smem>>, %arg4: memref<64xf32, #tpu.memory_space<smem>>, %arg5: memref<64xf32, #tpu.memory_space<smem>>, %arg6: memref<64xf32, #tpu.memory_space<smem>>, %arg7: memref<392x128xf32, #tpu.memory_space<vmem>>, %arg8: memref<392x128xf32, #tpu.memory_space<vmem>>) attributes {dimension_semantics = [], scalar_prefetch = 0 : i64, scratch_operands = 0 : i64, tpu.core_type = #tpu.core_type<tc>} {
    %get3A = arith.constant 0 : index
    %get3A_0 = arith.constant 0 : index
    %get3A_1 = vector.load %arg0[%get3A, %get3A_0] : memref<12544x128xf32, #tpu.memory_space<vmem>>, vector<392x128xf32>
    %get3A_2 = arith.constant 392 : index
    %get3A_3 = arith.constant 0 : index
    %get3A_4 = vector.load %arg0[%get3A_2, %get3A_3] : memref<12544x128xf32, #tpu.memory_space<vmem>>, vector<392x128xf32>
    %add3A = arith.addf %get3A_1, %get3A_4 : vector<392x128xf32>
    %get3A_5 = arith.constant 784 : index
    %get3A_6 = arith.constant 0 : index
    %get3A_7 = vector.load %arg0[%get3A_5, %get3A_6] : memref<12544x128xf32, #tpu.memory_space<vmem>>, vector<392x128xf32>
    %add3A_8 = arith.addf %add3A, %get3A_7 : vector<392x128xf32>
    %get3A_9 = arith.constant 1176 : index
    %get3A_10 = arith.constant 0 : index
    %get3A_11 = vector.load %arg0[%get3A_9, %get3A_10] : memref<12544x128xf32, #tpu.memory_space<vmem>>, vector<392x128xf32>
    %add3A_12 = arith.addf %add3A_8, %get3A_11 : vector<392x128xf32>
    %get3A_13 = arith.constant 1568 : index
    %get3A_14 = arith.constant 0 : index
    %get3A_15 = vector.load %arg0[%get3A_13, %get3A_14] : memref<12544x128xf32, #tpu.memory_space<vmem>>, vector<392x128xf32>
    %add3A_16 = arith.addf %add3A_12, %get3A_15 : vector<392x128xf32>
    %get3A_17 = arith.constant 1960 : index
    %get3A_18 = arith.constant 0 : index
    %get3A_19 = vector.load %arg0[%get3A_17, %get3A_18] : memref<12544x128xf32, #tpu.memory_space<vmem>>, vector<392x128xf32>
    %add3A_20 = arith.addf %add3A_16, %get3A_19 : vector<392x128xf32>
    %get3A_21 = arith.constant 2352 : index
    %get3A_22 = arith.constant 0 : index
    %get3A_23 = vector.load %arg0[%get3A_21, %get3A_22] : memref<12544x128xf32, #tpu.memory_space<vmem>>, vector<392x128xf32>
    %add3A_24 = arith.addf %add3A_20, %get3A_23 : vector<392x128xf32>
    %get3A_25 = arith.constant 2744 : index
    %get3A_26 = arith.constant 0 : index
    %get3A_27 = vector.load %arg0[%get3A_25, %get3A_26] : memref<12544x128xf32, #tpu.memory_space<vmem>>, vector<392x128xf32>
    %add3A_28 = arith.addf %add3A_24, %get3A_27 : vector<392x128xf32>
    %get3A_29 = arith.constant 3136 : index
    %get3A_30 = arith.constant 0 : index
    %get3A_31 = vector.load %arg0[%get3A_29, %get3A_30] : memref<12544x128xf32, #tpu.memory_space<vmem>>, vector<392x128xf32>
    %add3A_32 = arith.addf %add3A_28, %get3A_31 : vector<392x128xf32>
    %get3A_33 = arith.constant 3528 : index
    %get3A_34 = arith.constant 0 : index
    %get3A_35 = vector.load %arg0[%get3A_33, %get3A_34] : memref<12544x128xf32, #tpu.memory_space<vmem>>, vector<392x128xf32>
    %add3A_36 = arith.addf %add3A_32, %get3A_35 : vector<392x128xf32>
    %get3A_37 = arith.constant 3920 : index
    %get3A_38 = arith.constant 0 : index
    %get3A_39 = vector.load %arg0[%get3A_37, %get3A_38] : memref<12544x128xf32, #tpu.memory_space<vmem>>, vector<392x128xf32>
    %add3A_40 = arith.addf %add3A_36, %get3A_39 : vector<392x128xf32>
    %get3A_41 = arith.constant 4312 : index
    %get3A_42 = arith.constant 0 : index
    %get3A_43 = vector.load %arg0[%get3A_41, %get3A_42] : memref<12544x128xf32, #tpu.memory_space<vmem>>, vector<392x128xf32>
    %add3A_44 = arith.addf %add3A_40, %get3A_43 : vector<392x128xf32>
    %get3A_45 = arith.constant 4704 : index
    %get3A_46 = arith.constant 0 : index
    %get3A_47 = vector.load %arg0[%get3A_45, %get3A_46] : memref<12544x128xf32, #tpu.memory_space<vmem>>, vector<392x128xf32>
    %add3A_48 = arith.addf %add3A_44, %get3A_47 : vector<392x128xf32>
    %get3A_49 = arith.constant 5096 : index
    %get3A_50 = arith.constant 0 : index
    %get3A_51 = vector.load %arg0[%get3A_49, %get3A_50] : memref<12544x128xf32, #tpu.memory_space<vmem>>, vector<392x128xf32>
    %add3A_52 = arith.addf %add3A_48, %get3A_51 : vector<392x128xf32>
    %get3A_53 = arith.constant 5488 : index
    %get3A_54 = arith.constant 0 : index
    %get3A_55 = vector.load %arg0[%get3A_53, %get3A_54] : memref<12544x128xf32, #tpu.memory_space<vmem>>, vector<392x128xf32>
    %add3A_56 = arith.addf %add3A_52, %get3A_55 : vector<392x128xf32>
    %get3A_57 = arith.constant 5880 : index
    %get3A_58 = arith.constant 0 : index
    %get3A_59 = vector.load %arg0[%get3A_57, %get3A_58] : memref<12544x128xf32, #tpu.memory_space<vmem>>, vector<392x128xf32>
    %add3A_60 = arith.addf %add3A_56, %get3A_59 : vector<392x128xf32>
    %get3A_61 = arith.constant 6272 : index
    %get3A_62 = arith.constant 0 : index
    %get3A_63 = vector.load %arg0[%get3A_61, %get3A_62] : memref<12544x128xf32, #tpu.memory_space<vmem>>, vector<392x128xf32>
    %add3A_64 = arith.addf %add3A_60, %get3A_63 : vector<392x128xf32>
    %get3A_65 = arith.constant 6664 : index
    %get3A_66 = arith.constant 0 : index
    %get3A_67 = vector.load %arg0[%get3A_65, %get3A_66] : memref<12544x128xf32, #tpu.memory_space<vmem>>, vector<392x128xf32>
    %add3A_68 = arith.addf %add3A_64, %get3A_67 : vector<392x128xf32>
    %get3A_69 = arith.constant 7056 : index
    %get3A_70 = arith.constant 0 : index
    %get3A_71 = vector.load %arg0[%get3A_69, %get3A_70] : memref<12544x128xf32, #tpu.memory_space<vmem>>, vector<392x128xf32>
    %add3A_72 = arith.addf %add3A_68, %get3A_71 : vector<392x128xf32>
    %get3A_73 = arith.constant 7448 : index
    %get3A_74 = arith.constant 0 : index
    %get3A_75 = vector.load %arg0[%get3A_73, %get3A_74] : memref<12544x128xf32, #tpu.memory_space<vmem>>, vector<392x128xf32>
    %add3A_76 = arith.addf %add3A_72, %get3A_75 : vector<392x128xf32>
    %get3A_77 = arith.constant 7840 : index
    %get3A_78 = arith.constant 0 : index
    %get3A_79 = vector.load %arg0[%get3A_77, %get3A_78] : memref<12544x128xf32, #tpu.memory_space<vmem>>, vector<392x128xf32>
    %add3A_80 = arith.addf %add3A_76, %get3A_79 : vector<392x128xf32>
    %get3A_81 = arith.constant 8232 : index
    %get3A_82 = arith.constant 0 : index
    %get3A_83 = vector.load %arg0[%get3A_81, %get3A_82] : memref<12544x128xf32, #tpu.memory_space<vmem>>, vector<392x128xf32>
    %add3A_84 = arith.addf %add3A_80, %get3A_83 : vector<392x128xf32>
    %get3A_85 = arith.constant 8624 : index
    %get3A_86 = arith.constant 0 : index
    %get3A_87 = vector.load %arg0[%get3A_85, %get3A_86] : memref<12544x128xf32, #tpu.memory_space<vmem>>, vector<392x128xf32>
    %add3A_88 = arith.addf %add3A_84, %get3A_87 : vector<392x128xf32>
    %get3A_89 = arith.constant 9016 : index
    %get3A_90 = arith.constant 0 : index
    %get3A_91 = vector.load %arg0[%get3A_89, %get3A_90] : memref<12544x128xf32, #tpu.memory_space<vmem>>, vector<392x128xf32>
    %add3A_92 = arith.addf %add3A_88, %get3A_91 : vector<392x128xf32>
    %get3A_93 = arith.constant 9408 : index
    %get3A_94 = arith.constant 0 : index
    %get3A_95 = vector.load %arg0[%get3A_93, %get3A_94] : memref<12544x128xf32, #tpu.memory_space<vmem>>, vector<392x128xf32>
    %add3A_96 = arith.addf %add3A_92, %get3A_95 : vector<392x128xf32>
    %get3A_97 = arith.constant 9800 : index
    %get3A_98 = arith.constant 0 : index
    %get3A_99 = vector.load %arg0[%get3A_97, %get3A_98] : memref<12544x128xf32, #tpu.memory_space<vmem>>, vector<392x128xf32>
    %add3A_100 = arith.addf %add3A_96, %get3A_99 : vector<392x128xf32>
    %get3A_101 = arith.constant 10192 : index
    %get3A_102 = arith.constant 0 : index
    %get3A_103 = vector.load %arg0[%get3A_101, %get3A_102] : memref<12544x128xf32, #tpu.memory_space<vmem>>, vector<392x128xf32>
    %add3A_104 = arith.addf %add3A_100, %get3A_103 : vector<392x128xf32>
    %get3A_105 = arith.constant 10584 : index
    %get3A_106 = arith.constant 0 : index
    %get3A_107 = vector.load %arg0[%get3A_105, %get3A_106] : memref<12544x128xf32, #tpu.memory_space<vmem>>, vector<392x128xf32>
    %add3A_108 = arith.addf %add3A_104, %get3A_107 : vector<392x128xf32>
    %get3A_109 = arith.constant 10976 : index
    %get3A_110 = arith.constant 0 : index
    %get3A_111 = vector.load %arg0[%get3A_109, %get3A_110] : memref<12544x128xf32, #tpu.memory_space<vmem>>, vector<392x128xf32>
    %add3A_112 = arith.addf %add3A_108, %get3A_111 : vector<392x128xf32>
    %get3A_113 = arith.constant 11368 : index
    %get3A_114 = arith.constant 0 : index
    %get3A_115 = vector.load %arg0[%get3A_113, %get3A_114] : memref<12544x128xf32, #tpu.memory_space<vmem>>, vector<392x128xf32>
    %add3A_116 = arith.addf %add3A_112, %get3A_115 : vector<392x128xf32>
    %get3A_117 = arith.constant 11760 : index
    %get3A_118 = arith.constant 0 : index
    %get3A_119 = vector.load %arg0[%get3A_117, %get3A_118] : memref<12544x128xf32, #tpu.memory_space<vmem>>, vector<392x128xf32>
    %add3A_120 = arith.addf %add3A_116, %get3A_119 : vector<392x128xf32>
    %get3A_121 = arith.constant 12152 : index
    %get3A_122 = arith.constant 0 : index
    %get3A_123 = vector.load %arg0[%get3A_121, %get3A_122] : memref<12544x128xf32, #tpu.memory_space<vmem>>, vector<392x128xf32>
    %add3A_124 = arith.addf %add3A_120, %get3A_123 : vector<392x128xf32>
    %get3A_125 = arith.constant 0 : index
    %get3A_126 = arith.constant 0 : index
    %get3A_127 = vector.load %arg1[%get3A_125, %get3A_126] : memref<392x128xf32, #tpu.memory_space<vmem>>, vector<392x128xf32>
    %broadcast_in_dim3A = arith.constant 0.000000e+00 : f32
    %broadcast_in_dim3A_128 = vector.broadcast %broadcast_in_dim3A : f32 to vector<392x128xf32>
    %scan3A = arith.constant 0 : i32
    %scan3A_129 = arith.constant 64 : i32
    %scan3A_130 = arith.addi %scan3A, %scan3A_129 : i32
    %scan3A_131 = arith.constant 1 : i32
    %scan3A_132:2 = scf.for %scan3A_139 = %scan3A to %scan3A_130 step %scan3A_131 iter_args(%scan3A_140 = %broadcast_in_dim3A_128, %scan3A_141 = %broadcast_in_dim3A_128) -> (vector<392x128xf32>, vector<392x128xf32>)  : i32 {
      %get3A_142 = arith.index_cast %scan3A_139 : i32 to index
      %get3A_143 = memref.load %arg2[%get3A_142] : memref<64xf32, #tpu.memory_space<smem>>
      %mul3A = vector.broadcast %get3A_143 : f32 to vector<392x128xf32>
      %mul3A_144 = arith.mulf %add3A_124, %mul3A : vector<392x128xf32>
      %get3A_145 = arith.index_cast %scan3A_139 : i32 to index
      %get3A_146 = memref.load %arg3[%get3A_145] : memref<64xf32, #tpu.memory_space<smem>>
      %mul3A_147 = vector.broadcast %get3A_146 : f32 to vector<392x128xf32>
      %mul3A_148 = arith.mulf %get3A_127, %mul3A_147 : vector<392x128xf32>
      %add3A_149 = arith.addf %mul3A_144, %mul3A_148 : vector<392x128xf32>
      %get3A_150 = arith.index_cast %scan3A_139 : i32 to index
      %get3A_151 = memref.load %arg4[%get3A_150] : memref<64xf32, #tpu.memory_space<smem>>
      %add3A_152 = vector.broadcast %get3A_151 : f32 to vector<392x128xf32>
      %add3A_153 = arith.addf %add3A_149, %add3A_152 : vector<392x128xf32>
      %max3A = arith.constant 0.000000e+00 : f32
      %max3A_154 = vector.broadcast %max3A : f32 to vector<392x128xf32>
      %max3A_155 = arith.maximumf %add3A_153, %max3A_154 : vector<392x128xf32>
      %get3A_156 = arith.index_cast %scan3A_139 : i32 to index
      %get3A_157 = memref.load %arg5[%get3A_156] : memref<64xf32, #tpu.memory_space<smem>>
      %mul3A_158 = vector.broadcast %get3A_157 : f32 to vector<392x128xf32>
      %mul3A_159 = arith.mulf %mul3A_158, %max3A_155 : vector<392x128xf32>
      %add3A_160 = arith.addf %scan3A_140, %mul3A_159 : vector<392x128xf32>
      %get3A_161 = arith.index_cast %scan3A_139 : i32 to index
      %get3A_162 = memref.load %arg6[%get3A_161] : memref<64xf32, #tpu.memory_space<smem>>
      %mul3A_163 = vector.broadcast %get3A_162 : f32 to vector<392x128xf32>
      %mul3A_164 = arith.mulf %mul3A_163, %max3A_155 : vector<392x128xf32>
      %add3A_165 = arith.addf %scan3A_141, %mul3A_164 : vector<392x128xf32>
      scf.yield %add3A_160, %add3A_165 : vector<392x128xf32>, vector<392x128xf32>
    }
    %scan3A_133 = arith.constant 64 : i32
    %swap3A = arith.constant 0 : index
    %swap3A_134 = arith.constant 0 : index
    %swap3A_135 = vector.load %arg7[%swap3A, %swap3A_134] : memref<392x128xf32, #tpu.memory_space<vmem>>, vector<392x128xf32>
    tpu.vector_store %arg7[%swap3A, %swap3A_134], %scan3A_132#0 {strides = array<i32>} : memref<392x128xf32, #tpu.memory_space<vmem>>, vector<392x128xf32>,
    %swap3A_136 = arith.constant 0 : index
    %swap3A_137 = arith.constant 0 : index
    %swap3A_138 = vector.load %arg8[%swap3A_136, %swap3A_137] : memref<392x128xf32, #tpu.memory_space<vmem>>, vector<392x128xf32>
    tpu.vector_store %arg8[%swap3A_136, %swap3A_137], %scan3A_132#1 {strides = array<i32>} : memref<392x128xf32, #tpu.memory_space<vmem>>, vector<392x128xf32>,
    return
  }
}

module attributes {stable_mosaic.version = 14 : i64} {
  func.func @_final_body(%arg0: memref<12544x128xf32, #tpu.memory_space<vmem>>, %arg1: memref<392x128xf32, #tpu.memory_space<vmem>>, %arg2: memref<1xf32, #tpu.memory_space<smem>>, %arg3: memref<392x128xf32, #tpu.memory_space<vmem>>) attributes {dimension_semantics = [], scalar_prefetch = 0 : i64, scratch_operands = 0 : i64, tpu.core_type = #tpu.core_type<tc>} {
    %get3A = arith.constant 0 : index
    %get3A_0 = arith.constant 0 : index
    %get3A_1 = vector.load %arg0[%get3A, %get3A_0] : memref<12544x128xf32, #tpu.memory_space<vmem>>, vector<392x128xf32>
    %get3A_2 = arith.constant 392 : index
    %get3A_3 = arith.constant 0 : index
    %get3A_4 = vector.load %arg0[%get3A_2, %get3A_3] : memref<12544x128xf32, #tpu.memory_space<vmem>>, vector<392x128xf32>
    %add3A = arith.addf %get3A_1, %get3A_4 : vector<392x128xf32>
    %get3A_5 = arith.constant 784 : index
    %get3A_6 = arith.constant 0 : index
    %get3A_7 = vector.load %arg0[%get3A_5, %get3A_6] : memref<12544x128xf32, #tpu.memory_space<vmem>>, vector<392x128xf32>
    %add3A_8 = arith.addf %add3A, %get3A_7 : vector<392x128xf32>
    %get3A_9 = arith.constant 1176 : index
    %get3A_10 = arith.constant 0 : index
    %get3A_11 = vector.load %arg0[%get3A_9, %get3A_10] : memref<12544x128xf32, #tpu.memory_space<vmem>>, vector<392x128xf32>
    %add3A_12 = arith.addf %add3A_8, %get3A_11 : vector<392x128xf32>
    %get3A_13 = arith.constant 1568 : index
    %get3A_14 = arith.constant 0 : index
    %get3A_15 = vector.load %arg0[%get3A_13, %get3A_14] : memref<12544x128xf32, #tpu.memory_space<vmem>>, vector<392x128xf32>
    %add3A_16 = arith.addf %add3A_12, %get3A_15 : vector<392x128xf32>
    %get3A_17 = arith.constant 1960 : index
    %get3A_18 = arith.constant 0 : index
    %get3A_19 = vector.load %arg0[%get3A_17, %get3A_18] : memref<12544x128xf32, #tpu.memory_space<vmem>>, vector<392x128xf32>
    %add3A_20 = arith.addf %add3A_16, %get3A_19 : vector<392x128xf32>
    %get3A_21 = arith.constant 2352 : index
    %get3A_22 = arith.constant 0 : index
    %get3A_23 = vector.load %arg0[%get3A_21, %get3A_22] : memref<12544x128xf32, #tpu.memory_space<vmem>>, vector<392x128xf32>
    %add3A_24 = arith.addf %add3A_20, %get3A_23 : vector<392x128xf32>
    %get3A_25 = arith.constant 2744 : index
    %get3A_26 = arith.constant 0 : index
    %get3A_27 = vector.load %arg0[%get3A_25, %get3A_26] : memref<12544x128xf32, #tpu.memory_space<vmem>>, vector<392x128xf32>
    %add3A_28 = arith.addf %add3A_24, %get3A_27 : vector<392x128xf32>
    %get3A_29 = arith.constant 3136 : index
    %get3A_30 = arith.constant 0 : index
    %get3A_31 = vector.load %arg0[%get3A_29, %get3A_30] : memref<12544x128xf32, #tpu.memory_space<vmem>>, vector<392x128xf32>
    %add3A_32 = arith.addf %add3A_28, %get3A_31 : vector<392x128xf32>
    %get3A_33 = arith.constant 3528 : index
    %get3A_34 = arith.constant 0 : index
    %get3A_35 = vector.load %arg0[%get3A_33, %get3A_34] : memref<12544x128xf32, #tpu.memory_space<vmem>>, vector<392x128xf32>
    %add3A_36 = arith.addf %add3A_32, %get3A_35 : vector<392x128xf32>
    %get3A_37 = arith.constant 3920 : index
    %get3A_38 = arith.constant 0 : index
    %get3A_39 = vector.load %arg0[%get3A_37, %get3A_38] : memref<12544x128xf32, #tpu.memory_space<vmem>>, vector<392x128xf32>
    %add3A_40 = arith.addf %add3A_36, %get3A_39 : vector<392x128xf32>
    %get3A_41 = arith.constant 4312 : index
    %get3A_42 = arith.constant 0 : index
    %get3A_43 = vector.load %arg0[%get3A_41, %get3A_42] : memref<12544x128xf32, #tpu.memory_space<vmem>>, vector<392x128xf32>
    %add3A_44 = arith.addf %add3A_40, %get3A_43 : vector<392x128xf32>
    %get3A_45 = arith.constant 4704 : index
    %get3A_46 = arith.constant 0 : index
    %get3A_47 = vector.load %arg0[%get3A_45, %get3A_46] : memref<12544x128xf32, #tpu.memory_space<vmem>>, vector<392x128xf32>
    %add3A_48 = arith.addf %add3A_44, %get3A_47 : vector<392x128xf32>
    %get3A_49 = arith.constant 5096 : index
    %get3A_50 = arith.constant 0 : index
    %get3A_51 = vector.load %arg0[%get3A_49, %get3A_50] : memref<12544x128xf32, #tpu.memory_space<vmem>>, vector<392x128xf32>
    %add3A_52 = arith.addf %add3A_48, %get3A_51 : vector<392x128xf32>
    %get3A_53 = arith.constant 5488 : index
    %get3A_54 = arith.constant 0 : index
    %get3A_55 = vector.load %arg0[%get3A_53, %get3A_54] : memref<12544x128xf32, #tpu.memory_space<vmem>>, vector<392x128xf32>
    %add3A_56 = arith.addf %add3A_52, %get3A_55 : vector<392x128xf32>
    %get3A_57 = arith.constant 5880 : index
    %get3A_58 = arith.constant 0 : index
    %get3A_59 = vector.load %arg0[%get3A_57, %get3A_58] : memref<12544x128xf32, #tpu.memory_space<vmem>>, vector<392x128xf32>
    %add3A_60 = arith.addf %add3A_56, %get3A_59 : vector<392x128xf32>
    %get3A_61 = arith.constant 6272 : index
    %get3A_62 = arith.constant 0 : index
    %get3A_63 = vector.load %arg0[%get3A_61, %get3A_62] : memref<12544x128xf32, #tpu.memory_space<vmem>>, vector<392x128xf32>
    %add3A_64 = arith.addf %add3A_60, %get3A_63 : vector<392x128xf32>
    %get3A_65 = arith.constant 6664 : index
    %get3A_66 = arith.constant 0 : index
    %get3A_67 = vector.load %arg0[%get3A_65, %get3A_66] : memref<12544x128xf32, #tpu.memory_space<vmem>>, vector<392x128xf32>
    %add3A_68 = arith.addf %add3A_64, %get3A_67 : vector<392x128xf32>
    %get3A_69 = arith.constant 7056 : index
    %get3A_70 = arith.constant 0 : index
    %get3A_71 = vector.load %arg0[%get3A_69, %get3A_70] : memref<12544x128xf32, #tpu.memory_space<vmem>>, vector<392x128xf32>
    %add3A_72 = arith.addf %add3A_68, %get3A_71 : vector<392x128xf32>
    %get3A_73 = arith.constant 7448 : index
    %get3A_74 = arith.constant 0 : index
    %get3A_75 = vector.load %arg0[%get3A_73, %get3A_74] : memref<12544x128xf32, #tpu.memory_space<vmem>>, vector<392x128xf32>
    %add3A_76 = arith.addf %add3A_72, %get3A_75 : vector<392x128xf32>
    %get3A_77 = arith.constant 7840 : index
    %get3A_78 = arith.constant 0 : index
    %get3A_79 = vector.load %arg0[%get3A_77, %get3A_78] : memref<12544x128xf32, #tpu.memory_space<vmem>>, vector<392x128xf32>
    %add3A_80 = arith.addf %add3A_76, %get3A_79 : vector<392x128xf32>
    %get3A_81 = arith.constant 8232 : index
    %get3A_82 = arith.constant 0 : index
    %get3A_83 = vector.load %arg0[%get3A_81, %get3A_82] : memref<12544x128xf32, #tpu.memory_space<vmem>>, vector<392x128xf32>
    %add3A_84 = arith.addf %add3A_80, %get3A_83 : vector<392x128xf32>
    %get3A_85 = arith.constant 8624 : index
    %get3A_86 = arith.constant 0 : index
    %get3A_87 = vector.load %arg0[%get3A_85, %get3A_86] : memref<12544x128xf32, #tpu.memory_space<vmem>>, vector<392x128xf32>
    %add3A_88 = arith.addf %add3A_84, %get3A_87 : vector<392x128xf32>
    %get3A_89 = arith.constant 9016 : index
    %get3A_90 = arith.constant 0 : index
    %get3A_91 = vector.load %arg0[%get3A_89, %get3A_90] : memref<12544x128xf32, #tpu.memory_space<vmem>>, vector<392x128xf32>
    %add3A_92 = arith.addf %add3A_88, %get3A_91 : vector<392x128xf32>
    %get3A_93 = arith.constant 9408 : index
    %get3A_94 = arith.constant 0 : index
    %get3A_95 = vector.load %arg0[%get3A_93, %get3A_94] : memref<12544x128xf32, #tpu.memory_space<vmem>>, vector<392x128xf32>
    %add3A_96 = arith.addf %add3A_92, %get3A_95 : vector<392x128xf32>
    %get3A_97 = arith.constant 9800 : index
    %get3A_98 = arith.constant 0 : index
    %get3A_99 = vector.load %arg0[%get3A_97, %get3A_98] : memref<12544x128xf32, #tpu.memory_space<vmem>>, vector<392x128xf32>
    %add3A_100 = arith.addf %add3A_96, %get3A_99 : vector<392x128xf32>
    %get3A_101 = arith.constant 10192 : index
    %get3A_102 = arith.constant 0 : index
    %get3A_103 = vector.load %arg0[%get3A_101, %get3A_102] : memref<12544x128xf32, #tpu.memory_space<vmem>>, vector<392x128xf32>
    %add3A_104 = arith.addf %add3A_100, %get3A_103 : vector<392x128xf32>
    %get3A_105 = arith.constant 10584 : index
    %get3A_106 = arith.constant 0 : index
    %get3A_107 = vector.load %arg0[%get3A_105, %get3A_106] : memref<12544x128xf32, #tpu.memory_space<vmem>>, vector<392x128xf32>
    %add3A_108 = arith.addf %add3A_104, %get3A_107 : vector<392x128xf32>
    %get3A_109 = arith.constant 10976 : index
    %get3A_110 = arith.constant 0 : index
    %get3A_111 = vector.load %arg0[%get3A_109, %get3A_110] : memref<12544x128xf32, #tpu.memory_space<vmem>>, vector<392x128xf32>
    %add3A_112 = arith.addf %add3A_108, %get3A_111 : vector<392x128xf32>
    %get3A_113 = arith.constant 11368 : index
    %get3A_114 = arith.constant 0 : index
    %get3A_115 = vector.load %arg0[%get3A_113, %get3A_114] : memref<12544x128xf32, #tpu.memory_space<vmem>>, vector<392x128xf32>
    %add3A_116 = arith.addf %add3A_112, %get3A_115 : vector<392x128xf32>
    %get3A_117 = arith.constant 11760 : index
    %get3A_118 = arith.constant 0 : index
    %get3A_119 = vector.load %arg0[%get3A_117, %get3A_118] : memref<12544x128xf32, #tpu.memory_space<vmem>>, vector<392x128xf32>
    %add3A_120 = arith.addf %add3A_116, %get3A_119 : vector<392x128xf32>
    %get3A_121 = arith.constant 12152 : index
    %get3A_122 = arith.constant 0 : index
    %get3A_123 = vector.load %arg0[%get3A_121, %get3A_122] : memref<12544x128xf32, #tpu.memory_space<vmem>>, vector<392x128xf32>
    %add3A_124 = arith.addf %add3A_120, %get3A_123 : vector<392x128xf32>
    %get3A_125 = arith.constant 0 : index
    %get3A_126 = arith.constant 0 : index
    %get3A_127 = vector.load %arg1[%get3A_125, %get3A_126] : memref<392x128xf32, #tpu.memory_space<vmem>>, vector<392x128xf32>
    %add3A_128 = arith.addf %add3A_124, %get3A_127 : vector<392x128xf32>
    %get3A_129 = arith.constant 0 : index
    %get3A_130 = memref.load %arg2[%get3A_129] : memref<1xf32, #tpu.memory_space<smem>>
    %add3A_131 = vector.broadcast %get3A_130 : f32 to vector<392x128xf32>
    %add3A_132 = arith.addf %add3A_128, %add3A_131 : vector<392x128xf32>
    %logistic3A = arith.negf %add3A_132 : vector<392x128xf32>
    %logistic3A_133 = math.exp %logistic3A : vector<392x128xf32>
    %logistic3A_134 = arith.constant 1.000000e+00 : f32
    %logistic3A_135 = vector.broadcast %logistic3A_134 : f32 to vector<392x128xf32>
    %logistic3A_136 = arith.addf %logistic3A_135, %logistic3A_133 : vector<392x128xf32>
    %logistic3A_137 = arith.divf %logistic3A_135, %logistic3A_136 : vector<392x128xf32>
    %swap3A = arith.constant 0 : index
    %swap3A_138 = arith.constant 0 : index
    %swap3A_139 = vector.load %arg3[%swap3A, %swap3A_138] : memref<392x128xf32, #tpu.memory_space<vmem>>, vector<392x128xf32>
    tpu.vector_store %arg3[%swap3A, %swap3A_138], %logistic3A_137 {strides = array<i32>} : memref<392x128xf32, #tpu.memory_space<vmem>>, vector<392x128xf32>,
    return
  }
}

</mosaic_0001>

<sc_bundles>
// kernel: kernel.10.cloned.1.call-start
scs
__scs_entry_jumppad:
0x0: {  	(pc) =	sbr.rel $0x88, $3  }
0x1: {  	(tag) =	ssettag $0x0;
	lr =	simm.s32 $0x1  }
0x2: {  	[smem:$0x3F98] =	sst lr;
	_ =	strace $0xD0000000  }
0x3: {  	_ = 	snop  }
0x4: {  	_ = 	snop  }
0x5: {  	_ = 	snop  }
0x6: {  	_ = 	snop  }
0x7: {  	_ = 	snop  }
__scs_overlays_trampoline_lowered:
0x8: {  	[smem:$0x3FA7] =	sst s0  }
0x9: {  	[smem:$0x3FA8] =	sst s1  }
0xa: {  	[smem:$0x3FA9] =	sst s2  }
0xb: {  	[smem:$0x3FAA] =	sst s3  }
0xc: {  	[smem:$0x3FAB] =	sst s4  }
0xd: {  	[smem:$0x3FAC] =	sst s5  }
0xe: {  	[smem:$0x3FAD] =	sst s6  }
0xf: {  	[smem:$0x3FAE] =	sst s7  }
0x10: {  	[smem:$0x3FAF] =	sst s8  }
0x11: {  	[smem:$0x3FB0] =	sst s9;
	s0 =	simm.s32 @!p0 $0x0  }
0x12: {  	s1 =	sld [smem:$0x3F96];
	s0 =	simm.s32 @p0 $0x1  }
0x13: {  	[smem:$0x3FB1] =	sst s0;
	s0 =	simm.s32 @!p1 $0x0  }
0x14: {  	s2 =	sld [smem:$0x3F95];
	s0 =	simm.s32 @p1 $0x1  }
0x15: {  	[smem:$0x3FB2] =	sst s0;
	s0 =	simm.s32 @!p2 $0x0  }
0x16: {  	s3 =	sld [smem:$0x3FDB];
	s0 =	simm.s32 @p2 $0x1  }
0x17: {  	s4 =	simm.s32 $0x1BF5;
	[smem:$0x3FB4] =	sst s0  }
0x18: {  	s0 =	sld [smem:$0x3F97];
	_ =	swait.ge [sflag:s4], $0x0  }
0x19: {  	s7 =	sld [smem:$0x3F98]  }
0x1a: {  	s8 =	sadd.s32 $0xFFFFE003, lr  }
0x1b: {  	s9 =	sadd.s32 $0xFFFFFEF7, lr;
	s5 =	simm.s32 $0xFFFFFFFF;
	p2 =	slt.u32 s8, $0xFFFFF086  }
0x1c: {  	p1 =	slt.u32 s9, $0xF7A;
	s5 =	simm.s32 @!p2 $0x0  }
0x1d: {  	s5 =	simm.s32 @p1 $0x1;
	p0 =	seq.s32 s7, s2  }
0x1e: {  	s7 =	smul.u32 @!p0 $0xF7A, s2;
	p2 =	seq.s32 @!p0 s5, $0x0  }
0x1f: {  	s9 =	smul.u32 $0xF7A, s1;
	s8 =	simm.s32 @!p0 $0x1BF5;
	p2 =	por !p2, p0  }
0x20: {  	[sflag:s8] =	ssyncset.s32 @!p0 $0xFFFFF086;
	s6 =	sadd.s32 @!p0 s3, s7;
	s7 =	simm.s32 @!p0 $0x108  }
0x21: {  	s3 =	sadd.s32 s3, s9;
	s6 =	sadd.s32 @!p0 $0x88, s6;
	s7 =	simm.s32 @p2 $0x1082  }
0x22: {  	[simem:s7], [sflag:s8] =	dma.local @!p0 [hbm:s6], $0xF7A  }
0x23: {  	s9 =	sor.u32 $0xD0000000, s2;
	s6 =	simm.s32 $0x108;
	_ =	swait.ge @!p0 [sflag:s8], $0x0  }
0x24: {  	s3 =	sadd.s32 $0x88, s3;
	s6 =	simm.s32 @!p1 $0x1082;
	[sflag:s4] =	ssyncset.s32 $0xFFFFF086  }
0x25: {  	[simem:s6], [sflag:s4] =	dma.local [hbm:s3], $0xF7A  }
0x26: {  	[smem:$0x3F98] =	sst s1;
	(tag) =	ssettag s2;
	_ =	strace s9  }
0x27: {  	s1 =	sld [smem:$0x3FA8]  }
0x28: {  	s2 =	sld [smem:$0x3FA9]  }
0x29: {  	s4 =	sld [smem:$0x3FAB]  }
0x2a: {  	p0 =	seq.s32 s5, $0x0;
	s5 =	sld [smem:$0x3FAC]  }
0x2b: {  	s6 =	sld [smem:$0x3FAD]  }
0x2c: {  	s7 =	sld [smem:$0x3FAE]  }
0x2d: {  	s3 =	simm.s32 $0x108;
	s8 =	sld [smem:$0x3FAF]  }
0x2e: {  	s3 =	simm.s32 @!p0 $0x1082;
	s9 =	sld [smem:$0x3FB0]  }
0x2f: {  	lr =	sadd.s32 s0, s3;
	s0 =	sld [smem:$0x3FA7]  }
0x30: {  	s3 =	sld [smem:$0x3FAA]  }
0x31: {  	[smem:$0x3FB3] =	sst s10  }
0x32: {  	s10 =	sld [smem:$0x3FB1];
	_ =	sdelay $0x3  }
0x33: {  	p0 =	seq.s32 s10, $0x1;
	s10 =	sld [smem:$0x3FB3];
	_ =	sdelay $0x3  }
0x34: {  	[smem:$0x3FB3] =	sst s10  }
0x35: {  	s10 =	sld [smem:$0x3FB2];
	_ =	sdelay $0x3  }
0x36: {  	p1 =	seq.s32 s10, $0x1;
	s10 =	sld [smem:$0x3FB3];
	_ =	sdelay $0x3  }
0x37: {  	[smem:$0x3FB3] =	sst s10  }
0x38: {  	s10 =	sld [smem:$0x3FB4]  }
0x39: {  	_ = 	snop;
	(pc) =	sbr.ind lr, $3  }
0x3a: {  	_ = 	snop  }
0x3b: {  	_ = 	snop  }
0x3c: {  	p2 =	seq.s32 s10, $0x1;
	s10 =	sld [smem:$0x3FB3]  }
0x3d: {  	_ =	shalt  }
0x3e: {  	_ =	shalt  }
0x3f: {  	_ =	shalt  }
0x40: {  	_ =	shalt  }
0x41: {  	_ =	shalt  }
0x42: {  	_ =	shalt  }
0x43: {  	_ =	shalt  }
0x44: {  	_ =	shalt  }
0x45: {  	_ =	shalt  }
0x46: {  	_ =	shalt  }
0x47: {  	_ =	shalt  }
0x48: {  	_ =	shalt  }
0x49: {  	_ =	shalt  }
0x4a: {  	_ =	shalt  }
0x4b: {  	_ =	shalt  }
0x4c: {  	_ =	shalt  }
0x4d: {  	_ =	shalt  }
0x4e: {  	_ =	shalt  }
0x4f: {  	_ =	shalt  }
0x50: {  	_ =	shalt  }
0x51: {  	_ =	shalt  }
0x52: {  	_ =	shalt  }
0x53: {  	_ =	shalt  }
0x54: {  	_ =	shalt  }
0x55: {  	_ =	shalt  }
0x56: {  	_ =	shalt  }
0x57: {  	_ =	shalt  }
0x58: {  	_ =	shalt  }
0x59: {  	_ =	shalt  }
0x5a: {  	_ =	shalt  }
0x5b: {  	_ =	shalt  }
0x5c: {  	_ =	shalt  }
0x5d: {  	_ =	shalt  }
0x5e: {  	_ =	shalt  }
0x5f: {  	_ =	shalt  }
0x60: {  	_ =	shalt  }
0x61: {  	_ =	shalt  }
0x62: {  	_ =	shalt  }
0x63: {  	_ =	shalt  }
0x64: {  	_ =	shalt  }
0x65: {  	_ =	shalt  }
0x66: {  	_ =	shalt  }
0x67: {  	_ =	shalt  }
0x68: {  	_ =	shalt  }
0x69: {  	_ =	shalt  }
0x6a: {  	_ =	shalt  }
0x6b: {  	_ =	shalt  }
0x6c: {  	_ =	shalt  }
0x6d: {  	_ =	shalt  }
0x6e: {  	_ =	shalt  }
0x6f: {  	_ =	shalt  }
0x70: {  	_ =	shalt  }
0x71: {  	_ =	shalt  }
0x72: {  	_ =	shalt  }
0x73: {  	_ =	shalt  }
0x74: {  	_ =	shalt  }
0x75: {  	_ =	shalt  }
0x76: {  	_ =	shalt  }
0x77: {  	_ =	shalt  }
0x78: {  	_ =	shalt  }
0x79: {  	_ =	shalt  }
0x7a: {  	_ =	shalt  }
0x7b: {  	_ =	shalt  }
0x7c: {  	_ =	shalt  }
0x7d: {  	_ =	shalt  }
0x7e: {  	_ =	shalt  }
0x7f: {  	_ =	shalt  }
0x80: {  	_ =	shalt  }
0x81: {  	_ =	shalt  }
0x82: {  	_ =	shalt  }
0x83: {  	_ =	shalt  }
0x84: {  	_ =	shalt  }
0x85: {  	_ =	shalt  }
0x86: {  	_ =	shalt  }
0x87: {  	_ =	shalt  }
.Lfunc_end0:
.L_simem_size_0:
called_computation.1_lowered:
.L_overlay_start_0:
0x88: {  	s2 =	sld [smem:$0x3FD9]  }
0x89: {  	s3 =	sld [smem:$0x3FFE];
	_ =	sdelay $0x1  }
0x8a: {  	s1 =	srdreg.scid  }
0x8b: {  	s0 =	sand.u32 $0x1, s1  }
0x8c: {  	s16 =	sshll.u32 s0, $0xA;
	s2 =	sadd.s32 s3, s2  }
0x8d: {  	s2 =	sadd.s32 s2, s16  }
0x8e: {  	[smem:$0x3FBF] =	sst s2  }
0x8f: {  	_ = 	snop  }
0x90: {  	(tm) =	ssettm $0x1  }
0x91: {  	s17 =	sld [smem:$0x3FFB];
	_ =	sdelay $0x3  }
0x92: {  	_ =	strace s17  }
0x93: {  	s2 =	sld [smem:$0x3FFC];
	_ =	sdelay $0x3  }
0x94: {  	_ =	strace s2  }
0x95: {  	s2 =	sld [smem:$0x3FFD];
	_ =	sdelay $0x3  }
0x96: {  	_ =	strace s2  }
0x97: {  	_ =	strace $0x8FFFFFFF  }
0x98: {  	s18 =	sld [smem:$0x3FDB];
	_ =	sdelay $0x1  }
0x99: {  	s19 =	simm.s32 $_scs_section_size  }
0x9a: {  	s4 =	simm.s32 $_size__tile_overlayer_lowered;
	s5 =	simm.s32 $_tile_overlayer_lowered  }
0x9b: {  	s22 =	simm.s32 $0x1BFF;
	s21 =	sshll.u32 s5, $0x1;
	s2 =	sadd.s32 s19, s18  }
0x9c: {  	s6 =	simm.s32 $0x0;
	s20 =	sshll.u32 s4, $0x1;
	s4 =	sadd.s32 s21, s2  }
0x9d: {  	[timem:s6], [sflag:s22] =	dma.local [hbm:s4], s20  }
0x9e: {  	_ =	swait.ge [sflag:s22], s20  }
0x9f: {  	s3 =	ssub.s32 $0x0, s20;
	[sflag:s22] =	ssyncset.done $0x0  }
0xa0: {  	[sflag:s22] =	ssyncadd.s32 s3;
	_ =	sdelay $0x1  }
0xa1: {  	s23 =	simm.s32 $0x1B8B  }
0xa2: {  	_ =	swait.ge [sflag:s23], $0x1  }
0xa3: {  	[sflag:s23] =	ssyncset.done $0x0  }
0xa4: {  	s25 =	simm.s32 $0x1B8E;
	s24 =	sld [smem:$0x3FFE];
	[sflag:s23] =	ssyncadd.s32 $0xFFFFFFFF  }
0xa5: {  	s26 =	simm.s32 $execute0_lowered;
	[smem:$0x3FD2] =	sst s25  }
0xa6: {  	s4 =	sshll.u32 s26, $0x1;
	_ =	strace $0x80000049;
	[dreg:$0x1] =	wrdreg $0xFFFFFFFF  }
0xa7: {  	s28 =	simm.s32 $_size_execute0_lowered;
	s2 =	sadd.s32 s2, s4;
	[dreg:$0x0] =	wrdreg $0x0  }
0xa8: {  	s4 =	sshll.u32 s28, $0x1;
	[dreg:$0x2] =	wrdreg s2  }
0xa9: {  	[dreg:$0x3] =	wrdreg s4  }
0xaa: {  	[dreg:$0x4] =	wrdreg $0xC0  }
0xab: {  	_ =	task [dreg:s6], $0x5FFFF  }
0xac: {  	[dreg:$0x1] =	wrdreg $0xFFFFFFFF  }
0xad: {  	[dreg:$0x0] =	wrdreg $0x60  }
0xae: {  	[dreg:$0x2] =	wrdreg s24  }
0xaf: {  	[dreg:$0x3] =	wrdreg $0x9  }
0xb0: {  	_ =	task.clear_ibuf [dreg:s6], $0x4FFFF;
	_ =	strace $0x90000049  }
0xb1: {  	s29 =	simm.s32 $0x9;
	_ =	strace $0x8000004B  }
0xb2: {  	_ =	swait.ge [sflag:s29], $0x1  }
0xb3: {  	[sflag:s29] =	ssyncadd.s32 $0xFFFFFFFF  }
0xb4: {  	_ =	strace $0x9000004B  }
0xb5: {  	_ =	sfence  }
0xb6: {  	s30 =	sld [smem:$0x0];
	_ =	sdelay $0x2  }
0xb7: {  	s31 =	sshll.u32 s1, $0xD;
	s1 =	sshrl.u32 s1, $0x2  }
0xb8: {  	s3 =	sand.u32 $0x4000, s31;
	s1 =	sadd.s32 s1, s30  }
0xb9: {  	s0 =	sor.u32 s3, s0;
	s1 =	sshll.u32 s1, $0x11  }
0xba: {  	s0 =	sor.u32 s1, s0  }
0xbb: {  	s0 =	sadd.s32 $0x8F2B, s0  }
0xbc: {  	[sflag:s0] =	ssyncadd.remote.s32 $0x1  }
0xbd: {  	_ =	sfence.sel $0xFFFF  }
0xbe: {  	[dreg:$0x0] =	wrdreg $0xFFFFFFFF;
	(pc) =	sbr.abs _section_cstart, $3  }
0xbf: {  	[dreg:$0x1] =	wrdreg $0xFFFFFFFF  }
0xc0: {  	_ =	task.clear_ibuf [dreg:s6], $0x2FFFF;
	_ =	strace $0x9FFFFFFF  }
0xc1: {  	(tm) =	ssettm $0x7FFFFFFF  }
tec
execute0_lowered:
.L_overlay_start_1:
0x0: {  	(tag) =	ssettag $0x1  }
0x1: {  	s0 =	srdreg.scid  }
0x2: {  	s0 =	sand.u32 $0x1, s0  }
0x3: {  	s3 =	stileid.u32;
	s2 =	sshll.u32 s0, $0x4  }
0x4: {  	s2 =	sor.u32 s3, s2  }
0x5: {  	s3 =	smul.u32 $0x6200, s2  }
0x6: {  	s14 =	rddreg [dreg:$0x0];
	s1 =	simm.s32 $0x0  }
0x7: {  	[smem:$0x7FF] =	sst s1;
	s11 =	sadd.s32 $0x2000, s14;
	s15 =	sshrl.u32 s3, $0x3  }
0x8: {  	s12 =	sadd.s32 $0x34A00, s14;
	s0 =	ssub.s32 $0x2, s0;
	s9 =	sadd.s32 $0xE0, s15  }
0x9: {  	s13 =	sadd.s32 $0x1A800, s14;
	s4 =	sshrl.u32 s0, $0x1;
	s10 =	sadd.s32 s11, s9  }
0xa: {  	s17 =	ssub.s32 s0, s4;
	s18 =	sadd.s32 s12, s9;
	[dreg:$0x2] =	wrdreg s10  }
0xb: {  	s19 =	sadd.s32 $0x1C0, s15;
	s0 =	sadd.s32 s13, s9;
	[dreg:$0x3] =	wrdreg s18  }
0xc: {  	s20 =	sadd.s32 s11, s19;
	[dreg:$0x4] =	wrdreg s0  }
0xd: {  	s16 =	smul.u32 $0x1880, s2;
	s22 =	sadd.s32 s12, s19;
	[dreg:$0x5] =	wrdreg s20  }
0xe: {  	s21 =	sadd.s32 $0x2A0, s15;
	s2 =	sadd.s32 s13, s19;
	[dreg:$0x6] =	wrdreg s22  }
0xf: {  	s23 =	sadd.s32 s11, s21;
	[dreg:$0x7] =	wrdreg s2  }
0x10: {  	s25 =	sadd.s32 $0x380, s15;
	s24 =	sadd.s32 s12, s21;
	[dreg:$0x8] =	wrdreg s23  }
0x11: {  	s26 =	sadd.s32 s11, s25;
	[dreg:$0x9] =	wrdreg s24  }
0x12: {  	s31 =	sadd.s32 $0x460, s15;
	s30 =	sadd.s32 s12, s25;
	[dreg:$0xb] =	wrdreg s26  }
0x13: {  	s28 =	simm.s32 $0x4;
	s3 =	sadd.s32 s11, s31;
	[dreg:$0xc] =	wrdreg s30  }
0x14: {  	s4 =	sadd.s32 $0x540, s15;
	s5 =	sadd.s32 s12, s31;
	[dreg:$0xe] =	wrdreg s3  }
0x15: {  	s29 =	simm.s32 $0x0;
	s6 =	sadd.s32 s11, s4;
	[dreg:$0xf] =	wrdreg s5  }
0x16: {  	s8 =	sadd.s32 $0x620, s15;
	s7 =	sadd.s32 s12, s4;
	[dreg:$0x11] =	wrdreg s6  }
0x17: {  	s9 =	sadd.s32 s11, s8;
	s0 =	sadd.s32 s13, s21;
	[dreg:$0x12] =	wrdreg s7  }
0x18: {  	s2 =	sadd.s32 s13, s31;
	[dreg:$0x14] =	wrdreg s9;
	s10 =	sadd.s32 s12, s8  }
0x19: {  	s18 =	sadd.s32 $0x700, s15;
	s20 =	sadd.s32 $0x7E0, s15;
	s24 =	sadd.s32 $0x8C0, s15  }
0x1a: {  	s30 =	sadd.s32 $0x9A0, s15;
	s7 =	sadd.s32 $0xA80, s15;
	[dreg:$0xa] =	wrdreg s0  }
0x1b: {  	s9 =	sadd.s32 s12, s15;
	s31 =	sadd.s32 s16, s14;
	[dreg:$0x10] =	wrdreg s2  }
0x1c: {  	s14 =	sadd.s32 $0x33000, s14;
	s0 =	sadd.s32 s13, s25;
	[dreg:$0x15] =	wrdreg s10  }
0x1d: {  	s16 =	smax.u32 s17, $0x1;
	s19 =	sadd.s32 s11, s18;
	[dreg:$0xd] =	wrdreg s0  }
0x1e: {  	s17 =	simm.s32 $0x1;
	s21 =	sadd.s32 s12, s18;
	[dreg:$0x17] =	wrdreg s19  }
0x1f: {  	s2 =	sadd.s32 s13, s18;
	s22 =	sadd.s32 s11, s20;
	[dreg:$0x18] =	wrdreg s21  }
0x20: {  	s23 =	sadd.s32 s12, s20;
	s25 =	sadd.s32 s11, s24;
	[dreg:$0x19] =	wrdreg s2  }
0x21: {  	s26 =	sadd.s32 s12, s24;
	s3 =	sadd.s32 s12, s30;
	[dreg:$0x1a] =	wrdreg s22  }
0x22: {  	s5 =	sadd.s32 s11, s7;
	s6 =	sadd.s32 s12, s7;
	[dreg:$0x1b] =	wrdreg s23  }
0x23: {  	s7 =	sadd.s32 s13, s7;
	s10 =	sadd.s32 s13, s15;
	[dreg:$0x1d] =	wrdreg s25  }
0x24: {  	s18 =	simm.s32 $0x18800;
	s0 =	sadd.s32 s13, s4;
	[dreg:$0x1e] =	wrdreg s26  }
0x25: {  	s2 =	sadd.s32 s11, s30;
	s4 =	sadd.s32 s13, s30;
	s19 =	simm.s32 $0x19600  }
0x26: {  	s21 =	simm.s32 $0x18F00;
	s22 =	simm.s32 $0x19D00;
	s23 =	simm.s32 $0x1AB00  }
0x27: {  	s25 =	simm.s32 $0xC400;
	s26 =	simm.s32 $0x3;
	[dreg:$0x13] =	wrdreg s0  }
0x28: {  	s0 =	sadd.s32 s13, s8;
	s8 =	sadd.s32 s11, s15;
	s15 =	sadd.s32 $0xB60, s15  }
0x29: {  	[dreg:$0x16] =	wrdreg s0;
	s0 =	sadd.s32 s13, s20;
	s11 =	sadd.s32 s11, s15  }
0x2a: {  	s12 =	sadd.s32 s12, s15;
	[dreg:$0x1c] =	wrdreg s0;
	s0 =	sadd.s32 s13, s24  }
0x2b: {  	s20 =	simm.s32 $0x1A400;
	s13 =	sadd.s32 s13, s15;
	[dreg:$0x1f] =	wrdreg s0  }
0x2c: {  	v0 =	vimm.f32 $0.0e+00;
	s15 =	sadd.s32 $0x4D200, s31;
	s24 =	simm.s32 $0x2;
	_ =	strace $0x8000004A  }
.LBB2_1:
0x2d: {  	[tilespmem:s1], [sflag:$0x1] =	stream.linear.gather [hbm4b:s14+s1], $0xC400, $0x38;
	[tilespmem:$0x1B200] =	vst v63  }
0x2e: {  	s31 =	simm.s32 $0x100;
	s30 =	simm.s32 $0x0  }
.LBB2_2:
0x2f: {  	p0 =	sne.s32 s31, $0x30F00;
	[tilespmem:s30+$0xC430] =	vst v0;
	s0 =	smov.u32 s31;
	s31 =	sadd.s32 $0x100, s31  }
.Ltmp0:
0x30: {  	[tilespmem:s30+$0xC420] =	vst v0;
	(pc) =	sbr.rel @p0 .LBB2_2-.Ltmp0, $3  }
0x31: {  	[tilespmem:s30+$0xC400] =	vst v0  }
0x32: {  	[tilespmem:s30+$0xC410] =	vst v0;
	_ =	sdelay $0x1  }
0x33: {  	s30 =	sshra.s32 s0, $0x2  }
0x34: {  	[tilespmem:s30+$0xC430] =	vst v0  }
0x35: {  	[tilespmem:s30+$0xC420] =	vst v0  }
0x36: {  	[tilespmem:s30+$0xC400] =	vst v0  }
0x37: {  	[tilespmem:s30+$0xC410] =	vst v0  }
0x38: {  	_ =	swait.ge [sflag:s17], $0xC400  }
0x39: {  	[sflag:s17] =	ssyncset.done $0x0  }
0x3a: {  	s30 =	simm.s32 $0x0;
	[sflag:s17] =	ssyncadd.s32 $0xFFFF3C00  }
0x3b: {  	[tilespmem:s18], [sflag:$0x2] =	stream.linear.gather [hbm4b:s8+s30], $0x700, $0x38;
	[tilespmem:$0x1B200] =	vst v63  }
0x3c: {  	_ = 	snop  }
0x3d: {  	[tilespmem:s19], [sflag:$0x2] =	stream.linear.gather [hbm4b:s9+s30], $0x700, $0x38;
	[tilespmem:$0x1B200] =	vst v63  }
0x3e: {  	_ = 	snop  }
0x3f: {  	[tilespmem:s20], [sflag:$0x2] =	stream.linear.gather [hbm4b:s10+s30], $0x700, $0x38;
	[tilespmem:$0x1B200] =	vst v63  }
0x40: {  	s0 =	rddreg [dreg:$0x2]  }
0x41: {  	[tilespmem:s21], [sflag:$0x3] =	stream.linear.gather [hbm4b:s0+s30], $0x700, $0x38;
	[tilespmem:$0x1B200] =	vst v63  }
0x42: {  	s31 =	rddreg [dreg:$0x3]  }
0x43: {  	[tilespmem:s22], [sflag:$0x3] =	stream.linear.gather [hbm4b:s31+s30], $0x700, $0x38;
	[tilespmem:$0x1B200] =	vst v63  }
0x44: {  	s31 =	rddreg [dreg:$0x4]  }
0x45: {  	[tilespmem:s23], [sflag:$0x3] =	stream.linear.gather [hbm4b:s31+s30], $0x700, $0x38;
	[tilespmem:$0x1B200] =	vst v63  }
0x46: {  	_ =	swait.ge [sflag:s24], $0x700  }
0x47: {  	[sflag:s24] =	ssyncset.done $0x0  }
0x48: {  	[sflag:s24] =	ssyncadd.s32 $0xFFFFF900  }
0x49: {  	_ =	swait.ge [sflag:s24], $0x700  }
0x4a: {  	[sflag:s24] =	ssyncset.done $0x0  }
0x4b: {  	[sflag:s24] =	ssyncadd.s32 $0xFFFFF900  }
0x4c: {  	_ =	swait.ge [sflag:s24], $0x700  }
0x4d: {  	[sflag:s24] =	ssyncset.done $0x0  }
0x4e: {  	[sflag:s24] =	ssyncadd.s32 $0xFFFFF900  }
.LBB2_4:
0x4f: {  	s0 =	sshra.s32 s30, $0x2  }
0x50: {  	v1 =	vld [tilespmem:s0+$0x18800];
	_ =	sdelay $0x5  }
0x51: {  	v2 =	vld [tilespmem:s0+$0x19600]  }
0x52: {  	v3 =	vld [tilespmem:s0+$0x1A400]  }
0x53: {  	v1 =	vld.idx.msk [tilespmem:v1+s1+$0x0], $0xffff;
	_ =	sdelay $0x4  }
0x54: {  	v1 =	vmul.f32 v1, v2;
	_ =	sdelay $0x1  }
0x55: {  	[tilespmem:v3+s25+$0x0] =	vst.idx.add.f32.msk $0xffff, v1  }
0x56: {  	v1 =	vld [tilespmem:s0+$0x18810];
	_ =	sdelay $0x5  }
0x57: {  	v2 =	vld [tilespmem:s0+$0x19610]  }
0x58: {  	v3 =	vld [tilespmem:s0+$0x1A410]  }
0x59: {  	v1 =	vld.idx.msk [tilespmem:v1+s1+$0x0], $0xffff;
	_ =	sdelay $0x4  }
0x5a: {  	v1 =	vmul.f32 v1, v2;
	_ =	sdelay $0x1  }
0x5b: {  	[tilespmem:v3+s25+$0x0] =	vst.idx.add.f32.msk $0xffff, v1  }
0x5c: {  	v1 =	vld [tilespmem:s0+$0x18820];
	_ =	sdelay $0x5  }
0x5d: {  	v2 =	vld [tilespmem:s0+$0x19620]  }
0x5e: {  	v3 =	vld [tilespmem:s0+$0x1A420]  }
0x5f: {  	v1 =	vld.idx.msk [tilespmem:v1+s1+$0x0], $0xffff;
	_ =	sdelay $0x4  }
0x60: {  	v1 =	vmul.f32 v1, v2;
	_ =	sdelay $0x1  }
0x61: {  	[tilespmem:v3+s25+$0x0] =	vst.idx.add.f32.msk $0xffff, v1  }
0x62: {  	v1 =	vld [tilespmem:s0+$0x18830];
	_ =	sdelay $0x5  }
0x63: {  	v2 =	vld [tilespmem:s0+$0x19630]  }
0x64: {  	v3 =	vld [tilespmem:s0+$0x1A430]  }
0x65: {  	v1 =	vld.idx.msk [tilespmem:v1+s1+$0x0], $0xffff;
	_ =	sdelay $0x1  }
0x66: {  	p0 =	sne.s32 s30, $0x1B00  }
.Ltmp1:
0x67: {  	_ = 	snop;
	(pc) =	sbr.rel @p0 .LBB2_4-.Ltmp1, $3  }
0x68: {  	_ = 	snop  }
0x69: {  	v1 =	vmul.f32 v1, v2;
	_ =	sdelay $0x1  }
0x6a: {  	s30 =	sadd.s32 $0x100, s30;
	[tilespmem:v3+s25+$0x0] =	vst.idx.add.f32.msk $0xffff, v1  }
0x6b: {  	s30 =	simm.s32 $0x0;
	s0 =	rddreg [dreg:$0x5]  }
0x6c: {  	[tilespmem:s18], [sflag:$0x2] =	stream.linear.gather [hbm4b:s0+s30], $0x700, $0x38;
	[tilespmem:$0x1B200] =	vst v63  }
0x6d: {  	s31 =	rddreg [dreg:$0x6]  }
0x6e: {  	[tilespmem:s19], [sflag:$0x2] =	stream.linear.gather [hbm4b:s31+s30], $0x700, $0x38;
	[tilespmem:$0x1B200] =	vst v63  }
0x6f: {  	s31 =	rddreg [dreg:$0x7]  }
0x70: {  	[tilespmem:s20], [sflag:$0x2] =	stream.linear.gather [hbm4b:s31+s30], $0x700, $0x38;
	[tilespmem:$0x1B200] =	vst v63  }
0x71: {  	_ =	swait.ge [sflag:s26], $0x700  }
0x72: {  	[sflag:s26] =	ssyncset.done $0x0  }
0x73: {  	[sflag:s26] =	ssyncadd.s32 $0xFFFFF900  }
0x74: {  	_ =	swait.ge [sflag:s26], $0x700  }
0x75: {  	[sflag:s26] =	ssyncset.done $0x0  }
0x76: {  	[sflag:s26] =	ssyncadd.s32 $0xFFFFF900  }
0x77: {  	_ =	swait.ge [sflag:s26], $0x700  }
0x78: {  	[sflag:s26] =	ssyncset.done $0x0  }
0x79: {  	[sflag:s26] =	ssyncadd.s32 $0xFFFFF900  }
.LBB2_6:
0x7a: {  	s0 =	sshra.s32 s30, $0x2  }
0x7b: {  	v1 =	vld [tilespmem:s0+$0x18F00];
	_ =	sdelay $0x5  }
0x7c: {  	v2 =	vld [tilespmem:s0+$0x19D00]  }
0x7d: {  	v3 =	vld [tilespmem:s0+$0x1AB00]  }
0x7e: {  	v1 =	vld.idx.msk [tilespmem:v1+s1+$0x0], $0xffff;
	_ =	sdelay $0x4  }
0x7f: {  	v1 =	vmul.f32 v1, v2;
	_ =	sdelay $0x1  }
0x80: {  	[tilespmem:v3+s25+$0x0] =	vst.idx.add.f32.msk $0xffff, v1  }
0x81: {  	v1 =	vld [tilespmem:s0+$0x18F10];
	_ =	sdelay $0x5  }
0x82: {  	v2 =	vld [tilespmem:s0+$0x19D10]  }
0x83: {  	v3 =	vld [tilespmem:s0+$0x1AB10]  }
0x84: {  	v1 =	vld.idx.msk [tilespmem:v1+s1+$0x0], $0xffff;
	_ =	sdelay $0x4  }
0x85: {  	v1 =	vmul.f32 v1, v2;
	_ =	sdelay $0x1  }
0x86: {  	[tilespmem:v3+s25+$0x0] =	vst.idx.add.f32.msk $0xffff, v1  }
0x87: {  	v1 =	vld [tilespmem:s0+$0x18F20];
	_ =	sdelay $0x5  }
0x88: {  	v2 =	vld [tilespmem:s0+$0x19D20]  }
0x89: {  	v3 =	vld [tilespmem:s0+$0x1AB20]  }
0x8a: {  	v1 =	vld.idx.msk [tilespmem:v1+s1+$0x0], $0xffff;
	_ =	sdelay $0x4  }
0x8b: {  	v1 =	vmul.f32 v1, v2;
	_ =	sdelay $0x1  }
0x8c: {  	[tilespmem:v3+s25+$0x0] =	vst.idx.add.f32.msk $0xffff, v1  }
0x8d: {  	v1 =	vld [tilespmem:s0+$0x18F30];
	_ =	sdelay $0x5  }
0x8e: {  	v2 =	vld [tilespmem:s0+$0x19D30]  }
0x8f: {  	v3 =	vld [tilespmem:s0+$0x1AB30]  }
0x90: {  	v1 =	vld.idx.msk [tilespmem:v1+s1+$0x0], $0xffff;
	_ =	sdelay $0x1  }
0x91: {  	p0 =	sne.s32 s30, $0x1B00  }
.Ltmp2:
0x92: {  	_ = 	snop;
	(pc) =	sbr.rel @p0 .LBB2_6-.Ltmp2, $3  }
0x93: {  	_ = 	snop  }
0x94: {  	v1 =	vmul.f32 v1, v2;
	_ =	sdelay $0x1  }
0x95: {  	s30 =	sadd.s32 $0x100, s30;
	[tilespmem:v3+s25+$0x0] =	vst.idx.add.f32.msk $0xffff, v1  }
0x96: {  	s30 =	simm.s32 $0x0;
	s0 =	rddreg [dreg:$0x8]  }
0x97: {  	[tilespmem:s21], [sflag:$0x3] =	stream.linear.gather [hbm4b:s0+s30], $0x700, $0x38;
	[tilespmem:$0x1B200] =	vst v63  }
0x98: {  	s31 =	rddreg [dreg:$0x9]  }
0x99: {  	[tilespmem:s22], [sflag:$0x3] =	stream.linear.gather [hbm4b:s31+s30], $0x700, $0x38;
	[tilespmem:$0x1B200] =	vst v63  }
0x9a: {  	s31 =	rddreg [dreg:$0xa]  }
0x9b: {  	[tilespmem:s23], [sflag:$0x3] =	stream.linear.gather [hbm4b:s31+s30], $0x700, $0x38;
	[tilespmem:$0x1B200] =	vst v63  }
0x9c: {  	_ =	swait.ge [sflag:s24], $0x700  }
0x9d: {  	[sflag:s24] =	ssyncset.done $0x0  }
0x9e: {  	[sflag:s24] =	ssyncadd.s32 $0xFFFFF900  }
0x9f: {  	_ =	swait.ge [sflag:s24], $0x700  }
0xa0: {  	[sflag:s24] =	ssyncset.done $0x0  }
0xa1: {  	[sflag:s24] =	ssyncadd.s32 $0xFFFFF900  }
0xa2: {  	_ =	swait.ge [sflag:s24], $0x700  }
0xa3: {  	[sflag:s24] =	ssyncset.done $0x0  }
0xa4: {  	[sflag:s24] =	ssyncadd.s32 $0xFFFFF900  }
.LBB2_8:
0xa5: {  	s0 =	sshra.s32 s30, $0x2  }
0xa6: {  	v1 =	vld [tilespmem:s0+$0x18800];
	_ =	sdelay $0x5  }
0xa7: {  	v2 =	vld [tilespmem:s0+$0x19600]  }
0xa8: {  	v3 =	vld [tilespmem:s0+$0x1A400]  }
0xa9: {  	v1 =	vld.idx.msk [tilespmem:v1+s1+$0x0], $0xffff;
	_ =	sdelay $0x4  }
0xaa: {  	v1 =	vmul.f32 v1, v2;
	_ =	sdelay $0x1  }
0xab: {  	[tilespmem:v3+s25+$0x0] =	vst.idx.add.f32.msk $0xffff, v1  }
0xac: {  	v1 =	vld [tilespmem:s0+$0x18810];
	_ =	sdelay $0x5  }
0xad: {  	v2 =	vld [tilespmem:s0+$0x19610]  }
0xae: {  	v3 =	vld [tilespmem:s0+$0x1A410]  }
0xaf: {  	v1 =	vld.idx.msk [tilespmem:v1+s1+$0x0], $0xffff;
	_ =	sdelay $0x4  }
0xb0: {  	v1 =	vmul.f32 v1, v2;
	_ =	sdelay $0x1  }
0xb1: {  	[tilespmem:v3+s25+$0x0] =	vst.idx.add.f32.msk $0xffff, v1  }
0xb2: {  	v1 =	vld [tilespmem:s0+$0x18820];
	_ =	sdelay $0x5  }
0xb3: {  	v2 =	vld [tilespmem:s0+$0x19620]  }
0xb4: {  	v3 =	vld [tilespmem:s0+$0x1A420]  }
0xb5: {  	v1 =	vld.idx.msk [tilespmem:v1+s1+$0x0], $0xffff;
	_ =	sdelay $0x4  }
0xb6: {  	v1 =	vmul.f32 v1, v2;
	_ =	sdelay $0x1  }
0xb7: {  	[tilespmem:v3+s25+$0x0] =	vst.idx.add.f32.msk $0xffff, v1  }
0xb8: {  	v1 =	vld [tilespmem:s0+$0x18830];
	_ =	sdelay $0x5  }
0xb9: {  	v2 =	vld [tilespmem:s0+$0x19630]  }
0xba: {  	v3 =	vld [tilespmem:s0+$0x1A430]  }
0xbb: {  	v1 =	vld.idx.msk [tilespmem:v1+s1+$0x0], $0xffff;
	_ =	sdelay $0x1  }
0xbc: {  	p0 =	sne.s32 s30, $0x1B00  }
.Ltmp3:
0xbd: {  	_ = 	snop;
	(pc) =	sbr.rel @p0 .LBB2_8-.Ltmp3, $3  }
0xbe: {  	_ = 	snop  }
0xbf: {  	v1 =	vmul.f32 v1, v2;
	_ =	sdelay $0x1  }
0xc0: {  	s30 =	sadd.s32 $0x100, s30;
	[tilespmem:v3+s25+$0x0] =	vst.idx.add.f32.msk $0xffff, v1  }
0xc1: {  	s30 =	simm.s32 $0x0;
	s0 =	rddreg [dreg:$0xb]  }
0xc2: {  	[tilespmem:s18], [sflag:$0x2] =	stream.linear.gather [hbm4b:s0+s30], $0x700, $0x38;
	[tilespmem:$0x1B200] =	vst v63  }
0xc3: {  	s31 =	rddreg [dreg:$0xc]  }
0xc4: {  	[tilespmem:s19], [sflag:$0x2] =	stream.linear.gather [hbm4b:s31+s30], $0x700, $0x38;
	[tilespmem:$0x1B200] =	vst v63  }
0xc5: {  	s31 =	rddreg [dreg:$0xd]  }
0xc6: {  	[tilespmem:s20], [sflag:$0x2] =	stream.linear.gather [hbm4b:s31+s30], $0x700, $0x38;
	[tilespmem:$0x1B200] =	vst v63  }
0xc7: {  	_ =	swait.ge [sflag:s26], $0x700  }
0xc8: {  	[sflag:s26] =	ssyncset.done $0x0  }
0xc9: {  	[sflag:s26] =	ssyncadd.s32 $0xFFFFF900  }
0xca: {  	_ =	swait.ge [sflag:s26], $0x700  }
0xcb: {  	[sflag:s26] =	ssyncset.done $0x0  }
0xcc: {  	[sflag:s26] =	ssyncadd.s32 $0xFFFFF900  }
0xcd: {  	_ =	swait.ge [sflag:s26], $0x700  }
0xce: {  	[sflag:s26] =	ssyncset.done $0x0  }
0xcf: {  	[sflag:s26] =	ssyncadd.s32 $0xFFFFF900  }
.LBB2_10:
0xd0: {  	s0 =	sshra.s32 s30, $0x2  }
0xd1: {  	v1 =	vld [tilespmem:s0+$0x18F00];
	_ =	sdelay $0x5  }
0xd2: {  	v2 =	vld [tilespmem:s0+$0x19D00]  }
0xd3: {  	v3 =	vld [tilespmem:s0+$0x1AB00]  }
0xd4: {  	v1 =	vld.idx.msk [tilespmem:v1+s1+$0x0], $0xffff;
	_ =	sdelay $0x4  }
0xd5: {  	v1 =	vmul.f32 v1, v2;
	_ =	sdelay $0x1  }
0xd6: {  	[tilespmem:v3+s25+$0x0] =	vst.idx.add.f32.msk $0xffff, v1  }
0xd7: {  	v1 =	vld [tilespmem:s0+$0x18F10];
	_ =	sdelay $0x5  }
0xd8: {  	v2 =	vld [tilespmem:s0+$0x19D10]  }
0xd9: {  	v3 =	vld [tilespmem:s0+$0x1AB10]  }
0xda: {  	v1 =	vld.idx.msk [tilespmem:v1+s1+$0x0], $0xffff;
	_ =	sdelay $0x4  }
0xdb: {  	v1 =	vmul.f32 v1, v2;
	_ =	sdelay $0x1  }
0xdc: {  	[tilespmem:v3+s25+$0x0] =	vst.idx.add.f32.msk $0xffff, v1  }
0xdd: {  	v1 =	vld [tilespmem:s0+$0x18F20];
	_ =	sdelay $0x5  }
0xde: {  	v2 =	vld [tilespmem:s0+$0x19D20]  }
0xdf: {  	v3 =	vld [tilespmem:s0+$0x1AB20]  }
0xe0: {  	v1 =	vld.idx.msk [tilespmem:v1+s1+$0x0], $0xffff;
	_ =	sdelay $0x4  }
0xe1: {  	v1 =	vmul.f32 v1, v2;
	_ =	sdelay $0x1  }
0xe2: {  	[tilespmem:v3+s25+$0x0] =	vst.idx.add.f32.msk $0xffff, v1  }
0xe3: {  	v1 =	vld [tilespmem:s0+$0x18F30];
	_ =	sdelay $0x5  }
0xe4: {  	v2 =	vld [tilespmem:s0+$0x19D30]  }
0xe5: {  	v3 =	vld [tilespmem:s0+$0x1AB30]  }
0xe6: {  	v1 =	vld.idx.msk [tilespmem:v1+s1+$0x0], $0xffff;
	_ =	sdelay $0x1  }
0xe7: {  	p0 =	sne.s32 s30, $0x1B00  }
.Ltmp4:
0xe8: {  	_ = 	snop;
	(pc) =	sbr.rel @p0 .LBB2_10-.Ltmp4, $3  }
0xe9: {  	_ = 	snop  }
0xea: {  	v1 =	vmul.f32 v1, v2;
	_ =	sdelay $0x1  }
0xeb: {  	s30 =	sadd.s32 $0x100, s30;
	[tilespmem:v3+s25+$0x0] =	vst.idx.add.f32.msk $0xffff, v1  }
0xec: {  	s30 =	simm.s32 $0x0;
	s0 =	rddreg [dreg:$0xe]  }
0xed: {  	[tilespmem:s21], [sflag:$0x3] =	stream.linear.gather [hbm4b:s0+s30], $0x700, $0x38;
	[tilespmem:$0x1B200] =	vst v63  }
0xee: {  	s31 =	rddreg [dreg:$0xf]  }
0xef: {  	[tilespmem:s22], [sflag:$0x3] =	stream.linear.gather [hbm4b:s31+s30], $0x700, $0x38;
	[tilespmem:$0x1B200] =	vst v63  }
0xf0: {  	s31 =	rddreg [dreg:$0x10]  }
0xf1: {  	[tilespmem:s23], [sflag:$0x3] =	stream.linear.gather [hbm4b:s31+s30], $0x700, $0x38;
	[tilespmem:$0x1B200] =	vst v63  }
0xf2: {  	_ =	swait.ge [sflag:s24], $0x700  }
0xf3: {  	[sflag:s24] =	ssyncset.done $0x0  }
0xf4: {  	[sflag:s24] =	ssyncadd.s32 $0xFFFFF900  }
0xf5: {  	_ =	swait.ge [sflag:s24], $0x700  }
0xf6: {  	[sflag:s24] =	ssyncset.done $0x0  }
0xf7: {  	[sflag:s24] =	ssyncadd.s32 $0xFFFFF900  }
0xf8: {  	_ =	swait.ge [sflag:s24], $0x700  }
0xf9: {  	[sflag:s24] =	ssyncset.done $0x0  }
0xfa: {  	[sflag:s24] =	ssyncadd.s32 $0xFFFFF900  }
.LBB2_12:
0xfb: {  	s0 =	sshra.s32 s30, $0x2  }
0xfc: {  	v1 =	vld [tilespmem:s0+$0x18800];
	_ =	sdelay $0x5  }
0xfd: {  	v2 =	vld [tilespmem:s0+$0x19600]  }
0xfe: {  	v3 =	vld [tilespmem:s0+$0x1A400]  }
0xff: {  	v1 =	vld.idx.msk [tilespmem:v1+s1+$0x0], $0xffff;
	_ =	sdelay $0x4  }
0x100: {  	v1 =	vmul.f32 v1, v2;
	_ =	sdelay $0x1  }
0x101: {  	[tilespmem:v3+s25+$0x0] =	vst.idx.add.f32.msk $0xffff, v1  }
0x102: {  	v1 =	vld [tilespmem:s0+$0x18810];
	_ =	sdelay $0x5  }
0x103: {  	v2 =	vld [tilespmem:s0+$0x19610]  }
0x104: {  	v3 =	vld [tilespmem:s0+$0x1A410]  }
0x105: {  	v1 =	vld.idx.msk [tilespmem:v1+s1+$0x0], $0xffff;
	_ =	sdelay $0x4  }
0x106: {  	v1 =	vmul.f32 v1, v2;
	_ =	sdelay $0x1  }
0x107: {  	[tilespmem:v3+s25+$0x0] =	vst.idx.add.f32.msk $0xffff, v1  }
0x108: {  	v1 =	vld [tilespmem:s0+$0x18820];
	_ =	sdelay $0x5  }
0x109: {  	v2 =	vld [tilespmem:s0+$0x19620]  }
0x10a: {  	v3 =	vld [tilespmem:s0+$0x1A420]  }
0x10b: {  	v1 =	vld.idx.msk [tilespmem:v1+s1+$0x0], $0xffff;
	_ =	sdelay $0x4  }
0x10c: {  	v1 =	vmul.f32 v1, v2;
	_ =	sdelay $0x1  }
0x10d: {  	[tilespmem:v3+s25+$0x0] =	vst.idx.add.f32.msk $0xffff, v1  }
0x10e: {  	v1 =	vld [tilespmem:s0+$0x18830];
	_ =	sdelay $0x5  }
0x10f: {  	v2 =	vld [tilespmem:s0+$0x19630]  }
0x110: {  	v3 =	vld [tilespmem:s0+$0x1A430]  }
0x111: {  	v1 =	vld.idx.msk [tilespmem:v1+s1+$0x0], $0xffff;
	_ =	sdelay $0x1  }
0x112: {  	p0 =	sne.s32 s30, $0x1B00  }
.Ltmp5:
0x113: {  	_ = 	snop;
	(pc) =	sbr.rel @p0 .LBB2_12-.Ltmp5, $3  }
0x114: {  	_ = 	snop  }
0x115: {  	v1 =	vmul.f32 v1, v2;
	_ =	sdelay $0x1  }
0x116: {  	s30 =	sadd.s32 $0x100, s30;
	[tilespmem:v3+s25+$0x0] =	vst.idx.add.f32.msk $0xffff, v1  }
0x117: {  	s30 =	simm.s32 $0x0;
	s0 =	rddreg [dreg:$0x11]  }
0x118: {  	[tilespmem:s18], [sflag:$0x2] =	stream.linear.gather [hbm4b:s0+s30], $0x700, $0x38;
	[tilespmem:$0x1B200] =	vst v63  }
0x119: {  	s31 =	rddreg [dreg:$0x12]  }
0x11a: {  	[tilespmem:s19], [sflag:$0x2] =	stream.linear.gather [hbm4b:s31+s30], $0x700, $0x38;
	[tilespmem:$0x1B200] =	vst v63  }
0x11b: {  	s31 =	rddreg [dreg:$0x13]  }
0x11c: {  	[tilespmem:s20], [sflag:$0x2] =	stream.linear.gather [hbm4b:s31+s30], $0x700, $0x38;
	[tilespmem:$0x1B200] =	vst v63  }
0x11d: {  	_ =	swait.ge [sflag:s26], $0x700  }
0x11e: {  	[sflag:s26] =	ssyncset.done $0x0  }
0x11f: {  	[sflag:s26] =	ssyncadd.s32 $0xFFFFF900  }
0x120: {  	_ =	swait.ge [sflag:s26], $0x700  }
0x121: {  	[sflag:s26] =	ssyncset.done $0x0  }
0x122: {  	[sflag:s26] =	ssyncadd.s32 $0xFFFFF900  }
0x123: {  	_ =	swait.ge [sflag:s26], $0x700  }
0x124: {  	[sflag:s26] =	ssyncset.done $0x0  }
0x125: {  	[sflag:s26] =	ssyncadd.s32 $0xFFFFF900  }
.LBB2_14:
0x126: {  	s0 =	sshra.s32 s30, $0x2  }
0x127: {  	v1 =	vld [tilespmem:s0+$0x18F00];
	_ =	sdelay $0x5  }
0x128: {  	v2 =	vld [tilespmem:s0+$0x19D00]  }
0x129: {  	v3 =	vld [tilespmem:s0+$0x1AB00]  }
0x12a: {  	v1 =	vld.idx.msk [tilespmem:v1+s1+$0x0], $0xffff;
	_ =	sdelay $0x4  }
0x12b: {  	v1 =	vmul.f32 v1, v2;
	_ =	sdelay $0x1  }
0x12c: {  	[tilespmem:v3+s25+$0x0] =	vst.idx.add.f32.msk $0xffff, v1  }
0x12d: {  	v1 =	vld [tilespmem:s0+$0x18F10];
	_ =	sdelay $0x5  }
0x12e: {  	v2 =	vld [tilespmem:s0+$0x19D10]  }
0x12f: {  	v3 =	vld [tilespmem:s0+$0x1AB10]  }
0x130: {  	v1 =	vld.idx.msk [tilespmem:v1+s1+$0x0], $0xffff;
	_ =	sdelay $0x4  }
0x131: {  	v1 =	vmul.f32 v1, v2;
	_ =	sdelay $0x1  }
0x132: {  	[tilespmem:v3+s25+$0x0] =	vst.idx.add.f32.msk $0xffff, v1  }
0x133: {  	v1 =	vld [tilespmem:s0+$0x18F20];
	_ =	sdelay $0x5  }
0x134: {  	v2 =	vld [tilespmem:s0+$0x19D20]  }
0x135: {  	v3 =	vld [tilespmem:s0+$0x1AB20]  }
0x136: {  	v1 =	vld.idx.msk [tilespmem:v1+s1+$0x0], $0xffff;
	_ =	sdelay $0x4  }
0x137: {  	v1 =	vmul.f32 v1, v2;
	_ =	sdelay $0x1  }
0x138: {  	[tilespmem:v3+s25+$0x0] =	vst.idx.add.f32.msk $0xffff, v1  }
0x139: {  	v1 =	vld [tilespmem:s0+$0x18F30];
	_ =	sdelay $0x5  }
0x13a: {  	v2 =	vld [tilespmem:s0+$0x19D30]  }
0x13b: {  	v3 =	vld [tilespmem:s0+$0x1AB30]  }
0x13c: {  	v1 =	vld.idx.msk [tilespmem:v1+s1+$0x0], $0xffff;
	_ =	sdelay $0x1  }
0x13d: {  	p0 =	sne.s32 s30, $0x1B00  }
.Ltmp6:
0x13e: {  	_ = 	snop;
	(pc) =	sbr.rel @p0 .LBB2_14-.Ltmp6, $3  }
0x13f: {  	_ = 	snop  }
0x140: {  	v1 =	vmul.f32 v1, v2;
	_ =	sdelay $0x1  }
0x141: {  	s30 =	sadd.s32 $0x100, s30;
	[tilespmem:v3+s25+$0x0] =	vst.idx.add.f32.msk $0xffff, v1  }
0x142: {  	s30 =	simm.s32 $0x0;
	s0 =	rddreg [dreg:$0x14]  }
0x143: {  	[tilespmem:s21], [sflag:$0x3] =	stream.linear.gather [hbm4b:s0+s30], $0x700, $0x38;
	[tilespmem:$0x1B200] =	vst v63  }
0x144: {  	s31 =	rddreg [dreg:$0x15]  }
0x145: {  	[tilespmem:s22], [sflag:$0x3] =	stream.linear.gather [hbm4b:s31+s30], $0x700, $0x38;
	[tilespmem:$0x1B200] =	vst v63  }
0x146: {  	s31 =	rddreg [dreg:$0x16]  }
0x147: {  	[tilespmem:s23], [sflag:$0x3] =	stream.linear.gather [hbm4b:s31+s30], $0x700, $0x38;
	[tilespmem:$0x1B200] =	vst v63  }
0x148: {  	_ =	swait.ge [sflag:s24], $0x700  }
0x149: {  	[sflag:s24] =	ssyncset.done $0x0  }
0x14a: {  	[sflag:s24] =	ssyncadd.s32 $0xFFFFF900  }
0x14b: {  	_ =	swait.ge [sflag:s24], $0x700  }
0x14c: {  	[sflag:s24] =	ssyncset.done $0x0  }
0x14d: {  	[sflag:s24] =	ssyncadd.s32 $0xFFFFF900  }
0x14e: {  	_ =	swait.ge [sflag:s24], $0x700  }
0x14f: {  	[sflag:s24] =	ssyncset.done $0x0  }
0x150: {  	[sflag:s24] =	ssyncadd.s32 $0xFFFFF900  }
.LBB2_16:
0x151: {  	s0 =	sshra.s32 s30, $0x2  }
0x152: {  	v1 =	vld [tilespmem:s0+$0x18800];
	_ =	sdelay $0x5  }
0x153: {  	v2 =	vld [tilespmem:s0+$0x19600]  }
0x154: {  	v3 =	vld [tilespmem:s0+$0x1A400]  }
0x155: {  	v1 =	vld.idx.msk [tilespmem:v1+s1+$0x0], $0xffff;
	_ =	sdelay $0x4  }
0x156: {  	v1 =	vmul.f32 v1, v2;
	_ =	sdelay $0x1  }
0x157: {  	[tilespmem:v3+s25+$0x0] =	vst.idx.add.f32.msk $0xffff, v1  }
0x158: {  	v1 =	vld [tilespmem:s0+$0x18810];
	_ =	sdelay $0x5  }
0x159: {  	v2 =	vld [tilespmem:s0+$0x19610]  }
0x15a: {  	v3 =	vld [tilespmem:s0+$0x1A410]  }
0x15b: {  	v1 =	vld.idx.msk [tilespmem:v1+s1+$0x0], $0xffff;
	_ =	sdelay $0x4  }
0x15c: {  	v1 =	vmul.f32 v1, v2;
	_ =	sdelay $0x1  }
0x15d: {  	[tilespmem:v3+s25+$0x0] =	vst.idx.add.f32.msk $0xffff, v1  }
0x15e: {  	v1 =	vld [tilespmem:s0+$0x18820];
	_ =	sdelay $0x5  }
0x15f: {  	v2 =	vld [tilespmem:s0+$0x19620]  }
0x160: {  	v3 =	vld [tilespmem:s0+$0x1A420]  }
0x161: {  	v1 =	vld.idx.msk [tilespmem:v1+s1+$0x0], $0xffff;
	_ =	sdelay $0x4  }
0x162: {  	v1 =	vmul.f32 v1, v2;
	_ =	sdelay $0x1  }
0x163: {  	[tilespmem:v3+s25+$0x0] =	vst.idx.add.f32.msk $0xffff, v1  }
0x164: {  	v1 =	vld [tilespmem:s0+$0x18830];
	_ =	sdelay $0x5  }
0x165: {  	v2 =	vld [tilespmem:s0+$0x19630]  }
0x166: {  	v3 =	vld [tilespmem:s0+$0x1A430]  }
0x167: {  	v1 =	vld.idx.msk [tilespmem:v1+s1+$0x0], $0xffff;
	_ =	sdelay $0x1  }
0x168: {  	p0 =	sne.s32 s30, $0x1B00  }
.Ltmp7:
0x169: {  	_ = 	snop;
	(pc) =	sbr.rel @p0 .LBB2_16-.Ltmp7, $3  }
0x16a: {  	_ = 	snop  }
0x16b: {  	v1 =	vmul.f32 v1, v2;
	_ =	sdelay $0x1  }
0x16c: {  	s30 =	sadd.s32 $0x100, s30;
	[tilespmem:v3+s25+$0x0] =	vst.idx.add.f32.msk $0xffff, v1  }
0x16d: {  	s30 =	simm.s32 $0x0;
	s0 =	rddreg [dreg:$0x17]  }
0x16e: {  	[tilespmem:s18], [sflag:$0x2] =	stream.linear.gather [hbm4b:s0+s30], $0x700, $0x38;
	[tilespmem:$0x1B200] =	vst v63  }
0x16f: {  	s31 =	rddreg [dreg:$0x18]  }
0x170: {  	[tilespmem:s19], [sflag:$0x2] =	stream.linear.gather [hbm4b:s31+s30], $0x700, $0x38;
	[tilespmem:$0x1B200] =	vst v63  }
0x171: {  	s31 =	rddreg [dreg:$0x19]  }
0x172: {  	[tilespmem:s20], [sflag:$0x2] =	stream.linear.gather [hbm4b:s31+s30], $0x700, $0x38;
	[tilespmem:$0x1B200] =	vst v63  }
0x173: {  	_ =	swait.ge [sflag:s26], $0x700  }
0x174: {  	[sflag:s26] =	ssyncset.done $0x0  }
0x175: {  	[sflag:s26] =	ssyncadd.s32 $0xFFFFF900  }
0x176: {  	_ =	swait.ge [sflag:s26], $0x700  }
0x177: {  	[sflag:s26] =	ssyncset.done $0x0  }
0x178: {  	[sflag:s26] =	ssyncadd.s32 $0xFFFFF900  }
0x179: {  	_ =	swait.ge [sflag:s26], $0x700  }
0x17a: {  	[sflag:s26] =	ssyncset.done $0x0  }
0x17b: {  	[sflag:s26] =	ssyncadd.s32 $0xFFFFF900  }
.LBB2_18:
0x17c: {  	s0 =	sshra.s32 s30, $0x2  }
0x17d: {  	v1 =	vld [tilespmem:s0+$0x18F00];
	_ =	sdelay $0x5  }
0x17e: {  	v2 =	vld [tilespmem:s0+$0x19D00]  }
0x17f: {  	v3 =	vld [tilespmem:s0+$0x1AB00]  }
0x180: {  	v1 =	vld.idx.msk [tilespmem:v1+s1+$0x0], $0xffff;
	_ =	sdelay $0x4  }
0x181: {  	v1 =	vmul.f32 v1, v2;
	_ =	sdelay $0x1  }
0x182: {  	[tilespmem:v3+s25+$0x0] =	vst.idx.add.f32.msk $0xffff, v1  }
0x183: {  	v1 =	vld [tilespmem:s0+$0x18F10];
	_ =	sdelay $0x5  }
0x184: {  	v2 =	vld [tilespmem:s0+$0x19D10]  }
0x185: {  	v3 =	vld [tilespmem:s0+$0x1AB10]  }
0x186: {  	v1 =	vld.idx.msk [tilespmem:v1+s1+$0x0], $0xffff;
	_ =	sdelay $0x4  }
0x187: {  	v1 =	vmul.f32 v1, v2;
	_ =	sdelay $0x1  }
0x188: {  	[tilespmem:v3+s25+$0x0] =	vst.idx.add.f32.msk $0xffff, v1  }
0x189: {  	v1 =	vld [tilespmem:s0+$0x18F20];
	_ =	sdelay $0x5  }
0x18a: {  	v2 =	vld [tilespmem:s0+$0x19D20]  }
0x18b: {  	v3 =	vld [tilespmem:s0+$0x1AB20]  }
0x18c: {  	v1 =	vld.idx.msk [tilespmem:v1+s1+$0x0], $0xffff;
	_ =	sdelay $0x4  }
0x18d: {  	v1 =	vmul.f32 v1, v2;
	_ =	sdelay $0x1  }
0x18e: {  	[tilespmem:v3+s25+$0x0] =	vst.idx.add.f32.msk $0xffff, v1  }
0x18f: {  	v1 =	vld [tilespmem:s0+$0x18F30];
	_ =	sdelay $0x5  }
0x190: {  	v2 =	vld [tilespmem:s0+$0x19D30]  }
0x191: {  	v3 =	vld [tilespmem:s0+$0x1AB30]  }
0x192: {  	v1 =	vld.idx.msk [tilespmem:v1+s1+$0x0], $0xffff;
	_ =	sdelay $0x1  }
0x193: {  	p0 =	sne.s32 s30, $0x1B00  }
.Ltmp8:
0x194: {  	_ = 	snop;
	(pc) =	sbr.rel @p0 .LBB2_18-.Ltmp8, $3  }
0x195: {  	_ = 	snop  }
0x196: {  	v1 =	vmul.f32 v1, v2;
	_ =	sdelay $0x1  }
0x197: {  	s30 =	sadd.s32 $0x100, s30;
	[tilespmem:v3+s25+$0x0] =	vst.idx.add.f32.msk $0xffff, v1  }
0x198: {  	s30 =	simm.s32 $0x0;
	s0 =	rddreg [dreg:$0x1a]  }
0x199: {  	[tilespmem:s21], [sflag:$0x3] =	stream.linear.gather [hbm4b:s0+s30], $0x700, $0x38;
	[tilespmem:$0x1B200] =	vst v63  }
0x19a: {  	s31 =	rddreg [dreg:$0x1b]  }
0x19b: {  	[tilespmem:s22], [sflag:$0x3] =	stream.linear.gather [hbm4b:s31+s30], $0x700, $0x38;
	[tilespmem:$0x1B200] =	vst v63  }
0x19c: {  	s31 =	rddreg [dreg:$0x1c]  }
0x19d: {  	[tilespmem:s23], [sflag:$0x3] =	stream.linear.gather [hbm4b:s31+s30], $0x700, $0x38;
	[tilespmem:$0x1B200] =	vst v63  }
0x19e: {  	_ =	swait.ge [sflag:s24], $0x700  }
0x19f: {  	[sflag:s24] =	ssyncset.done $0x0  }
0x1a0: {  	[sflag:s24] =	ssyncadd.s32 $0xFFFFF900  }
0x1a1: {  	_ =	swait.ge [sflag:s24], $0x700  }
0x1a2: {  	[sflag:s24] =	ssyncset.done $0x0  }
0x1a3: {  	[sflag:s24] =	ssyncadd.s32 $0xFFFFF900  }
0x1a4: {  	_ =	swait.ge [sflag:s24], $0x700  }
0x1a5: {  	[sflag:s24] =	ssyncset.done $0x0  }
0x1a6: {  	[sflag:s24] =	ssyncadd.s32 $0xFFFFF900  }
.LBB2_20:
0x1a7: {  	s0 =	sshra.s32 s30, $0x2  }
0x1a8: {  	v1 =	vld [tilespmem:s0+$0x18800];
	_ =	sdelay $0x5  }
0x1a9: {  	v2 =	vld [tilespmem:s0+$0x19600]  }
0x1aa: {  	v3 =	vld [tilespmem:s0+$0x1A400]  }
0x1ab: {  	v1 =	vld.idx.msk [tilespmem:v1+s1+$0x0], $0xffff;
	_ =	sdelay $0x4  }
0x1ac: {  	v1 =	vmul.f32 v1, v2;
	_ =	sdelay $0x1  }
0x1ad: {  	[tilespmem:v3+s25+$0x0] =	vst.idx.add.f32.msk $0xffff, v1  }
0x1ae: {  	v1 =	vld [tilespmem:s0+$0x18810];
	_ =	sdelay $0x5  }
0x1af: {  	v2 =	vld [tilespmem:s0+$0x19610]  }
0x1b0: {  	v3 =	vld [tilespmem:s0+$0x1A410]  }
0x1b1: {  	v1 =	vld.idx.msk [tilespmem:v1+s1+$0x0], $0xffff;
	_ =	sdelay $0x4  }
0x1b2: {  	v1 =	vmul.f32 v1, v2;
	_ =	sdelay $0x1  }
0x1b3: {  	[tilespmem:v3+s25+$0x0] =	vst.idx.add.f32.msk $0xffff, v1  }
0x1b4: {  	v1 =	vld [tilespmem:s0+$0x18820];
	_ =	sdelay $0x5  }
0x1b5: {  	v2 =	vld [tilespmem:s0+$0x19620]  }
0x1b6: {  	v3 =	vld [tilespmem:s0+$0x1A420]  }
0x1b7: {  	v1 =	vld.idx.msk [tilespmem:v1+s1+$0x0], $0xffff;
	_ =	sdelay $0x4  }
0x1b8: {  	v1 =	vmul.f32 v1, v2;
	_ =	sdelay $0x1  }
0x1b9: {  	[tilespmem:v3+s25+$0x0] =	vst.idx.add.f32.msk $0xffff, v1  }
0x1ba: {  	v1 =	vld [tilespmem:s0+$0x18830];
	_ =	sdelay $0x5  }
0x1bb: {  	v2 =	vld [tilespmem:s0+$0x19630]  }
0x1bc: {  	v3 =	vld [tilespmem:s0+$0x1A430]  }
0x1bd: {  	v1 =	vld.idx.msk [tilespmem:v1+s1+$0x0], $0xffff;
	_ =	sdelay $0x1  }
0x1be: {  	p0 =	sne.s32 s30, $0x1B00  }
.Ltmp9:
0x1bf: {  	_ = 	snop;
	(pc) =	sbr.rel @p0 .LBB2_20-.Ltmp9, $3  }
0x1c0: {  	_ = 	snop  }
0x1c1: {  	v1 =	vmul.f32 v1, v2;
	_ =	sdelay $0x1  }
0x1c2: {  	s30 =	sadd.s32 $0x100, s30;
	[tilespmem:v3+s25+$0x0] =	vst.idx.add.f32.msk $0xffff, v1  }
0x1c3: {  	s30 =	simm.s32 $0x0;
	s0 =	rddreg [dreg:$0x1d]  }
0x1c4: {  	[tilespmem:s18], [sflag:$0x2] =	stream.linear.gather [hbm4b:s0+s30], $0x700, $0x38;
	[tilespmem:$0x1B200] =	vst v63  }
0x1c5: {  	s31 =	rddreg [dreg:$0x1e]  }
0x1c6: {  	[tilespmem:s19], [sflag:$0x2] =	stream.linear.gather [hbm4b:s31+s30], $0x700, $0x38;
	[tilespmem:$0x1B200] =	vst v63  }
0x1c7: {  	s31 =	rddreg [dreg:$0x1f]  }
0x1c8: {  	[tilespmem:s20], [sflag:$0x2] =	stream.linear.gather [hbm4b:s31+s30], $0x700, $0x38;
	[tilespmem:$0x1B200] =	vst v63  }
0x1c9: {  	_ =	swait.ge [sflag:s26], $0x700  }
0x1ca: {  	[sflag:s26] =	ssyncset.done $0x0  }
0x1cb: {  	[sflag:s26] =	ssyncadd.s32 $0xFFFFF900  }
0x1cc: {  	_ =	swait.ge [sflag:s26], $0x700  }
0x1cd: {  	[sflag:s26] =	ssyncset.done $0x0  }
0x1ce: {  	[sflag:s26] =	ssyncadd.s32 $0xFFFFF900  }
0x1cf: {  	_ =	swait.ge [sflag:s26], $0x700  }
0x1d0: {  	[sflag:s26] =	ssyncset.done $0x0  }
0x1d1: {  	[sflag:s26] =	ssyncadd.s32 $0xFFFFF900  }
.LBB2_22:
0x1d2: {  	s0 =	sshra.s32 s30, $0x2  }
0x1d3: {  	v1 =	vld [tilespmem:s0+$0x18F00];
	_ =	sdelay $0x5  }
0x1d4: {  	v2 =	vld [tilespmem:s0+$0x19D00]  }
0x1d5: {  	v3 =	vld [tilespmem:s0+$0x1AB00]  }
0x1d6: {  	v1 =	vld.idx.msk [tilespmem:v1+s1+$0x0], $0xffff;
	_ =	sdelay $0x4  }
0x1d7: {  	v1 =	vmul.f32 v1, v2;
	_ =	sdelay $0x1  }
0x1d8: {  	[tilespmem:v3+s25+$0x0] =	vst.idx.add.f32.msk $0xffff, v1  }
0x1d9: {  	v1 =	vld [tilespmem:s0+$0x18F10];
	_ =	sdelay $0x5  }
0x1da: {  	v2 =	vld [tilespmem:s0+$0x19D10]  }
0x1db: {  	v3 =	vld [tilespmem:s0+$0x1AB10]  }
0x1dc: {  	v1 =	vld.idx.msk [tilespmem:v1+s1+$0x0], $0xffff;
	_ =	sdelay $0x4  }
0x1dd: {  	v1 =	vmul.f32 v1, v2;
	_ =	sdelay $0x1  }
0x1de: {  	[tilespmem:v3+s25+$0x0] =	vst.idx.add.f32.msk $0xffff, v1  }
0x1df: {  	v1 =	vld [tilespmem:s0+$0x18F20];
	_ =	sdelay $0x5  }
0x1e0: {  	v2 =	vld [tilespmem:s0+$0x19D20]  }
0x1e1: {  	v3 =	vld [tilespmem:s0+$0x1AB20]  }
0x1e2: {  	v1 =	vld.idx.msk [tilespmem:v1+s1+$0x0], $0xffff;
	_ =	sdelay $0x4  }
0x1e3: {  	v1 =	vmul.f32 v1, v2;
	_ =	sdelay $0x1  }
0x1e4: {  	[tilespmem:v3+s25+$0x0] =	vst.idx.add.f32.msk $0xffff, v1  }
0x1e5: {  	v1 =	vld [tilespmem:s0+$0x18F30];
	_ =	sdelay $0x5  }
0x1e6: {  	v2 =	vld [tilespmem:s0+$0x19D30]  }
0x1e7: {  	v3 =	vld [tilespmem:s0+$0x1AB30]  }
0x1e8: {  	v1 =	vld.idx.msk [tilespmem:v1+s1+$0x0], $0xffff;
	_ =	sdelay $0x1  }
0x1e9: {  	p0 =	sne.s32 s30, $0x1B00  }
.Ltmp10:
0x1ea: {  	_ = 	snop;
	(pc) =	sbr.rel @p0 .LBB2_22-.Ltmp10, $3  }
0x1eb: {  	_ = 	snop  }
0x1ec: {  	v1 =	vmul.f32 v1, v2;
	_ =	sdelay $0x1  }
0x1ed: {  	s30 =	sadd.s32 $0x100, s30;
	[tilespmem:v3+s25+$0x0] =	vst.idx.add.f32.msk $0xffff, v1  }
0x1ee: {  	s30 =	simm.s32 $0x0  }
0x1ef: {  	[tilespmem:s21], [sflag:$0x3] =	stream.linear.gather [hbm4b:s2+s30], $0x700, $0x38;
	[tilespmem:$0x1B200] =	vst v63  }
0x1f0: {  	_ = 	snop  }
0x1f1: {  	[tilespmem:s22], [sflag:$0x3] =	stream.linear.gather [hbm4b:s3+s30], $0x700, $0x38;
	[tilespmem:$0x1B200] =	vst v63  }
0x1f2: {  	_ = 	snop  }
0x1f3: {  	[tilespmem:s23], [sflag:$0x3] =	stream.linear.gather [hbm4b:s4+s30], $0x700, $0x38;
	[tilespmem:$0x1B200] =	vst v63  }
0x1f4: {  	_ =	swait.ge [sflag:s24], $0x700  }
0x1f5: {  	[sflag:s24] =	ssyncset.done $0x0  }
0x1f6: {  	[sflag:s24] =	ssyncadd.s32 $0xFFFFF900  }
0x1f7: {  	_ =	swait.ge [sflag:s24], $0x700  }
0x1f8: {  	[sflag:s24] =	ssyncset.done $0x0  }
0x1f9: {  	[sflag:s24] =	ssyncadd.s32 $0xFFFFF900  }
0x1fa: {  	_ =	swait.ge [sflag:s24], $0x700  }
0x1fb: {  	[sflag:s24] =	ssyncset.done $0x0  }
0x1fc: {  	[sflag:s24] =	ssyncadd.s32 $0xFFFFF900  }
.LBB2_24:
0x1fd: {  	s0 =	sshra.s32 s30, $0x2  }
0x1fe: {  	v1 =	vld [tilespmem:s0+$0x18800];
	_ =	sdelay $0x5  }
0x1ff: {  	v2 =	vld [tilespmem:s0+$0x19600]  }
0x200: {  	v3 =	vld [tilespmem:s0+$0x1A400]  }
0x201: {  	v1 =	vld.idx.msk [tilespmem:v1+s1+$0x0], $0xffff;
	_ =	sdelay $0x4  }
0x202: {  	v1 =	vmul.f32 v1, v2;
	_ =	sdelay $0x1  }
0x203: {  	[tilespmem:v3+s25+$0x0] =	vst.idx.add.f32.msk $0xffff, v1  }
0x204: {  	v1 =	vld [tilespmem:s0+$0x18810];
	_ =	sdelay $0x5  }
0x205: {  	v2 =	vld [tilespmem:s0+$0x19610]  }
0x206: {  	v3 =	vld [tilespmem:s0+$0x1A410]  }
0x207: {  	v1 =	vld.idx.msk [tilespmem:v1+s1+$0x0], $0xffff;
	_ =	sdelay $0x4  }
0x208: {  	v1 =	vmul.f32 v1, v2;
	_ =	sdelay $0x1  }
0x209: {  	[tilespmem:v3+s25+$0x0] =	vst.idx.add.f32.msk $0xffff, v1  }
0x20a: {  	v1 =	vld [tilespmem:s0+$0x18820];
	_ =	sdelay $0x5  }
0x20b: {  	v2 =	vld [tilespmem:s0+$0x19620]  }
0x20c: {  	v3 =	vld [tilespmem:s0+$0x1A420]  }
0x20d: {  	v1 =	vld.idx.msk [tilespmem:v1+s1+$0x0], $0xffff;
	_ =	sdelay $0x4  }
0x20e: {  	v1 =	vmul.f32 v1, v2;
	_ =	sdelay $0x1  }
0x20f: {  	[tilespmem:v3+s25+$0x0] =	vst.idx.add.f32.msk $0xffff, v1  }
0x210: {  	v1 =	vld [tilespmem:s0+$0x18830];
	_ =	sdelay $0x5  }
0x211: {  	v2 =	vld [tilespmem:s0+$0x19630]  }
0x212: {  	v3 =	vld [tilespmem:s0+$0x1A430]  }
0x213: {  	v1 =	vld.idx.msk [tilespmem:v1+s1+$0x0], $0xffff;
	_ =	sdelay $0x1  }
0x214: {  	p0 =	sne.s32 s30, $0x1B00  }
.Ltmp11:
0x215: {  	_ = 	snop;
	(pc) =	sbr.rel @p0 .LBB2_24-.Ltmp11, $3  }
0x216: {  	_ = 	snop  }
0x217: {  	v1 =	vmul.f32 v1, v2;
	_ =	sdelay $0x1  }
0x218: {  	s30 =	sadd.s32 $0x100, s30;
	[tilespmem:v3+s25+$0x0] =	vst.idx.add.f32.msk $0xffff, v1  }
0x219: {  	s30 =	simm.s32 $0x0  }
0x21a: {  	[tilespmem:s18], [sflag:$0x2] =	stream.linear.gather [hbm4b:s5+s30], $0x700, $0x38;
	[tilespmem:$0x1B200] =	vst v63  }
0x21b: {  	_ = 	snop  }
0x21c: {  	[tilespmem:s19], [sflag:$0x2] =	stream.linear.gather [hbm4b:s6+s30], $0x700, $0x38;
	[tilespmem:$0x1B200] =	vst v63  }
0x21d: {  	_ = 	snop  }
0x21e: {  	[tilespmem:s20], [sflag:$0x2] =	stream.linear.gather [hbm4b:s7+s30], $0x700, $0x38;
	[tilespmem:$0x1B200] =	vst v63  }
0x21f: {  	_ =	swait.ge [sflag:s26], $0x700  }
0x220: {  	[sflag:s26] =	ssyncset.done $0x0  }
0x221: {  	[sflag:s26] =	ssyncadd.s32 $0xFFFFF900  }
0x222: {  	_ =	swait.ge [sflag:s26], $0x700  }
0x223: {  	[sflag:s26] =	ssyncset.done $0x0  }
0x224: {  	[sflag:s26] =	ssyncadd.s32 $0xFFFFF900  }
0x225: {  	_ =	swait.ge [sflag:s26], $0x700  }
0x226: {  	[sflag:s26] =	ssyncset.done $0x0  }
0x227: {  	[sflag:s26] =	ssyncadd.s32 $0xFFFFF900  }
.LBB2_26:
0x228: {  	s0 =	sshra.s32 s30, $0x2  }
0x229: {  	v1 =	vld [tilespmem:s0+$0x18F00];
	_ =	sdelay $0x5  }
0x22a: {  	v2 =	vld [tilespmem:s0+$0x19D00]  }
0x22b: {  	v3 =	vld [tilespmem:s0+$0x1AB00]  }
0x22c: {  	v1 =	vld.idx.msk [tilespmem:v1+s1+$0x0], $0xffff;
	_ =	sdelay $0x4  }
0x22d: {  	v1 =	vmul.f32 v1, v2;
	_ =	sdelay $0x1  }
0x22e: {  	[tilespmem:v3+s25+$0x0] =	vst.idx.add.f32.msk $0xffff, v1  }
0x22f: {  	v1 =	vld [tilespmem:s0+$0x18F10];
	_ =	sdelay $0x5  }
0x230: {  	v2 =	vld [tilespmem:s0+$0x19D10]  }
0x231: {  	v3 =	vld [tilespmem:s0+$0x1AB10]  }
0x232: {  	v1 =	vld.idx.msk [tilespmem:v1+s1+$0x0], $0xffff;
	_ =	sdelay $0x4  }
0x233: {  	v1 =	vmul.f32 v1, v2;
	_ =	sdelay $0x1  }
0x234: {  	[tilespmem:v3+s25+$0x0] =	vst.idx.add.f32.msk $0xffff, v1  }
0x235: {  	v1 =	vld [tilespmem:s0+$0x18F20];
	_ =	sdelay $0x5  }
0x236: {  	v2 =	vld [tilespmem:s0+$0x19D20]  }
0x237: {  	v3 =	vld [tilespmem:s0+$0x1AB20]  }
0x238: {  	v1 =	vld.idx.msk [tilespmem:v1+s1+$0x0], $0xffff;
	_ =	sdelay $0x4  }
0x239: {  	v1 =	vmul.f32 v1, v2;
	_ =	sdelay $0x1  }
0x23a: {  	[tilespmem:v3+s25+$0x0] =	vst.idx.add.f32.msk $0xffff, v1  }
0x23b: {  	v1 =	vld [tilespmem:s0+$0x18F30];
	_ =	sdelay $0x5  }
0x23c: {  	v2 =	vld [tilespmem:s0+$0x19D30]  }
0x23d: {  	v3 =	vld [tilespmem:s0+$0x1AB30]  }
0x23e: {  	v1 =	vld.idx.msk [tilespmem:v1+s1+$0x0], $0xffff;
	_ =	sdelay $0x1  }
0x23f: {  	p0 =	sne.s32 s30, $0x1B00  }
.Ltmp12:
0x240: {  	_ = 	snop;
	(pc) =	sbr.rel @p0 .LBB2_26-.Ltmp12, $3  }
0x241: {  	_ = 	snop  }
0x242: {  	v1 =	vmul.f32 v1, v2;
	_ =	sdelay $0x1  }
0x243: {  	s30 =	sadd.s32 $0x100, s30;
	[tilespmem:v3+s25+$0x0] =	vst.idx.add.f32.msk $0xffff, v1  }
0x244: {  	s30 =	simm.s32 $0x0  }
0x245: {  	[tilespmem:s21], [sflag:$0x3] =	stream.linear.gather [hbm4b:s11+s30], $0x700, $0x38;
	[tilespmem:$0x1B200] =	vst v63  }
0x246: {  	_ = 	snop  }
0x247: {  	[tilespmem:s22], [sflag:$0x3] =	stream.linear.gather [hbm4b:s12+s30], $0x700, $0x38;
	[tilespmem:$0x1B200] =	vst v63  }
0x248: {  	_ = 	snop  }
0x249: {  	[tilespmem:s23], [sflag:$0x3] =	stream.linear.gather [hbm4b:s13+s30], $0x700, $0x38;
	[tilespmem:$0x1B200] =	vst v63  }
0x24a: {  	_ =	swait.ge [sflag:s24], $0x700  }
0x24b: {  	[sflag:s24] =	ssyncset.done $0x0  }
0x24c: {  	[sflag:s24] =	ssyncadd.s32 $0xFFFFF900  }
0x24d: {  	_ =	swait.ge [sflag:s24], $0x700  }
0x24e: {  	[sflag:s24] =	ssyncset.done $0x0  }
0x24f: {  	[sflag:s24] =	ssyncadd.s32 $0xFFFFF900  }
0x250: {  	_ =	swait.ge [sflag:s24], $0x700  }
0x251: {  	[sflag:s24] =	ssyncset.done $0x0  }
0x252: {  	[sflag:s24] =	ssyncadd.s32 $0xFFFFF900  }
.LBB2_28:
0x253: {  	s0 =	sshra.s32 s30, $0x2  }
0x254: {  	v1 =	vld [tilespmem:s0+$0x18800];
	_ =	sdelay $0x5  }
0x255: {  	v2 =	vld [tilespmem:s0+$0x19600]  }
0x256: {  	v3 =	vld [tilespmem:s0+$0x1A400]  }
0x257: {  	v1 =	vld.idx.msk [tilespmem:v1+s1+$0x0], $0xffff;
	_ =	sdelay $0x4  }
0x258: {  	v1 =	vmul.f32 v1, v2;
	_ =	sdelay $0x1  }
0x259: {  	[tilespmem:v3+s25+$0x0] =	vst.idx.add.f32.msk $0xffff, v1  }
0x25a: {  	v1 =	vld [tilespmem:s0+$0x18810];
	_ =	sdelay $0x5  }
0x25b: {  	v2 =	vld [tilespmem:s0+$0x19610]  }
0x25c: {  	v3 =	vld [tilespmem:s0+$0x1A410]  }
0x25d: {  	v1 =	vld.idx.msk [tilespmem:v1+s1+$0x0], $0xffff;
	_ =	sdelay $0x4  }
0x25e: {  	v1 =	vmul.f32 v1, v2;
	_ =	sdelay $0x1  }
0x25f: {  	[tilespmem:v3+s25+$0x0] =	vst.idx.add.f32.msk $0xffff, v1  }
0x260: {  	v1 =	vld [tilespmem:s0+$0x18820];
	_ =	sdelay $0x5  }
0x261: {  	v2 =	vld [tilespmem:s0+$0x19620]  }
0x262: {  	v3 =	vld [tilespmem:s0+$0x1A420]  }
0x263: {  	v1 =	vld.idx.msk [tilespmem:v1+s1+$0x0], $0xffff;
	_ =	sdelay $0x4  }
0x264: {  	v1 =	vmul.f32 v1, v2;
	_ =	sdelay $0x1  }
0x265: {  	[tilespmem:v3+s25+$0x0] =	vst.idx.add.f32.msk $0xffff, v1  }
0x266: {  	v1 =	vld [tilespmem:s0+$0x18830];
	_ =	sdelay $0x5  }
0x267: {  	v2 =	vld [tilespmem:s0+$0x19630]  }
0x268: {  	v3 =	vld [tilespmem:s0+$0x1A430]  }
0x269: {  	v1 =	vld.idx.msk [tilespmem:v1+s1+$0x0], $0xffff;
	_ =	sdelay $0x1  }
0x26a: {  	p0 =	sne.s32 s30, $0x1B00  }
.Ltmp13:
0x26b: {  	_ = 	snop;
	(pc) =	sbr.rel @p0 .LBB2_28-.Ltmp13, $3  }
0x26c: {  	_ = 	snop  }
0x26d: {  	v1 =	vmul.f32 v1, v2;
	_ =	sdelay $0x1  }
0x26e: {  	s30 =	sadd.s32 $0x100, s30;
	[tilespmem:v3+s25+$0x0] =	vst.idx.add.f32.msk $0xffff, v1  }
0x26f: {  	_ =	swait.ge [sflag:s26], $0x700  }
0x270: {  	[sflag:s26] =	ssyncset.done $0x0  }
0x271: {  	[sflag:s26] =	ssyncadd.s32 $0xFFFFF900  }
0x272: {  	_ =	swait.ge [sflag:s26], $0x700  }
0x273: {  	[sflag:s26] =	ssyncset.done $0x0  }
0x274: {  	[sflag:s26] =	ssyncadd.s32 $0xFFFFF900  }
0x275: {  	_ =	swait.ge [sflag:s26], $0x700  }
0x276: {  	[sflag:s26] =	ssyncset.done $0x0  }
0x277: {  	s30 =	simm.s32 $0x0;
	[sflag:s26] =	ssyncadd.s32 $0xFFFFF900  }
.LBB2_30:
0x278: {  	s0 =	sshra.s32 s30, $0x2  }
0x279: {  	v1 =	vld [tilespmem:s0+$0x18F00];
	_ =	sdelay $0x5  }
0x27a: {  	v2 =	vld [tilespmem:s0+$0x19D00]  }
0x27b: {  	v3 =	vld [tilespmem:s0+$0x1AB00]  }
0x27c: {  	v1 =	vld.idx.msk [tilespmem:v1+s1+$0x0], $0xffff;
	_ =	sdelay $0x4  }
0x27d: {  	v1 =	vmul.f32 v1, v2;
	_ =	sdelay $0x1  }
0x27e: {  	[tilespmem:v3+s25+$0x0] =	vst.idx.add.f32.msk $0xffff, v1  }
0x27f: {  	v1 =	vld [tilespmem:s0+$0x18F10];
	_ =	sdelay $0x5  }
0x280: {  	v2 =	vld [tilespmem:s0+$0x19D10]  }
0x281: {  	v3 =	vld [tilespmem:s0+$0x1AB10]  }
0x282: {  	v1 =	vld.idx.msk [tilespmem:v1+s1+$0x0], $0xffff;
	_ =	sdelay $0x4  }
0x283: {  	v1 =	vmul.f32 v1, v2;
	_ =	sdelay $0x1  }
0x284: {  	[tilespmem:v3+s25+$0x0] =	vst.idx.add.f32.msk $0xffff, v1  }
0x285: {  	v1 =	vld [tilespmem:s0+$0x18F20];
	_ =	sdelay $0x5  }
0x286: {  	v2 =	vld [tilespmem:s0+$0x19D20]  }
0x287: {  	v3 =	vld [tilespmem:s0+$0x1AB20]  }
0x288: {  	v1 =	vld.idx.msk [tilespmem:v1+s1+$0x0], $0xffff;
	_ =	sdelay $0x4  }
0x289: {  	v1 =	vmul.f32 v1, v2;
	_ =	sdelay $0x1  }
0x28a: {  	[tilespmem:v3+s25+$0x0] =	vst.idx.add.f32.msk $0xffff, v1  }
0x28b: {  	v1 =	vld [tilespmem:s0+$0x18F30];
	_ =	sdelay $0x5  }
0x28c: {  	v2 =	vld [tilespmem:s0+$0x19D30]  }
0x28d: {  	v3 =	vld [tilespmem:s0+$0x1AB30]  }
0x28e: {  	v1 =	vld.idx.msk [tilespmem:v1+s1+$0x0], $0xffff;
	_ =	sdelay $0x1  }
0x28f: {  	p0 =	sne.s32 s30, $0x1B00  }
.Ltmp14:
0x290: {  	_ = 	snop;
	(pc) =	sbr.rel @p0 .LBB2_30-.Ltmp14, $3  }
0x291: {  	_ = 	snop  }
0x292: {  	v1 =	vmul.f32 v1, v2;
	_ =	sdelay $0x1  }
0x293: {  	s30 =	sadd.s32 $0x100, s30;
	[tilespmem:v3+s25+$0x0] =	vst.idx.add.f32.msk $0xffff, v1  }
0x294: {  	s29 =	sadd.s32 $0x1, s29  }
0x295: {  	p0 =	sne.s32 s29, s16  }
.Ltmp15:
0x296: {  	_ = 	snop;
	(pc) =	sbr.rel @p0 .LBB2_1-.Ltmp15, $4  }
0x297: {  	[hbm4b:s15+s1] =	stream.linear.scatter [tilespmem:s25], [sflag:$0x4], $0xC400, $0x38;
	[tilespmem:$0x1B200] =	vst v63  }
0x298: {  	_ =	swait.ge [sflag:s28], $0xC400  }
0x299: {  	[sflag:s28] =	ssyncset.done $0x0  }
0x29a: {  	[sflag:s28] =	ssyncadd.s32 $0xFFFF3C00  }
0x29b: {  	_ =	sfence.sel $0x180000  }
0x29c: {  	[bflag:$0x0] =	sbarrier.arrive $0xFFFF  }
0x29d: {  	_ =	strace $0x9000004A  }
0x29e: {  	s0 =	stileid.u32;
	[bflag:$0x2] =	sbarrier.arrive $0xFFFF  }
0x29f: {  	p0 =	sne.s32 s0, $0x0;
	s0 =	rddreg [dreg:$0x1]  }
0x2a0: {  	s0 =	sadd.s32 @!p0 $0x100000, s0  }
0x2a1: {  	[sflag:s0] =	ssyncadd.tile.s32 @!p0 $0x1;
	_ =	shalt  }
.Lfunc_end2:
_tile_overlayer_lowered:
.L_overlay_start_2:
0x2a2: {  	(tag) =	ssettag $0x2  }
0x2a3: {  	s0 =	rddreg [dreg:$0x0];
	s2 =	stileid.u32  }
0x2a4: {  	s1 =	rddreg [dreg:$0x1];
	p0 =	sne.s32 s2, $0x0  }
0x2a5: {  	s3 =	rddreg [dreg:$0x2];
	[bflag:$0x3] =	sbarrier.arrive $0xFFFF;
	s2 =	simm.s32 @!p0 $0x1C04  }
0x2a6: {  	[timem:s3], [sflag:s2] =	dma.local @!p0 [hbm:s0], s1  }
0x2a7: {  	s0 =	simm.s32 @!p0 $0x4  }
0x2a8: {  	_ =	swait.ge @!p0 [sflag:s0], s1  }
0x2a9: {  	s1 =	ssub.s32 @!p0 $0x0, s1;
	[sflag:s0] =	ssyncset.done @!p0 $0x0  }
0x2aa: {  	[sflag:s0] =	ssyncadd.s32 @!p0 s1  }
0x2ab: {  	[bflag:$0x3] =	sbarrier.arrive $0xFFFF  }
0x2ac: {  	_ =	shalt  }

// kernel: kernel.7.cloned.1.call-start
scs
__scs_entry_jumppad:
0x0: {  	(pc) =	sbr.rel $0x88, $3  }
0x1: {  	(tag) =	ssettag $0x0;
	lr =	simm.s32 $0x1  }
0x2: {  	[smem:$0x3F98] =	sst lr;
	_ =	strace $0xD0000000  }
0x3: {  	_ = 	snop  }
0x4: {  	_ = 	snop  }
0x5: {  	_ = 	snop  }
0x6: {  	_ = 	snop  }
0x7: {  	_ = 	snop  }
__scs_overlays_trampoline_lowered:
0x8: {  	[smem:$0x3FA7] =	sst s0  }
0x9: {  	[smem:$0x3FA8] =	sst s1  }
0xa: {  	[smem:$0x3FA9] =	sst s2  }
0xb: {  	[smem:$0x3FAA] =	sst s3  }
0xc: {  	[smem:$0x3FAB] =	sst s4  }
0xd: {  	[smem:$0x3FAC] =	sst s5  }
0xe: {  	[smem:$0x3FAD] =	sst s6  }
0xf: {  	[smem:$0x3FAE] =	sst s7  }
0x10: {  	[smem:$0x3FAF] =	sst s8  }
0x11: {  	[smem:$0x3FB0] =	sst s9;
	s0 =	simm.s32 @!p0 $0x0  }
0x12: {  	s1 =	sld [smem:$0x3F96];
	s0 =	simm.s32 @p0 $0x1  }
0x13: {  	[smem:$0x3FB1] =	sst s0;
	s0 =	simm.s32 @!p1 $0x0  }
0x14: {  	s2 =	sld [smem:$0x3F95];
	s0 =	simm.s32 @p1 $0x1  }
0x15: {  	[smem:$0x3FB2] =	sst s0;
	s0 =	simm.s32 @!p2 $0x0  }
0x16: {  	s3 =	sld [smem:$0x3FDB];
	s0 =	simm.s32 @p2 $0x1  }
0x17: {  	s4 =	simm.s32 $0x1BF5;
	[smem:$0x3FB4] =	sst s0  }
0x18: {  	s0 =	sld [smem:$0x3F97];
	_ =	swait.ge [sflag:s4], $0x0  }
0x19: {  	s7 =	sld [smem:$0x3F98]  }
0x1a: {  	s8 =	sadd.s32 $0xFFFFE003, lr  }
0x1b: {  	s9 =	sadd.s32 $0xFFFFFEF7, lr;
	s5 =	simm.s32 $0xFFFFFFFF;
	p2 =	slt.u32 s8, $0xFFFFF086  }
0x1c: {  	p1 =	slt.u32 s9, $0xF7A;
	s5 =	simm.s32 @!p2 $0x0  }
0x1d: {  	s5 =	simm.s32 @p1 $0x1;
	p0 =	seq.s32 s7, s2  }
0x1e: {  	s7 =	smul.u32 @!p0 $0xF7A, s2;
	p2 =	seq.s32 @!p0 s5, $0x0  }
0x1f: {  	s9 =	smul.u32 $0xF7A, s1;
	s8 =	simm.s32 @!p0 $0x1BF5;
	p2 =	por !p2, p0  }
0x20: {  	[sflag:s8] =	ssyncset.s32 @!p0 $0xFFFFF086;
	s6 =	sadd.s32 @!p0 s3, s7;
	s7 =	simm.s32 @!p0 $0x108  }
0x21: {  	s3 =	sadd.s32 s3, s9;
	s6 =	sadd.s32 @!p0 $0x88, s6;
	s7 =	simm.s32 @p2 $0x1082  }
0x22: {  	[simem:s7], [sflag:s8] =	dma.local @!p0 [hbm:s6], $0xF7A  }
0x23: {  	s9 =	sor.u32 $0xD0000000, s2;
	s6 =	simm.s32 $0x108;
	_ =	swait.ge @!p0 [sflag:s8], $0x0  }
0x24: {  	s3 =	sadd.s32 $0x88, s3;
	s6 =	simm.s32 @!p1 $0x1082;
	[sflag:s4] =	ssyncset.s32 $0xFFFFF086  }
0x25: {  	[simem:s6], [sflag:s4] =	dma.local [hbm:s3], $0xF7A  }
0x26: {  	[smem:$0x3F98] =	sst s1;
	(tag) =	ssettag s2;
	_ =	strace s9  }
0x27: {  	s1 =	sld [smem:$0x3FA8]  }
0x28: {  	s2 =	sld [smem:$0x3FA9]  }
0x29: {  	s4 =	sld [smem:$0x3FAB]  }
0x2a: {  	p0 =	seq.s32 s5, $0x0;
	s5 =	sld [smem:$0x3FAC]  }
0x2b: {  	s6 =	sld [smem:$0x3FAD]  }
0x2c: {  	s7 =	sld [smem:$0x3FAE]  }
0x2d: {  	s3 =	simm.s32 $0x108;
	s8 =	sld [smem:$0x3FAF]  }
0x2e: {  	s3 =	simm.s32 @!p0 $0x1082;
	s9 =	sld [smem:$0x3FB0]  }
0x2f: {  	lr =	sadd.s32 s0, s3;
	s0 =	sld [smem:$0x3FA7]  }
0x30: {  	s3 =	sld [smem:$0x3FAA]  }
0x31: {  	[smem:$0x3FB3] =	sst s10  }
0x32: {  	s10 =	sld [smem:$0x3FB1];
	_ =	sdelay $0x3  }
0x33: {  	p0 =	seq.s32 s10, $0x1;
	s10 =	sld [smem:$0x3FB3];
	_ =	sdelay $0x3  }
0x34: {  	[smem:$0x3FB3] =	sst s10  }
0x35: {  	s10 =	sld [smem:$0x3FB2];
	_ =	sdelay $0x3  }
0x36: {  	p1 =	seq.s32 s10, $0x1;
	s10 =	sld [smem:$0x3FB3];
	_ =	sdelay $0x3  }
0x37: {  	[smem:$0x3FB3] =	sst s10  }
0x38: {  	s10 =	sld [smem:$0x3FB4]  }
0x39: {  	_ = 	snop;
	(pc) =	sbr.ind lr, $3  }
0x3a: {  	_ = 	snop  }
0x3b: {  	_ = 	snop  }
0x3c: {  	p2 =	seq.s32 s10, $0x1;
	s10 =	sld [smem:$0x3FB3]  }
0x3d: {  	_ =	shalt  }
0x3e: {  	_ =	shalt  }
0x3f: {  	_ =	shalt  }
0x40: {  	_ =	shalt  }
0x41: {  	_ =	shalt  }
0x42: {  	_ =	shalt  }
0x43: {  	_ =	shalt  }
0x44: {  	_ =	shalt  }
0x45: {  	_ =	shalt  }
0x46: {  	_ =	shalt  }
0x47: {  	_ =	shalt  }
0x48: {  	_ =	shalt  }
0x49: {  	_ =	shalt  }
0x4a: {  	_ =	shalt  }
0x4b: {  	_ =	shalt  }
0x4c: {  	_ =	shalt  }
0x4d: {  	_ =	shalt  }
0x4e: {  	_ =	shalt  }
0x4f: {  	_ =	shalt  }
0x50: {  	_ =	shalt  }
0x51: {  	_ =	shalt  }
0x52: {  	_ =	shalt  }
0x53: {  	_ =	shalt  }
0x54: {  	_ =	shalt  }
0x55: {  	_ =	shalt  }
0x56: {  	_ =	shalt  }
0x57: {  	_ =	shalt  }
0x58: {  	_ =	shalt  }
0x59: {  	_ =	shalt  }
0x5a: {  	_ =	shalt  }
0x5b: {  	_ =	shalt  }
0x5c: {  	_ =	shalt  }
0x5d: {  	_ =	shalt  }
0x5e: {  	_ =	shalt  }
0x5f: {  	_ =	shalt  }
0x60: {  	_ =	shalt  }
0x61: {  	_ =	shalt  }
0x62: {  	_ =	shalt  }
0x63: {  	_ =	shalt  }
0x64: {  	_ =	shalt  }
0x65: {  	_ =	shalt  }
0x66: {  	_ =	shalt  }
0x67: {  	_ =	shalt  }
0x68: {  	_ =	shalt  }
0x69: {  	_ =	shalt  }
0x6a: {  	_ =	shalt  }
0x6b: {  	_ =	shalt  }
0x6c: {  	_ =	shalt  }
0x6d: {  	_ =	shalt  }
0x6e: {  	_ =	shalt  }
0x6f: {  	_ =	shalt  }
0x70: {  	_ =	shalt  }
0x71: {  	_ =	shalt  }
0x72: {  	_ =	shalt  }
0x73: {  	_ =	shalt  }
0x74: {  	_ =	shalt  }
0x75: {  	_ =	shalt  }
0x76: {  	_ =	shalt  }
0x77: {  	_ =	shalt  }
0x78: {  	_ =	shalt  }
0x79: {  	_ =	shalt  }
0x7a: {  	_ =	shalt  }
0x7b: {  	_ =	shalt  }
0x7c: {  	_ =	shalt  }
0x7d: {  	_ =	shalt  }
0x7e: {  	_ =	shalt  }
0x7f: {  	_ =	shalt  }
0x80: {  	_ =	shalt  }
0x81: {  	_ =	shalt  }
0x82: {  	_ =	shalt  }
0x83: {  	_ =	shalt  }
0x84: {  	_ =	shalt  }
0x85: {  	_ =	shalt  }
0x86: {  	_ =	shalt  }
0x87: {  	_ =	shalt  }
.Lfunc_end0:
.L_simem_size_0:
called_computation_lowered:
.L_overlay_start_0:
0x88: {  	s2 =	sld [smem:$0x3FD9]  }
0x89: {  	s3 =	sld [smem:$0x3FFE];
	_ =	sdelay $0x1  }
0x8a: {  	s1 =	srdreg.scid  }
0x8b: {  	s0 =	sand.u32 $0x1, s1  }
0x8c: {  	s16 =	sshll.u32 s0, $0xA;
	s2 =	sadd.s32 s3, s2  }
0x8d: {  	s2 =	sadd.s32 s2, s16  }
0x8e: {  	[smem:$0x3FBF] =	sst s2  }
0x8f: {  	_ = 	snop  }
0x90: {  	(tm) =	ssettm $0x1  }
0x91: {  	s17 =	sld [smem:$0x3FFB];
	_ =	sdelay $0x3  }
0x92: {  	_ =	strace s17  }
0x93: {  	s2 =	sld [smem:$0x3FFC];
	_ =	sdelay $0x3  }
0x94: {  	_ =	strace s2  }
0x95: {  	s2 =	sld [smem:$0x3FFD];
	_ =	sdelay $0x3  }
0x96: {  	_ =	strace s2  }
0x97: {  	_ =	strace $0x8FFFFFFF  }
0x98: {  	s18 =	sld [smem:$0x3FDB];
	_ =	sdelay $0x1  }
0x99: {  	s19 =	simm.s32 $_scs_section_size  }
0x9a: {  	s4 =	simm.s32 $_size__tile_overlayer_lowered;
	s5 =	simm.s32 $_tile_overlayer_lowered  }
0x9b: {  	s22 =	simm.s32 $0x1BFF;
	s21 =	sshll.u32 s5, $0x1;
	s2 =	sadd.s32 s19, s18  }
0x9c: {  	s6 =	simm.s32 $0x0;
	s20 =	sshll.u32 s4, $0x1;
	s4 =	sadd.s32 s21, s2  }
0x9d: {  	[timem:s6], [sflag:s22] =	dma.local [hbm:s4], s20  }
0x9e: {  	_ =	swait.ge [sflag:s22], s20  }
0x9f: {  	s3 =	ssub.s32 $0x0, s20;
	[sflag:s22] =	ssyncset.done $0x0  }
0xa0: {  	[sflag:s22] =	ssyncadd.s32 s3;
	_ =	sdelay $0x1  }
0xa1: {  	s23 =	simm.s32 $0x1B8B  }
0xa2: {  	_ =	swait.ge [sflag:s23], $0x1  }
0xa3: {  	[sflag:s23] =	ssyncset.done $0x0  }
0xa4: {  	s25 =	simm.s32 $0x1B8E;
	s24 =	sld [smem:$0x3FFE];
	[sflag:s23] =	ssyncadd.s32 $0xFFFFFFFF  }
0xa5: {  	s26 =	simm.s32 $execute0_lowered;
	[smem:$0x3FD2] =	sst s25  }
0xa6: {  	s4 =	sshll.u32 s26, $0x1;
	_ =	strace $0x80000046;
	[dreg:$0x1] =	wrdreg $0xFFFFFFFF  }
0xa7: {  	s28 =	simm.s32 $_size_execute0_lowered;
	s2 =	sadd.s32 s2, s4;
	[dreg:$0x0] =	wrdreg $0x0  }
0xa8: {  	s4 =	sshll.u32 s28, $0x1;
	[dreg:$0x2] =	wrdreg s2  }
0xa9: {  	[dreg:$0x3] =	wrdreg s4  }
0xaa: {  	[dreg:$0x4] =	wrdreg $0xC0  }
0xab: {  	_ =	task [dreg:s6], $0x5FFFF  }
0xac: {  	[dreg:$0x1] =	wrdreg $0xFFFFFFFF  }
0xad: {  	[dreg:$0x0] =	wrdreg $0x60  }
0xae: {  	[dreg:$0x2] =	wrdreg s24  }
0xaf: {  	[dreg:$0x3] =	wrdreg $0x9  }
0xb0: {  	_ =	task.clear_ibuf [dreg:s6], $0x4FFFF;
	_ =	strace $0x90000046  }
0xb1: {  	s29 =	simm.s32 $0x9;
	_ =	strace $0x80000048  }
0xb2: {  	_ =	swait.ge [sflag:s29], $0x1  }
0xb3: {  	[sflag:s29] =	ssyncadd.s32 $0xFFFFFFFF  }
0xb4: {  	_ =	strace $0x90000048  }
0xb5: {  	_ =	sfence  }
0xb6: {  	s30 =	sld [smem:$0x0];
	_ =	sdelay $0x2  }
0xb7: {  	s31 =	sshll.u32 s1, $0xD;
	s1 =	sshrl.u32 s1, $0x2  }
0xb8: {  	s3 =	sand.u32 $0x4000, s31;
	s1 =	sadd.s32 s1, s30  }
0xb9: {  	s0 =	sor.u32 s3, s0;
	s1 =	sshll.u32 s1, $0x11  }
0xba: {  	s0 =	sor.u32 s1, s0  }
0xbb: {  	s0 =	sadd.s32 $0x8F2B, s0  }
0xbc: {  	[sflag:s0] =	ssyncadd.remote.s32 $0x1  }
0xbd: {  	_ =	sfence.sel $0xFFFF  }
0xbe: {  	[dreg:$0x0] =	wrdreg $0xFFFFFFFF;
	(pc) =	sbr.abs _section_cstart, $3  }
0xbf: {  	[dreg:$0x1] =	wrdreg $0xFFFFFFFF  }
0xc0: {  	_ =	task.clear_ibuf [dreg:s6], $0x2FFFF;
	_ =	strace $0x9FFFFFFF  }
0xc1: {  	(tm) =	ssettm $0x7FFFFFFF  }
tec
execute0_lowered:
.L_overlay_start_1:
0x0: {  	(tag) =	ssettag $0x1  }
0x1: {  	s0 =	srdreg.scid  }
0x2: {  	s0 =	sand.u32 $0x1, s0  }
0x3: {  	s3 =	stileid.u32;
	s2 =	sshll.u32 s0, $0x4  }
0x4: {  	s2 =	sor.u32 s3, s2  }
0x5: {  	s3 =	smul.u32 $0x6200, s2  }
0x6: {  	s14 =	rddreg [dreg:$0x0];
	s1 =	simm.s32 $0x0  }
0x7: {  	[smem:$0x7FF] =	sst s1;
	s11 =	sadd.s32 $0x2000, s14;
	s15 =	sshrl.u32 s3, $0x3  }
0x8: {  	s12 =	sadd.s32 $0x34A00, s14;
	s0 =	ssub.s32 $0x2, s0;
	s9 =	sadd.s32 $0xE0, s15  }
0x9: {  	s13 =	sadd.s32 $0x1A800, s14;
	s4 =	sshrl.u32 s0, $0x1;
	s10 =	sadd.s32 s11, s9  }
0xa: {  	s17 =	ssub.s32 s0, s4;
	s18 =	sadd.s32 s12, s9;
	[dreg:$0x2] =	wrdreg s10  }
0xb: {  	s19 =	sadd.s32 $0x1C0, s15;
	s0 =	sadd.s32 s13, s9;
	[dreg:$0x3] =	wrdreg s18  }
0xc: {  	s20 =	sadd.s32 s11, s19;
	[dreg:$0x4] =	wrdreg s0  }
0xd: {  	s16 =	smul.u32 $0x1880, s2;
	s22 =	sadd.s32 s12, s19;
	[dreg:$0x5] =	wrdreg s20  }
0xe: {  	s21 =	sadd.s32 $0x2A0, s15;
	s2 =	sadd.s32 s13, s19;
	[dreg:$0x6] =	wrdreg s22  }
0xf: {  	s23 =	sadd.s32 s11, s21;
	[dreg:$0x7] =	wrdreg s2  }
0x10: {  	s25 =	sadd.s32 $0x380, s15;
	s24 =	sadd.s32 s12, s21;
	[dreg:$0x8] =	wrdreg s23  }
0x11: {  	s26 =	sadd.s32 s11, s25;
	[dreg:$0x9] =	wrdreg s24  }
0x12: {  	s31 =	sadd.s32 $0x460, s15;
	s30 =	sadd.s32 s12, s25;
	[dreg:$0xb] =	wrdreg s26  }
0x13: {  	s28 =	simm.s32 $0x4;
	s3 =	sadd.s32 s11, s31;
	[dreg:$0xc] =	wrdreg s30  }
0x14: {  	s4 =	sadd.s32 $0x540, s15;
	s5 =	sadd.s32 s12, s31;
	[dreg:$0xe] =	wrdreg s3  }
0x15: {  	s29 =	simm.s32 $0x0;
	s6 =	sadd.s32 s11, s4;
	[dreg:$0xf] =	wrdreg s5  }
0x16: {  	s8 =	sadd.s32 $0x620, s15;
	s7 =	sadd.s32 s12, s4;
	[dreg:$0x11] =	wrdreg s6  }
0x17: {  	s9 =	sadd.s32 s11, s8;
	s0 =	sadd.s32 s13, s21;
	[dreg:$0x12] =	wrdreg s7  }
0x18: {  	s2 =	sadd.s32 s13, s31;
	[dreg:$0x14] =	wrdreg s9;
	s10 =	sadd.s32 s12, s8  }
0x19: {  	s18 =	sadd.s32 $0x700, s15;
	s20 =	sadd.s32 $0x7E0, s15;
	s24 =	sadd.s32 $0x8C0, s15  }
0x1a: {  	s30 =	sadd.s32 $0x9A0, s15;
	s7 =	sadd.s32 $0xA80, s15;
	[dreg:$0xa] =	wrdreg s0  }
0x1b: {  	s9 =	sadd.s32 s12, s15;
	s31 =	sadd.s32 s16, s14;
	[dreg:$0x10] =	wrdreg s2  }
0x1c: {  	s14 =	sadd.s32 $0x33000, s14;
	s0 =	sadd.s32 s13, s25;
	[dreg:$0x15] =	wrdreg s10  }
0x1d: {  	s16 =	smax.u32 s17, $0x1;
	s19 =	sadd.s32 s11, s18;
	[dreg:$0xd] =	wrdreg s0  }
0x1e: {  	s17 =	simm.s32 $0x1;
	s21 =	sadd.s32 s12, s18;
	[dreg:$0x17] =	wrdreg s19  }
0x1f: {  	s2 =	sadd.s32 s13, s18;
	s22 =	sadd.s32 s11, s20;
	[dreg:$0x18] =	wrdreg s21  }
0x20: {  	s23 =	sadd.s32 s12, s20;
	s25 =	sadd.s32 s11, s24;
	[dreg:$0x19] =	wrdreg s2  }
0x21: {  	s26 =	sadd.s32 s12, s24;
	s3 =	sadd.s32 s12, s30;
	[dreg:$0x1a] =	wrdreg s22  }
0x22: {  	s5 =	sadd.s32 s11, s7;
	s6 =	sadd.s32 s12, s7;
	[dreg:$0x1b] =	wrdreg s23  }
0x23: {  	s7 =	sadd.s32 s13, s7;
	s10 =	sadd.s32 s13, s15;
	[dreg:$0x1d] =	wrdreg s25  }
0x24: {  	s18 =	simm.s32 $0x18800;
	s0 =	sadd.s32 s13, s4;
	[dreg:$0x1e] =	wrdreg s26  }
0x25: {  	s2 =	sadd.s32 s11, s30;
	s4 =	sadd.s32 s13, s30;
	s19 =	simm.s32 $0x19600  }
0x26: {  	s21 =	simm.s32 $0x18F00;
	s22 =	simm.s32 $0x19D00;
	s23 =	simm.s32 $0x1AB00  }
0x27: {  	s25 =	simm.s32 $0xC400;
	s26 =	simm.s32 $0x3;
	[dreg:$0x13] =	wrdreg s0  }
0x28: {  	s0 =	sadd.s32 s13, s8;
	s8 =	sadd.s32 s11, s15;
	s15 =	sadd.s32 $0xB60, s15  }
0x29: {  	[dreg:$0x16] =	wrdreg s0;
	s0 =	sadd.s32 s13, s20;
	s11 =	sadd.s32 s11, s15  }
0x2a: {  	s12 =	sadd.s32 s12, s15;
	[dreg:$0x1c] =	wrdreg s0;
	s0 =	sadd.s32 s13, s24  }
0x2b: {  	s20 =	simm.s32 $0x1A400;
	s13 =	sadd.s32 s13, s15;
	[dreg:$0x1f] =	wrdreg s0  }
0x2c: {  	v0 =	vimm.f32 $0.0e+00;
	s15 =	sadd.s32 $0x4D200, s31;
	s24 =	simm.s32 $0x2;
	_ =	strace $0x80000047  }
.LBB2_1:
0x2d: {  	[tilespmem:s1], [sflag:$0x1] =	stream.linear.gather [hbm4b:s14+s1], $0xC400, $0x38;
	[tilespmem:$0x1B200] =	vst v63  }
0x2e: {  	s31 =	simm.s32 $0x100;
	s30 =	simm.s32 $0x0  }
.LBB2_2:
0x2f: {  	p0 =	sne.s32 s31, $0x30F00;
	[tilespmem:s30+$0xC430] =	vst v0;
	s0 =	smov.u32 s31;
	s31 =	sadd.s32 $0x100, s31  }
.Ltmp0:
0x30: {  	[tilespmem:s30+$0xC420] =	vst v0;
	(pc) =	sbr.rel @p0 .LBB2_2-.Ltmp0, $3  }
0x31: {  	[tilespmem:s30+$0xC400] =	vst v0  }
0x32: {  	[tilespmem:s30+$0xC410] =	vst v0;
	_ =	sdelay $0x1  }
0x33: {  	s30 =	sshra.s32 s0, $0x2  }
0x34: {  	[tilespmem:s30+$0xC430] =	vst v0  }
0x35: {  	[tilespmem:s30+$0xC420] =	vst v0  }
0x36: {  	[tilespmem:s30+$0xC400] =	vst v0  }
0x37: {  	[tilespmem:s30+$0xC410] =	vst v0  }
0x38: {  	_ =	swait.ge [sflag:s17], $0xC400  }
0x39: {  	[sflag:s17] =	ssyncset.done $0x0  }
0x3a: {  	s30 =	simm.s32 $0x0;
	[sflag:s17] =	ssyncadd.s32 $0xFFFF3C00  }
0x3b: {  	[tilespmem:s18], [sflag:$0x2] =	stream.linear.gather [hbm4b:s8+s30], $0x700, $0x38;
	[tilespmem:$0x1B200] =	vst v63  }
0x3c: {  	_ = 	snop  }
0x3d: {  	[tilespmem:s19], [sflag:$0x2] =	stream.linear.gather [hbm4b:s9+s30], $0x700, $0x38;
	[tilespmem:$0x1B200] =	vst v63  }
0x3e: {  	_ = 	snop  }
0x3f: {  	[tilespmem:s20], [sflag:$0x2] =	stream.linear.gather [hbm4b:s10+s30], $0x700, $0x38;
	[tilespmem:$0x1B200] =	vst v63  }
0x40: {  	s0 =	rddreg [dreg:$0x2]  }
0x41: {  	[tilespmem:s21], [sflag:$0x3] =	stream.linear.gather [hbm4b:s0+s30], $0x700, $0x38;
	[tilespmem:$0x1B200] =	vst v63  }
0x42: {  	s31 =	rddreg [dreg:$0x3]  }
0x43: {  	[tilespmem:s22], [sflag:$0x3] =	stream.linear.gather [hbm4b:s31+s30], $0x700, $0x38;
	[tilespmem:$0x1B200] =	vst v63  }
0x44: {  	s31 =	rddreg [dreg:$0x4]  }
0x45: {  	[tilespmem:s23], [sflag:$0x3] =	stream.linear.gather [hbm4b:s31+s30], $0x700, $0x38;
	[tilespmem:$0x1B200] =	vst v63  }
0x46: {  	_ =	swait.ge [sflag:s24], $0x700  }
0x47: {  	[sflag:s24] =	ssyncset.done $0x0  }
0x48: {  	[sflag:s24] =	ssyncadd.s32 $0xFFFFF900  }
0x49: {  	_ =	swait.ge [sflag:s24], $0x700  }
0x4a: {  	[sflag:s24] =	ssyncset.done $0x0  }
0x4b: {  	[sflag:s24] =	ssyncadd.s32 $0xFFFFF900  }
0x4c: {  	_ =	swait.ge [sflag:s24], $0x700  }
0x4d: {  	[sflag:s24] =	ssyncset.done $0x0  }
0x4e: {  	[sflag:s24] =	ssyncadd.s32 $0xFFFFF900  }
.LBB2_4:
0x4f: {  	s0 =	sshra.s32 s30, $0x2  }
0x50: {  	v1 =	vld [tilespmem:s0+$0x18800];
	_ =	sdelay $0x5  }
0x51: {  	v2 =	vld [tilespmem:s0+$0x19600]  }
0x52: {  	v3 =	vld [tilespmem:s0+$0x1A400]  }
0x53: {  	v1 =	vld.idx.msk [tilespmem:v1+s1+$0x0], $0xffff;
	_ =	sdelay $0x4  }
0x54: {  	v1 =	vmul.f32 v1, v2;
	_ =	sdelay $0x1  }
0x55: {  	[tilespmem:v3+s25+$0x0] =	vst.idx.add.f32.msk $0xffff, v1  }
0x56: {  	v1 =	vld [tilespmem:s0+$0x18810];
	_ =	sdelay $0x5  }
0x57: {  	v2 =	vld [tilespmem:s0+$0x19610]  }
0x58: {  	v3 =	vld [tilespmem:s0+$0x1A410]  }
0x59: {  	v1 =	vld.idx.msk [tilespmem:v1+s1+$0x0], $0xffff;
	_ =	sdelay $0x4  }
0x5a: {  	v1 =	vmul.f32 v1, v2;
	_ =	sdelay $0x1  }
0x5b: {  	[tilespmem:v3+s25+$0x0] =	vst.idx.add.f32.msk $0xffff, v1  }
0x5c: {  	v1 =	vld [tilespmem:s0+$0x18820];
	_ =	sdelay $0x5  }
0x5d: {  	v2 =	vld [tilespmem:s0+$0x19620]  }
0x5e: {  	v3 =	vld [tilespmem:s0+$0x1A420]  }
0x5f: {  	v1 =	vld.idx.msk [tilespmem:v1+s1+$0x0], $0xffff;
	_ =	sdelay $0x4  }
0x60: {  	v1 =	vmul.f32 v1, v2;
	_ =	sdelay $0x1  }
0x61: {  	[tilespmem:v3+s25+$0x0] =	vst.idx.add.f32.msk $0xffff, v1  }
0x62: {  	v1 =	vld [tilespmem:s0+$0x18830];
	_ =	sdelay $0x5  }
0x63: {  	v2 =	vld [tilespmem:s0+$0x19630]  }
0x64: {  	v3 =	vld [tilespmem:s0+$0x1A430]  }
0x65: {  	v1 =	vld.idx.msk [tilespmem:v1+s1+$0x0], $0xffff;
	_ =	sdelay $0x1  }
0x66: {  	p0 =	sne.s32 s30, $0x1B00  }
.Ltmp1:
0x67: {  	_ = 	snop;
	(pc) =	sbr.rel @p0 .LBB2_4-.Ltmp1, $3  }
0x68: {  	_ = 	snop  }
0x69: {  	v1 =	vmul.f32 v1, v2;
	_ =	sdelay $0x1  }
0x6a: {  	s30 =	sadd.s32 $0x100, s30;
	[tilespmem:v3+s25+$0x0] =	vst.idx.add.f32.msk $0xffff, v1  }
0x6b: {  	s30 =	simm.s32 $0x0;
	s0 =	rddreg [dreg:$0x5]  }
0x6c: {  	[tilespmem:s18], [sflag:$0x2] =	stream.linear.gather [hbm4b:s0+s30], $0x700, $0x38;
	[tilespmem:$0x1B200] =	vst v63  }
0x6d: {  	s31 =	rddreg [dreg:$0x6]  }
0x6e: {  	[tilespmem:s19], [sflag:$0x2] =	stream.linear.gather [hbm4b:s31+s30], $0x700, $0x38;
	[tilespmem:$0x1B200] =	vst v63  }
0x6f: {  	s31 =	rddreg [dreg:$0x7]  }
0x70: {  	[tilespmem:s20], [sflag:$0x2] =	stream.linear.gather [hbm4b:s31+s30], $0x700, $0x38;
	[tilespmem:$0x1B200] =	vst v63  }
0x71: {  	_ =	swait.ge [sflag:s26], $0x700  }
0x72: {  	[sflag:s26] =	ssyncset.done $0x0  }
0x73: {  	[sflag:s26] =	ssyncadd.s32 $0xFFFFF900  }
0x74: {  	_ =	swait.ge [sflag:s26], $0x700  }
0x75: {  	[sflag:s26] =	ssyncset.done $0x0  }
0x76: {  	[sflag:s26] =	ssyncadd.s32 $0xFFFFF900  }
0x77: {  	_ =	swait.ge [sflag:s26], $0x700  }
0x78: {  	[sflag:s26] =	ssyncset.done $0x0  }
0x79: {  	[sflag:s26] =	ssyncadd.s32 $0xFFFFF900  }
.LBB2_6:
0x7a: {  	s0 =	sshra.s32 s30, $0x2  }
0x7b: {  	v1 =	vld [tilespmem:s0+$0x18F00];
	_ =	sdelay $0x5  }
0x7c: {  	v2 =	vld [tilespmem:s0+$0x19D00]  }
0x7d: {  	v3 =	vld [tilespmem:s0+$0x1AB00]  }
0x7e: {  	v1 =	vld.idx.msk [tilespmem:v1+s1+$0x0], $0xffff;
	_ =	sdelay $0x4  }
0x7f: {  	v1 =	vmul.f32 v1, v2;
	_ =	sdelay $0x1  }
0x80: {  	[tilespmem:v3+s25+$0x0] =	vst.idx.add.f32.msk $0xffff, v1  }
0x81: {  	v1 =	vld [tilespmem:s0+$0x18F10];
	_ =	sdelay $0x5  }
0x82: {  	v2 =	vld [tilespmem:s0+$0x19D10]  }
0x83: {  	v3 =	vld [tilespmem:s0+$0x1AB10]  }
0x84: {  	v1 =	vld.idx.msk [tilespmem:v1+s1+$0x0], $0xffff;
	_ =	sdelay $0x4  }
0x85: {  	v1 =	vmul.f32 v1, v2;
	_ =	sdelay $0x1  }
0x86: {  	[tilespmem:v3+s25+$0x0] =	vst.idx.add.f32.msk $0xffff, v1  }
0x87: {  	v1 =	vld [tilespmem:s0+$0x18F20];
	_ =	sdelay $0x5  }
0x88: {  	v2 =	vld [tilespmem:s0+$0x19D20]  }
0x89: {  	v3 =	vld [tilespmem:s0+$0x1AB20]  }
0x8a: {  	v1 =	vld.idx.msk [tilespmem:v1+s1+$0x0], $0xffff;
	_ =	sdelay $0x4  }
0x8b: {  	v1 =	vmul.f32 v1, v2;
	_ =	sdelay $0x1  }
0x8c: {  	[tilespmem:v3+s25+$0x0] =	vst.idx.add.f32.msk $0xffff, v1  }
0x8d: {  	v1 =	vld [tilespmem:s0+$0x18F30];
	_ =	sdelay $0x5  }
0x8e: {  	v2 =	vld [tilespmem:s0+$0x19D30]  }
0x8f: {  	v3 =	vld [tilespmem:s0+$0x1AB30]  }
0x90: {  	v1 =	vld.idx.msk [tilespmem:v1+s1+$0x0], $0xffff;
	_ =	sdelay $0x1  }
0x91: {  	p0 =	sne.s32 s30, $0x1B00  }
.Ltmp2:
0x92: {  	_ = 	snop;
	(pc) =	sbr.rel @p0 .LBB2_6-.Ltmp2, $3  }
0x93: {  	_ = 	snop  }
0x94: {  	v1 =	vmul.f32 v1, v2;
	_ =	sdelay $0x1  }
0x95: {  	s30 =	sadd.s32 $0x100, s30;
	[tilespmem:v3+s25+$0x0] =	vst.idx.add.f32.msk $0xffff, v1  }
0x96: {  	s30 =	simm.s32 $0x0;
	s0 =	rddreg [dreg:$0x8]  }
0x97: {  	[tilespmem:s21], [sflag:$0x3] =	stream.linear.gather [hbm4b:s0+s30], $0x700, $0x38;
	[tilespmem:$0x1B200] =	vst v63  }
0x98: {  	s31 =	rddreg [dreg:$0x9]  }
0x99: {  	[tilespmem:s22], [sflag:$0x3] =	stream.linear.gather [hbm4b:s31+s30], $0x700, $0x38;
	[tilespmem:$0x1B200] =	vst v63  }
0x9a: {  	s31 =	rddreg [dreg:$0xa]  }
0x9b: {  	[tilespmem:s23], [sflag:$0x3] =	stream.linear.gather [hbm4b:s31+s30], $0x700, $0x38;
	[tilespmem:$0x1B200] =	vst v63  }
0x9c: {  	_ =	swait.ge [sflag:s24], $0x700  }
0x9d: {  	[sflag:s24] =	ssyncset.done $0x0  }
0x9e: {  	[sflag:s24] =	ssyncadd.s32 $0xFFFFF900  }
0x9f: {  	_ =	swait.ge [sflag:s24], $0x700  }
0xa0: {  	[sflag:s24] =	ssyncset.done $0x0  }
0xa1: {  	[sflag:s24] =	ssyncadd.s32 $0xFFFFF900  }
0xa2: {  	_ =	swait.ge [sflag:s24], $0x700  }
0xa3: {  	[sflag:s24] =	ssyncset.done $0x0  }
0xa4: {  	[sflag:s24] =	ssyncadd.s32 $0xFFFFF900  }
.LBB2_8:
0xa5: {  	s0 =	sshra.s32 s30, $0x2  }
0xa6: {  	v1 =	vld [tilespmem:s0+$0x18800];
	_ =	sdelay $0x5  }
0xa7: {  	v2 =	vld [tilespmem:s0+$0x19600]  }
0xa8: {  	v3 =	vld [tilespmem:s0+$0x1A400]  }
0xa9: {  	v1 =	vld.idx.msk [tilespmem:v1+s1+$0x0], $0xffff;
	_ =	sdelay $0x4  }
0xaa: {  	v1 =	vmul.f32 v1, v2;
	_ =	sdelay $0x1  }
0xab: {  	[tilespmem:v3+s25+$0x0] =	vst.idx.add.f32.msk $0xffff, v1  }
0xac: {  	v1 =	vld [tilespmem:s0+$0x18810];
	_ =	sdelay $0x5  }
0xad: {  	v2 =	vld [tilespmem:s0+$0x19610]  }
0xae: {  	v3 =	vld [tilespmem:s0+$0x1A410]  }
0xaf: {  	v1 =	vld.idx.msk [tilespmem:v1+s1+$0x0], $0xffff;
	_ =	sdelay $0x4  }
0xb0: {  	v1 =	vmul.f32 v1, v2;
	_ =	sdelay $0x1  }
0xb1: {  	[tilespmem:v3+s25+$0x0] =	vst.idx.add.f32.msk $0xffff, v1  }
0xb2: {  	v1 =	vld [tilespmem:s0+$0x18820];
	_ =	sdelay $0x5  }
0xb3: {  	v2 =	vld [tilespmem:s0+$0x19620]  }
0xb4: {  	v3 =	vld [tilespmem:s0+$0x1A420]  }
0xb5: {  	v1 =	vld.idx.msk [tilespmem:v1+s1+$0x0], $0xffff;
	_ =	sdelay $0x4  }
0xb6: {  	v1 =	vmul.f32 v1, v2;
	_ =	sdelay $0x1  }
0xb7: {  	[tilespmem:v3+s25+$0x0] =	vst.idx.add.f32.msk $0xffff, v1  }
0xb8: {  	v1 =	vld [tilespmem:s0+$0x18830];
	_ =	sdelay $0x5  }
0xb9: {  	v2 =	vld [tilespmem:s0+$0x19630]  }
0xba: {  	v3 =	vld [tilespmem:s0+$0x1A430]  }
0xbb: {  	v1 =	vld.idx.msk [tilespmem:v1+s1+$0x0], $0xffff;
	_ =	sdelay $0x1  }
0xbc: {  	p0 =	sne.s32 s30, $0x1B00  }
.Ltmp3:
0xbd: {  	_ = 	snop;
	(pc) =	sbr.rel @p0 .LBB2_8-.Ltmp3, $3  }
0xbe: {  	_ = 	snop  }
0xbf: {  	v1 =	vmul.f32 v1, v2;
	_ =	sdelay $0x1  }
0xc0: {  	s30 =	sadd.s32 $0x100, s30;
	[tilespmem:v3+s25+$0x0] =	vst.idx.add.f32.msk $0xffff, v1  }
0xc1: {  	s30 =	simm.s32 $0x0;
	s0 =	rddreg [dreg:$0xb]  }
0xc2: {  	[tilespmem:s18], [sflag:$0x2] =	stream.linear.gather [hbm4b:s0+s30], $0x700, $0x38;
	[tilespmem:$0x1B200] =	vst v63  }
0xc3: {  	s31 =	rddreg [dreg:$0xc]  }
0xc4: {  	[tilespmem:s19], [sflag:$0x2] =	stream.linear.gather [hbm4b:s31+s30], $0x700, $0x38;
	[tilespmem:$0x1B200] =	vst v63  }
0xc5: {  	s31 =	rddreg [dreg:$0xd]  }
0xc6: {  	[tilespmem:s20], [sflag:$0x2] =	stream.linear.gather [hbm4b:s31+s30], $0x700, $0x38;
	[tilespmem:$0x1B200] =	vst v63  }
0xc7: {  	_ =	swait.ge [sflag:s26], $0x700  }
0xc8: {  	[sflag:s26] =	ssyncset.done $0x0  }
0xc9: {  	[sflag:s26] =	ssyncadd.s32 $0xFFFFF900  }
0xca: {  	_ =	swait.ge [sflag:s26], $0x700  }
0xcb: {  	[sflag:s26] =	ssyncset.done $0x0  }
0xcc: {  	[sflag:s26] =	ssyncadd.s32 $0xFFFFF900  }
0xcd: {  	_ =	swait.ge [sflag:s26], $0x700  }
0xce: {  	[sflag:s26] =	ssyncset.done $0x0  }
0xcf: {  	[sflag:s26] =	ssyncadd.s32 $0xFFFFF900  }
.LBB2_10:
0xd0: {  	s0 =	sshra.s32 s30, $0x2  }
0xd1: {  	v1 =	vld [tilespmem:s0+$0x18F00];
	_ =	sdelay $0x5  }
0xd2: {  	v2 =	vld [tilespmem:s0+$0x19D00]  }
0xd3: {  	v3 =	vld [tilespmem:s0+$0x1AB00]  }
0xd4: {  	v1 =	vld.idx.msk [tilespmem:v1+s1+$0x0], $0xffff;
	_ =	sdelay $0x4  }
0xd5: {  	v1 =	vmul.f32 v1, v2;
	_ =	sdelay $0x1  }
0xd6: {  	[tilespmem:v3+s25+$0x0] =	vst.idx.add.f32.msk $0xffff, v1  }
0xd7: {  	v1 =	vld [tilespmem:s0+$0x18F10];
	_ =	sdelay $0x5  }
0xd8: {  	v2 =	vld [tilespmem:s0+$0x19D10]  }
0xd9: {  	v3 =	vld [tilespmem:s0+$0x1AB10]  }
0xda: {  	v1 =	vld.idx.msk [tilespmem:v1+s1+$0x0], $0xffff;
	_ =	sdelay $0x4  }
0xdb: {  	v1 =	vmul.f32 v1, v2;
	_ =	sdelay $0x1  }
0xdc: {  	[tilespmem:v3+s25+$0x0] =	vst.idx.add.f32.msk $0xffff, v1  }
0xdd: {  	v1 =	vld [tilespmem:s0+$0x18F20];
	_ =	sdelay $0x5  }
0xde: {  	v2 =	vld [tilespmem:s0+$0x19D20]  }
0xdf: {  	v3 =	vld [tilespmem:s0+$0x1AB20]  }
0xe0: {  	v1 =	vld.idx.msk [tilespmem:v1+s1+$0x0], $0xffff;
	_ =	sdelay $0x4  }
0xe1: {  	v1 =	vmul.f32 v1, v2;
	_ =	sdelay $0x1  }
0xe2: {  	[tilespmem:v3+s25+$0x0] =	vst.idx.add.f32.msk $0xffff, v1  }
0xe3: {  	v1 =	vld [tilespmem:s0+$0x18F30];
	_ =	sdelay $0x5  }
0xe4: {  	v2 =	vld [tilespmem:s0+$0x19D30]  }
0xe5: {  	v3 =	vld [tilespmem:s0+$0x1AB30]  }
0xe6: {  	v1 =	vld.idx.msk [tilespmem:v1+s1+$0x0], $0xffff;
	_ =	sdelay $0x1  }
0xe7: {  	p0 =	sne.s32 s30, $0x1B00  }
.Ltmp4:
0xe8: {  	_ = 	snop;
	(pc) =	sbr.rel @p0 .LBB2_10-.Ltmp4, $3  }
0xe9: {  	_ = 	snop  }
0xea: {  	v1 =	vmul.f32 v1, v2;
	_ =	sdelay $0x1  }
0xeb: {  	s30 =	sadd.s32 $0x100, s30;
	[tilespmem:v3+s25+$0x0] =	vst.idx.add.f32.msk $0xffff, v1  }
0xec: {  	s30 =	simm.s32 $0x0;
	s0 =	rddreg [dreg:$0xe]  }
0xed: {  	[tilespmem:s21], [sflag:$0x3] =	stream.linear.gather [hbm4b:s0+s30], $0x700, $0x38;
	[tilespmem:$0x1B200] =	vst v63  }
0xee: {  	s31 =	rddreg [dreg:$0xf]  }
0xef: {  	[tilespmem:s22], [sflag:$0x3] =	stream.linear.gather [hbm4b:s31+s30], $0x700, $0x38;
	[tilespmem:$0x1B200] =	vst v63  }
0xf0: {  	s31 =	rddreg [dreg:$0x10]  }
0xf1: {  	[tilespmem:s23], [sflag:$0x3] =	stream.linear.gather [hbm4b:s31+s30], $0x700, $0x38;
	[tilespmem:$0x1B200] =	vst v63  }
0xf2: {  	_ =	swait.ge [sflag:s24], $0x700  }
0xf3: {  	[sflag:s24] =	ssyncset.done $0x0  }
0xf4: {  	[sflag:s24] =	ssyncadd.s32 $0xFFFFF900  }
0xf5: {  	_ =	swait.ge [sflag:s24], $0x700  }
0xf6: {  	[sflag:s24] =	ssyncset.done $0x0  }
0xf7: {  	[sflag:s24] =	ssyncadd.s32 $0xFFFFF900  }
0xf8: {  	_ =	swait.ge [sflag:s24], $0x700  }
0xf9: {  	[sflag:s24] =	ssyncset.done $0x0  }
0xfa: {  	[sflag:s24] =	ssyncadd.s32 $0xFFFFF900  }
.LBB2_12:
0xfb: {  	s0 =	sshra.s32 s30, $0x2  }
0xfc: {  	v1 =	vld [tilespmem:s0+$0x18800];
	_ =	sdelay $0x5  }
0xfd: {  	v2 =	vld [tilespmem:s0+$0x19600]  }
0xfe: {  	v3 =	vld [tilespmem:s0+$0x1A400]  }
0xff: {  	v1 =	vld.idx.msk [tilespmem:v1+s1+$0x0], $0xffff;
	_ =	sdelay $0x4  }
0x100: {  	v1 =	vmul.f32 v1, v2;
	_ =	sdelay $0x1  }
0x101: {  	[tilespmem:v3+s25+$0x0] =	vst.idx.add.f32.msk $0xffff, v1  }
0x102: {  	v1 =	vld [tilespmem:s0+$0x18810];
	_ =	sdelay $0x5  }
0x103: {  	v2 =	vld [tilespmem:s0+$0x19610]  }
0x104: {  	v3 =	vld [tilespmem:s0+$0x1A410]  }
0x105: {  	v1 =	vld.idx.msk [tilespmem:v1+s1+$0x0], $0xffff;
	_ =	sdelay $0x4  }
0x106: {  	v1 =	vmul.f32 v1, v2;
	_ =	sdelay $0x1  }
0x107: {  	[tilespmem:v3+s25+$0x0] =	vst.idx.add.f32.msk $0xffff, v1  }
0x108: {  	v1 =	vld [tilespmem:s0+$0x18820];
	_ =	sdelay $0x5  }
0x109: {  	v2 =	vld [tilespmem:s0+$0x19620]  }
0x10a: {  	v3 =	vld [tilespmem:s0+$0x1A420]  }
0x10b: {  	v1 =	vld.idx.msk [tilespmem:v1+s1+$0x0], $0xffff;
	_ =	sdelay $0x4  }
0x10c: {  	v1 =	vmul.f32 v1, v2;
	_ =	sdelay $0x1  }
0x10d: {  	[tilespmem:v3+s25+$0x0] =	vst.idx.add.f32.msk $0xffff, v1  }
0x10e: {  	v1 =	vld [tilespmem:s0+$0x18830];
	_ =	sdelay $0x5  }
0x10f: {  	v2 =	vld [tilespmem:s0+$0x19630]  }
0x110: {  	v3 =	vld [tilespmem:s0+$0x1A430]  }
0x111: {  	v1 =	vld.idx.msk [tilespmem:v1+s1+$0x0], $0xffff;
	_ =	sdelay $0x1  }
0x112: {  	p0 =	sne.s32 s30, $0x1B00  }
.Ltmp5:
0x113: {  	_ = 	snop;
	(pc) =	sbr.rel @p0 .LBB2_12-.Ltmp5, $3  }
0x114: {  	_ = 	snop  }
0x115: {  	v1 =	vmul.f32 v1, v2;
	_ =	sdelay $0x1  }
0x116: {  	s30 =	sadd.s32 $0x100, s30;
	[tilespmem:v3+s25+$0x0] =	vst.idx.add.f32.msk $0xffff, v1  }
0x117: {  	s30 =	simm.s32 $0x0;
	s0 =	rddreg [dreg:$0x11]  }
0x118: {  	[tilespmem:s18], [sflag:$0x2] =	stream.linear.gather [hbm4b:s0+s30], $0x700, $0x38;
	[tilespmem:$0x1B200] =	vst v63  }
0x119: {  	s31 =	rddreg [dreg:$0x12]  }
0x11a: {  	[tilespmem:s19], [sflag:$0x2] =	stream.linear.gather [hbm4b:s31+s30], $0x700, $0x38;
	[tilespmem:$0x1B200] =	vst v63  }
0x11b: {  	s31 =	rddreg [dreg:$0x13]  }
0x11c: {  	[tilespmem:s20], [sflag:$0x2] =	stream.linear.gather [hbm4b:s31+s30], $0x700, $0x38;
	[tilespmem:$0x1B200] =	vst v63  }
0x11d: {  	_ =	swait.ge [sflag:s26], $0x700  }
0x11e: {  	[sflag:s26] =	ssyncset.done $0x0  }
0x11f: {  	[sflag:s26] =	ssyncadd.s32 $0xFFFFF900  }
0x120: {  	_ =	swait.ge [sflag:s26], $0x700  }
0x121: {  	[sflag:s26] =	ssyncset.done $0x0  }
0x122: {  	[sflag:s26] =	ssyncadd.s32 $0xFFFFF900  }
0x123: {  	_ =	swait.ge [sflag:s26], $0x700  }
0x124: {  	[sflag:s26] =	ssyncset.done $0x0  }
0x125: {  	[sflag:s26] =	ssyncadd.s32 $0xFFFFF900  }
.LBB2_14:
0x126: {  	s0 =	sshra.s32 s30, $0x2  }
0x127: {  	v1 =	vld [tilespmem:s0+$0x18F00];
	_ =	sdelay $0x5  }
0x128: {  	v2 =	vld [tilespmem:s0+$0x19D00]  }
0x129: {  	v3 =	vld [tilespmem:s0+$0x1AB00]  }
0x12a: {  	v1 =	vld.idx.msk [tilespmem:v1+s1+$0x0], $0xffff;
	_ =	sdelay $0x4  }
0x12b: {  	v1 =	vmul.f32 v1, v2;
	_ =	sdelay $0x1  }
0x12c: {  	[tilespmem:v3+s25+$0x0] =	vst.idx.add.f32.msk $0xffff, v1  }
0x12d: {  	v1 =	vld [tilespmem:s0+$0x18F10];
	_ =	sdelay $0x5  }
0x12e: {  	v2 =	vld [tilespmem:s0+$0x19D10]  }
0x12f: {  	v3 =	vld [tilespmem:s0+$0x1AB10]  }
0x130: {  	v1 =	vld.idx.msk [tilespmem:v1+s1+$0x0], $0xffff;
	_ =	sdelay $0x4  }
0x131: {  	v1 =	vmul.f32 v1, v2;
	_ =	sdelay $0x1  }
0x132: {  	[tilespmem:v3+s25+$0x0] =	vst.idx.add.f32.msk $0xffff, v1  }
0x133: {  	v1 =	vld [tilespmem:s0+$0x18F20];
	_ =	sdelay $0x5  }
0x134: {  	v2 =	vld [tilespmem:s0+$0x19D20]  }
0x135: {  	v3 =	vld [tilespmem:s0+$0x1AB20]  }
0x136: {  	v1 =	vld.idx.msk [tilespmem:v1+s1+$0x0], $0xffff;
	_ =	sdelay $0x4  }
0x137: {  	v1 =	vmul.f32 v1, v2;
	_ =	sdelay $0x1  }
0x138: {  	[tilespmem:v3+s25+$0x0] =	vst.idx.add.f32.msk $0xffff, v1  }
0x139: {  	v1 =	vld [tilespmem:s0+$0x18F30];
	_ =	sdelay $0x5  }
0x13a: {  	v2 =	vld [tilespmem:s0+$0x19D30]  }
0x13b: {  	v3 =	vld [tilespmem:s0+$0x1AB30]  }
0x13c: {  	v1 =	vld.idx.msk [tilespmem:v1+s1+$0x0], $0xffff;
	_ =	sdelay $0x1  }
0x13d: {  	p0 =	sne.s32 s30, $0x1B00  }
.Ltmp6:
0x13e: {  	_ = 	snop;
	(pc) =	sbr.rel @p0 .LBB2_14-.Ltmp6, $3  }
0x13f: {  	_ = 	snop  }
0x140: {  	v1 =	vmul.f32 v1, v2;
	_ =	sdelay $0x1  }
0x141: {  	s30 =	sadd.s32 $0x100, s30;
	[tilespmem:v3+s25+$0x0] =	vst.idx.add.f32.msk $0xffff, v1  }
0x142: {  	s30 =	simm.s32 $0x0;
	s0 =	rddreg [dreg:$0x14]  }
0x143: {  	[tilespmem:s21], [sflag:$0x3] =	stream.linear.gather [hbm4b:s0+s30], $0x700, $0x38;
	[tilespmem:$0x1B200] =	vst v63  }
0x144: {  	s31 =	rddreg [dreg:$0x15]  }
0x145: {  	[tilespmem:s22], [sflag:$0x3] =	stream.linear.gather [hbm4b:s31+s30], $0x700, $0x38;
	[tilespmem:$0x1B200] =	vst v63  }
0x146: {  	s31 =	rddreg [dreg:$0x16]  }
0x147: {  	[tilespmem:s23], [sflag:$0x3] =	stream.linear.gather [hbm4b:s31+s30], $0x700, $0x38;
	[tilespmem:$0x1B200] =	vst v63  }
0x148: {  	_ =	swait.ge [sflag:s24], $0x700  }
0x149: {  	[sflag:s24] =	ssyncset.done $0x0  }
0x14a: {  	[sflag:s24] =	ssyncadd.s32 $0xFFFFF900  }
0x14b: {  	_ =	swait.ge [sflag:s24], $0x700  }
0x14c: {  	[sflag:s24] =	ssyncset.done $0x0  }
0x14d: {  	[sflag:s24] =	ssyncadd.s32 $0xFFFFF900  }
0x14e: {  	_ =	swait.ge [sflag:s24], $0x700  }
0x14f: {  	[sflag:s24] =	ssyncset.done $0x0  }
0x150: {  	[sflag:s24] =	ssyncadd.s32 $0xFFFFF900  }
.LBB2_16:
0x151: {  	s0 =	sshra.s32 s30, $0x2  }
0x152: {  	v1 =	vld [tilespmem:s0+$0x18800];
	_ =	sdelay $0x5  }
0x153: {  	v2 =	vld [tilespmem:s0+$0x19600]  }
0x154: {  	v3 =	vld [tilespmem:s0+$0x1A400]  }
0x155: {  	v1 =	vld.idx.msk [tilespmem:v1+s1+$0x0], $0xffff;
	_ =	sdelay $0x4  }
0x156: {  	v1 =	vmul.f32 v1, v2;
	_ =	sdelay $0x1  }
0x157: {  	[tilespmem:v3+s25+$0x0] =	vst.idx.add.f32.msk $0xffff, v1  }
0x158: {  	v1 =	vld [tilespmem:s0+$0x18810];
	_ =	sdelay $0x5  }
0x159: {  	v2 =	vld [tilespmem:s0+$0x19610]  }
0x15a: {  	v3 =	vld [tilespmem:s0+$0x1A410]  }
0x15b: {  	v1 =	vld.idx.msk [tilespmem:v1+s1+$0x0], $0xffff;
	_ =	sdelay $0x4  }
0x15c: {  	v1 =	vmul.f32 v1, v2;
	_ =	sdelay $0x1  }
0x15d: {  	[tilespmem:v3+s25+$0x0] =	vst.idx.add.f32.msk $0xffff, v1  }
0x15e: {  	v1 =	vld [tilespmem:s0+$0x18820];
	_ =	sdelay $0x5  }
0x15f: {  	v2 =	vld [tilespmem:s0+$0x19620]  }
0x160: {  	v3 =	vld [tilespmem:s0+$0x1A420]  }
0x161: {  	v1 =	vld.idx.msk [tilespmem:v1+s1+$0x0], $0xffff;
	_ =	sdelay $0x4  }
0x162: {  	v1 =	vmul.f32 v1, v2;
	_ =	sdelay $0x1  }
0x163: {  	[tilespmem:v3+s25+$0x0] =	vst.idx.add.f32.msk $0xffff, v1  }
0x164: {  	v1 =	vld [tilespmem:s0+$0x18830];
	_ =	sdelay $0x5  }
0x165: {  	v2 =	vld [tilespmem:s0+$0x19630]  }
0x166: {  	v3 =	vld [tilespmem:s0+$0x1A430]  }
0x167: {  	v1 =	vld.idx.msk [tilespmem:v1+s1+$0x0], $0xffff;
	_ =	sdelay $0x1  }
0x168: {  	p0 =	sne.s32 s30, $0x1B00  }
.Ltmp7:
0x169: {  	_ = 	snop;
	(pc) =	sbr.rel @p0 .LBB2_16-.Ltmp7, $3  }
0x16a: {  	_ = 	snop  }
0x16b: {  	v1 =	vmul.f32 v1, v2;
	_ =	sdelay $0x1  }
0x16c: {  	s30 =	sadd.s32 $0x100, s30;
	[tilespmem:v3+s25+$0x0] =	vst.idx.add.f32.msk $0xffff, v1  }
0x16d: {  	s30 =	simm.s32 $0x0;
	s0 =	rddreg [dreg:$0x17]  }
0x16e: {  	[tilespmem:s18], [sflag:$0x2] =	stream.linear.gather [hbm4b:s0+s30], $0x700, $0x38;
	[tilespmem:$0x1B200] =	vst v63  }
0x16f: {  	s31 =	rddreg [dreg:$0x18]  }
0x170: {  	[tilespmem:s19], [sflag:$0x2] =	stream.linear.gather [hbm4b:s31+s30], $0x700, $0x38;
	[tilespmem:$0x1B200] =	vst v63  }
0x171: {  	s31 =	rddreg [dreg:$0x19]  }
0x172: {  	[tilespmem:s20], [sflag:$0x2] =	stream.linear.gather [hbm4b:s31+s30], $0x700, $0x38;
	[tilespmem:$0x1B200] =	vst v63  }
0x173: {  	_ =	swait.ge [sflag:s26], $0x700  }
0x174: {  	[sflag:s26] =	ssyncset.done $0x0  }
0x175: {  	[sflag:s26] =	ssyncadd.s32 $0xFFFFF900  }
0x176: {  	_ =	swait.ge [sflag:s26], $0x700  }
0x177: {  	[sflag:s26] =	ssyncset.done $0x0  }
0x178: {  	[sflag:s26] =	ssyncadd.s32 $0xFFFFF900  }
0x179: {  	_ =	swait.ge [sflag:s26], $0x700  }
0x17a: {  	[sflag:s26] =	ssyncset.done $0x0  }
0x17b: {  	[sflag:s26] =	ssyncadd.s32 $0xFFFFF900  }
.LBB2_18:
0x17c: {  	s0 =	sshra.s32 s30, $0x2  }
0x17d: {  	v1 =	vld [tilespmem:s0+$0x18F00];
	_ =	sdelay $0x5  }
0x17e: {  	v2 =	vld [tilespmem:s0+$0x19D00]  }
0x17f: {  	v3 =	vld [tilespmem:s0+$0x1AB00]  }
0x180: {  	v1 =	vld.idx.msk [tilespmem:v1+s1+$0x0], $0xffff;
	_ =	sdelay $0x4  }
0x181: {  	v1 =	vmul.f32 v1, v2;
	_ =	sdelay $0x1  }
0x182: {  	[tilespmem:v3+s25+$0x0] =	vst.idx.add.f32.msk $0xffff, v1  }
0x183: {  	v1 =	vld [tilespmem:s0+$0x18F10];
	_ =	sdelay $0x5  }
0x184: {  	v2 =	vld [tilespmem:s0+$0x19D10]  }
0x185: {  	v3 =	vld [tilespmem:s0+$0x1AB10]  }
0x186: {  	v1 =	vld.idx.msk [tilespmem:v1+s1+$0x0], $0xffff;
	_ =	sdelay $0x4  }
0x187: {  	v1 =	vmul.f32 v1, v2;
	_ =	sdelay $0x1  }
0x188: {  	[tilespmem:v3+s25+$0x0] =	vst.idx.add.f32.msk $0xffff, v1  }
0x189: {  	v1 =	vld [tilespmem:s0+$0x18F20];
	_ =	sdelay $0x5  }
0x18a: {  	v2 =	vld [tilespmem:s0+$0x19D20]  }
0x18b: {  	v3 =	vld [tilespmem:s0+$0x1AB20]  }
0x18c: {  	v1 =	vld.idx.msk [tilespmem:v1+s1+$0x0], $0xffff;
	_ =	sdelay $0x4  }
0x18d: {  	v1 =	vmul.f32 v1, v2;
	_ =	sdelay $0x1  }
0x18e: {  	[tilespmem:v3+s25+$0x0] =	vst.idx.add.f32.msk $0xffff, v1  }
0x18f: {  	v1 =	vld [tilespmem:s0+$0x18F30];
	_ =	sdelay $0x5  }
0x190: {  	v2 =	vld [tilespmem:s0+$0x19D30]  }
0x191: {  	v3 =	vld [tilespmem:s0+$0x1AB30]  }
0x192: {  	v1 =	vld.idx.msk [tilespmem:v1+s1+$0x0], $0xffff;
	_ =	sdelay $0x1  }
0x193: {  	p0 =	sne.s32 s30, $0x1B00  }
.Ltmp8:
0x194: {  	_ = 	snop;
	(pc) =	sbr.rel @p0 .LBB2_18-.Ltmp8, $3  }
0x195: {  	_ = 	snop  }
0x196: {  	v1 =	vmul.f32 v1, v2;
	_ =	sdelay $0x1  }
0x197: {  	s30 =	sadd.s32 $0x100, s30;
	[tilespmem:v3+s25+$0x0] =	vst.idx.add.f32.msk $0xffff, v1  }
0x198: {  	s30 =	simm.s32 $0x0;
	s0 =	rddreg [dreg:$0x1a]  }
0x199: {  	[tilespmem:s21], [sflag:$0x3] =	stream.linear.gather [hbm4b:s0+s30], $0x700, $0x38;
	[tilespmem:$0x1B200] =	vst v63  }
0x19a: {  	s31 =	rddreg [dreg:$0x1b]  }
0x19b: {  	[tilespmem:s22], [sflag:$0x3] =	stream.linear.gather [hbm4b:s31+s30], $0x700, $0x38;
	[tilespmem:$0x1B200] =	vst v63  }
0x19c: {  	s31 =	rddreg [dreg:$0x1c]  }
0x19d: {  	[tilespmem:s23], [sflag:$0x3] =	stream.linear.gather [hbm4b:s31+s30], $0x700, $0x38;
	[tilespmem:$0x1B200] =	vst v63  }
0x19e: {  	_ =	swait.ge [sflag:s24], $0x700  }
0x19f: {  	[sflag:s24] =	ssyncset.done $0x0  }
0x1a0: {  	[sflag:s24] =	ssyncadd.s32 $0xFFFFF900  }
0x1a1: {  	_ =	swait.ge [sflag:s24], $0x700  }
0x1a2: {  	[sflag:s24] =	ssyncset.done $0x0  }
0x1a3: {  	[sflag:s24] =	ssyncadd.s32 $0xFFFFF900  }
0x1a4: {  	_ =	swait.ge [sflag:s24], $0x700  }
0x1a5: {  	[sflag:s24] =	ssyncset.done $0x0  }
0x1a6: {  	[sflag:s24] =	ssyncadd.s32 $0xFFFFF900  }
.LBB2_20:
0x1a7: {  	s0 =	sshra.s32 s30, $0x2  }
0x1a8: {  	v1 =	vld [tilespmem:s0+$0x18800];
	_ =	sdelay $0x5  }
0x1a9: {  	v2 =	vld [tilespmem:s0+$0x19600]  }
0x1aa: {  	v3 =	vld [tilespmem:s0+$0x1A400]  }
0x1ab: {  	v1 =	vld.idx.msk [tilespmem:v1+s1+$0x0], $0xffff;
	_ =	sdelay $0x4  }
0x1ac: {  	v1 =	vmul.f32 v1, v2;
	_ =	sdelay $0x1  }
0x1ad: {  	[tilespmem:v3+s25+$0x0] =	vst.idx.add.f32.msk $0xffff, v1  }
0x1ae: {  	v1 =	vld [tilespmem:s0+$0x18810];
	_ =	sdelay $0x5  }
0x1af: {  	v2 =	vld [tilespmem:s0+$0x19610]  }
0x1b0: {  	v3 =	vld [tilespmem:s0+$0x1A410]  }
0x1b1: {  	v1 =	vld.idx.msk [tilespmem:v1+s1+$0x0], $0xffff;
	_ =	sdelay $0x4  }
0x1b2: {  	v1 =	vmul.f32 v1, v2;
	_ =	sdelay $0x1  }
0x1b3: {  	[tilespmem:v3+s25+$0x0] =	vst.idx.add.f32.msk $0xffff, v1  }
0x1b4: {  	v1 =	vld [tilespmem:s0+$0x18820];
	_ =	sdelay $0x5  }
0x1b5: {  	v2 =	vld [tilespmem:s0+$0x19620]  }
0x1b6: {  	v3 =	vld [tilespmem:s0+$0x1A420]  }
0x1b7: {  	v1 =	vld.idx.msk [tilespmem:v1+s1+$0x0], $0xffff;
	_ =	sdelay $0x4  }
0x1b8: {  	v1 =	vmul.f32 v1, v2;
	_ =	sdelay $0x1  }
0x1b9: {  	[tilespmem:v3+s25+$0x0] =	vst.idx.add.f32.msk $0xffff, v1  }
0x1ba: {  	v1 =	vld [tilespmem:s0+$0x18830];
	_ =	sdelay $0x5  }
0x1bb: {  	v2 =	vld [tilespmem:s0+$0x19630]  }
0x1bc: {  	v3 =	vld [tilespmem:s0+$0x1A430]  }
0x1bd: {  	v1 =	vld.idx.msk [tilespmem:v1+s1+$0x0], $0xffff;
	_ =	sdelay $0x1  }
0x1be: {  	p0 =	sne.s32 s30, $0x1B00  }
.Ltmp9:
0x1bf: {  	_ = 	snop;
	(pc) =	sbr.rel @p0 .LBB2_20-.Ltmp9, $3  }
0x1c0: {  	_ = 	snop  }
0x1c1: {  	v1 =	vmul.f32 v1, v2;
	_ =	sdelay $0x1  }
0x1c2: {  	s30 =	sadd.s32 $0x100, s30;
	[tilespmem:v3+s25+$0x0] =	vst.idx.add.f32.msk $0xffff, v1  }
0x1c3: {  	s30 =	simm.s32 $0x0;
	s0 =	rddreg [dreg:$0x1d]  }
0x1c4: {  	[tilespmem:s18], [sflag:$0x2] =	stream.linear.gather [hbm4b:s0+s30], $0x700, $0x38;
	[tilespmem:$0x1B200] =	vst v63  }
0x1c5: {  	s31 =	rddreg [dreg:$0x1e]  }
0x1c6: {  	[tilespmem:s19], [sflag:$0x2] =	stream.linear.gather [hbm4b:s31+s30], $0x700, $0x38;
	[tilespmem:$0x1B200] =	vst v63  }
0x1c7: {  	s31 =	rddreg [dreg:$0x1f]  }
0x1c8: {  	[tilespmem:s20], [sflag:$0x2] =	stream.linear.gather [hbm4b:s31+s30], $0x700, $0x38;
	[tilespmem:$0x1B200] =	vst v63  }
0x1c9: {  	_ =	swait.ge [sflag:s26], $0x700  }
0x1ca: {  	[sflag:s26] =	ssyncset.done $0x0  }
0x1cb: {  	[sflag:s26] =	ssyncadd.s32 $0xFFFFF900  }
0x1cc: {  	_ =	swait.ge [sflag:s26], $0x700  }
0x1cd: {  	[sflag:s26] =	ssyncset.done $0x0  }
0x1ce: {  	[sflag:s26] =	ssyncadd.s32 $0xFFFFF900  }
0x1cf: {  	_ =	swait.ge [sflag:s26], $0x700  }
0x1d0: {  	[sflag:s26] =	ssyncset.done $0x0  }
0x1d1: {  	[sflag:s26] =	ssyncadd.s32 $0xFFFFF900  }
.LBB2_22:
0x1d2: {  	s0 =	sshra.s32 s30, $0x2  }
0x1d3: {  	v1 =	vld [tilespmem:s0+$0x18F00];
	_ =	sdelay $0x5  }
0x1d4: {  	v2 =	vld [tilespmem:s0+$0x19D00]  }
0x1d5: {  	v3 =	vld [tilespmem:s0+$0x1AB00]  }
0x1d6: {  	v1 =	vld.idx.msk [tilespmem:v1+s1+$0x0], $0xffff;
	_ =	sdelay $0x4  }
0x1d7: {  	v1 =	vmul.f32 v1, v2;
	_ =	sdelay $0x1  }
0x1d8: {  	[tilespmem:v3+s25+$0x0] =	vst.idx.add.f32.msk $0xffff, v1  }
0x1d9: {  	v1 =	vld [tilespmem:s0+$0x18F10];
	_ =	sdelay $0x5  }
0x1da: {  	v2 =	vld [tilespmem:s0+$0x19D10]  }
0x1db: {  	v3 =	vld [tilespmem:s0+$0x1AB10]  }
0x1dc: {  	v1 =	vld.idx.msk [tilespmem:v1+s1+$0x0], $0xffff;
	_ =	sdelay $0x4  }
0x1dd: {  	v1 =	vmul.f32 v1, v2;
	_ =	sdelay $0x1  }
0x1de: {  	[tilespmem:v3+s25+$0x0] =	vst.idx.add.f32.msk $0xffff, v1  }
0x1df: {  	v1 =	vld [tilespmem:s0+$0x18F20];
	_ =	sdelay $0x5  }
0x1e0: {  	v2 =	vld [tilespmem:s0+$0x19D20]  }
0x1e1: {  	v3 =	vld [tilespmem:s0+$0x1AB20]  }
0x1e2: {  	v1 =	vld.idx.msk [tilespmem:v1+s1+$0x0], $0xffff;
	_ =	sdelay $0x4  }
0x1e3: {  	v1 =	vmul.f32 v1, v2;
	_ =	sdelay $0x1  }
0x1e4: {  	[tilespmem:v3+s25+$0x0] =	vst.idx.add.f32.msk $0xffff, v1  }
0x1e5: {  	v1 =	vld [tilespmem:s0+$0x18F30];
	_ =	sdelay $0x5  }
0x1e6: {  	v2 =	vld [tilespmem:s0+$0x19D30]  }
0x1e7: {  	v3 =	vld [tilespmem:s0+$0x1AB30]  }
0x1e8: {  	v1 =	vld.idx.msk [tilespmem:v1+s1+$0x0], $0xffff;
	_ =	sdelay $0x1  }
0x1e9: {  	p0 =	sne.s32 s30, $0x1B00  }
.Ltmp10:
0x1ea: {  	_ = 	snop;
	(pc) =	sbr.rel @p0 .LBB2_22-.Ltmp10, $3  }
0x1eb: {  	_ = 	snop  }
0x1ec: {  	v1 =	vmul.f32 v1, v2;
	_ =	sdelay $0x1  }
0x1ed: {  	s30 =	sadd.s32 $0x100, s30;
	[tilespmem:v3+s25+$0x0] =	vst.idx.add.f32.msk $0xffff, v1  }
0x1ee: {  	s30 =	simm.s32 $0x0  }
0x1ef: {  	[tilespmem:s21], [sflag:$0x3] =	stream.linear.gather [hbm4b:s2+s30], $0x700, $0x38;
	[tilespmem:$0x1B200] =	vst v63  }
0x1f0: {  	_ = 	snop  }
0x1f1: {  	[tilespmem:s22], [sflag:$0x3] =	stream.linear.gather [hbm4b:s3+s30], $0x700, $0x38;
	[tilespmem:$0x1B200] =	vst v63  }
0x1f2: {  	_ = 	snop  }
0x1f3: {  	[tilespmem:s23], [sflag:$0x3] =	stream.linear.gather [hbm4b:s4+s30], $0x700, $0x38;
	[tilespmem:$0x1B200] =	vst v63  }
0x1f4: {  	_ =	swait.ge [sflag:s24], $0x700  }
0x1f5: {  	[sflag:s24] =	ssyncset.done $0x0  }
0x1f6: {  	[sflag:s24] =	ssyncadd.s32 $0xFFFFF900  }
0x1f7: {  	_ =	swait.ge [sflag:s24], $0x700  }
0x1f8: {  	[sflag:s24] =	ssyncset.done $0x0  }
0x1f9: {  	[sflag:s24] =	ssyncadd.s32 $0xFFFFF900  }
0x1fa: {  	_ =	swait.ge [sflag:s24], $0x700  }
0x1fb: {  	[sflag:s24] =	ssyncset.done $0x0  }
0x1fc: {  	[sflag:s24] =	ssyncadd.s32 $0xFFFFF900  }
.LBB2_24:
0x1fd: {  	s0 =	sshra.s32 s30, $0x2  }
0x1fe: {  	v1 =	vld [tilespmem:s0+$0x18800];
	_ =	sdelay $0x5  }
0x1ff: {  	v2 =	vld [tilespmem:s0+$0x19600]  }
0x200: {  	v3 =	vld [tilespmem:s0+$0x1A400]  }
0x201: {  	v1 =	vld.idx.msk [tilespmem:v1+s1+$0x0], $0xffff;
	_ =	sdelay $0x4  }
0x202: {  	v1 =	vmul.f32 v1, v2;
	_ =	sdelay $0x1  }
0x203: {  	[tilespmem:v3+s25+$0x0] =	vst.idx.add.f32.msk $0xffff, v1  }
0x204: {  	v1 =	vld [tilespmem:s0+$0x18810];
	_ =	sdelay $0x5  }
0x205: {  	v2 =	vld [tilespmem:s0+$0x19610]  }
0x206: {  	v3 =	vld [tilespmem:s0+$0x1A410]  }
0x207: {  	v1 =	vld.idx.msk [tilespmem:v1+s1+$0x0], $0xffff;
	_ =	sdelay $0x4  }
0x208: {  	v1 =	vmul.f32 v1, v2;
	_ =	sdelay $0x1  }
0x209: {  	[tilespmem:v3+s25+$0x0] =	vst.idx.add.f32.msk $0xffff, v1  }
0x20a: {  	v1 =	vld [tilespmem:s0+$0x18820];
	_ =	sdelay $0x5  }
0x20b: {  	v2 =	vld [tilespmem:s0+$0x19620]  }
0x20c: {  	v3 =	vld [tilespmem:s0+$0x1A420]  }
0x20d: {  	v1 =	vld.idx.msk [tilespmem:v1+s1+$0x0], $0xffff;
	_ =	sdelay $0x4  }
0x20e: {  	v1 =	vmul.f32 v1, v2;
	_ =	sdelay $0x1  }
0x20f: {  	[tilespmem:v3+s25+$0x0] =	vst.idx.add.f32.msk $0xffff, v1  }
0x210: {  	v1 =	vld [tilespmem:s0+$0x18830];
	_ =	sdelay $0x5  }
0x211: {  	v2 =	vld [tilespmem:s0+$0x19630]  }
0x212: {  	v3 =	vld [tilespmem:s0+$0x1A430]  }
0x213: {  	v1 =	vld.idx.msk [tilespmem:v1+s1+$0x0], $0xffff;
	_ =	sdelay $0x1  }
0x214: {  	p0 =	sne.s32 s30, $0x1B00  }
.Ltmp11:
0x215: {  	_ = 	snop;
	(pc) =	sbr.rel @p0 .LBB2_24-.Ltmp11, $3  }
0x216: {  	_ = 	snop  }
0x217: {  	v1 =	vmul.f32 v1, v2;
	_ =	sdelay $0x1  }
0x218: {  	s30 =	sadd.s32 $0x100, s30;
	[tilespmem:v3+s25+$0x0] =	vst.idx.add.f32.msk $0xffff, v1  }
0x219: {  	s30 =	simm.s32 $0x0  }
0x21a: {  	[tilespmem:s18], [sflag:$0x2] =	stream.linear.gather [hbm4b:s5+s30], $0x700, $0x38;
	[tilespmem:$0x1B200] =	vst v63  }
0x21b: {  	_ = 	snop  }
0x21c: {  	[tilespmem:s19], [sflag:$0x2] =	stream.linear.gather [hbm4b:s6+s30], $0x700, $0x38;
	[tilespmem:$0x1B200] =	vst v63  }
0x21d: {  	_ = 	snop  }
0x21e: {  	[tilespmem:s20], [sflag:$0x2] =	stream.linear.gather [hbm4b:s7+s30], $0x700, $0x38;
	[tilespmem:$0x1B200] =	vst v63  }
0x21f: {  	_ =	swait.ge [sflag:s26], $0x700  }
0x220: {  	[sflag:s26] =	ssyncset.done $0x0  }
0x221: {  	[sflag:s26] =	ssyncadd.s32 $0xFFFFF900  }
0x222: {  	_ =	swait.ge [sflag:s26], $0x700  }
0x223: {  	[sflag:s26] =	ssyncset.done $0x0  }
0x224: {  	[sflag:s26] =	ssyncadd.s32 $0xFFFFF900  }
0x225: {  	_ =	swait.ge [sflag:s26], $0x700  }
0x226: {  	[sflag:s26] =	ssyncset.done $0x0  }
0x227: {  	[sflag:s26] =	ssyncadd.s32 $0xFFFFF900  }
.LBB2_26:
0x228: {  	s0 =	sshra.s32 s30, $0x2  }
0x229: {  	v1 =	vld [tilespmem:s0+$0x18F00];
	_ =	sdelay $0x5  }
0x22a: {  	v2 =	vld [tilespmem:s0+$0x19D00]  }
0x22b: {  	v3 =	vld [tilespmem:s0+$0x1AB00]  }
0x22c: {  	v1 =	vld.idx.msk [tilespmem:v1+s1+$0x0], $0xffff;
	_ =	sdelay $0x4  }
0x22d: {  	v1 =	vmul.f32 v1, v2;
	_ =	sdelay $0x1  }
0x22e: {  	[tilespmem:v3+s25+$0x0] =	vst.idx.add.f32.msk $0xffff, v1  }
0x22f: {  	v1 =	vld [tilespmem:s0+$0x18F10];
	_ =	sdelay $0x5  }
0x230: {  	v2 =	vld [tilespmem:s0+$0x19D10]  }
0x231: {  	v3 =	vld [tilespmem:s0+$0x1AB10]  }
0x232: {  	v1 =	vld.idx.msk [tilespmem:v1+s1+$0x0], $0xffff;
	_ =	sdelay $0x4  }
0x233: {  	v1 =	vmul.f32 v1, v2;
	_ =	sdelay $0x1  }
0x234: {  	[tilespmem:v3+s25+$0x0] =	vst.idx.add.f32.msk $0xffff, v1  }
0x235: {  	v1 =	vld [tilespmem:s0+$0x18F20];
	_ =	sdelay $0x5  }
0x236: {  	v2 =	vld [tilespmem:s0+$0x19D20]  }
0x237: {  	v3 =	vld [tilespmem:s0+$0x1AB20]  }
0x238: {  	v1 =	vld.idx.msk [tilespmem:v1+s1+$0x0], $0xffff;
	_ =	sdelay $0x4  }
0x239: {  	v1 =	vmul.f32 v1, v2;
	_ =	sdelay $0x1  }
0x23a: {  	[tilespmem:v3+s25+$0x0] =	vst.idx.add.f32.msk $0xffff, v1  }
0x23b: {  	v1 =	vld [tilespmem:s0+$0x18F30];
	_ =	sdelay $0x5  }
0x23c: {  	v2 =	vld [tilespmem:s0+$0x19D30]  }
0x23d: {  	v3 =	vld [tilespmem:s0+$0x1AB30]  }
0x23e: {  	v1 =	vld.idx.msk [tilespmem:v1+s1+$0x0], $0xffff;
	_ =	sdelay $0x1  }
0x23f: {  	p0 =	sne.s32 s30, $0x1B00  }
.Ltmp12:
0x240: {  	_ = 	snop;
	(pc) =	sbr.rel @p0 .LBB2_26-.Ltmp12, $3  }
0x241: {  	_ = 	snop  }
0x242: {  	v1 =	vmul.f32 v1, v2;
	_ =	sdelay $0x1  }
0x243: {  	s30 =	sadd.s32 $0x100, s30;
	[tilespmem:v3+s25+$0x0] =	vst.idx.add.f32.msk $0xffff, v1  }
0x244: {  	s30 =	simm.s32 $0x0  }
0x245: {  	[tilespmem:s21], [sflag:$0x3] =	stream.linear.gather [hbm4b:s11+s30], $0x700, $0x38;
	[tilespmem:$0x1B200] =	vst v63  }
0x246: {  	_ = 	snop  }
0x247: {  	[tilespmem:s22], [sflag:$0x3] =	stream.linear.gather [hbm4b:s12+s30], $0x700, $0x38;
	[tilespmem:$0x1B200] =	vst v63  }
0x248: {  	_ = 	snop  }
0x249: {  	[tilespmem:s23], [sflag:$0x3] =	stream.linear.gather [hbm4b:s13+s30], $0x700, $0x38;
	[tilespmem:$0x1B200] =	vst v63  }
0x24a: {  	_ =	swait.ge [sflag:s24], $0x700  }
0x24b: {  	[sflag:s24] =	ssyncset.done $0x0  }
0x24c: {  	[sflag:s24] =	ssyncadd.s32 $0xFFFFF900  }
0x24d: {  	_ =	swait.ge [sflag:s24], $0x700  }
0x24e: {  	[sflag:s24] =	ssyncset.done $0x0  }
0x24f: {  	[sflag:s24] =	ssyncadd.s32 $0xFFFFF900  }
0x250: {  	_ =	swait.ge [sflag:s24], $0x700  }
0x251: {  	[sflag:s24] =	ssyncset.done $0x0  }
0x252: {  	[sflag:s24] =	ssyncadd.s32 $0xFFFFF900  }
.LBB2_28:
0x253: {  	s0 =	sshra.s32 s30, $0x2  }
0x254: {  	v1 =	vld [tilespmem:s0+$0x18800];
	_ =	sdelay $0x5  }
0x255: {  	v2 =	vld [tilespmem:s0+$0x19600]  }
0x256: {  	v3 =	vld [tilespmem:s0+$0x1A400]  }
0x257: {  	v1 =	vld.idx.msk [tilespmem:v1+s1+$0x0], $0xffff;
	_ =	sdelay $0x4  }
0x258: {  	v1 =	vmul.f32 v1, v2;
	_ =	sdelay $0x1  }
0x259: {  	[tilespmem:v3+s25+$0x0] =	vst.idx.add.f32.msk $0xffff, v1  }
0x25a: {  	v1 =	vld [tilespmem:s0+$0x18810];
	_ =	sdelay $0x5  }
0x25b: {  	v2 =	vld [tilespmem:s0+$0x19610]  }
0x25c: {  	v3 =	vld [tilespmem:s0+$0x1A410]  }
0x25d: {  	v1 =	vld.idx.msk [tilespmem:v1+s1+$0x0], $0xffff;
	_ =	sdelay $0x4  }
0x25e: {  	v1 =	vmul.f32 v1, v2;
	_ =	sdelay $0x1  }
0x25f: {  	[tilespmem:v3+s25+$0x0] =	vst.idx.add.f32.msk $0xffff, v1  }
0x260: {  	v1 =	vld [tilespmem:s0+$0x18820];
	_ =	sdelay $0x5  }
0x261: {  	v2 =	vld [tilespmem:s0+$0x19620]  }
0x262: {  	v3 =	vld [tilespmem:s0+$0x1A420]  }
0x263: {  	v1 =	vld.idx.msk [tilespmem:v1+s1+$0x0], $0xffff;
	_ =	sdelay $0x4  }
0x264: {  	v1 =	vmul.f32 v1, v2;
	_ =	sdelay $0x1  }
0x265: {  	[tilespmem:v3+s25+$0x0] =	vst.idx.add.f32.msk $0xffff, v1  }
0x266: {  	v1 =	vld [tilespmem:s0+$0x18830];
	_ =	sdelay $0x5  }
0x267: {  	v2 =	vld [tilespmem:s0+$0x19630]  }
0x268: {  	v3 =	vld [tilespmem:s0+$0x1A430]  }
0x269: {  	v1 =	vld.idx.msk [tilespmem:v1+s1+$0x0], $0xffff;
	_ =	sdelay $0x1  }
0x26a: {  	p0 =	sne.s32 s30, $0x1B00  }
.Ltmp13:
0x26b: {  	_ = 	snop;
	(pc) =	sbr.rel @p0 .LBB2_28-.Ltmp13, $3  }
0x26c: {  	_ = 	snop  }
0x26d: {  	v1 =	vmul.f32 v1, v2;
	_ =	sdelay $0x1  }
0x26e: {  	s30 =	sadd.s32 $0x100, s30;
	[tilespmem:v3+s25+$0x0] =	vst.idx.add.f32.msk $0xffff, v1  }
0x26f: {  	_ =	swait.ge [sflag:s26], $0x700  }
0x270: {  	[sflag:s26] =	ssyncset.done $0x0  }
0x271: {  	[sflag:s26] =	ssyncadd.s32 $0xFFFFF900  }
0x272: {  	_ =	swait.ge [sflag:s26], $0x700  }
0x273: {  	[sflag:s26] =	ssyncset.done $0x0  }
0x274: {  	[sflag:s26] =	ssyncadd.s32 $0xFFFFF900  }
0x275: {  	_ =	swait.ge [sflag:s26], $0x700  }
0x276: {  	[sflag:s26] =	ssyncset.done $0x0  }
0x277: {  	s30 =	simm.s32 $0x0;
	[sflag:s26] =	ssyncadd.s32 $0xFFFFF900  }
.LBB2_30:
0x278: {  	s0 =	sshra.s32 s30, $0x2  }
0x279: {  	v1 =	vld [tilespmem:s0+$0x18F00];
	_ =	sdelay $0x5  }
0x27a: {  	v2 =	vld [tilespmem:s0+$0x19D00]  }
0x27b: {  	v3 =	vld [tilespmem:s0+$0x1AB00]  }
0x27c: {  	v1 =	vld.idx.msk [tilespmem:v1+s1+$0x0], $0xffff;
	_ =	sdelay $0x4  }
0x27d: {  	v1 =	vmul.f32 v1, v2;
	_ =	sdelay $0x1  }
0x27e: {  	[tilespmem:v3+s25+$0x0] =	vst.idx.add.f32.msk $0xffff, v1  }
0x27f: {  	v1 =	vld [tilespmem:s0+$0x18F10];
	_ =	sdelay $0x5  }
0x280: {  	v2 =	vld [tilespmem:s0+$0x19D10]  }
0x281: {  	v3 =	vld [tilespmem:s0+$0x1AB10]  }
0x282: {  	v1 =	vld.idx.msk [tilespmem:v1+s1+$0x0], $0xffff;
	_ =	sdelay $0x4  }
0x283: {  	v1 =	vmul.f32 v1, v2;
	_ =	sdelay $0x1  }
0x284: {  	[tilespmem:v3+s25+$0x0] =	vst.idx.add.f32.msk $0xffff, v1  }
0x285: {  	v1 =	vld [tilespmem:s0+$0x18F20];
	_ =	sdelay $0x5  }
0x286: {  	v2 =	vld [tilespmem:s0+$0x19D20]  }
0x287: {  	v3 =	vld [tilespmem:s0+$0x1AB20]  }
0x288: {  	v1 =	vld.idx.msk [tilespmem:v1+s1+$0x0], $0xffff;
	_ =	sdelay $0x4  }
0x289: {  	v1 =	vmul.f32 v1, v2;
	_ =	sdelay $0x1  }
0x28a: {  	[tilespmem:v3+s25+$0x0] =	vst.idx.add.f32.msk $0xffff, v1  }
0x28b: {  	v1 =	vld [tilespmem:s0+$0x18F30];
	_ =	sdelay $0x5  }
0x28c: {  	v2 =	vld [tilespmem:s0+$0x19D30]  }
0x28d: {  	v3 =	vld [tilespmem:s0+$0x1AB30]  }
0x28e: {  	v1 =	vld.idx.msk [tilespmem:v1+s1+$0x0], $0xffff;
	_ =	sdelay $0x1  }
0x28f: {  	p0 =	sne.s32 s30, $0x1B00  }
.Ltmp14:
0x290: {  	_ = 	snop;
	(pc) =	sbr.rel @p0 .LBB2_30-.Ltmp14, $3  }
0x291: {  	_ = 	snop  }
0x292: {  	v1 =	vmul.f32 v1, v2;
	_ =	sdelay $0x1  }
0x293: {  	s30 =	sadd.s32 $0x100, s30;
	[tilespmem:v3+s25+$0x0] =	vst.idx.add.f32.msk $0xffff, v1  }
0x294: {  	s29 =	sadd.s32 $0x1, s29  }
0x295: {  	p0 =	sne.s32 s29, s16  }
.Ltmp15:
0x296: {  	_ = 	snop;
	(pc) =	sbr.rel @p0 .LBB2_1-.Ltmp15, $4  }
0x297: {  	[hbm4b:s15+s1] =	stream.linear.scatter [tilespmem:s25], [sflag:$0x4], $0xC400, $0x38;
	[tilespmem:$0x1B200] =	vst v63  }
0x298: {  	_ =	swait.ge [sflag:s28], $0xC400  }
0x299: {  	[sflag:s28] =	ssyncset.done $0x0  }
0x29a: {  	[sflag:s28] =	ssyncadd.s32 $0xFFFF3C00  }
0x29b: {  	_ =	sfence.sel $0x180000  }
0x29c: {  	[bflag:$0x0] =	sbarrier.arrive $0xFFFF  }
0x29d: {  	_ =	strace $0x90000047  }
0x29e: {  	s0 =	stileid.u32;
	[bflag:$0x2] =	sbarrier.arrive $0xFFFF  }
0x29f: {  	p0 =	sne.s32 s0, $0x0;
	s0 =	rddreg [dreg:$0x1]  }
0x2a0: {  	s0 =	sadd.s32 @!p0 $0x100000, s0  }
0x2a1: {  	[sflag:s0] =	ssyncadd.tile.s32 @!p0 $0x1;
	_ =	shalt  }
.Lfunc_end2:
_tile_overlayer_lowered:
.L_overlay_start_2:
0x2a2: {  	(tag) =	ssettag $0x2  }
0x2a3: {  	s0 =	rddreg [dreg:$0x0];
	s2 =	stileid.u32  }
0x2a4: {  	s1 =	rddreg [dreg:$0x1];
	p0 =	sne.s32 s2, $0x0  }
0x2a5: {  	s3 =	rddreg [dreg:$0x2];
	[bflag:$0x3] =	sbarrier.arrive $0xFFFF;
	s2 =	simm.s32 @!p0 $0x1C04  }
0x2a6: {  	[timem:s3], [sflag:s2] =	dma.local @!p0 [hbm:s0], s1  }
0x2a7: {  	s0 =	simm.s32 @!p0 $0x4  }
0x2a8: {  	_ =	swait.ge @!p0 [sflag:s0], s1  }
0x2a9: {  	s1 =	ssub.s32 @!p0 $0x0, s1;
	[sflag:s0] =	ssyncset.done @!p0 $0x0  }
0x2aa: {  	[sflag:s0] =	ssyncadd.s32 @!p0 s1  }
0x2ab: {  	[bflag:$0x3] =	sbarrier.arrive $0xFFFF  }
0x2ac: {  	_ =	shalt  }

</sc_bundles>
